<compile_context>
chip_gen: v7x
topology: tpu7x:2x2x1
jax: 0.10.2.dev20260603
libtpu: 0.0.44.dev20260713+nightly
codegen_flags: <defaults>
</compile_context>

<pallas_src>
import jax
import jax.numpy as jnp
from jax import lax
from jax.experimental import pallas as pl
from jax.experimental.pallas import tpu as pltpu
from jax.experimental.pallas import tpu_sc as plsc

BASE_VOCAB = 1000000
EXT_VOCAB = 1000
EMBED_DIM = 64
THRESHOLD = 1000000

NUM_CORES = 2
NUM_SUBCORES = 16
LANES = 16
NW = NUM_CORES * NUM_SUBCORES

NBUF = 4
FIRE = NBUF - 2


def _body(tok_hbm, base_hbm, ext_hbm, out_hbm,
          tok_v, bidx_v, rows_v, patch_v, gsem, wsem, psem):
    n_rows, seq = tok_hbm.shape
    rows_per_w = n_rows // NW
    n_win = (seq + LANES - 1) // LANES

    wid = lax.axis_index("s") * NUM_CORES + lax.axis_index("c")
    row0 = wid * rows_per_w

    pltpu.sync_copy(tok_hbm.at[pl.ds(row0, rows_per_w)], tok_v)

    lanes = lax.broadcasted_iota(jnp.int32, (LANES,), 0)

    def win_off(i):
        return jnp.minimum(i * LANES, seq - LANES)

    def compute_bidx(c, b):
        tmax = jnp.zeros((LANES,), jnp.int32)
        for i in range(n_win):
            off = win_off(i)
            t = tok_v[c, pl.ds(off, LANES)]
            tmax = jnp.maximum(tmax, t)
            spread = (row0 + c) * seq + off + lanes
            bidx_v[b, pl.ds(off, LANES)] = jnp.where(t >= THRESHOLD, spread, t)
        return jnp.max(tmax)

    def fire_gather(b):
        pltpu.async_copy(base_hbm.at[bidx_v.at[b]], rows_v.at[b], gsem.at[b])

    def wait_gather(b):
        pltpu.make_async_copy(base_hbm.at[bidx_v.at[b]], rows_v.at[b],
                              gsem.at[b]).wait()

    def fire_write(c, b):
        pltpu.async_copy(rows_v.at[b], out_hbm.at[row0 + c], wsem.at[b])

    def wait_write(b):
        pltpu.make_async_copy(rows_v.at[b], out_hbm.at[0], wsem.at[b]).wait()

    def patch_chunk(c, b):
        @pl.loop(0, n_win)
        def _win(i):
            off = win_off(i)
            t = tok_v[c, pl.ds(off, LANES)]
            m = t >= THRESHOLD

            @pl.when(jnp.max(t) >= THRESHOLD)
            def _patch():
                eidx = jnp.where(m, t - THRESHOLD, 0)
                pltpu.async_copy(ext_hbm.at[eidx], patch_v, psem).wait()
                pos16 = off + lanes

                @pl.loop(0, EMBED_DIM)
                def _col(col):
                    col16 = jnp.full((LANES,), col, jnp.int32)
                    vals = plsc.load_gather(patch_v, [lanes, col16], mask=m)
                    plsc.store_scatter(rows_v.at[b], [pos16, col16], vals, mask=m)

    for b in range(FIRE):
        compute_bidx(b, b)
        fire_gather(b)

    @pl.loop(0, rows_per_w // NBUF)
    def _group(g):
        for b in range(NBUF):
            c = g * NBUF + b
            c_f = c + FIRE
            b_f = (b + FIRE) % NBUF

            @pl.when(c_f < rows_per_w)
            def _fire():
                @pl.when(c_f >= NBUF)
                def _reuse():
                    wait_write(b_f)
                compute_bidx(c_f, b_f)
                fire_gather(b_f)

            wait_gather(b)

            tmax = jnp.int32(0)
            for i in range(n_win):
                t = tok_v[c, pl.ds(win_off(i), LANES)]
                tmax = jnp.maximum(tmax, jnp.max(t))

            @pl.when(tmax >= THRESHOLD)
            def _has_ext():
                patch_chunk(c, b)

            fire_write(c, b)

    for b in range(NBUF):
        wait_write(b)


@jax.jit
def _run(input_tokens, base_table, ext_table):
    mesh = plsc.VectorSubcoreMesh(
        core_axis_name="c", subcore_axis_name="s",
        num_cores=NUM_CORES, num_subcores=NUM_SUBCORES)
    n_rows, seq = input_tokens.shape
    rows_per_w = n_rows // NW
    f = pl.kernel(
        _body,
        out_type=jax.ShapeDtypeStruct((n_rows, seq, EMBED_DIM), jnp.float32),
        mesh=mesh,
        scratch_types=[
            pltpu.VMEM((rows_per_w, seq), jnp.int32),
            pltpu.VMEM((NBUF, seq), jnp.int32),
            pltpu.VMEM((NBUF, seq, EMBED_DIM), jnp.float32),
            pltpu.VMEM((LANES, EMBED_DIM), jnp.float32),
            pltpu.SemaphoreType.DMA((NBUF,)),
            pltpu.SemaphoreType.DMA((NBUF,)),
            pltpu.SemaphoreType.DMA,
        ],
        compiler_params=pltpu.CompilerParams(use_tc_tiling_on_sc=False,
                                             needs_layout_passes=False),
    )
    return f(input_tokens, base_table, ext_table)


def kernel(input_tokens, base_table, ext_table):
    return _run(input_tokens, base_table, ext_table)

# --- scband reference (transcript-rebuilt; emitter-appended) ---
"""Pipeline reference for scband-extended-embedding-29059748725040 (READ-ONLY COPY).

The authoritative reference and input builder live on the scoring server;
editing this copy changes nothing except your own understanding.
"""

import jax, jax.numpy as jnp
import numpy as np

BASE_VOCAB = 1000000
EXT_VOCAB = 1000
EMBED_DIM = 64
THRESHOLD = 1000000


def setup_inputs(seed: int = 0) -> dict:
    key = jax.random.key(seed)
    k1, k2, k3 = jax.random.split(key, 3)
    input_tokens = jax.random.randint(k1, (4096, 200), 0, BASE_VOCAB + EXT_VOCAB, dtype=jnp.int32)
    base_table = jax.random.normal(k2, (BASE_VOCAB, EMBED_DIM), dtype=jnp.float32)
    ext_table = jax.random.normal(k3, (EXT_VOCAB, EMBED_DIM), dtype=jnp.float32)
    return {"input_tokens": input_tokens, "base_table": base_table, "ext_table": ext_table}


def reference(input_tokens, base_table, ext_table):
    # ext_token_mask = input_tokens >= threshold
    mask = input_tokens >= THRESHOLD
    # gather from base table for non-ext tokens, ext table for ext tokens
    base_idx = jnp.where(mask, 0, input_tokens)
    ext_idx = jnp.where(mask, input_tokens - THRESHOLD, 0)
    base_vec = jnp.take(base_table, base_idx, axis=0)
    ext_vec = jnp.take(ext_table, ext_idx, axis=0)
    # inp_emb[~mask] = base_emb(...); inp_emb[mask] = ext_emb(...)
    inp_emb = jnp.where(mask[..., None], ext_vec, base_vec)
    return inp_emb

if __name__ == "__main__":
    import jax
    _d = setup_inputs()
    print(jax.jit(kernel)(*tuple(_d.values())))

</pallas_src>

<mosaic_0001>
#map = affine_map<(d0, d1) -> (0, 0)>
#map1 = affine_map<(d0, d1) -> (0, 0, 0)>
module attributes {stable_mosaic.version = 14 : i64} {
  func.func @_body(%arg0: i32, %arg1: i32, %arg2: memref<4096x200xi32, #tpu.memory_space<hbm>>, %arg3: memref<1000000x64xf32, #tpu.memory_space<hbm>>, %arg4: memref<1000x64xf32, #tpu.memory_space<hbm>>, %arg5: memref<4096x200x64xf32, #tpu.memory_space<hbm>>, %arg6: memref<128x200xi32, #tpu.memory_space<vmem>>, %arg7: memref<4x200xi32, #tpu.memory_space<vmem>>, %arg8: memref<4x200x64xf32, #tpu.memory_space<vmem>>, %arg9: memref<16x64xf32, #tpu.memory_space<vmem>>, %arg10: memref<4x!tpu.dma_semaphore, #tpu.memory_space<semaphore_mem>>, %arg11: memref<4x!tpu.dma_semaphore, #tpu.memory_space<semaphore_mem>>, %arg12: memref<!tpu.dma_semaphore, #tpu.memory_space<semaphore_mem>>) attributes {dimension_semantics = [#tpu.dimension_semantics<core_parallel>, #tpu.dimension_semantics<subcore_parallel>], iteration_bounds = array<i64: 2, 16>, scalar_prefetch = 0 : i64, scratch_operands = 7 : i64, tpu.core_type = #tpu.core_type<sc_vector_subcore>, window_params = [{transform_indices = #map}, {transform_indices = #map}, {transform_indices = #map}, {transform_indices = #map1}]} {
    %mul3A = arith.constant 2 : i32
    %mul3A_0 = arith.muli %arg1, %mul3A : i32
    %add3A = arith.addi %mul3A_0, %arg0 : i32
    %mul3A_1 = arith.constant 128 : i32
    %mul3A_2 = arith.muli %add3A, %mul3A_1 : i32
    "tpu.region"() ({
      %run_scoped3A = tpu.sem_alloc : memref<!tpu.dma_semaphore, #tpu.memory_space<semaphore_mem>>
      %dma_start3A_729 = arith.constant 0 : i32
      %dma_start3A_730 = tpu.memref_slice %arg2[%mul3A_2, %dma_start3A_729] : memref<4096x200xi32, #tpu.memory_space<hbm>> -> memref<128x200xi32, #tpu.memory_space<hbm>>
      %dma_start3A_731 = arith.constant 0 : i32
      %dma_start3A_732 = tpu.memref_slice %arg2[%mul3A_2, %dma_start3A_731] : memref<4096x200xi32, #tpu.memory_space<hbm>> -> memref<128x200xi32, #tpu.memory_space<hbm>>
      tpu.enqueue_dma source(%dma_start3A_732 : memref<128x200xi32, #tpu.memory_space<hbm>>) target(%arg6 : memref<128x200xi32, #tpu.memory_space<vmem>>) target_semaphore(%run_scoped3A : memref<!tpu.dma_semaphore, #tpu.memory_space<semaphore_mem>>)
      %dma_wait3A_733 = arith.constant 0 : i32
      %dma_wait3A_734 = tpu.memref_slice %arg2[%mul3A_2, %dma_wait3A_733] : memref<4096x200xi32, #tpu.memory_space<hbm>> -> memref<128x200xi32, #tpu.memory_space<hbm>>
      %dma_wait3A_735 = arith.constant 0 : i32
      %dma_wait3A_736 = tpu.memref_slice %arg2[%mul3A_2, %dma_wait3A_735] : memref<4096x200xi32, #tpu.memory_space<hbm>> -> memref<128x200xi32, #tpu.memory_space<hbm>>
      tpu.wait_dma2 semaphore(%run_scoped3A : memref<!tpu.dma_semaphore, #tpu.memory_space<semaphore_mem>>) src(%dma_wait3A_736 : memref<128x200xi32, #tpu.memory_space<hbm>>) dst(%arg6 : memref<128x200xi32, #tpu.memory_space<vmem>>)
      tpu.yield
    }) : () -> ()
    %iota3A = tpu.iota {dimensions = array<i32: 0>} : vector<16xi32>
    %broadcast_in_dim3A = arith.constant 0 : i32
    %broadcast_in_dim3A_3 = vector.broadcast %broadcast_in_dim3A : i32 to vector<16xi32>
    %min3A = arith.constant 0 : i32
    %min3A_4 = arith.constant 184 : i32
    %min3A_5 = arith.minsi %min3A, %min3A_4 : i32
    %get3A = arith.constant 0 : i32
    %get3A_6 = arith.index_cast %get3A : i32 to index
    %get3A_7 = arith.index_cast %min3A_5 : i32 to index
    %get3A_8 = tpu.vector_load %arg6[%get3A_6, %get3A_7] {strides = array<i32>} : memref<128x200xi32, #tpu.memory_space<vmem>>, vector<16xi32>,
    %max3A = arith.maxsi %broadcast_in_dim3A_3, %get3A_8 : vector<16xi32>
    %add3A_9 = arith.constant 0 : i32
    %add3A_10 = arith.addi %mul3A_2, %add3A_9 : i32
    %mul3A_11 = arith.constant 200 : i32
    %mul3A_12 = arith.muli %add3A_10, %mul3A_11 : i32
    %add3A_13 = arith.addi %mul3A_12, %min3A_5 : i32
    %add3A_14 = vector.broadcast %add3A_13 : i32 to vector<16xi32>
    %add3A_15 = arith.addi %add3A_14, %iota3A : vector<16xi32>
    %ge3A = arith.constant 1000000 : i32
    %ge3A_16 = vector.broadcast %ge3A : i32 to vector<16xi32>
    %ge3A_17 = arith.cmpi sge, %get3A_8, %ge3A_16 : vector<16xi32>
    %select_n3A = arith.select %ge3A_17, %add3A_15, %get3A_8 : vector<16xi1>, vector<16xi32>
    %swap3A = arith.constant 0 : i32
    %swap3A_18 = arith.index_cast %swap3A : i32 to index
    %swap3A_19 = arith.index_cast %min3A_5 : i32 to index
    %swap3A_20 = tpu.vector_load %arg7[%swap3A_18, %swap3A_19] {strides = array<i32>} : memref<4x200xi32, #tpu.memory_space<vmem>>, vector<16xi32>,
    tpu.vector_store %arg7[%swap3A_18, %swap3A_19], %select_n3A {strides = array<i32>} : memref<4x200xi32, #tpu.memory_space<vmem>>, vector<16xi32>,
    %min3A_21 = arith.constant 16 : i32
    %min3A_22 = arith.constant 184 : i32
    %min3A_23 = arith.minsi %min3A_21, %min3A_22 : i32
    %get3A_24 = arith.constant 0 : i32
    %get3A_25 = arith.index_cast %get3A_24 : i32 to index
    %get3A_26 = arith.index_cast %min3A_23 : i32 to index
    %get3A_27 = tpu.vector_load %arg6[%get3A_25, %get3A_26] {strides = array<i32>} : memref<128x200xi32, #tpu.memory_space<vmem>>, vector<16xi32>,
    %max3A_28 = arith.maxsi %max3A, %get3A_27 : vector<16xi32>
    %add3A_29 = arith.constant 0 : i32
    %add3A_30 = arith.addi %mul3A_2, %add3A_29 : i32
    %mul3A_31 = arith.constant 200 : i32
    %mul3A_32 = arith.muli %add3A_30, %mul3A_31 : i32
    %add3A_33 = arith.addi %mul3A_32, %min3A_23 : i32
    %add3A_34 = vector.broadcast %add3A_33 : i32 to vector<16xi32>
    %add3A_35 = arith.addi %add3A_34, %iota3A : vector<16xi32>
    %ge3A_36 = arith.constant 1000000 : i32
    %ge3A_37 = vector.broadcast %ge3A_36 : i32 to vector<16xi32>
    %ge3A_38 = arith.cmpi sge, %get3A_27, %ge3A_37 : vector<16xi32>
    %select_n3A_39 = arith.select %ge3A_38, %add3A_35, %get3A_27 : vector<16xi1>, vector<16xi32>
    %swap3A_40 = arith.constant 0 : i32
    %swap3A_41 = arith.index_cast %swap3A_40 : i32 to index
    %swap3A_42 = arith.index_cast %min3A_23 : i32 to index
    %swap3A_43 = tpu.vector_load %arg7[%swap3A_41, %swap3A_42] {strides = array<i32>} : memref<4x200xi32, #tpu.memory_space<vmem>>, vector<16xi32>,
    tpu.vector_store %arg7[%swap3A_41, %swap3A_42], %select_n3A_39 {strides = array<i32>} : memref<4x200xi32, #tpu.memory_space<vmem>>, vector<16xi32>,
    %min3A_44 = arith.constant 32 : i32
    %min3A_45 = arith.constant 184 : i32
    %min3A_46 = arith.minsi %min3A_44, %min3A_45 : i32
    %get3A_47 = arith.constant 0 : i32
    %get3A_48 = arith.index_cast %get3A_47 : i32 to index
    %get3A_49 = arith.index_cast %min3A_46 : i32 to index
    %get3A_50 = tpu.vector_load %arg6[%get3A_48, %get3A_49] {strides = array<i32>} : memref<128x200xi32, #tpu.memory_space<vmem>>, vector<16xi32>,
    %max3A_51 = arith.maxsi %max3A_28, %get3A_50 : vector<16xi32>
    %add3A_52 = arith.constant 0 : i32
    %add3A_53 = arith.addi %mul3A_2, %add3A_52 : i32
    %mul3A_54 = arith.constant 200 : i32
    %mul3A_55 = arith.muli %add3A_53, %mul3A_54 : i32
    %add3A_56 = arith.addi %mul3A_55, %min3A_46 : i32
    %add3A_57 = vector.broadcast %add3A_56 : i32 to vector<16xi32>
    %add3A_58 = arith.addi %add3A_57, %iota3A : vector<16xi32>
    %ge3A_59 = arith.constant 1000000 : i32
    %ge3A_60 = vector.broadcast %ge3A_59 : i32 to vector<16xi32>
    %ge3A_61 = arith.cmpi sge, %get3A_50, %ge3A_60 : vector<16xi32>
    %select_n3A_62 = arith.select %ge3A_61, %add3A_58, %get3A_50 : vector<16xi1>, vector<16xi32>
    %swap3A_63 = arith.constant 0 : i32
    %swap3A_64 = arith.index_cast %swap3A_63 : i32 to index
    %swap3A_65 = arith.index_cast %min3A_46 : i32 to index
    %swap3A_66 = tpu.vector_load %arg7[%swap3A_64, %swap3A_65] {strides = array<i32>} : memref<4x200xi32, #tpu.memory_space<vmem>>, vector<16xi32>,
    tpu.vector_store %arg7[%swap3A_64, %swap3A_65], %select_n3A_62 {strides = array<i32>} : memref<4x200xi32, #tpu.memory_space<vmem>>, vector<16xi32>,
    %min3A_67 = arith.constant 48 : i32
    %min3A_68 = arith.constant 184 : i32
    %min3A_69 = arith.minsi %min3A_67, %min3A_68 : i32
    %get3A_70 = arith.constant 0 : i32
    %get3A_71 = arith.index_cast %get3A_70 : i32 to index
    %get3A_72 = arith.index_cast %min3A_69 : i32 to index
    %get3A_73 = tpu.vector_load %arg6[%get3A_71, %get3A_72] {strides = array<i32>} : memref<128x200xi32, #tpu.memory_space<vmem>>, vector<16xi32>,
    %max3A_74 = arith.maxsi %max3A_51, %get3A_73 : vector<16xi32>
    %add3A_75 = arith.constant 0 : i32
    %add3A_76 = arith.addi %mul3A_2, %add3A_75 : i32
    %mul3A_77 = arith.constant 200 : i32
    %mul3A_78 = arith.muli %add3A_76, %mul3A_77 : i32
    %add3A_79 = arith.addi %mul3A_78, %min3A_69 : i32
    %add3A_80 = vector.broadcast %add3A_79 : i32 to vector<16xi32>
    %add3A_81 = arith.addi %add3A_80, %iota3A : vector<16xi32>
    %ge3A_82 = arith.constant 1000000 : i32
    %ge3A_83 = vector.broadcast %ge3A_82 : i32 to vector<16xi32>
    %ge3A_84 = arith.cmpi sge, %get3A_73, %ge3A_83 : vector<16xi32>
    %select_n3A_85 = arith.select %ge3A_84, %add3A_81, %get3A_73 : vector<16xi1>, vector<16xi32>
    %swap3A_86 = arith.constant 0 : i32
    %swap3A_87 = arith.index_cast %swap3A_86 : i32 to index
    %swap3A_88 = arith.index_cast %min3A_69 : i32 to index
    %swap3A_89 = tpu.vector_load %arg7[%swap3A_87, %swap3A_88] {strides = array<i32>} : memref<4x200xi32, #tpu.memory_space<vmem>>, vector<16xi32>,
    tpu.vector_store %arg7[%swap3A_87, %swap3A_88], %select_n3A_85 {strides = array<i32>} : memref<4x200xi32, #tpu.memory_space<vmem>>, vector<16xi32>,
    %min3A_90 = arith.constant 64 : i32
    %min3A_91 = arith.constant 184 : i32
    %min3A_92 = arith.minsi %min3A_90, %min3A_91 : i32
    %get3A_93 = arith.constant 0 : i32
    %get3A_94 = arith.index_cast %get3A_93 : i32 to index
    %get3A_95 = arith.index_cast %min3A_92 : i32 to index
    %get3A_96 = tpu.vector_load %arg6[%get3A_94, %get3A_95] {strides = array<i32>} : memref<128x200xi32, #tpu.memory_space<vmem>>, vector<16xi32>,
    %max3A_97 = arith.maxsi %max3A_74, %get3A_96 : vector<16xi32>
    %add3A_98 = arith.constant 0 : i32
    %add3A_99 = arith.addi %mul3A_2, %add3A_98 : i32
    %mul3A_100 = arith.constant 200 : i32
    %mul3A_101 = arith.muli %add3A_99, %mul3A_100 : i32
    %add3A_102 = arith.addi %mul3A_101, %min3A_92 : i32
    %add3A_103 = vector.broadcast %add3A_102 : i32 to vector<16xi32>
    %add3A_104 = arith.addi %add3A_103, %iota3A : vector<16xi32>
    %ge3A_105 = arith.constant 1000000 : i32
    %ge3A_106 = vector.broadcast %ge3A_105 : i32 to vector<16xi32>
    %ge3A_107 = arith.cmpi sge, %get3A_96, %ge3A_106 : vector<16xi32>
    %select_n3A_108 = arith.select %ge3A_107, %add3A_104, %get3A_96 : vector<16xi1>, vector<16xi32>
    %swap3A_109 = arith.constant 0 : i32
    %swap3A_110 = arith.index_cast %swap3A_109 : i32 to index
    %swap3A_111 = arith.index_cast %min3A_92 : i32 to index
    %swap3A_112 = tpu.vector_load %arg7[%swap3A_110, %swap3A_111] {strides = array<i32>} : memref<4x200xi32, #tpu.memory_space<vmem>>, vector<16xi32>,
    tpu.vector_store %arg7[%swap3A_110, %swap3A_111], %select_n3A_108 {strides = array<i32>} : memref<4x200xi32, #tpu.memory_space<vmem>>, vector<16xi32>,
    %min3A_113 = arith.constant 80 : i32
    %min3A_114 = arith.constant 184 : i32
    %min3A_115 = arith.minsi %min3A_113, %min3A_114 : i32
    %get3A_116 = arith.constant 0 : i32
    %get3A_117 = arith.index_cast %get3A_116 : i32 to index
    %get3A_118 = arith.index_cast %min3A_115 : i32 to index
    %get3A_119 = tpu.vector_load %arg6[%get3A_117, %get3A_118] {strides = array<i32>} : memref<128x200xi32, #tpu.memory_space<vmem>>, vector<16xi32>,
    %max3A_120 = arith.maxsi %max3A_97, %get3A_119 : vector<16xi32>
    %add3A_121 = arith.constant 0 : i32
    %add3A_122 = arith.addi %mul3A_2, %add3A_121 : i32
    %mul3A_123 = arith.constant 200 : i32
    %mul3A_124 = arith.muli %add3A_122, %mul3A_123 : i32
    %add3A_125 = arith.addi %mul3A_124, %min3A_115 : i32
    %add3A_126 = vector.broadcast %add3A_125 : i32 to vector<16xi32>
    %add3A_127 = arith.addi %add3A_126, %iota3A : vector<16xi32>
    %ge3A_128 = arith.constant 1000000 : i32
    %ge3A_129 = vector.broadcast %ge3A_128 : i32 to vector<16xi32>
    %ge3A_130 = arith.cmpi sge, %get3A_119, %ge3A_129 : vector<16xi32>
    %select_n3A_131 = arith.select %ge3A_130, %add3A_127, %get3A_119 : vector<16xi1>, vector<16xi32>
    %swap3A_132 = arith.constant 0 : i32
    %swap3A_133 = arith.index_cast %swap3A_132 : i32 to index
    %swap3A_134 = arith.index_cast %min3A_115 : i32 to index
    %swap3A_135 = tpu.vector_load %arg7[%swap3A_133, %swap3A_134] {strides = array<i32>} : memref<4x200xi32, #tpu.memory_space<vmem>>, vector<16xi32>,
    tpu.vector_store %arg7[%swap3A_133, %swap3A_134], %select_n3A_131 {strides = array<i32>} : memref<4x200xi32, #tpu.memory_space<vmem>>, vector<16xi32>,
    %min3A_136 = arith.constant 96 : i32
    %min3A_137 = arith.constant 184 : i32
    %min3A_138 = arith.minsi %min3A_136, %min3A_137 : i32
    %get3A_139 = arith.constant 0 : i32
    %get3A_140 = arith.index_cast %get3A_139 : i32 to index
    %get3A_141 = arith.index_cast %min3A_138 : i32 to index
    %get3A_142 = tpu.vector_load %arg6[%get3A_140, %get3A_141] {strides = array<i32>} : memref<128x200xi32, #tpu.memory_space<vmem>>, vector<16xi32>,
    %max3A_143 = arith.maxsi %max3A_120, %get3A_142 : vector<16xi32>
    %add3A_144 = arith.constant 0 : i32
    %add3A_145 = arith.addi %mul3A_2, %add3A_144 : i32
    %mul3A_146 = arith.constant 200 : i32
    %mul3A_147 = arith.muli %add3A_145, %mul3A_146 : i32
    %add3A_148 = arith.addi %mul3A_147, %min3A_138 : i32
    %add3A_149 = vector.broadcast %add3A_148 : i32 to vector<16xi32>
    %add3A_150 = arith.addi %add3A_149, %iota3A : vector<16xi32>
    %ge3A_151 = arith.constant 1000000 : i32
    %ge3A_152 = vector.broadcast %ge3A_151 : i32 to vector<16xi32>
    %ge3A_153 = arith.cmpi sge, %get3A_142, %ge3A_152 : vector<16xi32>
    %select_n3A_154 = arith.select %ge3A_153, %add3A_150, %get3A_142 : vector<16xi1>, vector<16xi32>
    %swap3A_155 = arith.constant 0 : i32
    %swap3A_156 = arith.index_cast %swap3A_155 : i32 to index
    %swap3A_157 = arith.index_cast %min3A_138 : i32 to index
    %swap3A_158 = tpu.vector_load %arg7[%swap3A_156, %swap3A_157] {strides = array<i32>} : memref<4x200xi32, #tpu.memory_space<vmem>>, vector<16xi32>,
    tpu.vector_store %arg7[%swap3A_156, %swap3A_157], %select_n3A_154 {strides = array<i32>} : memref<4x200xi32, #tpu.memory_space<vmem>>, vector<16xi32>,
    %min3A_159 = arith.constant 112 : i32
    %min3A_160 = arith.constant 184 : i32
    %min3A_161 = arith.minsi %min3A_159, %min3A_160 : i32
    %get3A_162 = arith.constant 0 : i32
    %get3A_163 = arith.index_cast %get3A_162 : i32 to index
    %get3A_164 = arith.index_cast %min3A_161 : i32 to index
    %get3A_165 = tpu.vector_load %arg6[%get3A_163, %get3A_164] {strides = array<i32>} : memref<128x200xi32, #tpu.memory_space<vmem>>, vector<16xi32>,
    %max3A_166 = arith.maxsi %max3A_143, %get3A_165 : vector<16xi32>
    %add3A_167 = arith.constant 0 : i32
    %add3A_168 = arith.addi %mul3A_2, %add3A_167 : i32
    %mul3A_169 = arith.constant 200 : i32
    %mul3A_170 = arith.muli %add3A_168, %mul3A_169 : i32
    %add3A_171 = arith.addi %mul3A_170, %min3A_161 : i32
    %add3A_172 = vector.broadcast %add3A_171 : i32 to vector<16xi32>
    %add3A_173 = arith.addi %add3A_172, %iota3A : vector<16xi32>
    %ge3A_174 = arith.constant 1000000 : i32
    %ge3A_175 = vector.broadcast %ge3A_174 : i32 to vector<16xi32>
    %ge3A_176 = arith.cmpi sge, %get3A_165, %ge3A_175 : vector<16xi32>
    %select_n3A_177 = arith.select %ge3A_176, %add3A_173, %get3A_165 : vector<16xi1>, vector<16xi32>
    %swap3A_178 = arith.constant 0 : i32
    %swap3A_179 = arith.index_cast %swap3A_178 : i32 to index
    %swap3A_180 = arith.index_cast %min3A_161 : i32 to index
    %swap3A_181 = tpu.vector_load %arg7[%swap3A_179, %swap3A_180] {strides = array<i32>} : memref<4x200xi32, #tpu.memory_space<vmem>>, vector<16xi32>,
    tpu.vector_store %arg7[%swap3A_179, %swap3A_180], %select_n3A_177 {strides = array<i32>} : memref<4x200xi32, #tpu.memory_space<vmem>>, vector<16xi32>,
    %min3A_182 = arith.constant 128 : i32
    %min3A_183 = arith.constant 184 : i32
    %min3A_184 = arith.minsi %min3A_182, %min3A_183 : i32
    %get3A_185 = arith.constant 0 : i32
    %get3A_186 = arith.index_cast %get3A_185 : i32 to index
    %get3A_187 = arith.index_cast %min3A_184 : i32 to index
    %get3A_188 = tpu.vector_load %arg6[%get3A_186, %get3A_187] {strides = array<i32>} : memref<128x200xi32, #tpu.memory_space<vmem>>, vector<16xi32>,
    %max3A_189 = arith.maxsi %max3A_166, %get3A_188 : vector<16xi32>
    %add3A_190 = arith.constant 0 : i32
    %add3A_191 = arith.addi %mul3A_2, %add3A_190 : i32
    %mul3A_192 = arith.constant 200 : i32
    %mul3A_193 = arith.muli %add3A_191, %mul3A_192 : i32
    %add3A_194 = arith.addi %mul3A_193, %min3A_184 : i32
    %add3A_195 = vector.broadcast %add3A_194 : i32 to vector<16xi32>
    %add3A_196 = arith.addi %add3A_195, %iota3A : vector<16xi32>
    %ge3A_197 = arith.constant 1000000 : i32
    %ge3A_198 = vector.broadcast %ge3A_197 : i32 to vector<16xi32>
    %ge3A_199 = arith.cmpi sge, %get3A_188, %ge3A_198 : vector<16xi32>
    %select_n3A_200 = arith.select %ge3A_199, %add3A_196, %get3A_188 : vector<16xi1>, vector<16xi32>
    %swap3A_201 = arith.constant 0 : i32
    %swap3A_202 = arith.index_cast %swap3A_201 : i32 to index
    %swap3A_203 = arith.index_cast %min3A_184 : i32 to index
    %swap3A_204 = tpu.vector_load %arg7[%swap3A_202, %swap3A_203] {strides = array<i32>} : memref<4x200xi32, #tpu.memory_space<vmem>>, vector<16xi32>,
    tpu.vector_store %arg7[%swap3A_202, %swap3A_203], %select_n3A_200 {strides = array<i32>} : memref<4x200xi32, #tpu.memory_space<vmem>>, vector<16xi32>,
    %min3A_205 = arith.constant 144 : i32
    %min3A_206 = arith.constant 184 : i32
    %min3A_207 = arith.minsi %min3A_205, %min3A_206 : i32
    %get3A_208 = arith.constant 0 : i32
    %get3A_209 = arith.index_cast %get3A_208 : i32 to index
    %get3A_210 = arith.index_cast %min3A_207 : i32 to index
    %get3A_211 = tpu.vector_load %arg6[%get3A_209, %get3A_210] {strides = array<i32>} : memref<128x200xi32, #tpu.memory_space<vmem>>, vector<16xi32>,
    %max3A_212 = arith.maxsi %max3A_189, %get3A_211 : vector<16xi32>
    %add3A_213 = arith.constant 0 : i32
    %add3A_214 = arith.addi %mul3A_2, %add3A_213 : i32
    %mul3A_215 = arith.constant 200 : i32
    %mul3A_216 = arith.muli %add3A_214, %mul3A_215 : i32
    %add3A_217 = arith.addi %mul3A_216, %min3A_207 : i32
    %add3A_218 = vector.broadcast %add3A_217 : i32 to vector<16xi32>
    %add3A_219 = arith.addi %add3A_218, %iota3A : vector<16xi32>
    %ge3A_220 = arith.constant 1000000 : i32
    %ge3A_221 = vector.broadcast %ge3A_220 : i32 to vector<16xi32>
    %ge3A_222 = arith.cmpi sge, %get3A_211, %ge3A_221 : vector<16xi32>
    %select_n3A_223 = arith.select %ge3A_222, %add3A_219, %get3A_211 : vector<16xi1>, vector<16xi32>
    %swap3A_224 = arith.constant 0 : i32
    %swap3A_225 = arith.index_cast %swap3A_224 : i32 to index
    %swap3A_226 = arith.index_cast %min3A_207 : i32 to index
    %swap3A_227 = tpu.vector_load %arg7[%swap3A_225, %swap3A_226] {strides = array<i32>} : memref<4x200xi32, #tpu.memory_space<vmem>>, vector<16xi32>,
    tpu.vector_store %arg7[%swap3A_225, %swap3A_226], %select_n3A_223 {strides = array<i32>} : memref<4x200xi32, #tpu.memory_space<vmem>>, vector<16xi32>,
    %min3A_228 = arith.constant 160 : i32
    %min3A_229 = arith.constant 184 : i32
    %min3A_230 = arith.minsi %min3A_228, %min3A_229 : i32
    %get3A_231 = arith.constant 0 : i32
    %get3A_232 = arith.index_cast %get3A_231 : i32 to index
    %get3A_233 = arith.index_cast %min3A_230 : i32 to index
    %get3A_234 = tpu.vector_load %arg6[%get3A_232, %get3A_233] {strides = array<i32>} : memref<128x200xi32, #tpu.memory_space<vmem>>, vector<16xi32>,
    %max3A_235 = arith.maxsi %max3A_212, %get3A_234 : vector<16xi32>
    %add3A_236 = arith.constant 0 : i32
    %add3A_237 = arith.addi %mul3A_2, %add3A_236 : i32
    %mul3A_238 = arith.constant 200 : i32
    %mul3A_239 = arith.muli %add3A_237, %mul3A_238 : i32
    %add3A_240 = arith.addi %mul3A_239, %min3A_230 : i32
    %add3A_241 = vector.broadcast %add3A_240 : i32 to vector<16xi32>
    %add3A_242 = arith.addi %add3A_241, %iota3A : vector<16xi32>
    %ge3A_243 = arith.constant 1000000 : i32
    %ge3A_244 = vector.broadcast %ge3A_243 : i32 to vector<16xi32>
    %ge3A_245 = arith.cmpi sge, %get3A_234, %ge3A_244 : vector<16xi32>
    %select_n3A_246 = arith.select %ge3A_245, %add3A_242, %get3A_234 : vector<16xi1>, vector<16xi32>
    %swap3A_247 = arith.constant 0 : i32
    %swap3A_248 = arith.index_cast %swap3A_247 : i32 to index
    %swap3A_249 = arith.index_cast %min3A_230 : i32 to index
    %swap3A_250 = tpu.vector_load %arg7[%swap3A_248, %swap3A_249] {strides = array<i32>} : memref<4x200xi32, #tpu.memory_space<vmem>>, vector<16xi32>,
    tpu.vector_store %arg7[%swap3A_248, %swap3A_249], %select_n3A_246 {strides = array<i32>} : memref<4x200xi32, #tpu.memory_space<vmem>>, vector<16xi32>,
    %min3A_251 = arith.constant 176 : i32
    %min3A_252 = arith.constant 184 : i32
    %min3A_253 = arith.minsi %min3A_251, %min3A_252 : i32
    %get3A_254 = arith.constant 0 : i32
    %get3A_255 = arith.index_cast %get3A_254 : i32 to index
    %get3A_256 = arith.index_cast %min3A_253 : i32 to index
    %get3A_257 = tpu.vector_load %arg6[%get3A_255, %get3A_256] {strides = array<i32>} : memref<128x200xi32, #tpu.memory_space<vmem>>, vector<16xi32>,
    %max3A_258 = arith.maxsi %max3A_235, %get3A_257 : vector<16xi32>
    %add3A_259 = arith.constant 0 : i32
    %add3A_260 = arith.addi %mul3A_2, %add3A_259 : i32
    %mul3A_261 = arith.constant 200 : i32
    %mul3A_262 = arith.muli %add3A_260, %mul3A_261 : i32
    %add3A_263 = arith.addi %mul3A_262, %min3A_253 : i32
    %add3A_264 = vector.broadcast %add3A_263 : i32 to vector<16xi32>
    %add3A_265 = arith.addi %add3A_264, %iota3A : vector<16xi32>
    %ge3A_266 = arith.constant 1000000 : i32
    %ge3A_267 = vector.broadcast %ge3A_266 : i32 to vector<16xi32>
    %ge3A_268 = arith.cmpi sge, %get3A_257, %ge3A_267 : vector<16xi32>
    %select_n3A_269 = arith.select %ge3A_268, %add3A_265, %get3A_257 : vector<16xi1>, vector<16xi32>
    %swap3A_270 = arith.constant 0 : i32
    %swap3A_271 = arith.index_cast %swap3A_270 : i32 to index
    %swap3A_272 = arith.index_cast %min3A_253 : i32 to index
    %swap3A_273 = tpu.vector_load %arg7[%swap3A_271, %swap3A_272] {strides = array<i32>} : memref<4x200xi32, #tpu.memory_space<vmem>>, vector<16xi32>,
    tpu.vector_store %arg7[%swap3A_271, %swap3A_272], %select_n3A_269 {strides = array<i32>} : memref<4x200xi32, #tpu.memory_space<vmem>>, vector<16xi32>,
    %min3A_274 = arith.constant 192 : i32
    %min3A_275 = arith.constant 184 : i32
    %min3A_276 = arith.minsi %min3A_274, %min3A_275 : i32
    %get3A_277 = arith.constant 0 : i32
    %get3A_278 = arith.index_cast %get3A_277 : i32 to index
    %get3A_279 = arith.index_cast %min3A_276 : i32 to index
    %get3A_280 = tpu.vector_load %arg6[%get3A_278, %get3A_279] {strides = array<i32>} : memref<128x200xi32, #tpu.memory_space<vmem>>, vector<16xi32>,
    %max3A_281 = arith.maxsi %max3A_258, %get3A_280 : vector<16xi32>
    %add3A_282 = arith.constant 0 : i32
    %add3A_283 = arith.addi %mul3A_2, %add3A_282 : i32
    %mul3A_284 = arith.constant 200 : i32
    %mul3A_285 = arith.muli %add3A_283, %mul3A_284 : i32
    %add3A_286 = arith.addi %mul3A_285, %min3A_276 : i32
    %add3A_287 = vector.broadcast %add3A_286 : i32 to vector<16xi32>
    %add3A_288 = arith.addi %add3A_287, %iota3A : vector<16xi32>
    %ge3A_289 = arith.constant 1000000 : i32
    %ge3A_290 = vector.broadcast %ge3A_289 : i32 to vector<16xi32>
    %ge3A_291 = arith.cmpi sge, %get3A_280, %ge3A_290 : vector<16xi32>
    %select_n3A_292 = arith.select %ge3A_291, %add3A_288, %get3A_280 : vector<16xi1>, vector<16xi32>
    %swap3A_293 = arith.constant 0 : i32
    %swap3A_294 = arith.index_cast %swap3A_293 : i32 to index
    %swap3A_295 = arith.index_cast %min3A_276 : i32 to index
    %swap3A_296 = tpu.vector_load %arg7[%swap3A_294, %swap3A_295] {strides = array<i32>} : memref<4x200xi32, #tpu.memory_space<vmem>>, vector<16xi32>,
    tpu.vector_store %arg7[%swap3A_294, %swap3A_295], %select_n3A_292 {strides = array<i32>} : memref<4x200xi32, #tpu.memory_space<vmem>>, vector<16xi32>,
    %reduce_max3A = arith.constant true
    %reduce_max3A_297 = vector.broadcast %reduce_max3A : i1 to vector<16xi1>
    %reduce_max3A_298 = arith.constant -2147483648 : i32
    %reduce_max3A_299 = vector.broadcast %reduce_max3A_298 : i32 to vector<16xi32>
    %reduce_max3A_300 = arith.xori %max3A_281, %reduce_max3A_299 : vector<16xi32>
    %reduce_max3A_301 = tpu.scan <max>, %reduce_max3A_300 masked %reduce_max3A_297 : vector<16xi32>, vector<16xi1> -> vector<16xi32>
    %reduce_max3A_302 = arith.xori %reduce_max3A_301, %reduce_max3A_299 : vector<16xi32>
    %reduce_max3A_303 = vector.extract %reduce_max3A_302[15] : i32 from vector<16xi32>
    %dma_start3A = arith.constant 0 : i32
    %dma_start3A_304 = arith.constant 0 : i32
    %dma_start3A_305 = arith.constant 0 : i32
    %dma_start3A_306 = arith.constant 0 : i32
    %dma_start3A_307 = arith.constant 0 : i32
    %dma_start3A_308 = tpu.memref_slice %arg8[%dma_start3A_304, %dma_start3A_306, %dma_start3A_307] : memref<4x200x64xf32, #tpu.memory_space<vmem>> -> memref<1x200x64xf32, #tpu.memory_space<vmem>>
    %dma_start3A_309 = tpu.memref_squeeze %dma_start3A_308 : memref<1x200x64xf32, #tpu.memory_space<vmem>> -> memref<200x64xf32, #tpu.memory_space<vmem>>
    %dma_start3A_310 = arith.constant 0 : i32
    %dma_start3A_311 = tpu.memref_slice %arg7[%dma_start3A, %dma_start3A_310] : memref<4x200xi32, #tpu.memory_space<vmem>> -> memref<1x200xi32, #tpu.memory_space<vmem>>
    %dma_start3A_312 = tpu.memref_squeeze %dma_start3A_311 : memref<1x200xi32, #tpu.memory_space<vmem>> -> memref<200xi32, #tpu.memory_space<vmem>>
    %dma_start3A_313 = arith.constant 0 : i32
    %dma_start3A_314 = arith.constant 0 : i32
    %dma_start3A_315 = tpu.memref_slice %arg3[%dma_start3A_313, %dma_start3A_314] : memref<1000000x64xf32, #tpu.memory_space<hbm>> -> memref<1000000x64xf32, #tpu.memory_space<hbm>>
    %dma_start3A_316 = tpu.memref_slice %arg10[%dma_start3A_305] : memref<4x!tpu.dma_semaphore, #tpu.memory_space<semaphore_mem>> -> memref<1x!tpu.dma_semaphore, #tpu.memory_space<semaphore_mem>>
    %dma_start3A_317 = tpu.memref_squeeze %dma_start3A_316 : memref<1x!tpu.dma_semaphore, #tpu.memory_space<semaphore_mem>> -> memref<!tpu.dma_semaphore, #tpu.memory_space<semaphore_mem>>
    tpu.enqueue_indirect_dma source(%dma_start3A_315 : memref<1000000x64xf32, #tpu.memory_space<hbm>>) target(%dma_start3A_309 : memref<200x64xf32, #tpu.memory_space<vmem>>) offsets(%dma_start3A_312 : memref<200xi32, #tpu.memory_space<vmem>>) semaphore(%dma_start3A_317 : memref<!tpu.dma_semaphore, #tpu.memory_space<semaphore_mem>>)
    %broadcast_in_dim3A_318 = arith.constant 0 : i32
    %broadcast_in_dim3A_319 = vector.broadcast %broadcast_in_dim3A_318 : i32 to vector<16xi32>
    %min3A_320 = arith.constant 0 : i32
    %min3A_321 = arith.constant 184 : i32
    %min3A_322 = arith.minsi %min3A_320, %min3A_321 : i32
    %get3A_323 = arith.constant 1 : i32
    %get3A_324 = arith.index_cast %get3A_323 : i32 to index
    %get3A_325 = arith.index_cast %min3A_322 : i32 to index
    %get3A_326 = tpu.vector_load %arg6[%get3A_324, %get3A_325] {strides = array<i32>} : memref<128x200xi32, #tpu.memory_space<vmem>>, vector<16xi32>,
    %max3A_327 = arith.maxsi %broadcast_in_dim3A_319, %get3A_326 : vector<16xi32>
    %add3A_328 = arith.constant 1 : i32
    %add3A_329 = arith.addi %mul3A_2, %add3A_328 : i32
    %mul3A_330 = arith.constant 200 : i32
    %mul3A_331 = arith.muli %add3A_329, %mul3A_330 : i32
    %add3A_332 = arith.addi %mul3A_331, %min3A_322 : i32
    %add3A_333 = vector.broadcast %add3A_332 : i32 to vector<16xi32>
    %add3A_334 = arith.addi %add3A_333, %iota3A : vector<16xi32>
    %ge3A_335 = arith.constant 1000000 : i32
    %ge3A_336 = vector.broadcast %ge3A_335 : i32 to vector<16xi32>
    %ge3A_337 = arith.cmpi sge, %get3A_326, %ge3A_336 : vector<16xi32>
    %select_n3A_338 = arith.select %ge3A_337, %add3A_334, %get3A_326 : vector<16xi1>, vector<16xi32>
    %swap3A_339 = arith.constant 1 : i32
    %swap3A_340 = arith.index_cast %swap3A_339 : i32 to index
    %swap3A_341 = arith.index_cast %min3A_322 : i32 to index
    %swap3A_342 = tpu.vector_load %arg7[%swap3A_340, %swap3A_341] {strides = array<i32>} : memref<4x200xi32, #tpu.memory_space<vmem>>, vector<16xi32>,
    tpu.vector_store %arg7[%swap3A_340, %swap3A_341], %select_n3A_338 {strides = array<i32>} : memref<4x200xi32, #tpu.memory_space<vmem>>, vector<16xi32>,
    %min3A_343 = arith.constant 16 : i32
    %min3A_344 = arith.constant 184 : i32
    %min3A_345 = arith.minsi %min3A_343, %min3A_344 : i32
    %get3A_346 = arith.constant 1 : i32
    %get3A_347 = arith.index_cast %get3A_346 : i32 to index
    %get3A_348 = arith.index_cast %min3A_345 : i32 to index
    %get3A_349 = tpu.vector_load %arg6[%get3A_347, %get3A_348] {strides = array<i32>} : memref<128x200xi32, #tpu.memory_space<vmem>>, vector<16xi32>,
    %max3A_350 = arith.maxsi %max3A_327, %get3A_349 : vector<16xi32>
    %add3A_351 = arith.constant 1 : i32
    %add3A_352 = arith.addi %mul3A_2, %add3A_351 : i32
    %mul3A_353 = arith.constant 200 : i32
    %mul3A_354 = arith.muli %add3A_352, %mul3A_353 : i32
    %add3A_355 = arith.addi %mul3A_354, %min3A_345 : i32
    %add3A_356 = vector.broadcast %add3A_355 : i32 to vector<16xi32>
    %add3A_357 = arith.addi %add3A_356, %iota3A : vector<16xi32>
    %ge3A_358 = arith.constant 1000000 : i32
    %ge3A_359 = vector.broadcast %ge3A_358 : i32 to vector<16xi32>
    %ge3A_360 = arith.cmpi sge, %get3A_349, %ge3A_359 : vector<16xi32>
    %select_n3A_361 = arith.select %ge3A_360, %add3A_357, %get3A_349 : vector<16xi1>, vector<16xi32>
    %swap3A_362 = arith.constant 1 : i32
    %swap3A_363 = arith.index_cast %swap3A_362 : i32 to index
    %swap3A_364 = arith.index_cast %min3A_345 : i32 to index
    %swap3A_365 = tpu.vector_load %arg7[%swap3A_363, %swap3A_364] {strides = array<i32>} : memref<4x200xi32, #tpu.memory_space<vmem>>, vector<16xi32>,
    tpu.vector_store %arg7[%swap3A_363, %swap3A_364], %select_n3A_361 {strides = array<i32>} : memref<4x200xi32, #tpu.memory_space<vmem>>, vector<16xi32>,
    %min3A_366 = arith.constant 32 : i32
    %min3A_367 = arith.constant 184 : i32
    %min3A_368 = arith.minsi %min3A_366, %min3A_367 : i32
    %get3A_369 = arith.constant 1 : i32
    %get3A_370 = arith.index_cast %get3A_369 : i32 to index
    %get3A_371 = arith.index_cast %min3A_368 : i32 to index
    %get3A_372 = tpu.vector_load %arg6[%get3A_370, %get3A_371] {strides = array<i32>} : memref<128x200xi32, #tpu.memory_space<vmem>>, vector<16xi32>,
    %max3A_373 = arith.maxsi %max3A_350, %get3A_372 : vector<16xi32>
    %add3A_374 = arith.constant 1 : i32
    %add3A_375 = arith.addi %mul3A_2, %add3A_374 : i32
    %mul3A_376 = arith.constant 200 : i32
    %mul3A_377 = arith.muli %add3A_375, %mul3A_376 : i32
    %add3A_378 = arith.addi %mul3A_377, %min3A_368 : i32
    %add3A_379 = vector.broadcast %add3A_378 : i32 to vector<16xi32>
    %add3A_380 = arith.addi %add3A_379, %iota3A : vector<16xi32>
    %ge3A_381 = arith.constant 1000000 : i32
    %ge3A_382 = vector.broadcast %ge3A_381 : i32 to vector<16xi32>
    %ge3A_383 = arith.cmpi sge, %get3A_372, %ge3A_382 : vector<16xi32>
    %select_n3A_384 = arith.select %ge3A_383, %add3A_380, %get3A_372 : vector<16xi1>, vector<16xi32>
    %swap3A_385 = arith.constant 1 : i32
    %swap3A_386 = arith.index_cast %swap3A_385 : i32 to index
    %swap3A_387 = arith.index_cast %min3A_368 : i32 to index
    %swap3A_388 = tpu.vector_load %arg7[%swap3A_386, %swap3A_387] {strides = array<i32>} : memref<4x200xi32, #tpu.memory_space<vmem>>, vector<16xi32>,
    tpu.vector_store %arg7[%swap3A_386, %swap3A_387], %select_n3A_384 {strides = array<i32>} : memref<4x200xi32, #tpu.memory_space<vmem>>, vector<16xi32>,
    %min3A_389 = arith.constant 48 : i32
    %min3A_390 = arith.constant 184 : i32
    %min3A_391 = arith.minsi %min3A_389, %min3A_390 : i32
    %get3A_392 = arith.constant 1 : i32
    %get3A_393 = arith.index_cast %get3A_392 : i32 to index
    %get3A_394 = arith.index_cast %min3A_391 : i32 to index
    %get3A_395 = tpu.vector_load %arg6[%get3A_393, %get3A_394] {strides = array<i32>} : memref<128x200xi32, #tpu.memory_space<vmem>>, vector<16xi32>,
    %max3A_396 = arith.maxsi %max3A_373, %get3A_395 : vector<16xi32>
    %add3A_397 = arith.constant 1 : i32
    %add3A_398 = arith.addi %mul3A_2, %add3A_397 : i32
    %mul3A_399 = arith.constant 200 : i32
    %mul3A_400 = arith.muli %add3A_398, %mul3A_399 : i32
    %add3A_401 = arith.addi %mul3A_400, %min3A_391 : i32
    %add3A_402 = vector.broadcast %add3A_401 : i32 to vector<16xi32>
    %add3A_403 = arith.addi %add3A_402, %iota3A : vector<16xi32>
    %ge3A_404 = arith.constant 1000000 : i32
    %ge3A_405 = vector.broadcast %ge3A_404 : i32 to vector<16xi32>
    %ge3A_406 = arith.cmpi sge, %get3A_395, %ge3A_405 : vector<16xi32>
    %select_n3A_407 = arith.select %ge3A_406, %add3A_403, %get3A_395 : vector<16xi1>, vector<16xi32>
    %swap3A_408 = arith.constant 1 : i32
    %swap3A_409 = arith.index_cast %swap3A_408 : i32 to index
    %swap3A_410 = arith.index_cast %min3A_391 : i32 to index
    %swap3A_411 = tpu.vector_load %arg7[%swap3A_409, %swap3A_410] {strides = array<i32>} : memref<4x200xi32, #tpu.memory_space<vmem>>, vector<16xi32>,
    tpu.vector_store %arg7[%swap3A_409, %swap3A_410], %select_n3A_407 {strides = array<i32>} : memref<4x200xi32, #tpu.memory_space<vmem>>, vector<16xi32>,
    %min3A_412 = arith.constant 64 : i32
    %min3A_413 = arith.constant 184 : i32
    %min3A_414 = arith.minsi %min3A_412, %min3A_413 : i32
    %get3A_415 = arith.constant 1 : i32
    %get3A_416 = arith.index_cast %get3A_415 : i32 to index
    %get3A_417 = arith.index_cast %min3A_414 : i32 to index
    %get3A_418 = tpu.vector_load %arg6[%get3A_416, %get3A_417] {strides = array<i32>} : memref<128x200xi32, #tpu.memory_space<vmem>>, vector<16xi32>,
    %max3A_419 = arith.maxsi %max3A_396, %get3A_418 : vector<16xi32>
    %add3A_420 = arith.constant 1 : i32
    %add3A_421 = arith.addi %mul3A_2, %add3A_420 : i32
    %mul3A_422 = arith.constant 200 : i32
    %mul3A_423 = arith.muli %add3A_421, %mul3A_422 : i32
    %add3A_424 = arith.addi %mul3A_423, %min3A_414 : i32
    %add3A_425 = vector.broadcast %add3A_424 : i32 to vector<16xi32>
    %add3A_426 = arith.addi %add3A_425, %iota3A : vector<16xi32>
    %ge3A_427 = arith.constant 1000000 : i32
    %ge3A_428 = vector.broadcast %ge3A_427 : i32 to vector<16xi32>
    %ge3A_429 = arith.cmpi sge, %get3A_418, %ge3A_428 : vector<16xi32>
    %select_n3A_430 = arith.select %ge3A_429, %add3A_426, %get3A_418 : vector<16xi1>, vector<16xi32>
    %swap3A_431 = arith.constant 1 : i32
    %swap3A_432 = arith.index_cast %swap3A_431 : i32 to index
    %swap3A_433 = arith.index_cast %min3A_414 : i32 to index
    %swap3A_434 = tpu.vector_load %arg7[%swap3A_432, %swap3A_433] {strides = array<i32>} : memref<4x200xi32, #tpu.memory_space<vmem>>, vector<16xi32>,
    tpu.vector_store %arg7[%swap3A_432, %swap3A_433], %select_n3A_430 {strides = array<i32>} : memref<4x200xi32, #tpu.memory_space<vmem>>, vector<16xi32>,
    %min3A_435 = arith.constant 80 : i32
    %min3A_436 = arith.constant 184 : i32
    %min3A_437 = arith.minsi %min3A_435, %min3A_436 : i32
    %get3A_438 = arith.constant 1 : i32
    %get3A_439 = arith.index_cast %get3A_438 : i32 to index
    %get3A_440 = arith.index_cast %min3A_437 : i32 to index
    %get3A_441 = tpu.vector_load %arg6[%get3A_439, %get3A_440] {strides = array<i32>} : memref<128x200xi32, #tpu.memory_space<vmem>>, vector<16xi32>,
    %max3A_442 = arith.maxsi %max3A_419, %get3A_441 : vector<16xi32>
    %add3A_443 = arith.constant 1 : i32
    %add3A_444 = arith.addi %mul3A_2, %add3A_443 : i32
    %mul3A_445 = arith.constant 200 : i32
    %mul3A_446 = arith.muli %add3A_444, %mul3A_445 : i32
    %add3A_447 = arith.addi %mul3A_446, %min3A_437 : i32
    %add3A_448 = vector.broadcast %add3A_447 : i32 to vector<16xi32>
    %add3A_449 = arith.addi %add3A_448, %iota3A : vector<16xi32>
    %ge3A_450 = arith.constant 1000000 : i32
    %ge3A_451 = vector.broadcast %ge3A_450 : i32 to vector<16xi32>
    %ge3A_452 = arith.cmpi sge, %get3A_441, %ge3A_451 : vector<16xi32>
    %select_n3A_453 = arith.select %ge3A_452, %add3A_449, %get3A_441 : vector<16xi1>, vector<16xi32>
    %swap3A_454 = arith.constant 1 : i32
    %swap3A_455 = arith.index_cast %swap3A_454 : i32 to index
    %swap3A_456 = arith.index_cast %min3A_437 : i32 to index
    %swap3A_457 = tpu.vector_load %arg7[%swap3A_455, %swap3A_456] {strides = array<i32>} : memref<4x200xi32, #tpu.memory_space<vmem>>, vector<16xi32>,
    tpu.vector_store %arg7[%swap3A_455, %swap3A_456], %select_n3A_453 {strides = array<i32>} : memref<4x200xi32, #tpu.memory_space<vmem>>, vector<16xi32>,
    %min3A_458 = arith.constant 96 : i32
    %min3A_459 = arith.constant 184 : i32
    %min3A_460 = arith.minsi %min3A_458, %min3A_459 : i32
    %get3A_461 = arith.constant 1 : i32
    %get3A_462 = arith.index_cast %get3A_461 : i32 to index
    %get3A_463 = arith.index_cast %min3A_460 : i32 to index
    %get3A_464 = tpu.vector_load %arg6[%get3A_462, %get3A_463] {strides = array<i32>} : memref<128x200xi32, #tpu.memory_space<vmem>>, vector<16xi32>,
    %max3A_465 = arith.maxsi %max3A_442, %get3A_464 : vector<16xi32>
    %add3A_466 = arith.constant 1 : i32
    %add3A_467 = arith.addi %mul3A_2, %add3A_466 : i32
    %mul3A_468 = arith.constant 200 : i32
    %mul3A_469 = arith.muli %add3A_467, %mul3A_468 : i32
    %add3A_470 = arith.addi %mul3A_469, %min3A_460 : i32
    %add3A_471 = vector.broadcast %add3A_470 : i32 to vector<16xi32>
    %add3A_472 = arith.addi %add3A_471, %iota3A : vector<16xi32>
    %ge3A_473 = arith.constant 1000000 : i32
    %ge3A_474 = vector.broadcast %ge3A_473 : i32 to vector<16xi32>
    %ge3A_475 = arith.cmpi sge, %get3A_464, %ge3A_474 : vector<16xi32>
    %select_n3A_476 = arith.select %ge3A_475, %add3A_472, %get3A_464 : vector<16xi1>, vector<16xi32>
    %swap3A_477 = arith.constant 1 : i32
    %swap3A_478 = arith.index_cast %swap3A_477 : i32 to index
    %swap3A_479 = arith.index_cast %min3A_460 : i32 to index
    %swap3A_480 = tpu.vector_load %arg7[%swap3A_478, %swap3A_479] {strides = array<i32>} : memref<4x200xi32, #tpu.memory_space<vmem>>, vector<16xi32>,
    tpu.vector_store %arg7[%swap3A_478, %swap3A_479], %select_n3A_476 {strides = array<i32>} : memref<4x200xi32, #tpu.memory_space<vmem>>, vector<16xi32>,
    %min3A_481 = arith.constant 112 : i32
    %min3A_482 = arith.constant 184 : i32
    %min3A_483 = arith.minsi %min3A_481, %min3A_482 : i32
    %get3A_484 = arith.constant 1 : i32
    %get3A_485 = arith.index_cast %get3A_484 : i32 to index
    %get3A_486 = arith.index_cast %min3A_483 : i32 to index
    %get3A_487 = tpu.vector_load %arg6[%get3A_485, %get3A_486] {strides = array<i32>} : memref<128x200xi32, #tpu.memory_space<vmem>>, vector<16xi32>,
    %max3A_488 = arith.maxsi %max3A_465, %get3A_487 : vector<16xi32>
    %add3A_489 = arith.constant 1 : i32
    %add3A_490 = arith.addi %mul3A_2, %add3A_489 : i32
    %mul3A_491 = arith.constant 200 : i32
    %mul3A_492 = arith.muli %add3A_490, %mul3A_491 : i32
    %add3A_493 = arith.addi %mul3A_492, %min3A_483 : i32
    %add3A_494 = vector.broadcast %add3A_493 : i32 to vector<16xi32>
    %add3A_495 = arith.addi %add3A_494, %iota3A : vector<16xi32>
    %ge3A_496 = arith.constant 1000000 : i32
    %ge3A_497 = vector.broadcast %ge3A_496 : i32 to vector<16xi32>
    %ge3A_498 = arith.cmpi sge, %get3A_487, %ge3A_497 : vector<16xi32>
    %select_n3A_499 = arith.select %ge3A_498, %add3A_495, %get3A_487 : vector<16xi1>, vector<16xi32>
    %swap3A_500 = arith.constant 1 : i32
    %swap3A_501 = arith.index_cast %swap3A_500 : i32 to index
    %swap3A_502 = arith.index_cast %min3A_483 : i32 to index
    %swap3A_503 = tpu.vector_load %arg7[%swap3A_501, %swap3A_502] {strides = array<i32>} : memref<4x200xi32, #tpu.memory_space<vmem>>, vector<16xi32>,
    tpu.vector_store %arg7[%swap3A_501, %swap3A_502], %select_n3A_499 {strides = array<i32>} : memref<4x200xi32, #tpu.memory_space<vmem>>, vector<16xi32>,
    %min3A_504 = arith.constant 128 : i32
    %min3A_505 = arith.constant 184 : i32
    %min3A_506 = arith.minsi %min3A_504, %min3A_505 : i32
    %get3A_507 = arith.constant 1 : i32
    %get3A_508 = arith.index_cast %get3A_507 : i32 to index
    %get3A_509 = arith.index_cast %min3A_506 : i32 to index
    %get3A_510 = tpu.vector_load %arg6[%get3A_508, %get3A_509] {strides = array<i32>} : memref<128x200xi32, #tpu.memory_space<vmem>>, vector<16xi32>,
    %max3A_511 = arith.maxsi %max3A_488, %get3A_510 : vector<16xi32>
    %add3A_512 = arith.constant 1 : i32
    %add3A_513 = arith.addi %mul3A_2, %add3A_512 : i32
    %mul3A_514 = arith.constant 200 : i32
    %mul3A_515 = arith.muli %add3A_513, %mul3A_514 : i32
    %add3A_516 = arith.addi %mul3A_515, %min3A_506 : i32
    %add3A_517 = vector.broadcast %add3A_516 : i32 to vector<16xi32>
    %add3A_518 = arith.addi %add3A_517, %iota3A : vector<16xi32>
    %ge3A_519 = arith.constant 1000000 : i32
    %ge3A_520 = vector.broadcast %ge3A_519 : i32 to vector<16xi32>
    %ge3A_521 = arith.cmpi sge, %get3A_510, %ge3A_520 : vector<16xi32>
    %select_n3A_522 = arith.select %ge3A_521, %add3A_518, %get3A_510 : vector<16xi1>, vector<16xi32>
    %swap3A_523 = arith.constant 1 : i32
    %swap3A_524 = arith.index_cast %swap3A_523 : i32 to index
    %swap3A_525 = arith.index_cast %min3A_506 : i32 to index
    %swap3A_526 = tpu.vector_load %arg7[%swap3A_524, %swap3A_525] {strides = array<i32>} : memref<4x200xi32, #tpu.memory_space<vmem>>, vector<16xi32>,
    tpu.vector_store %arg7[%swap3A_524, %swap3A_525], %select_n3A_522 {strides = array<i32>} : memref<4x200xi32, #tpu.memory_space<vmem>>, vector<16xi32>,
    %min3A_527 = arith.constant 144 : i32
    %min3A_528 = arith.constant 184 : i32
    %min3A_529 = arith.minsi %min3A_527, %min3A_528 : i32
    %get3A_530 = arith.constant 1 : i32
    %get3A_531 = arith.index_cast %get3A_530 : i32 to index
    %get3A_532 = arith.index_cast %min3A_529 : i32 to index
    %get3A_533 = tpu.vector_load %arg6[%get3A_531, %get3A_532] {strides = array<i32>} : memref<128x200xi32, #tpu.memory_space<vmem>>, vector<16xi32>,
    %max3A_534 = arith.maxsi %max3A_511, %get3A_533 : vector<16xi32>
    %add3A_535 = arith.constant 1 : i32
    %add3A_536 = arith.addi %mul3A_2, %add3A_535 : i32
    %mul3A_537 = arith.constant 200 : i32
    %mul3A_538 = arith.muli %add3A_536, %mul3A_537 : i32
    %add3A_539 = arith.addi %mul3A_538, %min3A_529 : i32
    %add3A_540 = vector.broadcast %add3A_539 : i32 to vector<16xi32>
    %add3A_541 = arith.addi %add3A_540, %iota3A : vector<16xi32>
    %ge3A_542 = arith.constant 1000000 : i32
    %ge3A_543 = vector.broadcast %ge3A_542 : i32 to vector<16xi32>
    %ge3A_544 = arith.cmpi sge, %get3A_533, %ge3A_543 : vector<16xi32>
    %select_n3A_545 = arith.select %ge3A_544, %add3A_541, %get3A_533 : vector<16xi1>, vector<16xi32>
    %swap3A_546 = arith.constant 1 : i32
    %swap3A_547 = arith.index_cast %swap3A_546 : i32 to index
    %swap3A_548 = arith.index_cast %min3A_529 : i32 to index
    %swap3A_549 = tpu.vector_load %arg7[%swap3A_547, %swap3A_548] {strides = array<i32>} : memref<4x200xi32, #tpu.memory_space<vmem>>, vector<16xi32>,
    tpu.vector_store %arg7[%swap3A_547, %swap3A_548], %select_n3A_545 {strides = array<i32>} : memref<4x200xi32, #tpu.memory_space<vmem>>, vector<16xi32>,
    %min3A_550 = arith.constant 160 : i32
    %min3A_551 = arith.constant 184 : i32
    %min3A_552 = arith.minsi %min3A_550, %min3A_551 : i32
    %get3A_553 = arith.constant 1 : i32
    %get3A_554 = arith.index_cast %get3A_553 : i32 to index
    %get3A_555 = arith.index_cast %min3A_552 : i32 to index
    %get3A_556 = tpu.vector_load %arg6[%get3A_554, %get3A_555] {strides = array<i32>} : memref<128x200xi32, #tpu.memory_space<vmem>>, vector<16xi32>,
    %max3A_557 = arith.maxsi %max3A_534, %get3A_556 : vector<16xi32>
    %add3A_558 = arith.constant 1 : i32
    %add3A_559 = arith.addi %mul3A_2, %add3A_558 : i32
    %mul3A_560 = arith.constant 200 : i32
    %mul3A_561 = arith.muli %add3A_559, %mul3A_560 : i32
    %add3A_562 = arith.addi %mul3A_561, %min3A_552 : i32
    %add3A_563 = vector.broadcast %add3A_562 : i32 to vector<16xi32>
    %add3A_564 = arith.addi %add3A_563, %iota3A : vector<16xi32>
    %ge3A_565 = arith.constant 1000000 : i32
    %ge3A_566 = vector.broadcast %ge3A_565 : i32 to vector<16xi32>
    %ge3A_567 = arith.cmpi sge, %get3A_556, %ge3A_566 : vector<16xi32>
    %select_n3A_568 = arith.select %ge3A_567, %add3A_564, %get3A_556 : vector<16xi1>, vector<16xi32>
    %swap3A_569 = arith.constant 1 : i32
    %swap3A_570 = arith.index_cast %swap3A_569 : i32 to index
    %swap3A_571 = arith.index_cast %min3A_552 : i32 to index
    %swap3A_572 = tpu.vector_load %arg7[%swap3A_570, %swap3A_571] {strides = array<i32>} : memref<4x200xi32, #tpu.memory_space<vmem>>, vector<16xi32>,
    tpu.vector_store %arg7[%swap3A_570, %swap3A_571], %select_n3A_568 {strides = array<i32>} : memref<4x200xi32, #tpu.memory_space<vmem>>, vector<16xi32>,
    %min3A_573 = arith.constant 176 : i32
    %min3A_574 = arith.constant 184 : i32
    %min3A_575 = arith.minsi %min3A_573, %min3A_574 : i32
    %get3A_576 = arith.constant 1 : i32
    %get3A_577 = arith.index_cast %get3A_576 : i32 to index
    %get3A_578 = arith.index_cast %min3A_575 : i32 to index
    %get3A_579 = tpu.vector_load %arg6[%get3A_577, %get3A_578] {strides = array<i32>} : memref<128x200xi32, #tpu.memory_space<vmem>>, vector<16xi32>,
    %max3A_580 = arith.maxsi %max3A_557, %get3A_579 : vector<16xi32>
    %add3A_581 = arith.constant 1 : i32
    %add3A_582 = arith.addi %mul3A_2, %add3A_581 : i32
    %mul3A_583 = arith.constant 200 : i32
    %mul3A_584 = arith.muli %add3A_582, %mul3A_583 : i32
    %add3A_585 = arith.addi %mul3A_584, %min3A_575 : i32
    %add3A_586 = vector.broadcast %add3A_585 : i32 to vector<16xi32>
    %add3A_587 = arith.addi %add3A_586, %iota3A : vector<16xi32>
    %ge3A_588 = arith.constant 1000000 : i32
    %ge3A_589 = vector.broadcast %ge3A_588 : i32 to vector<16xi32>
    %ge3A_590 = arith.cmpi sge, %get3A_579, %ge3A_589 : vector<16xi32>
    %select_n3A_591 = arith.select %ge3A_590, %add3A_587, %get3A_579 : vector<16xi1>, vector<16xi32>
    %swap3A_592 = arith.constant 1 : i32
    %swap3A_593 = arith.index_cast %swap3A_592 : i32 to index
    %swap3A_594 = arith.index_cast %min3A_575 : i32 to index
    %swap3A_595 = tpu.vector_load %arg7[%swap3A_593, %swap3A_594] {strides = array<i32>} : memref<4x200xi32, #tpu.memory_space<vmem>>, vector<16xi32>,
    tpu.vector_store %arg7[%swap3A_593, %swap3A_594], %select_n3A_591 {strides = array<i32>} : memref<4x200xi32, #tpu.memory_space<vmem>>, vector<16xi32>,
    %min3A_596 = arith.constant 192 : i32
    %min3A_597 = arith.constant 184 : i32
    %min3A_598 = arith.minsi %min3A_596, %min3A_597 : i32
    %get3A_599 = arith.constant 1 : i32
    %get3A_600 = arith.index_cast %get3A_599 : i32 to index
    %get3A_601 = arith.index_cast %min3A_598 : i32 to index
    %get3A_602 = tpu.vector_load %arg6[%get3A_600, %get3A_601] {strides = array<i32>} : memref<128x200xi32, #tpu.memory_space<vmem>>, vector<16xi32>,
    %max3A_603 = arith.maxsi %max3A_580, %get3A_602 : vector<16xi32>
    %add3A_604 = arith.constant 1 : i32
    %add3A_605 = arith.addi %mul3A_2, %add3A_604 : i32
    %mul3A_606 = arith.constant 200 : i32
    %mul3A_607 = arith.muli %add3A_605, %mul3A_606 : i32
    %add3A_608 = arith.addi %mul3A_607, %min3A_598 : i32
    %add3A_609 = vector.broadcast %add3A_608 : i32 to vector<16xi32>
    %add3A_610 = arith.addi %add3A_609, %iota3A : vector<16xi32>
    %ge3A_611 = arith.constant 1000000 : i32
    %ge3A_612 = vector.broadcast %ge3A_611 : i32 to vector<16xi32>
    %ge3A_613 = arith.cmpi sge, %get3A_602, %ge3A_612 : vector<16xi32>
    %select_n3A_614 = arith.select %ge3A_613, %add3A_610, %get3A_602 : vector<16xi1>, vector<16xi32>
    %swap3A_615 = arith.constant 1 : i32
    %swap3A_616 = arith.index_cast %swap3A_615 : i32 to index
    %swap3A_617 = arith.index_cast %min3A_598 : i32 to index
    %swap3A_618 = tpu.vector_load %arg7[%swap3A_616, %swap3A_617] {strides = array<i32>} : memref<4x200xi32, #tpu.memory_space<vmem>>, vector<16xi32>,
    tpu.vector_store %arg7[%swap3A_616, %swap3A_617], %select_n3A_614 {strides = array<i32>} : memref<4x200xi32, #tpu.memory_space<vmem>>, vector<16xi32>,
    %reduce_max3A_619 = arith.constant true
    %reduce_max3A_620 = vector.broadcast %reduce_max3A_619 : i1 to vector<16xi1>
    %reduce_max3A_621 = arith.constant -2147483648 : i32
    %reduce_max3A_622 = vector.broadcast %reduce_max3A_621 : i32 to vector<16xi32>
    %reduce_max3A_623 = arith.xori %max3A_603, %reduce_max3A_622 : vector<16xi32>
    %reduce_max3A_624 = tpu.scan <max>, %reduce_max3A_623 masked %reduce_max3A_620 : vector<16xi32>, vector<16xi1> -> vector<16xi32>
    %reduce_max3A_625 = arith.xori %reduce_max3A_624, %reduce_max3A_622 : vector<16xi32>
    %reduce_max3A_626 = vector.extract %reduce_max3A_625[15] : i32 from vector<16xi32>
    %dma_start3A_627 = arith.constant 1 : i32
    %dma_start3A_628 = arith.constant 1 : i32
    %dma_start3A_629 = arith.constant 1 : i32
    %dma_start3A_630 = arith.constant 0 : i32
    %dma_start3A_631 = arith.constant 0 : i32
    %dma_start3A_632 = tpu.memref_slice %arg8[%dma_start3A_628, %dma_start3A_630, %dma_start3A_631] : memref<4x200x64xf32, #tpu.memory_space<vmem>> -> memref<1x200x64xf32, #tpu.memory_space<vmem>>
    %dma_start3A_633 = tpu.memref_squeeze %dma_start3A_632 : memref<1x200x64xf32, #tpu.memory_space<vmem>> -> memref<200x64xf32, #tpu.memory_space<vmem>>
    %dma_start3A_634 = arith.constant 0 : i32
    %dma_start3A_635 = tpu.memref_slice %arg7[%dma_start3A_627, %dma_start3A_634] : memref<4x200xi32, #tpu.memory_space<vmem>> -> memref<1x200xi32, #tpu.memory_space<vmem>>
    %dma_start3A_636 = tpu.memref_squeeze %dma_start3A_635 : memref<1x200xi32, #tpu.memory_space<vmem>> -> memref<200xi32, #tpu.memory_space<vmem>>
    %dma_start3A_637 = arith.constant 0 : i32
    %dma_start3A_638 = arith.constant 0 : i32
    %dma_start3A_639 = tpu.memref_slice %arg3[%dma_start3A_637, %dma_start3A_638] : memref<1000000x64xf32, #tpu.memory_space<hbm>> -> memref<1000000x64xf32, #tpu.memory_space<hbm>>
    %dma_start3A_640 = tpu.memref_slice %arg10[%dma_start3A_629] : memref<4x!tpu.dma_semaphore, #tpu.memory_space<semaphore_mem>> -> memref<1x!tpu.dma_semaphore, #tpu.memory_space<semaphore_mem>>
    %dma_start3A_641 = tpu.memref_squeeze %dma_start3A_640 : memref<1x!tpu.dma_semaphore, #tpu.memory_space<semaphore_mem>> -> memref<!tpu.dma_semaphore, #tpu.memory_space<semaphore_mem>>
    tpu.enqueue_indirect_dma source(%dma_start3A_639 : memref<1000000x64xf32, #tpu.memory_space<hbm>>) target(%dma_start3A_633 : memref<200x64xf32, #tpu.memory_space<vmem>>) offsets(%dma_start3A_636 : memref<200xi32, #tpu.memory_space<vmem>>) semaphore(%dma_start3A_641 : memref<!tpu.dma_semaphore, #tpu.memory_space<semaphore_mem>>)
    %scan3A = arith.constant 0 : i32
    %scan3A_642 = arith.constant 32 : i32
    %scan3A_643 = arith.addi %scan3A, %scan3A_642 : i32
    %scan3A_644 = arith.constant 1 : i32
    scf.for %scan3A_729 = %scan3A to %scan3A_643 step %scan3A_644  : i32 {
      %mul3A_730 = arith.constant 1 : i32
      %mul3A_731 = arith.muli %scan3A_729, %mul3A_730 : i32
      %add3A_732 = arith.constant 0 : i32
      %add3A_733 = arith.addi %add3A_732, %mul3A_731 : i32
      %mul3A_734 = arith.constant 4 : i32
      %mul3A_735 = arith.muli %add3A_733, %mul3A_734 : i32
      %add3A_736 = arith.constant 0 : i32
      %add3A_737 = arith.addi %mul3A_735, %add3A_736 : i32
      %add3A_738 = arith.constant 2 : i32
      %add3A_739 = arith.addi %add3A_737, %add3A_738 : i32
      %lt3A = arith.constant 128 : i32
      %lt3A_740 = arith.cmpi slt, %add3A_739, %lt3A : i32
      %convert_element_type3A = arith.extui %lt3A_740 : i1 to i32
      %cond3A = arith.constant 0 : i32
      %cond3A_741 = arith.cmpi ne, %convert_element_type3A, %cond3A : i32
      scf.if %cond3A_741 {
        %ge3A_1723 = arith.constant 4 : i32
        %ge3A_1724 = arith.cmpi sge, %add3A_739, %ge3A_1723 : i32
        %convert_element_type3A_1725 = arith.extui %ge3A_1724 : i1 to i32
        %cond3A_1726 = arith.constant 0 : i32
        %cond3A_1727 = arith.cmpi ne, %convert_element_type3A_1725, %cond3A_1726 : i32
        scf.if %cond3A_1727 {
          %dma_wait3A_2026 = arith.constant 2 : i32
          %dma_wait3A_2027 = arith.constant 0 : i32
          %dma_wait3A_2028 = arith.constant 2 : i32
          %dma_wait3A_2029 = arith.constant 0 : i32
          %dma_wait3A_2030 = arith.constant 0 : i32
          %dma_wait3A_2031 = tpu.memref_slice %arg8[%dma_wait3A_2026, %dma_wait3A_2029, %dma_wait3A_2030] : memref<4x200x64xf32, #tpu.memory_space<vmem>> -> memref<1x200x64xf32, #tpu.memory_space<vmem>>
          %dma_wait3A_2032 = tpu.memref_squeeze %dma_wait3A_2031 : memref<1x200x64xf32, #tpu.memory_space<vmem>> -> memref<200x64xf32, #tpu.memory_space<vmem>>
          %dma_wait3A_2033 = arith.constant 0 : i32
          %dma_wait3A_2034 = arith.constant 0 : i32
          %dma_wait3A_2035 = tpu.memref_slice %arg5[%dma_wait3A_2027, %dma_wait3A_2033, %dma_wait3A_2034] : memref<4096x200x64xf32, #tpu.memory_space<hbm>> -> memref<1x200x64xf32, #tpu.memory_space<hbm>>
          %dma_wait3A_2036 = tpu.memref_squeeze %dma_wait3A_2035 : memref<1x200x64xf32, #tpu.memory_space<hbm>> -> memref<200x64xf32, #tpu.memory_space<hbm>>
          %dma_wait3A_2037 = tpu.memref_slice %arg11[%dma_wait3A_2028] : memref<4x!tpu.dma_semaphore, #tpu.memory_space<semaphore_mem>> -> memref<1x!tpu.dma_semaphore, #tpu.memory_space<semaphore_mem>>
          %dma_wait3A_2038 = tpu.memref_squeeze %dma_wait3A_2037 : memref<1x!tpu.dma_semaphore, #tpu.memory_space<semaphore_mem>> -> memref<!tpu.dma_semaphore, #tpu.memory_space<semaphore_mem>>
          %dma_wait3A_2039 = arith.constant 0 : i32
          %dma_wait3A_2040 = arith.constant 0 : i32
          %dma_wait3A_2041 = tpu.memref_slice %arg5[%dma_wait3A_2027, %dma_wait3A_2039, %dma_wait3A_2040] : memref<4096x200x64xf32, #tpu.memory_space<hbm>> -> memref<1x200x64xf32, #tpu.memory_space<hbm>>
          %dma_wait3A_2042 = tpu.memref_squeeze %dma_wait3A_2041 : memref<1x200x64xf32, #tpu.memory_space<hbm>> -> memref<200x64xf32, #tpu.memory_space<hbm>>
          %dma_wait3A_2043 = arith.constant 0 : i32
          %dma_wait3A_2044 = arith.constant 0 : i32
          %dma_wait3A_2045 = tpu.memref_slice %arg8[%dma_wait3A_2026, %dma_wait3A_2043, %dma_wait3A_2044] : memref<4x200x64xf32, #tpu.memory_space<vmem>> -> memref<1x200x64xf32, #tpu.memory_space<vmem>>
          %dma_wait3A_2046 = tpu.memref_squeeze %dma_wait3A_2045 : memref<1x200x64xf32, #tpu.memory_space<vmem>> -> memref<200x64xf32, #tpu.memory_space<vmem>>
          tpu.wait_dma2 semaphore(%dma_wait3A_2038 : memref<!tpu.dma_semaphore, #tpu.memory_space<semaphore_mem>>) src(%dma_wait3A_2046 : memref<200x64xf32, #tpu.memory_space<vmem>>) dst(%dma_wait3A_2042 : memref<200x64xf32, #tpu.memory_space<hbm>>)
        } else {
        }
        %broadcast_in_dim3A_1728 = arith.constant 0 : i32
        %broadcast_in_dim3A_1729 = vector.broadcast %broadcast_in_dim3A_1728 : i32 to vector<16xi32>
        %min3A_1730 = arith.constant 0 : i32
        %min3A_1731 = arith.constant 184 : i32
        %min3A_1732 = arith.minsi %min3A_1730, %min3A_1731 : i32
        %get3A_1733 = arith.index_cast %add3A_739 : i32 to index
        %get3A_1734 = arith.index_cast %min3A_1732 : i32 to index
        %get3A_1735 = tpu.vector_load %arg6[%get3A_1733, %get3A_1734] {strides = array<i32>} : memref<128x200xi32, #tpu.memory_space<vmem>>, vector<16xi32>,
        %max3A_1736 = arith.maxsi %broadcast_in_dim3A_1729, %get3A_1735 : vector<16xi32>
        %add3A_1737 = arith.addi %mul3A_2, %add3A_739 : i32
        %mul3A_1738 = arith.constant 200 : i32
        %mul3A_1739 = arith.muli %add3A_1737, %mul3A_1738 : i32
        %add3A_1740 = arith.addi %mul3A_1739, %min3A_1732 : i32
        %add3A_1741 = vector.broadcast %add3A_1740 : i32 to vector<16xi32>
        %add3A_1742 = arith.addi %add3A_1741, %iota3A : vector<16xi32>
        %ge3A_1743 = arith.constant 1000000 : i32
        %ge3A_1744 = vector.broadcast %ge3A_1743 : i32 to vector<16xi32>
        %ge3A_1745 = arith.cmpi sge, %get3A_1735, %ge3A_1744 : vector<16xi32>
        %select_n3A_1746 = arith.select %ge3A_1745, %add3A_1742, %get3A_1735 : vector<16xi1>, vector<16xi32>
        %swap3A_1747 = arith.constant 2 : i32
        %swap3A_1748 = arith.index_cast %swap3A_1747 : i32 to index
        %swap3A_1749 = arith.index_cast %min3A_1732 : i32 to index
        %swap3A_1750 = tpu.vector_load %arg7[%swap3A_1748, %swap3A_1749] {strides = array<i32>} : memref<4x200xi32, #tpu.memory_space<vmem>>, vector<16xi32>,
        tpu.vector_store %arg7[%swap3A_1748, %swap3A_1749], %select_n3A_1746 {strides = array<i32>} : memref<4x200xi32, #tpu.memory_space<vmem>>, vector<16xi32>,
        %min3A_1751 = arith.constant 16 : i32
        %min3A_1752 = arith.constant 184 : i32
        %min3A_1753 = arith.minsi %min3A_1751, %min3A_1752 : i32
        %get3A_1754 = arith.index_cast %add3A_739 : i32 to index
        %get3A_1755 = arith.index_cast %min3A_1753 : i32 to index
        %get3A_1756 = tpu.vector_load %arg6[%get3A_1754, %get3A_1755] {strides = array<i32>} : memref<128x200xi32, #tpu.memory_space<vmem>>, vector<16xi32>,
        %max3A_1757 = arith.maxsi %max3A_1736, %get3A_1756 : vector<16xi32>
        %add3A_1758 = arith.addi %mul3A_2, %add3A_739 : i32
        %mul3A_1759 = arith.constant 200 : i32
        %mul3A_1760 = arith.muli %add3A_1758, %mul3A_1759 : i32
        %add3A_1761 = arith.addi %mul3A_1760, %min3A_1753 : i32
        %add3A_1762 = vector.broadcast %add3A_1761 : i32 to vector<16xi32>
        %add3A_1763 = arith.addi %add3A_1762, %iota3A : vector<16xi32>
        %ge3A_1764 = arith.constant 1000000 : i32
        %ge3A_1765 = vector.broadcast %ge3A_1764 : i32 to vector<16xi32>
        %ge3A_1766 = arith.cmpi sge, %get3A_1756, %ge3A_1765 : vector<16xi32>
        %select_n3A_1767 = arith.select %ge3A_1766, %add3A_1763, %get3A_1756 : vector<16xi1>, vector<16xi32>
        %swap3A_1768 = arith.constant 2 : i32
        %swap3A_1769 = arith.index_cast %swap3A_1768 : i32 to index
        %swap3A_1770 = arith.index_cast %min3A_1753 : i32 to index
        %swap3A_1771 = tpu.vector_load %arg7[%swap3A_1769, %swap3A_1770] {strides = array<i32>} : memref<4x200xi32, #tpu.memory_space<vmem>>, vector<16xi32>,
        tpu.vector_store %arg7[%swap3A_1769, %swap3A_1770], %select_n3A_1767 {strides = array<i32>} : memref<4x200xi32, #tpu.memory_space<vmem>>, vector<16xi32>,
        %min3A_1772 = arith.constant 32 : i32
        %min3A_1773 = arith.constant 184 : i32
        %min3A_1774 = arith.minsi %min3A_1772, %min3A_1773 : i32
        %get3A_1775 = arith.index_cast %add3A_739 : i32 to index
        %get3A_1776 = arith.index_cast %min3A_1774 : i32 to index
        %get3A_1777 = tpu.vector_load %arg6[%get3A_1775, %get3A_1776] {strides = array<i32>} : memref<128x200xi32, #tpu.memory_space<vmem>>, vector<16xi32>,
        %max3A_1778 = arith.maxsi %max3A_1757, %get3A_1777 : vector<16xi32>
        %add3A_1779 = arith.addi %mul3A_2, %add3A_739 : i32
        %mul3A_1780 = arith.constant 200 : i32
        %mul3A_1781 = arith.muli %add3A_1779, %mul3A_1780 : i32
        %add3A_1782 = arith.addi %mul3A_1781, %min3A_1774 : i32
        %add3A_1783 = vector.broadcast %add3A_1782 : i32 to vector<16xi32>
        %add3A_1784 = arith.addi %add3A_1783, %iota3A : vector<16xi32>
        %ge3A_1785 = arith.constant 1000000 : i32
        %ge3A_1786 = vector.broadcast %ge3A_1785 : i32 to vector<16xi32>
        %ge3A_1787 = arith.cmpi sge, %get3A_1777, %ge3A_1786 : vector<16xi32>
        %select_n3A_1788 = arith.select %ge3A_1787, %add3A_1784, %get3A_1777 : vector<16xi1>, vector<16xi32>
        %swap3A_1789 = arith.constant 2 : i32
        %swap3A_1790 = arith.index_cast %swap3A_1789 : i32 to index
        %swap3A_1791 = arith.index_cast %min3A_1774 : i32 to index
        %swap3A_1792 = tpu.vector_load %arg7[%swap3A_1790, %swap3A_1791] {strides = array<i32>} : memref<4x200xi32, #tpu.memory_space<vmem>>, vector<16xi32>,
        tpu.vector_store %arg7[%swap3A_1790, %swap3A_1791], %select_n3A_1788 {strides = array<i32>} : memref<4x200xi32, #tpu.memory_space<vmem>>, vector<16xi32>,
        %min3A_1793 = arith.constant 48 : i32
        %min3A_1794 = arith.constant 184 : i32
        %min3A_1795 = arith.minsi %min3A_1793, %min3A_1794 : i32
        %get3A_1796 = arith.index_cast %add3A_739 : i32 to index
        %get3A_1797 = arith.index_cast %min3A_1795 : i32 to index
        %get3A_1798 = tpu.vector_load %arg6[%get3A_1796, %get3A_1797] {strides = array<i32>} : memref<128x200xi32, #tpu.memory_space<vmem>>, vector<16xi32>,
        %max3A_1799 = arith.maxsi %max3A_1778, %get3A_1798 : vector<16xi32>
        %add3A_1800 = arith.addi %mul3A_2, %add3A_739 : i32
        %mul3A_1801 = arith.constant 200 : i32
        %mul3A_1802 = arith.muli %add3A_1800, %mul3A_1801 : i32
        %add3A_1803 = arith.addi %mul3A_1802, %min3A_1795 : i32
        %add3A_1804 = vector.broadcast %add3A_1803 : i32 to vector<16xi32>
        %add3A_1805 = arith.addi %add3A_1804, %iota3A : vector<16xi32>
        %ge3A_1806 = arith.constant 1000000 : i32
        %ge3A_1807 = vector.broadcast %ge3A_1806 : i32 to vector<16xi32>
        %ge3A_1808 = arith.cmpi sge, %get3A_1798, %ge3A_1807 : vector<16xi32>
        %select_n3A_1809 = arith.select %ge3A_1808, %add3A_1805, %get3A_1798 : vector<16xi1>, vector<16xi32>
        %swap3A_1810 = arith.constant 2 : i32
        %swap3A_1811 = arith.index_cast %swap3A_1810 : i32 to index
        %swap3A_1812 = arith.index_cast %min3A_1795 : i32 to index
        %swap3A_1813 = tpu.vector_load %arg7[%swap3A_1811, %swap3A_1812] {strides = array<i32>} : memref<4x200xi32, #tpu.memory_space<vmem>>, vector<16xi32>,
        tpu.vector_store %arg7[%swap3A_1811, %swap3A_1812], %select_n3A_1809 {strides = array<i32>} : memref<4x200xi32, #tpu.memory_space<vmem>>, vector<16xi32>,
        %min3A_1814 = arith.constant 64 : i32
        %min3A_1815 = arith.constant 184 : i32
        %min3A_1816 = arith.minsi %min3A_1814, %min3A_1815 : i32
        %get3A_1817 = arith.index_cast %add3A_739 : i32 to index
        %get3A_1818 = arith.index_cast %min3A_1816 : i32 to index
        %get3A_1819 = tpu.vector_load %arg6[%get3A_1817, %get3A_1818] {strides = array<i32>} : memref<128x200xi32, #tpu.memory_space<vmem>>, vector<16xi32>,
        %max3A_1820 = arith.maxsi %max3A_1799, %get3A_1819 : vector<16xi32>
        %add3A_1821 = arith.addi %mul3A_2, %add3A_739 : i32
        %mul3A_1822 = arith.constant 200 : i32
        %mul3A_1823 = arith.muli %add3A_1821, %mul3A_1822 : i32
        %add3A_1824 = arith.addi %mul3A_1823, %min3A_1816 : i32
        %add3A_1825 = vector.broadcast %add3A_1824 : i32 to vector<16xi32>
        %add3A_1826 = arith.addi %add3A_1825, %iota3A : vector<16xi32>
        %ge3A_1827 = arith.constant 1000000 : i32
        %ge3A_1828 = vector.broadcast %ge3A_1827 : i32 to vector<16xi32>
        %ge3A_1829 = arith.cmpi sge, %get3A_1819, %ge3A_1828 : vector<16xi32>
        %select_n3A_1830 = arith.select %ge3A_1829, %add3A_1826, %get3A_1819 : vector<16xi1>, vector<16xi32>
        %swap3A_1831 = arith.constant 2 : i32
        %swap3A_1832 = arith.index_cast %swap3A_1831 : i32 to index
        %swap3A_1833 = arith.index_cast %min3A_1816 : i32 to index
        %swap3A_1834 = tpu.vector_load %arg7[%swap3A_1832, %swap3A_1833] {strides = array<i32>} : memref<4x200xi32, #tpu.memory_space<vmem>>, vector<16xi32>,
        tpu.vector_store %arg7[%swap3A_1832, %swap3A_1833], %select_n3A_1830 {strides = array<i32>} : memref<4x200xi32, #tpu.memory_space<vmem>>, vector<16xi32>,
        %min3A_1835 = arith.constant 80 : i32
        %min3A_1836 = arith.constant 184 : i32
        %min3A_1837 = arith.minsi %min3A_1835, %min3A_1836 : i32
        %get3A_1838 = arith.index_cast %add3A_739 : i32 to index
        %get3A_1839 = arith.index_cast %min3A_1837 : i32 to index
        %get3A_1840 = tpu.vector_load %arg6[%get3A_1838, %get3A_1839] {strides = array<i32>} : memref<128x200xi32, #tpu.memory_space<vmem>>, vector<16xi32>,
        %max3A_1841 = arith.maxsi %max3A_1820, %get3A_1840 : vector<16xi32>
        %add3A_1842 = arith.addi %mul3A_2, %add3A_739 : i32
        %mul3A_1843 = arith.constant 200 : i32
        %mul3A_1844 = arith.muli %add3A_1842, %mul3A_1843 : i32
        %add3A_1845 = arith.addi %mul3A_1844, %min3A_1837 : i32
        %add3A_1846 = vector.broadcast %add3A_1845 : i32 to vector<16xi32>
        %add3A_1847 = arith.addi %add3A_1846, %iota3A : vector<16xi32>
        %ge3A_1848 = arith.constant 1000000 : i32
        %ge3A_1849 = vector.broadcast %ge3A_1848 : i32 to vector<16xi32>
        %ge3A_1850 = arith.cmpi sge, %get3A_1840, %ge3A_1849 : vector<16xi32>
        %select_n3A_1851 = arith.select %ge3A_1850, %add3A_1847, %get3A_1840 : vector<16xi1>, vector<16xi32>
        %swap3A_1852 = arith.constant 2 : i32
        %swap3A_1853 = arith.index_cast %swap3A_1852 : i32 to index
        %swap3A_1854 = arith.index_cast %min3A_1837 : i32 to index
        %swap3A_1855 = tpu.vector_load %arg7[%swap3A_1853, %swap3A_1854] {strides = array<i32>} : memref<4x200xi32, #tpu.memory_space<vmem>>, vector<16xi32>,
        tpu.vector_store %arg7[%swap3A_1853, %swap3A_1854], %select_n3A_1851 {strides = array<i32>} : memref<4x200xi32, #tpu.memory_space<vmem>>, vector<16xi32>,
        %min3A_1856 = arith.constant 96 : i32
        %min3A_1857 = arith.constant 184 : i32
        %min3A_1858 = arith.minsi %min3A_1856, %min3A_1857 : i32
        %get3A_1859 = arith.index_cast %add3A_739 : i32 to index
        %get3A_1860 = arith.index_cast %min3A_1858 : i32 to index
        %get3A_1861 = tpu.vector_load %arg6[%get3A_1859, %get3A_1860] {strides = array<i32>} : memref<128x200xi32, #tpu.memory_space<vmem>>, vector<16xi32>,
        %max3A_1862 = arith.maxsi %max3A_1841, %get3A_1861 : vector<16xi32>
        %add3A_1863 = arith.addi %mul3A_2, %add3A_739 : i32
        %mul3A_1864 = arith.constant 200 : i32
        %mul3A_1865 = arith.muli %add3A_1863, %mul3A_1864 : i32
        %add3A_1866 = arith.addi %mul3A_1865, %min3A_1858 : i32
        %add3A_1867 = vector.broadcast %add3A_1866 : i32 to vector<16xi32>
        %add3A_1868 = arith.addi %add3A_1867, %iota3A : vector<16xi32>
        %ge3A_1869 = arith.constant 1000000 : i32
        %ge3A_1870 = vector.broadcast %ge3A_1869 : i32 to vector<16xi32>
        %ge3A_1871 = arith.cmpi sge, %get3A_1861, %ge3A_1870 : vector<16xi32>
        %select_n3A_1872 = arith.select %ge3A_1871, %add3A_1868, %get3A_1861 : vector<16xi1>, vector<16xi32>
        %swap3A_1873 = arith.constant 2 : i32
        %swap3A_1874 = arith.index_cast %swap3A_1873 : i32 to index
        %swap3A_1875 = arith.index_cast %min3A_1858 : i32 to index
        %swap3A_1876 = tpu.vector_load %arg7[%swap3A_1874, %swap3A_1875] {strides = array<i32>} : memref<4x200xi32, #tpu.memory_space<vmem>>, vector<16xi32>,
        tpu.vector_store %arg7[%swap3A_1874, %swap3A_1875], %select_n3A_1872 {strides = array<i32>} : memref<4x200xi32, #tpu.memory_space<vmem>>, vector<16xi32>,
        %min3A_1877 = arith.constant 112 : i32
        %min3A_1878 = arith.constant 184 : i32
        %min3A_1879 = arith.minsi %min3A_1877, %min3A_1878 : i32
        %get3A_1880 = arith.index_cast %add3A_739 : i32 to index
        %get3A_1881 = arith.index_cast %min3A_1879 : i32 to index
        %get3A_1882 = tpu.vector_load %arg6[%get3A_1880, %get3A_1881] {strides = array<i32>} : memref<128x200xi32, #tpu.memory_space<vmem>>, vector<16xi32>,
        %max3A_1883 = arith.maxsi %max3A_1862, %get3A_1882 : vector<16xi32>
        %add3A_1884 = arith.addi %mul3A_2, %add3A_739 : i32
        %mul3A_1885 = arith.constant 200 : i32
        %mul3A_1886 = arith.muli %add3A_1884, %mul3A_1885 : i32
        %add3A_1887 = arith.addi %mul3A_1886, %min3A_1879 : i32
        %add3A_1888 = vector.broadcast %add3A_1887 : i32 to vector<16xi32>
        %add3A_1889 = arith.addi %add3A_1888, %iota3A : vector<16xi32>
        %ge3A_1890 = arith.constant 1000000 : i32
        %ge3A_1891 = vector.broadcast %ge3A_1890 : i32 to vector<16xi32>
        %ge3A_1892 = arith.cmpi sge, %get3A_1882, %ge3A_1891 : vector<16xi32>
        %select_n3A_1893 = arith.select %ge3A_1892, %add3A_1889, %get3A_1882 : vector<16xi1>, vector<16xi32>
        %swap3A_1894 = arith.constant 2 : i32
        %swap3A_1895 = arith.index_cast %swap3A_1894 : i32 to index
        %swap3A_1896 = arith.index_cast %min3A_1879 : i32 to index
        %swap3A_1897 = tpu.vector_load %arg7[%swap3A_1895, %swap3A_1896] {strides = array<i32>} : memref<4x200xi32, #tpu.memory_space<vmem>>, vector<16xi32>,
        tpu.vector_store %arg7[%swap3A_1895, %swap3A_1896], %select_n3A_1893 {strides = array<i32>} : memref<4x200xi32, #tpu.memory_space<vmem>>, vector<16xi32>,
        %min3A_1898 = arith.constant 128 : i32
        %min3A_1899 = arith.constant 184 : i32
        %min3A_1900 = arith.minsi %min3A_1898, %min3A_1899 : i32
        %get3A_1901 = arith.index_cast %add3A_739 : i32 to index
        %get3A_1902 = arith.index_cast %min3A_1900 : i32 to index
        %get3A_1903 = tpu.vector_load %arg6[%get3A_1901, %get3A_1902] {strides = array<i32>} : memref<128x200xi32, #tpu.memory_space<vmem>>, vector<16xi32>,
        %max3A_1904 = arith.maxsi %max3A_1883, %get3A_1903 : vector<16xi32>
        %add3A_1905 = arith.addi %mul3A_2, %add3A_739 : i32
        %mul3A_1906 = arith.constant 200 : i32
        %mul3A_1907 = arith.muli %add3A_1905, %mul3A_1906 : i32
        %add3A_1908 = arith.addi %mul3A_1907, %min3A_1900 : i32
        %add3A_1909 = vector.broadcast %add3A_1908 : i32 to vector<16xi32>
        %add3A_1910 = arith.addi %add3A_1909, %iota3A : vector<16xi32>
        %ge3A_1911 = arith.constant 1000000 : i32
        %ge3A_1912 = vector.broadcast %ge3A_1911 : i32 to vector<16xi32>
        %ge3A_1913 = arith.cmpi sge, %get3A_1903, %ge3A_1912 : vector<16xi32>
        %select_n3A_1914 = arith.select %ge3A_1913, %add3A_1910, %get3A_1903 : vector<16xi1>, vector<16xi32>
        %swap3A_1915 = arith.constant 2 : i32
        %swap3A_1916 = arith.index_cast %swap3A_1915 : i32 to index
        %swap3A_1917 = arith.index_cast %min3A_1900 : i32 to index
        %swap3A_1918 = tpu.vector_load %arg7[%swap3A_1916, %swap3A_1917] {strides = array<i32>} : memref<4x200xi32, #tpu.memory_space<vmem>>, vector<16xi32>,
        tpu.vector_store %arg7[%swap3A_1916, %swap3A_1917], %select_n3A_1914 {strides = array<i32>} : memref<4x200xi32, #tpu.memory_space<vmem>>, vector<16xi32>,
        %min3A_1919 = arith.constant 144 : i32
        %min3A_1920 = arith.constant 184 : i32
        %min3A_1921 = arith.minsi %min3A_1919, %min3A_1920 : i32
        %get3A_1922 = arith.index_cast %add3A_739 : i32 to index
        %get3A_1923 = arith.index_cast %min3A_1921 : i32 to index
        %get3A_1924 = tpu.vector_load %arg6[%get3A_1922, %get3A_1923] {strides = array<i32>} : memref<128x200xi32, #tpu.memory_space<vmem>>, vector<16xi32>,
        %max3A_1925 = arith.maxsi %max3A_1904, %get3A_1924 : vector<16xi32>
        %add3A_1926 = arith.addi %mul3A_2, %add3A_739 : i32
        %mul3A_1927 = arith.constant 200 : i32
        %mul3A_1928 = arith.muli %add3A_1926, %mul3A_1927 : i32
        %add3A_1929 = arith.addi %mul3A_1928, %min3A_1921 : i32
        %add3A_1930 = vector.broadcast %add3A_1929 : i32 to vector<16xi32>
        %add3A_1931 = arith.addi %add3A_1930, %iota3A : vector<16xi32>
        %ge3A_1932 = arith.constant 1000000 : i32
        %ge3A_1933 = vector.broadcast %ge3A_1932 : i32 to vector<16xi32>
        %ge3A_1934 = arith.cmpi sge, %get3A_1924, %ge3A_1933 : vector<16xi32>
        %select_n3A_1935 = arith.select %ge3A_1934, %add3A_1931, %get3A_1924 : vector<16xi1>, vector<16xi32>
        %swap3A_1936 = arith.constant 2 : i32
        %swap3A_1937 = arith.index_cast %swap3A_1936 : i32 to index
        %swap3A_1938 = arith.index_cast %min3A_1921 : i32 to index
        %swap3A_1939 = tpu.vector_load %arg7[%swap3A_1937, %swap3A_1938] {strides = array<i32>} : memref<4x200xi32, #tpu.memory_space<vmem>>, vector<16xi32>,
        tpu.vector_store %arg7[%swap3A_1937, %swap3A_1938], %select_n3A_1935 {strides = array<i32>} : memref<4x200xi32, #tpu.memory_space<vmem>>, vector<16xi32>,
        %min3A_1940 = arith.constant 160 : i32
        %min3A_1941 = arith.constant 184 : i32
        %min3A_1942 = arith.minsi %min3A_1940, %min3A_1941 : i32
        %get3A_1943 = arith.index_cast %add3A_739 : i32 to index
        %get3A_1944 = arith.index_cast %min3A_1942 : i32 to index
        %get3A_1945 = tpu.vector_load %arg6[%get3A_1943, %get3A_1944] {strides = array<i32>} : memref<128x200xi32, #tpu.memory_space<vmem>>, vector<16xi32>,
        %max3A_1946 = arith.maxsi %max3A_1925, %get3A_1945 : vector<16xi32>
        %add3A_1947 = arith.addi %mul3A_2, %add3A_739 : i32
        %mul3A_1948 = arith.constant 200 : i32
        %mul3A_1949 = arith.muli %add3A_1947, %mul3A_1948 : i32
        %add3A_1950 = arith.addi %mul3A_1949, %min3A_1942 : i32
        %add3A_1951 = vector.broadcast %add3A_1950 : i32 to vector<16xi32>
        %add3A_1952 = arith.addi %add3A_1951, %iota3A : vector<16xi32>
        %ge3A_1953 = arith.constant 1000000 : i32
        %ge3A_1954 = vector.broadcast %ge3A_1953 : i32 to vector<16xi32>
        %ge3A_1955 = arith.cmpi sge, %get3A_1945, %ge3A_1954 : vector<16xi32>
        %select_n3A_1956 = arith.select %ge3A_1955, %add3A_1952, %get3A_1945 : vector<16xi1>, vector<16xi32>
        %swap3A_1957 = arith.constant 2 : i32
        %swap3A_1958 = arith.index_cast %swap3A_1957 : i32 to index
        %swap3A_1959 = arith.index_cast %min3A_1942 : i32 to index
        %swap3A_1960 = tpu.vector_load %arg7[%swap3A_1958, %swap3A_1959] {strides = array<i32>} : memref<4x200xi32, #tpu.memory_space<vmem>>, vector<16xi32>,
        tpu.vector_store %arg7[%swap3A_1958, %swap3A_1959], %select_n3A_1956 {strides = array<i32>} : memref<4x200xi32, #tpu.memory_space<vmem>>, vector<16xi32>,
        %min3A_1961 = arith.constant 176 : i32
        %min3A_1962 = arith.constant 184 : i32
        %min3A_1963 = arith.minsi %min3A_1961, %min3A_1962 : i32
        %get3A_1964 = arith.index_cast %add3A_739 : i32 to index
        %get3A_1965 = arith.index_cast %min3A_1963 : i32 to index
        %get3A_1966 = tpu.vector_load %arg6[%get3A_1964, %get3A_1965] {strides = array<i32>} : memref<128x200xi32, #tpu.memory_space<vmem>>, vector<16xi32>,
        %max3A_1967 = arith.maxsi %max3A_1946, %get3A_1966 : vector<16xi32>
        %add3A_1968 = arith.addi %mul3A_2, %add3A_739 : i32
        %mul3A_1969 = arith.constant 200 : i32
        %mul3A_1970 = arith.muli %add3A_1968, %mul3A_1969 : i32
        %add3A_1971 = arith.addi %mul3A_1970, %min3A_1963 : i32
        %add3A_1972 = vector.broadcast %add3A_1971 : i32 to vector<16xi32>
        %add3A_1973 = arith.addi %add3A_1972, %iota3A : vector<16xi32>
        %ge3A_1974 = arith.constant 1000000 : i32
        %ge3A_1975 = vector.broadcast %ge3A_1974 : i32 to vector<16xi32>
        %ge3A_1976 = arith.cmpi sge, %get3A_1966, %ge3A_1975 : vector<16xi32>
        %select_n3A_1977 = arith.select %ge3A_1976, %add3A_1973, %get3A_1966 : vector<16xi1>, vector<16xi32>
        %swap3A_1978 = arith.constant 2 : i32
        %swap3A_1979 = arith.index_cast %swap3A_1978 : i32 to index
        %swap3A_1980 = arith.index_cast %min3A_1963 : i32 to index
        %swap3A_1981 = tpu.vector_load %arg7[%swap3A_1979, %swap3A_1980] {strides = array<i32>} : memref<4x200xi32, #tpu.memory_space<vmem>>, vector<16xi32>,
        tpu.vector_store %arg7[%swap3A_1979, %swap3A_1980], %select_n3A_1977 {strides = array<i32>} : memref<4x200xi32, #tpu.memory_space<vmem>>, vector<16xi32>,
        %min3A_1982 = arith.constant 192 : i32
        %min3A_1983 = arith.constant 184 : i32
        %min3A_1984 = arith.minsi %min3A_1982, %min3A_1983 : i32
        %get3A_1985 = arith.index_cast %add3A_739 : i32 to index
        %get3A_1986 = arith.index_cast %min3A_1984 : i32 to index
        %get3A_1987 = tpu.vector_load %arg6[%get3A_1985, %get3A_1986] {strides = array<i32>} : memref<128x200xi32, #tpu.memory_space<vmem>>, vector<16xi32>,
        %max3A_1988 = arith.maxsi %max3A_1967, %get3A_1987 : vector<16xi32>
        %add3A_1989 = arith.addi %mul3A_2, %add3A_739 : i32
        %mul3A_1990 = arith.constant 200 : i32
        %mul3A_1991 = arith.muli %add3A_1989, %mul3A_1990 : i32
        %add3A_1992 = arith.addi %mul3A_1991, %min3A_1984 : i32
        %add3A_1993 = vector.broadcast %add3A_1992 : i32 to vector<16xi32>
        %add3A_1994 = arith.addi %add3A_1993, %iota3A : vector<16xi32>
        %ge3A_1995 = arith.constant 1000000 : i32
        %ge3A_1996 = vector.broadcast %ge3A_1995 : i32 to vector<16xi32>
        %ge3A_1997 = arith.cmpi sge, %get3A_1987, %ge3A_1996 : vector<16xi32>
        %select_n3A_1998 = arith.select %ge3A_1997, %add3A_1994, %get3A_1987 : vector<16xi1>, vector<16xi32>
        %swap3A_1999 = arith.constant 2 : i32
        %swap3A_2000 = arith.index_cast %swap3A_1999 : i32 to index
        %swap3A_2001 = arith.index_cast %min3A_1984 : i32 to index
        %swap3A_2002 = tpu.vector_load %arg7[%swap3A_2000, %swap3A_2001] {strides = array<i32>} : memref<4x200xi32, #tpu.memory_space<vmem>>, vector<16xi32>,
        tpu.vector_store %arg7[%swap3A_2000, %swap3A_2001], %select_n3A_1998 {strides = array<i32>} : memref<4x200xi32, #tpu.memory_space<vmem>>, vector<16xi32>,
        %reduce_max3A_2003 = arith.constant true
        %reduce_max3A_2004 = vector.broadcast %reduce_max3A_2003 : i1 to vector<16xi1>
        %reduce_max3A_2005 = arith.constant -2147483648 : i32
        %reduce_max3A_2006 = vector.broadcast %reduce_max3A_2005 : i32 to vector<16xi32>
        %reduce_max3A_2007 = arith.xori %max3A_1988, %reduce_max3A_2006 : vector<16xi32>
        %reduce_max3A_2008 = tpu.scan <max>, %reduce_max3A_2007 masked %reduce_max3A_2004 : vector<16xi32>, vector<16xi1> -> vector<16xi32>
        %reduce_max3A_2009 = arith.xori %reduce_max3A_2008, %reduce_max3A_2006 : vector<16xi32>
        %reduce_max3A_2010 = vector.extract %reduce_max3A_2009[15] : i32 from vector<16xi32>
        %dma_start3A_2011 = arith.constant 2 : i32
        %dma_start3A_2012 = arith.constant 2 : i32
        %dma_start3A_2013 = arith.constant 2 : i32
        %dma_start3A_2014 = arith.constant 0 : i32
        %dma_start3A_2015 = arith.constant 0 : i32
        %dma_start3A_2016 = tpu.memref_slice %arg8[%dma_start3A_2012, %dma_start3A_2014, %dma_start3A_2015] : memref<4x200x64xf32, #tpu.memory_space<vmem>> -> memref<1x200x64xf32, #tpu.memory_space<vmem>>
        %dma_start3A_2017 = tpu.memref_squeeze %dma_start3A_2016 : memref<1x200x64xf32, #tpu.memory_space<vmem>> -> memref<200x64xf32, #tpu.memory_space<vmem>>
        %dma_start3A_2018 = arith.constant 0 : i32
        %dma_start3A_2019 = tpu.memref_slice %arg7[%dma_start3A_2011, %dma_start3A_2018] : memref<4x200xi32, #tpu.memory_space<vmem>> -> memref<1x200xi32, #tpu.memory_space<vmem>>
        %dma_start3A_2020 = tpu.memref_squeeze %dma_start3A_2019 : memref<1x200xi32, #tpu.memory_space<vmem>> -> memref<200xi32, #tpu.memory_space<vmem>>
        %dma_start3A_2021 = arith.constant 0 : i32
        %dma_start3A_2022 = arith.constant 0 : i32
        %dma_start3A_2023 = tpu.memref_slice %arg3[%dma_start3A_2021, %dma_start3A_2022] : memref<1000000x64xf32, #tpu.memory_space<hbm>> -> memref<1000000x64xf32, #tpu.memory_space<hbm>>
        %dma_start3A_2024 = tpu.memref_slice %arg10[%dma_start3A_2013] : memref<4x!tpu.dma_semaphore, #tpu.memory_space<semaphore_mem>> -> memref<1x!tpu.dma_semaphore, #tpu.memory_space<semaphore_mem>>
        %dma_start3A_2025 = tpu.memref_squeeze %dma_start3A_2024 : memref<1x!tpu.dma_semaphore, #tpu.memory_space<semaphore_mem>> -> memref<!tpu.dma_semaphore, #tpu.memory_space<semaphore_mem>>
        tpu.enqueue_indirect_dma source(%dma_start3A_2023 : memref<1000000x64xf32, #tpu.memory_space<hbm>>) target(%dma_start3A_2017 : memref<200x64xf32, #tpu.memory_space<vmem>>) offsets(%dma_start3A_2020 : memref<200xi32, #tpu.memory_space<vmem>>) semaphore(%dma_start3A_2025 : memref<!tpu.dma_semaphore, #tpu.memory_space<semaphore_mem>>)
      } else {
      }
      %dma_wait3A_742 = arith.constant 0 : i32
      %dma_wait3A_743 = arith.constant 0 : i32
      %dma_wait3A_744 = arith.constant 0 : i32
      %dma_wait3A_745 = arith.constant 0 : i32
      %dma_wait3A_746 = arith.constant 0 : i32
      %dma_wait3A_747 = tpu.memref_slice %arg8[%dma_wait3A_743, %dma_wait3A_745, %dma_wait3A_746] : memref<4x200x64xf32, #tpu.memory_space<vmem>> -> memref<1x200x64xf32, #tpu.memory_space<vmem>>
      %dma_wait3A_748 = tpu.memref_squeeze %dma_wait3A_747 : memref<1x200x64xf32, #tpu.memory_space<vmem>> -> memref<200x64xf32, #tpu.memory_space<vmem>>
      %dma_wait3A_749 = arith.constant 0 : i32
      %dma_wait3A_750 = tpu.memref_slice %arg7[%dma_wait3A_742, %dma_wait3A_749] : memref<4x200xi32, #tpu.memory_space<vmem>> -> memref<1x200xi32, #tpu.memory_space<vmem>>
      %dma_wait3A_751 = tpu.memref_squeeze %dma_wait3A_750 : memref<1x200xi32, #tpu.memory_space<vmem>> -> memref<200xi32, #tpu.memory_space<vmem>>
      %dma_wait3A_752 = arith.constant 0 : i32
      %dma_wait3A_753 = arith.constant 0 : i32
      %dma_wait3A_754 = tpu.memref_slice %arg3[%dma_wait3A_752, %dma_wait3A_753] : memref<1000000x64xf32, #tpu.memory_space<hbm>> -> memref<1000000x64xf32, #tpu.memory_space<hbm>>
      %dma_wait3A_755 = tpu.memref_slice %arg10[%dma_wait3A_744] : memref<4x!tpu.dma_semaphore, #tpu.memory_space<semaphore_mem>> -> memref<1x!tpu.dma_semaphore, #tpu.memory_space<semaphore_mem>>
      %dma_wait3A_756 = tpu.memref_squeeze %dma_wait3A_755 : memref<1x!tpu.dma_semaphore, #tpu.memory_space<semaphore_mem>> -> memref<!tpu.dma_semaphore, #tpu.memory_space<semaphore_mem>>
      tpu.wait_indirect_dma semaphore(%dma_wait3A_756 : memref<!tpu.dma_semaphore, #tpu.memory_space<semaphore_mem>>) src(%dma_wait3A_754 : memref<1000000x64xf32, #tpu.memory_space<hbm>>) dst(%dma_wait3A_748 : memref<200x64xf32, #tpu.memory_space<vmem>>)
      %min3A_757 = arith.constant 0 : i32
      %min3A_758 = arith.constant 184 : i32
      %min3A_759 = arith.minsi %min3A_757, %min3A_758 : i32
      %get3A_760 = arith.index_cast %add3A_737 : i32 to index
      %get3A_761 = arith.index_cast %min3A_759 : i32 to index
      %get3A_762 = tpu.vector_load %arg6[%get3A_760, %get3A_761] {strides = array<i32>} : memref<128x200xi32, #tpu.memory_space<vmem>>, vector<16xi32>,
      %reduce_max3A_763 = arith.constant true
      %reduce_max3A_764 = vector.broadcast %reduce_max3A_763 : i1 to vector<16xi1>
      %reduce_max3A_765 = arith.constant -2147483648 : i32
      %reduce_max3A_766 = vector.broadcast %reduce_max3A_765 : i32 to vector<16xi32>
      %reduce_max3A_767 = arith.xori %get3A_762, %reduce_max3A_766 : vector<16xi32>
      %reduce_max3A_768 = tpu.scan <max>, %reduce_max3A_767 masked %reduce_max3A_764 : vector<16xi32>, vector<16xi1> -> vector<16xi32>
      %reduce_max3A_769 = arith.xori %reduce_max3A_768, %reduce_max3A_766 : vector<16xi32>
      %reduce_max3A_770 = vector.extract %reduce_max3A_769[15] : i32 from vector<16xi32>
      %max3A_771 = arith.constant 0 : i32
      %max3A_772 = arith.maxsi %max3A_771, %reduce_max3A_770 : i32
      %min3A_773 = arith.constant 16 : i32
      %min3A_774 = arith.constant 184 : i32
      %min3A_775 = arith.minsi %min3A_773, %min3A_774 : i32
      %get3A_776 = arith.index_cast %add3A_737 : i32 to index
      %get3A_777 = arith.index_cast %min3A_775 : i32 to index
      %get3A_778 = tpu.vector_load %arg6[%get3A_776, %get3A_777] {strides = array<i32>} : memref<128x200xi32, #tpu.memory_space<vmem>>, vector<16xi32>,
      %reduce_max3A_779 = arith.constant true
      %reduce_max3A_780 = vector.broadcast %reduce_max3A_779 : i1 to vector<16xi1>
      %reduce_max3A_781 = arith.constant -2147483648 : i32
      %reduce_max3A_782 = vector.broadcast %reduce_max3A_781 : i32 to vector<16xi32>
      %reduce_max3A_783 = arith.xori %get3A_778, %reduce_max3A_782 : vector<16xi32>
      %reduce_max3A_784 = tpu.scan <max>, %reduce_max3A_783 masked %reduce_max3A_780 : vector<16xi32>, vector<16xi1> -> vector<16xi32>
      %reduce_max3A_785 = arith.xori %reduce_max3A_784, %reduce_max3A_782 : vector<16xi32>
      %reduce_max3A_786 = vector.extract %reduce_max3A_785[15] : i32 from vector<16xi32>
      %max3A_787 = arith.maxsi %max3A_772, %reduce_max3A_786 : i32
      %min3A_788 = arith.constant 32 : i32
      %min3A_789 = arith.constant 184 : i32
      %min3A_790 = arith.minsi %min3A_788, %min3A_789 : i32
      %get3A_791 = arith.index_cast %add3A_737 : i32 to index
      %get3A_792 = arith.index_cast %min3A_790 : i32 to index
      %get3A_793 = tpu.vector_load %arg6[%get3A_791, %get3A_792] {strides = array<i32>} : memref<128x200xi32, #tpu.memory_space<vmem>>, vector<16xi32>,
      %reduce_max3A_794 = arith.constant true
      %reduce_max3A_795 = vector.broadcast %reduce_max3A_794 : i1 to vector<16xi1>
      %reduce_max3A_796 = arith.constant -2147483648 : i32
      %reduce_max3A_797 = vector.broadcast %reduce_max3A_796 : i32 to vector<16xi32>
      %reduce_max3A_798 = arith.xori %get3A_793, %reduce_max3A_797 : vector<16xi32>
      %reduce_max3A_799 = tpu.scan <max>, %reduce_max3A_798 masked %reduce_max3A_795 : vector<16xi32>, vector<16xi1> -> vector<16xi32>
      %reduce_max3A_800 = arith.xori %reduce_max3A_799, %reduce_max3A_797 : vector<16xi32>
      %reduce_max3A_801 = vector.extract %reduce_max3A_800[15] : i32 from vector<16xi32>
      %max3A_802 = arith.maxsi %max3A_787, %reduce_max3A_801 : i32
      %min3A_803 = arith.constant 48 : i32
      %min3A_804 = arith.constant 184 : i32
      %min3A_805 = arith.minsi %min3A_803, %min3A_804 : i32
      %get3A_806 = arith.index_cast %add3A_737 : i32 to index
      %get3A_807 = arith.index_cast %min3A_805 : i32 to index
      %get3A_808 = tpu.vector_load %arg6[%get3A_806, %get3A_807] {strides = array<i32>} : memref<128x200xi32, #tpu.memory_space<vmem>>, vector<16xi32>,
      %reduce_max3A_809 = arith.constant true
      %reduce_max3A_810 = vector.broadcast %reduce_max3A_809 : i1 to vector<16xi1>
      %reduce_max3A_811 = arith.constant -2147483648 : i32
      %reduce_max3A_812 = vector.broadcast %reduce_max3A_811 : i32 to vector<16xi32>
      %reduce_max3A_813 = arith.xori %get3A_808, %reduce_max3A_812 : vector<16xi32>
      %reduce_max3A_814 = tpu.scan <max>, %reduce_max3A_813 masked %reduce_max3A_810 : vector<16xi32>, vector<16xi1> -> vector<16xi32>
      %reduce_max3A_815 = arith.xori %reduce_max3A_814, %reduce_max3A_812 : vector<16xi32>
      %reduce_max3A_816 = vector.extract %reduce_max3A_815[15] : i32 from vector<16xi32>
      %max3A_817 = arith.maxsi %max3A_802, %reduce_max3A_816 : i32
      %min3A_818 = arith.constant 64 : i32
      %min3A_819 = arith.constant 184 : i32
      %min3A_820 = arith.minsi %min3A_818, %min3A_819 : i32
      %get3A_821 = arith.index_cast %add3A_737 : i32 to index
      %get3A_822 = arith.index_cast %min3A_820 : i32 to index
      %get3A_823 = tpu.vector_load %arg6[%get3A_821, %get3A_822] {strides = array<i32>} : memref<128x200xi32, #tpu.memory_space<vmem>>, vector<16xi32>,
      %reduce_max3A_824 = arith.constant true
      %reduce_max3A_825 = vector.broadcast %reduce_max3A_824 : i1 to vector<16xi1>
      %reduce_max3A_826 = arith.constant -2147483648 : i32
      %reduce_max3A_827 = vector.broadcast %reduce_max3A_826 : i32 to vector<16xi32>
      %reduce_max3A_828 = arith.xori %get3A_823, %reduce_max3A_827 : vector<16xi32>
      %reduce_max3A_829 = tpu.scan <max>, %reduce_max3A_828 masked %reduce_max3A_825 : vector<16xi32>, vector<16xi1> -> vector<16xi32>
      %reduce_max3A_830 = arith.xori %reduce_max3A_829, %reduce_max3A_827 : vector<16xi32>
      %reduce_max3A_831 = vector.extract %reduce_max3A_830[15] : i32 from vector<16xi32>
      %max3A_832 = arith.maxsi %max3A_817, %reduce_max3A_831 : i32
      %min3A_833 = arith.constant 80 : i32
      %min3A_834 = arith.constant 184 : i32
      %min3A_835 = arith.minsi %min3A_833, %min3A_834 : i32
      %get3A_836 = arith.index_cast %add3A_737 : i32 to index
      %get3A_837 = arith.index_cast %min3A_835 : i32 to index
      %get3A_838 = tpu.vector_load %arg6[%get3A_836, %get3A_837] {strides = array<i32>} : memref<128x200xi32, #tpu.memory_space<vmem>>, vector<16xi32>,
      %reduce_max3A_839 = arith.constant true
      %reduce_max3A_840 = vector.broadcast %reduce_max3A_839 : i1 to vector<16xi1>
      %reduce_max3A_841 = arith.constant -2147483648 : i32
      %reduce_max3A_842 = vector.broadcast %reduce_max3A_841 : i32 to vector<16xi32>
      %reduce_max3A_843 = arith.xori %get3A_838, %reduce_max3A_842 : vector<16xi32>
      %reduce_max3A_844 = tpu.scan <max>, %reduce_max3A_843 masked %reduce_max3A_840 : vector<16xi32>, vector<16xi1> -> vector<16xi32>
      %reduce_max3A_845 = arith.xori %reduce_max3A_844, %reduce_max3A_842 : vector<16xi32>
      %reduce_max3A_846 = vector.extract %reduce_max3A_845[15] : i32 from vector<16xi32>
      %max3A_847 = arith.maxsi %max3A_832, %reduce_max3A_846 : i32
      %min3A_848 = arith.constant 96 : i32
      %min3A_849 = arith.constant 184 : i32
      %min3A_850 = arith.minsi %min3A_848, %min3A_849 : i32
      %get3A_851 = arith.index_cast %add3A_737 : i32 to index
      %get3A_852 = arith.index_cast %min3A_850 : i32 to index
      %get3A_853 = tpu.vector_load %arg6[%get3A_851, %get3A_852] {strides = array<i32>} : memref<128x200xi32, #tpu.memory_space<vmem>>, vector<16xi32>,
      %reduce_max3A_854 = arith.constant true
      %reduce_max3A_855 = vector.broadcast %reduce_max3A_854 : i1 to vector<16xi1>
      %reduce_max3A_856 = arith.constant -2147483648 : i32
      %reduce_max3A_857 = vector.broadcast %reduce_max3A_856 : i32 to vector<16xi32>
      %reduce_max3A_858 = arith.xori %get3A_853, %reduce_max3A_857 : vector<16xi32>
      %reduce_max3A_859 = tpu.scan <max>, %reduce_max3A_858 masked %reduce_max3A_855 : vector<16xi32>, vector<16xi1> -> vector<16xi32>
      %reduce_max3A_860 = arith.xori %reduce_max3A_859, %reduce_max3A_857 : vector<16xi32>
      %reduce_max3A_861 = vector.extract %reduce_max3A_860[15] : i32 from vector<16xi32>
      %max3A_862 = arith.maxsi %max3A_847, %reduce_max3A_861 : i32
      %min3A_863 = arith.constant 112 : i32
      %min3A_864 = arith.constant 184 : i32
      %min3A_865 = arith.minsi %min3A_863, %min3A_864 : i32
      %get3A_866 = arith.index_cast %add3A_737 : i32 to index
      %get3A_867 = arith.index_cast %min3A_865 : i32 to index
      %get3A_868 = tpu.vector_load %arg6[%get3A_866, %get3A_867] {strides = array<i32>} : memref<128x200xi32, #tpu.memory_space<vmem>>, vector<16xi32>,
      %reduce_max3A_869 = arith.constant true
      %reduce_max3A_870 = vector.broadcast %reduce_max3A_869 : i1 to vector<16xi1>
      %reduce_max3A_871 = arith.constant -2147483648 : i32
      %reduce_max3A_872 = vector.broadcast %reduce_max3A_871 : i32 to vector<16xi32>
      %reduce_max3A_873 = arith.xori %get3A_868, %reduce_max3A_872 : vector<16xi32>
      %reduce_max3A_874 = tpu.scan <max>, %reduce_max3A_873 masked %reduce_max3A_870 : vector<16xi32>, vector<16xi1> -> vector<16xi32>
      %reduce_max3A_875 = arith.xori %reduce_max3A_874, %reduce_max3A_872 : vector<16xi32>
      %reduce_max3A_876 = vector.extract %reduce_max3A_875[15] : i32 from vector<16xi32>
      %max3A_877 = arith.maxsi %max3A_862, %reduce_max3A_876 : i32
      %min3A_878 = arith.constant 128 : i32
      %min3A_879 = arith.constant 184 : i32
      %min3A_880 = arith.minsi %min3A_878, %min3A_879 : i32
      %get3A_881 = arith.index_cast %add3A_737 : i32 to index
      %get3A_882 = arith.index_cast %min3A_880 : i32 to index
      %get3A_883 = tpu.vector_load %arg6[%get3A_881, %get3A_882] {strides = array<i32>} : memref<128x200xi32, #tpu.memory_space<vmem>>, vector<16xi32>,
      %reduce_max3A_884 = arith.constant true
      %reduce_max3A_885 = vector.broadcast %reduce_max3A_884 : i1 to vector<16xi1>
      %reduce_max3A_886 = arith.constant -2147483648 : i32
      %reduce_max3A_887 = vector.broadcast %reduce_max3A_886 : i32 to vector<16xi32>
      %reduce_max3A_888 = arith.xori %get3A_883, %reduce_max3A_887 : vector<16xi32>
      %reduce_max3A_889 = tpu.scan <max>, %reduce_max3A_888 masked %reduce_max3A_885 : vector<16xi32>, vector<16xi1> -> vector<16xi32>
      %reduce_max3A_890 = arith.xori %reduce_max3A_889, %reduce_max3A_887 : vector<16xi32>
      %reduce_max3A_891 = vector.extract %reduce_max3A_890[15] : i32 from vector<16xi32>
      %max3A_892 = arith.maxsi %max3A_877, %reduce_max3A_891 : i32
      %min3A_893 = arith.constant 144 : i32
      %min3A_894 = arith.constant 184 : i32
      %min3A_895 = arith.minsi %min3A_893, %min3A_894 : i32
      %get3A_896 = arith.index_cast %add3A_737 : i32 to index
      %get3A_897 = arith.index_cast %min3A_895 : i32 to index
      %get3A_898 = tpu.vector_load %arg6[%get3A_896, %get3A_897] {strides = array<i32>} : memref<128x200xi32, #tpu.memory_space<vmem>>, vector<16xi32>,
      %reduce_max3A_899 = arith.constant true
      %reduce_max3A_900 = vector.broadcast %reduce_max3A_899 : i1 to vector<16xi1>
      %reduce_max3A_901 = arith.constant -2147483648 : i32
      %reduce_max3A_902 = vector.broadcast %reduce_max3A_901 : i32 to vector<16xi32>
      %reduce_max3A_903 = arith.xori %get3A_898, %reduce_max3A_902 : vector<16xi32>
      %reduce_max3A_904 = tpu.scan <max>, %reduce_max3A_903 masked %reduce_max3A_900 : vector<16xi32>, vector<16xi1> -> vector<16xi32>
      %reduce_max3A_905 = arith.xori %reduce_max3A_904, %reduce_max3A_902 : vector<16xi32>
      %reduce_max3A_906 = vector.extract %reduce_max3A_905[15] : i32 from vector<16xi32>
      %max3A_907 = arith.maxsi %max3A_892, %reduce_max3A_906 : i32
      %min3A_908 = arith.constant 160 : i32
      %min3A_909 = arith.constant 184 : i32
      %min3A_910 = arith.minsi %min3A_908, %min3A_909 : i32
      %get3A_911 = arith.index_cast %add3A_737 : i32 to index
      %get3A_912 = arith.index_cast %min3A_910 : i32 to index
      %get3A_913 = tpu.vector_load %arg6[%get3A_911, %get3A_912] {strides = array<i32>} : memref<128x200xi32, #tpu.memory_space<vmem>>, vector<16xi32>,
      %reduce_max3A_914 = arith.constant true
      %reduce_max3A_915 = vector.broadcast %reduce_max3A_914 : i1 to vector<16xi1>
      %reduce_max3A_916 = arith.constant -2147483648 : i32
      %reduce_max3A_917 = vector.broadcast %reduce_max3A_916 : i32 to vector<16xi32>
      %reduce_max3A_918 = arith.xori %get3A_913, %reduce_max3A_917 : vector<16xi32>
      %reduce_max3A_919 = tpu.scan <max>, %reduce_max3A_918 masked %reduce_max3A_915 : vector<16xi32>, vector<16xi1> -> vector<16xi32>
      %reduce_max3A_920 = arith.xori %reduce_max3A_919, %reduce_max3A_917 : vector<16xi32>
      %reduce_max3A_921 = vector.extract %reduce_max3A_920[15] : i32 from vector<16xi32>
      %max3A_922 = arith.maxsi %max3A_907, %reduce_max3A_921 : i32
      %min3A_923 = arith.constant 176 : i32
      %min3A_924 = arith.constant 184 : i32
      %min3A_925 = arith.minsi %min3A_923, %min3A_924 : i32
      %get3A_926 = arith.index_cast %add3A_737 : i32 to index
      %get3A_927 = arith.index_cast %min3A_925 : i32 to index
      %get3A_928 = tpu.vector_load %arg6[%get3A_926, %get3A_927] {strides = array<i32>} : memref<128x200xi32, #tpu.memory_space<vmem>>, vector<16xi32>,
      %reduce_max3A_929 = arith.constant true
      %reduce_max3A_930 = vector.broadcast %reduce_max3A_929 : i1 to vector<16xi1>
      %reduce_max3A_931 = arith.constant -2147483648 : i32
      %reduce_max3A_932 = vector.broadcast %reduce_max3A_931 : i32 to vector<16xi32>
      %reduce_max3A_933 = arith.xori %get3A_928, %reduce_max3A_932 : vector<16xi32>
      %reduce_max3A_934 = tpu.scan <max>, %reduce_max3A_933 masked %reduce_max3A_930 : vector<16xi32>, vector<16xi1> -> vector<16xi32>
      %reduce_max3A_935 = arith.xori %reduce_max3A_934, %reduce_max3A_932 : vector<16xi32>
      %reduce_max3A_936 = vector.extract %reduce_max3A_935[15] : i32 from vector<16xi32>
      %max3A_937 = arith.maxsi %max3A_922, %reduce_max3A_936 : i32
      %min3A_938 = arith.constant 192 : i32
      %min3A_939 = arith.constant 184 : i32
      %min3A_940 = arith.minsi %min3A_938, %min3A_939 : i32
      %get3A_941 = arith.index_cast %add3A_737 : i32 to index
      %get3A_942 = arith.index_cast %min3A_940 : i32 to index
      %get3A_943 = tpu.vector_load %arg6[%get3A_941, %get3A_942] {strides = array<i32>} : memref<128x200xi32, #tpu.memory_space<vmem>>, vector<16xi32>,
      %reduce_max3A_944 = arith.constant true
      %reduce_max3A_945 = vector.broadcast %reduce_max3A_944 : i1 to vector<16xi1>
      %reduce_max3A_946 = arith.constant -2147483648 : i32
      %reduce_max3A_947 = vector.broadcast %reduce_max3A_946 : i32 to vector<16xi32>
      %reduce_max3A_948 = arith.xori %get3A_943, %reduce_max3A_947 : vector<16xi32>
      %reduce_max3A_949 = tpu.scan <max>, %reduce_max3A_948 masked %reduce_max3A_945 : vector<16xi32>, vector<16xi1> -> vector<16xi32>
      %reduce_max3A_950 = arith.xori %reduce_max3A_949, %reduce_max3A_947 : vector<16xi32>
      %reduce_max3A_951 = vector.extract %reduce_max3A_950[15] : i32 from vector<16xi32>
      %max3A_952 = arith.maxsi %max3A_937, %reduce_max3A_951 : i32
      %ge3A_953 = arith.constant 1000000 : i32
      %ge3A_954 = arith.cmpi sge, %max3A_952, %ge3A_953 : i32
      %convert_element_type3A_955 = arith.extui %ge3A_954 : i1 to i32
      %cond3A_956 = arith.constant 0 : i32
      %cond3A_957 = arith.cmpi ne, %convert_element_type3A_955, %cond3A_956 : i32
      scf.if %cond3A_957 {
        %scan3A_1723 = arith.constant 0 : i32
        %scan3A_1724 = arith.constant 13 : i32
        %scan3A_1725 = arith.addi %scan3A_1723, %scan3A_1724 : i32
        %scan3A_1726 = arith.constant 1 : i32
        scf.for %scan3A_1728 = %scan3A_1723 to %scan3A_1725 step %scan3A_1726  : i32 {
          %mul3A_1729 = arith.constant 1 : i32
          %mul3A_1730 = arith.muli %scan3A_1728, %mul3A_1729 : i32
          %add3A_1731 = arith.constant 0 : i32
          %add3A_1732 = arith.addi %add3A_1731, %mul3A_1730 : i32
          %mul3A_1733 = arith.constant 16 : i32
          %mul3A_1734 = arith.muli %add3A_1732, %mul3A_1733 : i32
          %min3A_1735 = arith.constant 184 : i32
          %min3A_1736 = arith.minsi %mul3A_1734, %min3A_1735 : i32
          %get3A_1737 = arith.index_cast %add3A_737 : i32 to index
          %get3A_1738 = arith.index_cast %min3A_1736 : i32 to index
          %get3A_1739 = tpu.vector_load %arg6[%get3A_1737, %get3A_1738] {strides = array<i32>} : memref<128x200xi32, #tpu.memory_space<vmem>>, vector<16xi32>,
          %ge3A_1740 = arith.constant 1000000 : i32
          %ge3A_1741 = vector.broadcast %ge3A_1740 : i32 to vector<16xi32>
          %ge3A_1742 = arith.cmpi sge, %get3A_1739, %ge3A_1741 : vector<16xi32>
          %reduce_max3A_1743 = arith.constant true
          %reduce_max3A_1744 = vector.broadcast %reduce_max3A_1743 : i1 to vector<16xi1>
          %reduce_max3A_1745 = arith.constant -2147483648 : i32
          %reduce_max3A_1746 = vector.broadcast %reduce_max3A_1745 : i32 to vector<16xi32>
          %reduce_max3A_1747 = arith.xori %get3A_1739, %reduce_max3A_1746 : vector<16xi32>
          %reduce_max3A_1748 = tpu.scan <max>, %reduce_max3A_1747 masked %reduce_max3A_1744 : vector<16xi32>, vector<16xi1> -> vector<16xi32>
          %reduce_max3A_1749 = arith.xori %reduce_max3A_1748, %reduce_max3A_1746 : vector<16xi32>
          %reduce_max3A_1750 = vector.extract %reduce_max3A_1749[15] : i32 from vector<16xi32>
          %ge3A_1751 = arith.constant 1000000 : i32
          %ge3A_1752 = arith.cmpi sge, %reduce_max3A_1750, %ge3A_1751 : i32
          %convert_element_type3A_1753 = arith.extui %ge3A_1752 : i1 to i32
          %cond3A_1754 = arith.constant 0 : i32
          %cond3A_1755 = arith.cmpi ne, %convert_element_type3A_1753, %cond3A_1754 : i32
          scf.if %cond3A_1755 {
            %sub3A = arith.constant 1000000 : i32
            %sub3A_1756 = vector.broadcast %sub3A : i32 to vector<16xi32>
            %sub3A_1757 = arith.subi %get3A_1739, %sub3A_1756 : vector<16xi32>
            %jit3A = arith.constant 0 : i32
            %broadcast_in_dim3A_1758 = vector.broadcast %jit3A : i32 to vector<16xi32>
            %select_n3A_1759 = arith.select %ge3A_1742, %sub3A_1757, %broadcast_in_dim3A_1758 : vector<16xi1>, vector<16xi32>
            %dma_start3A_1760 = arith.constant 0 : i32
            %dma_start3A_1761 = arith.constant 0 : i32
            %dma_start3A_1762 = tpu.memref_slice %arg4[%dma_start3A_1760, %dma_start3A_1761] : memref<1000x64xf32, #tpu.memory_space<hbm>> -> memref<1000x64xf32, #tpu.memory_space<hbm>>
            tpu.enqueue_indirect_dma source(%dma_start3A_1762 : memref<1000x64xf32, #tpu.memory_space<hbm>>) target(%arg9 : memref<16x64xf32, #tpu.memory_space<vmem>>) offsets(%select_n3A_1759 : vector<16xi32>) semaphore(%arg12 : memref<!tpu.dma_semaphore, #tpu.memory_space<semaphore_mem>>)
            %dma_wait3A_1763 = arith.constant 0 : i32
            %dma_wait3A_1764 = arith.constant 0 : i32
            %dma_wait3A_1765 = tpu.memref_slice %arg4[%dma_wait3A_1763, %dma_wait3A_1764] : memref<1000x64xf32, #tpu.memory_space<hbm>> -> memref<1000x64xf32, #tpu.memory_space<hbm>>
            tpu.wait_indirect_dma semaphore(%arg12 : memref<!tpu.dma_semaphore, #tpu.memory_space<semaphore_mem>>) src(%dma_wait3A_1765 : memref<1000x64xf32, #tpu.memory_space<hbm>>) dst(%arg9 : memref<16x64xf32, #tpu.memory_space<vmem>>)
            %add3A_1766 = vector.broadcast %min3A_1736 : i32 to vector<16xi32>
            %add3A_1767 = arith.addi %add3A_1766, %iota3A : vector<16xi32>
            %scan3A_1768 = arith.constant 0 : i32
            %scan3A_1769 = arith.constant 64 : i32
            %scan3A_1770 = arith.addi %scan3A_1768, %scan3A_1769 : i32
            %scan3A_1771 = arith.constant 1 : i32
            scf.for %scan3A_1773 = %scan3A_1768 to %scan3A_1770 step %scan3A_1771  : i32 {
              %mul3A_1774 = arith.constant 1 : i32
              %mul3A_1775 = arith.muli %scan3A_1773, %mul3A_1774 : i32
              %add3A_1776 = arith.constant 0 : i32
              %add3A_1777 = arith.addi %add3A_1776, %mul3A_1775 : i32
              %broadcast_in_dim3A_1778 = vector.broadcast %add3A_1777 : i32 to vector<16xi32>
              %gather3A = tpu.vector_load_idx %arg9[%iota3A, %broadcast_in_dim3A_1778] masked %ge3A_1742 : memref<16x64xf32, #tpu.memory_space<vmem>>[vector<16xi32>, vector<16xi32>], vector<16xf32>, vector<16xi1>
              %scatter3A = arith.constant 0 : i32
              %scatter3A_1779 = arith.constant 0 : i32
              %scatter3A_1780 = arith.constant 0 : i32
              %scatter3A_1781 = tpu.memref_slice %arg8[%scatter3A, %scatter3A_1779, %scatter3A_1780] : memref<4x200x64xf32, #tpu.memory_space<vmem>> -> memref<1x200x64xf32, #tpu.memory_space<vmem>>
              %scatter3A_1782 = tpu.memref_squeeze %scatter3A_1781 : memref<1x200x64xf32, #tpu.memory_space<vmem>> -> memref<200x64xf32, #tpu.memory_space<vmem>>
              tpu.vector_store_idx %scatter3A_1782[%add3A_1767, %broadcast_in_dim3A_1778], %gather3A masked %ge3A_1742 : memref<200x64xf32, #tpu.memory_space<vmem>>[vector<16xi32>, vector<16xi32>], vector<16xf32>, vector<16xi1>
            }
            %scan3A_1772 = arith.constant 64 : i32
          } else {
          }
        }
        %scan3A_1727 = arith.constant 13 : i32
      } else {
      }
      %add3A_958 = arith.addi %mul3A_2, %add3A_737 : i32
      %dma_start3A_959 = arith.constant 0 : i32
      %dma_start3A_960 = arith.constant 0 : i32
      %dma_start3A_961 = arith.constant 0 : i32
      %dma_start3A_962 = arith.constant 0 : i32
      %dma_start3A_963 = tpu.memref_slice %arg8[%dma_start3A_959, %dma_start3A_961, %dma_start3A_962] : memref<4x200x64xf32, #tpu.memory_space<vmem>> -> memref<1x200x64xf32, #tpu.memory_space<vmem>>
      %dma_start3A_964 = tpu.memref_squeeze %dma_start3A_963 : memref<1x200x64xf32, #tpu.memory_space<vmem>> -> memref<200x64xf32, #tpu.memory_space<vmem>>
      %dma_start3A_965 = arith.constant 0 : i32
      %dma_start3A_966 = arith.constant 0 : i32
      %dma_start3A_967 = tpu.memref_slice %arg5[%add3A_958, %dma_start3A_965, %dma_start3A_966] : memref<4096x200x64xf32, #tpu.memory_space<hbm>> -> memref<1x200x64xf32, #tpu.memory_space<hbm>>
      %dma_start3A_968 = tpu.memref_squeeze %dma_start3A_967 : memref<1x200x64xf32, #tpu.memory_space<hbm>> -> memref<200x64xf32, #tpu.memory_space<hbm>>
      %dma_start3A_969 = tpu.memref_slice %arg11[%dma_start3A_960] : memref<4x!tpu.dma_semaphore, #tpu.memory_space<semaphore_mem>> -> memref<1x!tpu.dma_semaphore, #tpu.memory_space<semaphore_mem>>
      %dma_start3A_970 = tpu.memref_squeeze %dma_start3A_969 : memref<1x!tpu.dma_semaphore, #tpu.memory_space<semaphore_mem>> -> memref<!tpu.dma_semaphore, #tpu.memory_space<semaphore_mem>>
      %dma_start3A_971 = arith.constant 0 : i32
      %dma_start3A_972 = arith.constant 0 : i32
      %dma_start3A_973 = tpu.memref_slice %arg5[%add3A_958, %dma_start3A_971, %dma_start3A_972] : memref<4096x200x64xf32, #tpu.memory_space<hbm>> -> memref<1x200x64xf32, #tpu.memory_space<hbm>>
      %dma_start3A_974 = tpu.memref_squeeze %dma_start3A_973 : memref<1x200x64xf32, #tpu.memory_space<hbm>> -> memref<200x64xf32, #tpu.memory_space<hbm>>
      %dma_start3A_975 = arith.constant 0 : i32
      %dma_start3A_976 = arith.constant 0 : i32
      %dma_start3A_977 = tpu.memref_slice %arg8[%dma_start3A_959, %dma_start3A_975, %dma_start3A_976] : memref<4x200x64xf32, #tpu.memory_space<vmem>> -> memref<1x200x64xf32, #tpu.memory_space<vmem>>
      %dma_start3A_978 = tpu.memref_squeeze %dma_start3A_977 : memref<1x200x64xf32, #tpu.memory_space<vmem>> -> memref<200x64xf32, #tpu.memory_space<vmem>>
      tpu.enqueue_dma source(%dma_start3A_978 : memref<200x64xf32, #tpu.memory_space<vmem>>) target(%dma_start3A_974 : memref<200x64xf32, #tpu.memory_space<hbm>>) target_semaphore(%dma_start3A_970 : memref<!tpu.dma_semaphore, #tpu.memory_space<semaphore_mem>>)
      %mul3A_979 = arith.constant 4 : i32
      %mul3A_980 = arith.muli %add3A_733, %mul3A_979 : i32
      %add3A_981 = arith.constant 1 : i32
      %add3A_982 = arith.addi %mul3A_980, %add3A_981 : i32
      %add3A_983 = arith.constant 2 : i32
      %add3A_984 = arith.addi %add3A_982, %add3A_983 : i32
      %lt3A_985 = arith.constant 128 : i32
      %lt3A_986 = arith.cmpi slt, %add3A_984, %lt3A_985 : i32
      %convert_element_type3A_987 = arith.extui %lt3A_986 : i1 to i32
      %cond3A_988 = arith.constant 0 : i32
      %cond3A_989 = arith.cmpi ne, %convert_element_type3A_987, %cond3A_988 : i32
      scf.if %cond3A_989 {
        %ge3A_1723 = arith.constant 4 : i32
        %ge3A_1724 = arith.cmpi sge, %add3A_984, %ge3A_1723 : i32
        %convert_element_type3A_1725 = arith.extui %ge3A_1724 : i1 to i32
        %cond3A_1726 = arith.constant 0 : i32
        %cond3A_1727 = arith.cmpi ne, %convert_element_type3A_1725, %cond3A_1726 : i32
        scf.if %cond3A_1727 {
          %dma_wait3A_2026 = arith.constant 3 : i32
          %dma_wait3A_2027 = arith.constant 0 : i32
          %dma_wait3A_2028 = arith.constant 3 : i32
          %dma_wait3A_2029 = arith.constant 0 : i32
          %dma_wait3A_2030 = arith.constant 0 : i32
          %dma_wait3A_2031 = tpu.memref_slice %arg8[%dma_wait3A_2026, %dma_wait3A_2029, %dma_wait3A_2030] : memref<4x200x64xf32, #tpu.memory_space<vmem>> -> memref<1x200x64xf32, #tpu.memory_space<vmem>>
          %dma_wait3A_2032 = tpu.memref_squeeze %dma_wait3A_2031 : memref<1x200x64xf32, #tpu.memory_space<vmem>> -> memref<200x64xf32, #tpu.memory_space<vmem>>
          %dma_wait3A_2033 = arith.constant 0 : i32
          %dma_wait3A_2034 = arith.constant 0 : i32
          %dma_wait3A_2035 = tpu.memref_slice %arg5[%dma_wait3A_2027, %dma_wait3A_2033, %dma_wait3A_2034] : memref<4096x200x64xf32, #tpu.memory_space<hbm>> -> memref<1x200x64xf32, #tpu.memory_space<hbm>>
          %dma_wait3A_2036 = tpu.memref_squeeze %dma_wait3A_2035 : memref<1x200x64xf32, #tpu.memory_space<hbm>> -> memref<200x64xf32, #tpu.memory_space<hbm>>
          %dma_wait3A_2037 = tpu.memref_slice %arg11[%dma_wait3A_2028] : memref<4x!tpu.dma_semaphore, #tpu.memory_space<semaphore_mem>> -> memref<1x!tpu.dma_semaphore, #tpu.memory_space<semaphore_mem>>
          %dma_wait3A_2038 = tpu.memref_squeeze %dma_wait3A_2037 : memref<1x!tpu.dma_semaphore, #tpu.memory_space<semaphore_mem>> -> memref<!tpu.dma_semaphore, #tpu.memory_space<semaphore_mem>>
          %dma_wait3A_2039 = arith.constant 0 : i32
          %dma_wait3A_2040 = arith.constant 0 : i32
          %dma_wait3A_2041 = tpu.memref_slice %arg5[%dma_wait3A_2027, %dma_wait3A_2039, %dma_wait3A_2040] : memref<4096x200x64xf32, #tpu.memory_space<hbm>> -> memref<1x200x64xf32, #tpu.memory_space<hbm>>
          %dma_wait3A_2042 = tpu.memref_squeeze %dma_wait3A_2041 : memref<1x200x64xf32, #tpu.memory_space<hbm>> -> memref<200x64xf32, #tpu.memory_space<hbm>>
          %dma_wait3A_2043 = arith.constant 0 : i32
          %dma_wait3A_2044 = arith.constant 0 : i32
          %dma_wait3A_2045 = tpu.memref_slice %arg8[%dma_wait3A_2026, %dma_wait3A_2043, %dma_wait3A_2044] : memref<4x200x64xf32, #tpu.memory_space<vmem>> -> memref<1x200x64xf32, #tpu.memory_space<vmem>>
          %dma_wait3A_2046 = tpu.memref_squeeze %dma_wait3A_2045 : memref<1x200x64xf32, #tpu.memory_space<vmem>> -> memref<200x64xf32, #tpu.memory_space<vmem>>
          tpu.wait_dma2 semaphore(%dma_wait3A_2038 : memref<!tpu.dma_semaphore, #tpu.memory_space<semaphore_mem>>) src(%dma_wait3A_2046 : memref<200x64xf32, #tpu.memory_space<vmem>>) dst(%dma_wait3A_2042 : memref<200x64xf32, #tpu.memory_space<hbm>>)
        } else {
        }
        %broadcast_in_dim3A_1728 = arith.constant 0 : i32
        %broadcast_in_dim3A_1729 = vector.broadcast %broadcast_in_dim3A_1728 : i32 to vector<16xi32>
        %min3A_1730 = arith.constant 0 : i32
        %min3A_1731 = arith.constant 184 : i32
        %min3A_1732 = arith.minsi %min3A_1730, %min3A_1731 : i32
        %get3A_1733 = arith.index_cast %add3A_984 : i32 to index
        %get3A_1734 = arith.index_cast %min3A_1732 : i32 to index
        %get3A_1735 = tpu.vector_load %arg6[%get3A_1733, %get3A_1734] {strides = array<i32>} : memref<128x200xi32, #tpu.memory_space<vmem>>, vector<16xi32>,
        %max3A_1736 = arith.maxsi %broadcast_in_dim3A_1729, %get3A_1735 : vector<16xi32>
        %add3A_1737 = arith.addi %mul3A_2, %add3A_984 : i32
        %mul3A_1738 = arith.constant 200 : i32
        %mul3A_1739 = arith.muli %add3A_1737, %mul3A_1738 : i32
        %add3A_1740 = arith.addi %mul3A_1739, %min3A_1732 : i32
        %add3A_1741 = vector.broadcast %add3A_1740 : i32 to vector<16xi32>
        %add3A_1742 = arith.addi %add3A_1741, %iota3A : vector<16xi32>
        %ge3A_1743 = arith.constant 1000000 : i32
        %ge3A_1744 = vector.broadcast %ge3A_1743 : i32 to vector<16xi32>
        %ge3A_1745 = arith.cmpi sge, %get3A_1735, %ge3A_1744 : vector<16xi32>
        %select_n3A_1746 = arith.select %ge3A_1745, %add3A_1742, %get3A_1735 : vector<16xi1>, vector<16xi32>
        %swap3A_1747 = arith.constant 3 : i32
        %swap3A_1748 = arith.index_cast %swap3A_1747 : i32 to index
        %swap3A_1749 = arith.index_cast %min3A_1732 : i32 to index
        %swap3A_1750 = tpu.vector_load %arg7[%swap3A_1748, %swap3A_1749] {strides = array<i32>} : memref<4x200xi32, #tpu.memory_space<vmem>>, vector<16xi32>,
        tpu.vector_store %arg7[%swap3A_1748, %swap3A_1749], %select_n3A_1746 {strides = array<i32>} : memref<4x200xi32, #tpu.memory_space<vmem>>, vector<16xi32>,
        %min3A_1751 = arith.constant 16 : i32
        %min3A_1752 = arith.constant 184 : i32
        %min3A_1753 = arith.minsi %min3A_1751, %min3A_1752 : i32
        %get3A_1754 = arith.index_cast %add3A_984 : i32 to index
        %get3A_1755 = arith.index_cast %min3A_1753 : i32 to index
        %get3A_1756 = tpu.vector_load %arg6[%get3A_1754, %get3A_1755] {strides = array<i32>} : memref<128x200xi32, #tpu.memory_space<vmem>>, vector<16xi32>,
        %max3A_1757 = arith.maxsi %max3A_1736, %get3A_1756 : vector<16xi32>
        %add3A_1758 = arith.addi %mul3A_2, %add3A_984 : i32
        %mul3A_1759 = arith.constant 200 : i32
        %mul3A_1760 = arith.muli %add3A_1758, %mul3A_1759 : i32
        %add3A_1761 = arith.addi %mul3A_1760, %min3A_1753 : i32
        %add3A_1762 = vector.broadcast %add3A_1761 : i32 to vector<16xi32>
        %add3A_1763 = arith.addi %add3A_1762, %iota3A : vector<16xi32>
        %ge3A_1764 = arith.constant 1000000 : i32
        %ge3A_1765 = vector.broadcast %ge3A_1764 : i32 to vector<16xi32>
        %ge3A_1766 = arith.cmpi sge, %get3A_1756, %ge3A_1765 : vector<16xi32>
        %select_n3A_1767 = arith.select %ge3A_1766, %add3A_1763, %get3A_1756 : vector<16xi1>, vector<16xi32>
        %swap3A_1768 = arith.constant 3 : i32
        %swap3A_1769 = arith.index_cast %swap3A_1768 : i32 to index
        %swap3A_1770 = arith.index_cast %min3A_1753 : i32 to index
        %swap3A_1771 = tpu.vector_load %arg7[%swap3A_1769, %swap3A_1770] {strides = array<i32>} : memref<4x200xi32, #tpu.memory_space<vmem>>, vector<16xi32>,
        tpu.vector_store %arg7[%swap3A_1769, %swap3A_1770], %select_n3A_1767 {strides = array<i32>} : memref<4x200xi32, #tpu.memory_space<vmem>>, vector<16xi32>,
        %min3A_1772 = arith.constant 32 : i32
        %min3A_1773 = arith.constant 184 : i32
        %min3A_1774 = arith.minsi %min3A_1772, %min3A_1773 : i32
        %get3A_1775 = arith.index_cast %add3A_984 : i32 to index
        %get3A_1776 = arith.index_cast %min3A_1774 : i32 to index
        %get3A_1777 = tpu.vector_load %arg6[%get3A_1775, %get3A_1776] {strides = array<i32>} : memref<128x200xi32, #tpu.memory_space<vmem>>, vector<16xi32>,
        %max3A_1778 = arith.maxsi %max3A_1757, %get3A_1777 : vector<16xi32>
        %add3A_1779 = arith.addi %mul3A_2, %add3A_984 : i32
        %mul3A_1780 = arith.constant 200 : i32
        %mul3A_1781 = arith.muli %add3A_1779, %mul3A_1780 : i32
        %add3A_1782 = arith.addi %mul3A_1781, %min3A_1774 : i32
        %add3A_1783 = vector.broadcast %add3A_1782 : i32 to vector<16xi32>
        %add3A_1784 = arith.addi %add3A_1783, %iota3A : vector<16xi32>
        %ge3A_1785 = arith.constant 1000000 : i32
        %ge3A_1786 = vector.broadcast %ge3A_1785 : i32 to vector<16xi32>
        %ge3A_1787 = arith.cmpi sge, %get3A_1777, %ge3A_1786 : vector<16xi32>
        %select_n3A_1788 = arith.select %ge3A_1787, %add3A_1784, %get3A_1777 : vector<16xi1>, vector<16xi32>
        %swap3A_1789 = arith.constant 3 : i32
        %swap3A_1790 = arith.index_cast %swap3A_1789 : i32 to index
        %swap3A_1791 = arith.index_cast %min3A_1774 : i32 to index
        %swap3A_1792 = tpu.vector_load %arg7[%swap3A_1790, %swap3A_1791] {strides = array<i32>} : memref<4x200xi32, #tpu.memory_space<vmem>>, vector<16xi32>,
        tpu.vector_store %arg7[%swap3A_1790, %swap3A_1791], %select_n3A_1788 {strides = array<i32>} : memref<4x200xi32, #tpu.memory_space<vmem>>, vector<16xi32>,
        %min3A_1793 = arith.constant 48 : i32
        %min3A_1794 = arith.constant 184 : i32
        %min3A_1795 = arith.minsi %min3A_1793, %min3A_1794 : i32
        %get3A_1796 = arith.index_cast %add3A_984 : i32 to index
        %get3A_1797 = arith.index_cast %min3A_1795 : i32 to index
        %get3A_1798 = tpu.vector_load %arg6[%get3A_1796, %get3A_1797] {strides = array<i32>} : memref<128x200xi32, #tpu.memory_space<vmem>>, vector<16xi32>,
        %max3A_1799 = arith.maxsi %max3A_1778, %get3A_1798 : vector<16xi32>
        %add3A_1800 = arith.addi %mul3A_2, %add3A_984 : i32
        %mul3A_1801 = arith.constant 200 : i32
        %mul3A_1802 = arith.muli %add3A_1800, %mul3A_1801 : i32
        %add3A_1803 = arith.addi %mul3A_1802, %min3A_1795 : i32
        %add3A_1804 = vector.broadcast %add3A_1803 : i32 to vector<16xi32>
        %add3A_1805 = arith.addi %add3A_1804, %iota3A : vector<16xi32>
        %ge3A_1806 = arith.constant 1000000 : i32
        %ge3A_1807 = vector.broadcast %ge3A_1806 : i32 to vector<16xi32>
        %ge3A_1808 = arith.cmpi sge, %get3A_1798, %ge3A_1807 : vector<16xi32>
        %select_n3A_1809 = arith.select %ge3A_1808, %add3A_1805, %get3A_1798 : vector<16xi1>, vector<16xi32>
        %swap3A_1810 = arith.constant 3 : i32
        %swap3A_1811 = arith.index_cast %swap3A_1810 : i32 to index
        %swap3A_1812 = arith.index_cast %min3A_1795 : i32 to index
        %swap3A_1813 = tpu.vector_load %arg7[%swap3A_1811, %swap3A_1812] {strides = array<i32>} : memref<4x200xi32, #tpu.memory_space<vmem>>, vector<16xi32>,
        tpu.vector_store %arg7[%swap3A_1811, %swap3A_1812], %select_n3A_1809 {strides = array<i32>} : memref<4x200xi32, #tpu.memory_space<vmem>>, vector<16xi32>,
        %min3A_1814 = arith.constant 64 : i32
        %min3A_1815 = arith.constant 184 : i32
        %min3A_1816 = arith.minsi %min3A_1814, %min3A_1815 : i32
        %get3A_1817 = arith.index_cast %add3A_984 : i32 to index
        %get3A_1818 = arith.index_cast %min3A_1816 : i32 to index
        %get3A_1819 = tpu.vector_load %arg6[%get3A_1817, %get3A_1818] {strides = array<i32>} : memref<128x200xi32, #tpu.memory_space<vmem>>, vector<16xi32>,
        %max3A_1820 = arith.maxsi %max3A_1799, %get3A_1819 : vector<16xi32>
        %add3A_1821 = arith.addi %mul3A_2, %add3A_984 : i32
        %mul3A_1822 = arith.constant 200 : i32
        %mul3A_1823 = arith.muli %add3A_1821, %mul3A_1822 : i32
        %add3A_1824 = arith.addi %mul3A_1823, %min3A_1816 : i32
        %add3A_1825 = vector.broadcast %add3A_1824 : i32 to vector<16xi32>
        %add3A_1826 = arith.addi %add3A_1825, %iota3A : vector<16xi32>
        %ge3A_1827 = arith.constant 1000000 : i32
        %ge3A_1828 = vector.broadcast %ge3A_1827 : i32 to vector<16xi32>
        %ge3A_1829 = arith.cmpi sge, %get3A_1819, %ge3A_1828 : vector<16xi32>
        %select_n3A_1830 = arith.select %ge3A_1829, %add3A_1826, %get3A_1819 : vector<16xi1>, vector<16xi32>
        %swap3A_1831 = arith.constant 3 : i32
        %swap3A_1832 = arith.index_cast %swap3A_1831 : i32 to index
        %swap3A_1833 = arith.index_cast %min3A_1816 : i32 to index
        %swap3A_1834 = tpu.vector_load %arg7[%swap3A_1832, %swap3A_1833] {strides = array<i32>} : memref<4x200xi32, #tpu.memory_space<vmem>>, vector<16xi32>,
        tpu.vector_store %arg7[%swap3A_1832, %swap3A_1833], %select_n3A_1830 {strides = array<i32>} : memref<4x200xi32, #tpu.memory_space<vmem>>, vector<16xi32>,
        %min3A_1835 = arith.constant 80 : i32
        %min3A_1836 = arith.constant 184 : i32
        %min3A_1837 = arith.minsi %min3A_1835, %min3A_1836 : i32
        %get3A_1838 = arith.index_cast %add3A_984 : i32 to index
        %get3A_1839 = arith.index_cast %min3A_1837 : i32 to index
        %get3A_1840 = tpu.vector_load %arg6[%get3A_1838, %get3A_1839] {strides = array<i32>} : memref<128x200xi32, #tpu.memory_space<vmem>>, vector<16xi32>,
        %max3A_1841 = arith.maxsi %max3A_1820, %get3A_1840 : vector<16xi32>
        %add3A_1842 = arith.addi %mul3A_2, %add3A_984 : i32
        %mul3A_1843 = arith.constant 200 : i32
        %mul3A_1844 = arith.muli %add3A_1842, %mul3A_1843 : i32
        %add3A_1845 = arith.addi %mul3A_1844, %min3A_1837 : i32
        %add3A_1846 = vector.broadcast %add3A_1845 : i32 to vector<16xi32>
        %add3A_1847 = arith.addi %add3A_1846, %iota3A : vector<16xi32>
        %ge3A_1848 = arith.constant 1000000 : i32
        %ge3A_1849 = vector.broadcast %ge3A_1848 : i32 to vector<16xi32>
        %ge3A_1850 = arith.cmpi sge, %get3A_1840, %ge3A_1849 : vector<16xi32>
        %select_n3A_1851 = arith.select %ge3A_1850, %add3A_1847, %get3A_1840 : vector<16xi1>, vector<16xi32>
        %swap3A_1852 = arith.constant 3 : i32
        %swap3A_1853 = arith.index_cast %swap3A_1852 : i32 to index
        %swap3A_1854 = arith.index_cast %min3A_1837 : i32 to index
        %swap3A_1855 = tpu.vector_load %arg7[%swap3A_1853, %swap3A_1854] {strides = array<i32>} : memref<4x200xi32, #tpu.memory_space<vmem>>, vector<16xi32>,
        tpu.vector_store %arg7[%swap3A_1853, %swap3A_1854], %select_n3A_1851 {strides = array<i32>} : memref<4x200xi32, #tpu.memory_space<vmem>>, vector<16xi32>,
        %min3A_1856 = arith.constant 96 : i32
        %min3A_1857 = arith.constant 184 : i32
        %min3A_1858 = arith.minsi %min3A_1856, %min3A_1857 : i32
        %get3A_1859 = arith.index_cast %add3A_984 : i32 to index
        %get3A_1860 = arith.index_cast %min3A_1858 : i32 to index
        %get3A_1861 = tpu.vector_load %arg6[%get3A_1859, %get3A_1860] {strides = array<i32>} : memref<128x200xi32, #tpu.memory_space<vmem>>, vector<16xi32>,
        %max3A_1862 = arith.maxsi %max3A_1841, %get3A_1861 : vector<16xi32>
        %add3A_1863 = arith.addi %mul3A_2, %add3A_984 : i32
        %mul3A_1864 = arith.constant 200 : i32
        %mul3A_1865 = arith.muli %add3A_1863, %mul3A_1864 : i32
        %add3A_1866 = arith.addi %mul3A_1865, %min3A_1858 : i32
        %add3A_1867 = vector.broadcast %add3A_1866 : i32 to vector<16xi32>
        %add3A_1868 = arith.addi %add3A_1867, %iota3A : vector<16xi32>
        %ge3A_1869 = arith.constant 1000000 : i32
        %ge3A_1870 = vector.broadcast %ge3A_1869 : i32 to vector<16xi32>
        %ge3A_1871 = arith.cmpi sge, %get3A_1861, %ge3A_1870 : vector<16xi32>
        %select_n3A_1872 = arith.select %ge3A_1871, %add3A_1868, %get3A_1861 : vector<16xi1>, vector<16xi32>
        %swap3A_1873 = arith.constant 3 : i32
        %swap3A_1874 = arith.index_cast %swap3A_1873 : i32 to index
        %swap3A_1875 = arith.index_cast %min3A_1858 : i32 to index
        %swap3A_1876 = tpu.vector_load %arg7[%swap3A_1874, %swap3A_1875] {strides = array<i32>} : memref<4x200xi32, #tpu.memory_space<vmem>>, vector<16xi32>,
        tpu.vector_store %arg7[%swap3A_1874, %swap3A_1875], %select_n3A_1872 {strides = array<i32>} : memref<4x200xi32, #tpu.memory_space<vmem>>, vector<16xi32>,
        %min3A_1877 = arith.constant 112 : i32
        %min3A_1878 = arith.constant 184 : i32
        %min3A_1879 = arith.minsi %min3A_1877, %min3A_1878 : i32
        %get3A_1880 = arith.index_cast %add3A_984 : i32 to index
        %get3A_1881 = arith.index_cast %min3A_1879 : i32 to index
        %get3A_1882 = tpu.vector_load %arg6[%get3A_1880, %get3A_1881] {strides = array<i32>} : memref<128x200xi32, #tpu.memory_space<vmem>>, vector<16xi32>,
        %max3A_1883 = arith.maxsi %max3A_1862, %get3A_1882 : vector<16xi32>
        %add3A_1884 = arith.addi %mul3A_2, %add3A_984 : i32
        %mul3A_1885 = arith.constant 200 : i32
        %mul3A_1886 = arith.muli %add3A_1884, %mul3A_1885 : i32
        %add3A_1887 = arith.addi %mul3A_1886, %min3A_1879 : i32
        %add3A_1888 = vector.broadcast %add3A_1887 : i32 to vector<16xi32>
        %add3A_1889 = arith.addi %add3A_1888, %iota3A : vector<16xi32>
        %ge3A_1890 = arith.constant 1000000 : i32
        %ge3A_1891 = vector.broadcast %ge3A_1890 : i32 to vector<16xi32>
        %ge3A_1892 = arith.cmpi sge, %get3A_1882, %ge3A_1891 : vector<16xi32>
        %select_n3A_1893 = arith.select %ge3A_1892, %add3A_1889, %get3A_1882 : vector<16xi1>, vector<16xi32>
        %swap3A_1894 = arith.constant 3 : i32
        %swap3A_1895 = arith.index_cast %swap3A_1894 : i32 to index
        %swap3A_1896 = arith.index_cast %min3A_1879 : i32 to index
        %swap3A_1897 = tpu.vector_load %arg7[%swap3A_1895, %swap3A_1896] {strides = array<i32>} : memref<4x200xi32, #tpu.memory_space<vmem>>, vector<16xi32>,
        tpu.vector_store %arg7[%swap3A_1895, %swap3A_1896], %select_n3A_1893 {strides = array<i32>} : memref<4x200xi32, #tpu.memory_space<vmem>>, vector<16xi32>,
        %min3A_1898 = arith.constant 128 : i32
        %min3A_1899 = arith.constant 184 : i32
        %min3A_1900 = arith.minsi %min3A_1898, %min3A_1899 : i32
        %get3A_1901 = arith.index_cast %add3A_984 : i32 to index
        %get3A_1902 = arith.index_cast %min3A_1900 : i32 to index
        %get3A_1903 = tpu.vector_load %arg6[%get3A_1901, %get3A_1902] {strides = array<i32>} : memref<128x200xi32, #tpu.memory_space<vmem>>, vector<16xi32>,
        %max3A_1904 = arith.maxsi %max3A_1883, %get3A_1903 : vector<16xi32>
        %add3A_1905 = arith.addi %mul3A_2, %add3A_984 : i32
        %mul3A_1906 = arith.constant 200 : i32
        %mul3A_1907 = arith.muli %add3A_1905, %mul3A_1906 : i32
        %add3A_1908 = arith.addi %mul3A_1907, %min3A_1900 : i32
        %add3A_1909 = vector.broadcast %add3A_1908 : i32 to vector<16xi32>
        %add3A_1910 = arith.addi %add3A_1909, %iota3A : vector<16xi32>
        %ge3A_1911 = arith.constant 1000000 : i32
        %ge3A_1912 = vector.broadcast %ge3A_1911 : i32 to vector<16xi32>
        %ge3A_1913 = arith.cmpi sge, %get3A_1903, %ge3A_1912 : vector<16xi32>
        %select_n3A_1914 = arith.select %ge3A_1913, %add3A_1910, %get3A_1903 : vector<16xi1>, vector<16xi32>
        %swap3A_1915 = arith.constant 3 : i32
        %swap3A_1916 = arith.index_cast %swap3A_1915 : i32 to index
        %swap3A_1917 = arith.index_cast %min3A_1900 : i32 to index
        %swap3A_1918 = tpu.vector_load %arg7[%swap3A_1916, %swap3A_1917] {strides = array<i32>} : memref<4x200xi32, #tpu.memory_space<vmem>>, vector<16xi32>,
        tpu.vector_store %arg7[%swap3A_1916, %swap3A_1917], %select_n3A_1914 {strides = array<i32>} : memref<4x200xi32, #tpu.memory_space<vmem>>, vector<16xi32>,
        %min3A_1919 = arith.constant 144 : i32
        %min3A_1920 = arith.constant 184 : i32
        %min3A_1921 = arith.minsi %min3A_1919, %min3A_1920 : i32
        %get3A_1922 = arith.index_cast %add3A_984 : i32 to index
        %get3A_1923 = arith.index_cast %min3A_1921 : i32 to index
        %get3A_1924 = tpu.vector_load %arg6[%get3A_1922, %get3A_1923] {strides = array<i32>} : memref<128x200xi32, #tpu.memory_space<vmem>>, vector<16xi32>,
        %max3A_1925 = arith.maxsi %max3A_1904, %get3A_1924 : vector<16xi32>
        %add3A_1926 = arith.addi %mul3A_2, %add3A_984 : i32
        %mul3A_1927 = arith.constant 200 : i32
        %mul3A_1928 = arith.muli %add3A_1926, %mul3A_1927 : i32
        %add3A_1929 = arith.addi %mul3A_1928, %min3A_1921 : i32
        %add3A_1930 = vector.broadcast %add3A_1929 : i32 to vector<16xi32>
        %add3A_1931 = arith.addi %add3A_1930, %iota3A : vector<16xi32>
        %ge3A_1932 = arith.constant 1000000 : i32
        %ge3A_1933 = vector.broadcast %ge3A_1932 : i32 to vector<16xi32>
        %ge3A_1934 = arith.cmpi sge, %get3A_1924, %ge3A_1933 : vector<16xi32>
        %select_n3A_1935 = arith.select %ge3A_1934, %add3A_1931, %get3A_1924 : vector<16xi1>, vector<16xi32>
        %swap3A_1936 = arith.constant 3 : i32
        %swap3A_1937 = arith.index_cast %swap3A_1936 : i32 to index
        %swap3A_1938 = arith.index_cast %min3A_1921 : i32 to index
        %swap3A_1939 = tpu.vector_load %arg7[%swap3A_1937, %swap3A_1938] {strides = array<i32>} : memref<4x200xi32, #tpu.memory_space<vmem>>, vector<16xi32>,
        tpu.vector_store %arg7[%swap3A_1937, %swap3A_1938], %select_n3A_1935 {strides = array<i32>} : memref<4x200xi32, #tpu.memory_space<vmem>>, vector<16xi32>,
        %min3A_1940 = arith.constant 160 : i32
        %min3A_1941 = arith.constant 184 : i32
        %min3A_1942 = arith.minsi %min3A_1940, %min3A_1941 : i32
        %get3A_1943 = arith.index_cast %add3A_984 : i32 to index
        %get3A_1944 = arith.index_cast %min3A_1942 : i32 to index
        %get3A_1945 = tpu.vector_load %arg6[%get3A_1943, %get3A_1944] {strides = array<i32>} : memref<128x200xi32, #tpu.memory_space<vmem>>, vector<16xi32>,
        %max3A_1946 = arith.maxsi %max3A_1925, %get3A_1945 : vector<16xi32>
        %add3A_1947 = arith.addi %mul3A_2, %add3A_984 : i32
        %mul3A_1948 = arith.constant 200 : i32
        %mul3A_1949 = arith.muli %add3A_1947, %mul3A_1948 : i32
        %add3A_1950 = arith.addi %mul3A_1949, %min3A_1942 : i32
        %add3A_1951 = vector.broadcast %add3A_1950 : i32 to vector<16xi32>
        %add3A_1952 = arith.addi %add3A_1951, %iota3A : vector<16xi32>
        %ge3A_1953 = arith.constant 1000000 : i32
        %ge3A_1954 = vector.broadcast %ge3A_1953 : i32 to vector<16xi32>
        %ge3A_1955 = arith.cmpi sge, %get3A_1945, %ge3A_1954 : vector<16xi32>
        %select_n3A_1956 = arith.select %ge3A_1955, %add3A_1952, %get3A_1945 : vector<16xi1>, vector<16xi32>
        %swap3A_1957 = arith.constant 3 : i32
        %swap3A_1958 = arith.index_cast %swap3A_1957 : i32 to index
        %swap3A_1959 = arith.index_cast %min3A_1942 : i32 to index
        %swap3A_1960 = tpu.vector_load %arg7[%swap3A_1958, %swap3A_1959] {strides = array<i32>} : memref<4x200xi32, #tpu.memory_space<vmem>>, vector<16xi32>,
        tpu.vector_store %arg7[%swap3A_1958, %swap3A_1959], %select_n3A_1956 {strides = array<i32>} : memref<4x200xi32, #tpu.memory_space<vmem>>, vector<16xi32>,
        %min3A_1961 = arith.constant 176 : i32
        %min3A_1962 = arith.constant 184 : i32
        %min3A_1963 = arith.minsi %min3A_1961, %min3A_1962 : i32
        %get3A_1964 = arith.index_cast %add3A_984 : i32 to index
        %get3A_1965 = arith.index_cast %min3A_1963 : i32 to index
        %get3A_1966 = tpu.vector_load %arg6[%get3A_1964, %get3A_1965] {strides = array<i32>} : memref<128x200xi32, #tpu.memory_space<vmem>>, vector<16xi32>,
        %max3A_1967 = arith.maxsi %max3A_1946, %get3A_1966 : vector<16xi32>
        %add3A_1968 = arith.addi %mul3A_2, %add3A_984 : i32
        %mul3A_1969 = arith.constant 200 : i32
        %mul3A_1970 = arith.muli %add3A_1968, %mul3A_1969 : i32
        %add3A_1971 = arith.addi %mul3A_1970, %min3A_1963 : i32
        %add3A_1972 = vector.broadcast %add3A_1971 : i32 to vector<16xi32>
        %add3A_1973 = arith.addi %add3A_1972, %iota3A : vector<16xi32>
        %ge3A_1974 = arith.constant 1000000 : i32
        %ge3A_1975 = vector.broadcast %ge3A_1974 : i32 to vector<16xi32>
        %ge3A_1976 = arith.cmpi sge, %get3A_1966, %ge3A_1975 : vector<16xi32>
        %select_n3A_1977 = arith.select %ge3A_1976, %add3A_1973, %get3A_1966 : vector<16xi1>, vector<16xi32>
        %swap3A_1978 = arith.constant 3 : i32
        %swap3A_1979 = arith.index_cast %swap3A_1978 : i32 to index
        %swap3A_1980 = arith.index_cast %min3A_1963 : i32 to index
        %swap3A_1981 = tpu.vector_load %arg7[%swap3A_1979, %swap3A_1980] {strides = array<i32>} : memref<4x200xi32, #tpu.memory_space<vmem>>, vector<16xi32>,
        tpu.vector_store %arg7[%swap3A_1979, %swap3A_1980], %select_n3A_1977 {strides = array<i32>} : memref<4x200xi32, #tpu.memory_space<vmem>>, vector<16xi32>,
        %min3A_1982 = arith.constant 192 : i32
        %min3A_1983 = arith.constant 184 : i32
        %min3A_1984 = arith.minsi %min3A_1982, %min3A_1983 : i32
        %get3A_1985 = arith.index_cast %add3A_984 : i32 to index
        %get3A_1986 = arith.index_cast %min3A_1984 : i32 to index
        %get3A_1987 = tpu.vector_load %arg6[%get3A_1985, %get3A_1986] {strides = array<i32>} : memref<128x200xi32, #tpu.memory_space<vmem>>, vector<16xi32>,
        %max3A_1988 = arith.maxsi %max3A_1967, %get3A_1987 : vector<16xi32>
        %add3A_1989 = arith.addi %mul3A_2, %add3A_984 : i32
        %mul3A_1990 = arith.constant 200 : i32
        %mul3A_1991 = arith.muli %add3A_1989, %mul3A_1990 : i32
        %add3A_1992 = arith.addi %mul3A_1991, %min3A_1984 : i32
        %add3A_1993 = vector.broadcast %add3A_1992 : i32 to vector<16xi32>
        %add3A_1994 = arith.addi %add3A_1993, %iota3A : vector<16xi32>
        %ge3A_1995 = arith.constant 1000000 : i32
        %ge3A_1996 = vector.broadcast %ge3A_1995 : i32 to vector<16xi32>
        %ge3A_1997 = arith.cmpi sge, %get3A_1987, %ge3A_1996 : vector<16xi32>
        %select_n3A_1998 = arith.select %ge3A_1997, %add3A_1994, %get3A_1987 : vector<16xi1>, vector<16xi32>
        %swap3A_1999 = arith.constant 3 : i32
        %swap3A_2000 = arith.index_cast %swap3A_1999 : i32 to index
        %swap3A_2001 = arith.index_cast %min3A_1984 : i32 to index
        %swap3A_2002 = tpu.vector_load %arg7[%swap3A_2000, %swap3A_2001] {strides = array<i32>} : memref<4x200xi32, #tpu.memory_space<vmem>>, vector<16xi32>,
        tpu.vector_store %arg7[%swap3A_2000, %swap3A_2001], %select_n3A_1998 {strides = array<i32>} : memref<4x200xi32, #tpu.memory_space<vmem>>, vector<16xi32>,
        %reduce_max3A_2003 = arith.constant true
        %reduce_max3A_2004 = vector.broadcast %reduce_max3A_2003 : i1 to vector<16xi1>
        %reduce_max3A_2005 = arith.constant -2147483648 : i32
        %reduce_max3A_2006 = vector.broadcast %reduce_max3A_2005 : i32 to vector<16xi32>
        %reduce_max3A_2007 = arith.xori %max3A_1988, %reduce_max3A_2006 : vector<16xi32>
        %reduce_max3A_2008 = tpu.scan <max>, %reduce_max3A_2007 masked %reduce_max3A_2004 : vector<16xi32>, vector<16xi1> -> vector<16xi32>
        %reduce_max3A_2009 = arith.xori %reduce_max3A_2008, %reduce_max3A_2006 : vector<16xi32>
        %reduce_max3A_2010 = vector.extract %reduce_max3A_2009[15] : i32 from vector<16xi32>
        %dma_start3A_2011 = arith.constant 3 : i32
        %dma_start3A_2012 = arith.constant 3 : i32
        %dma_start3A_2013 = arith.constant 3 : i32
        %dma_start3A_2014 = arith.constant 0 : i32
        %dma_start3A_2015 = arith.constant 0 : i32
        %dma_start3A_2016 = tpu.memref_slice %arg8[%dma_start3A_2012, %dma_start3A_2014, %dma_start3A_2015] : memref<4x200x64xf32, #tpu.memory_space<vmem>> -> memref<1x200x64xf32, #tpu.memory_space<vmem>>
        %dma_start3A_2017 = tpu.memref_squeeze %dma_start3A_2016 : memref<1x200x64xf32, #tpu.memory_space<vmem>> -> memref<200x64xf32, #tpu.memory_space<vmem>>
        %dma_start3A_2018 = arith.constant 0 : i32
        %dma_start3A_2019 = tpu.memref_slice %arg7[%dma_start3A_2011, %dma_start3A_2018] : memref<4x200xi32, #tpu.memory_space<vmem>> -> memref<1x200xi32, #tpu.memory_space<vmem>>
        %dma_start3A_2020 = tpu.memref_squeeze %dma_start3A_2019 : memref<1x200xi32, #tpu.memory_space<vmem>> -> memref<200xi32, #tpu.memory_space<vmem>>
        %dma_start3A_2021 = arith.constant 0 : i32
        %dma_start3A_2022 = arith.constant 0 : i32
        %dma_start3A_2023 = tpu.memref_slice %arg3[%dma_start3A_2021, %dma_start3A_2022] : memref<1000000x64xf32, #tpu.memory_space<hbm>> -> memref<1000000x64xf32, #tpu.memory_space<hbm>>
        %dma_start3A_2024 = tpu.memref_slice %arg10[%dma_start3A_2013] : memref<4x!tpu.dma_semaphore, #tpu.memory_space<semaphore_mem>> -> memref<1x!tpu.dma_semaphore, #tpu.memory_space<semaphore_mem>>
        %dma_start3A_2025 = tpu.memref_squeeze %dma_start3A_2024 : memref<1x!tpu.dma_semaphore, #tpu.memory_space<semaphore_mem>> -> memref<!tpu.dma_semaphore, #tpu.memory_space<semaphore_mem>>
        tpu.enqueue_indirect_dma source(%dma_start3A_2023 : memref<1000000x64xf32, #tpu.memory_space<hbm>>) target(%dma_start3A_2017 : memref<200x64xf32, #tpu.memory_space<vmem>>) offsets(%dma_start3A_2020 : memref<200xi32, #tpu.memory_space<vmem>>) semaphore(%dma_start3A_2025 : memref<!tpu.dma_semaphore, #tpu.memory_space<semaphore_mem>>)
      } else {
      }
      %dma_wait3A_990 = arith.constant 1 : i32
      %dma_wait3A_991 = arith.constant 1 : i32
      %dma_wait3A_992 = arith.constant 1 : i32
      %dma_wait3A_993 = arith.constant 0 : i32
      %dma_wait3A_994 = arith.constant 0 : i32
      %dma_wait3A_995 = tpu.memref_slice %arg8[%dma_wait3A_991, %dma_wait3A_993, %dma_wait3A_994] : memref<4x200x64xf32, #tpu.memory_space<vmem>> -> memref<1x200x64xf32, #tpu.memory_space<vmem>>
      %dma_wait3A_996 = tpu.memref_squeeze %dma_wait3A_995 : memref<1x200x64xf32, #tpu.memory_space<vmem>> -> memref<200x64xf32, #tpu.memory_space<vmem>>
      %dma_wait3A_997 = arith.constant 0 : i32
      %dma_wait3A_998 = tpu.memref_slice %arg7[%dma_wait3A_990, %dma_wait3A_997] : memref<4x200xi32, #tpu.memory_space<vmem>> -> memref<1x200xi32, #tpu.memory_space<vmem>>
      %dma_wait3A_999 = tpu.memref_squeeze %dma_wait3A_998 : memref<1x200xi32, #tpu.memory_space<vmem>> -> memref<200xi32, #tpu.memory_space<vmem>>
      %dma_wait3A_1000 = arith.constant 0 : i32
      %dma_wait3A_1001 = arith.constant 0 : i32
      %dma_wait3A_1002 = tpu.memref_slice %arg3[%dma_wait3A_1000, %dma_wait3A_1001] : memref<1000000x64xf32, #tpu.memory_space<hbm>> -> memref<1000000x64xf32, #tpu.memory_space<hbm>>
      %dma_wait3A_1003 = tpu.memref_slice %arg10[%dma_wait3A_992] : memref<4x!tpu.dma_semaphore, #tpu.memory_space<semaphore_mem>> -> memref<1x!tpu.dma_semaphore, #tpu.memory_space<semaphore_mem>>
      %dma_wait3A_1004 = tpu.memref_squeeze %dma_wait3A_1003 : memref<1x!tpu.dma_semaphore, #tpu.memory_space<semaphore_mem>> -> memref<!tpu.dma_semaphore, #tpu.memory_space<semaphore_mem>>
      tpu.wait_indirect_dma semaphore(%dma_wait3A_1004 : memref<!tpu.dma_semaphore, #tpu.memory_space<semaphore_mem>>) src(%dma_wait3A_1002 : memref<1000000x64xf32, #tpu.memory_space<hbm>>) dst(%dma_wait3A_996 : memref<200x64xf32, #tpu.memory_space<vmem>>)
      %min3A_1005 = arith.constant 0 : i32
      %min3A_1006 = arith.constant 184 : i32
      %min3A_1007 = arith.minsi %min3A_1005, %min3A_1006 : i32
      %get3A_1008 = arith.index_cast %add3A_982 : i32 to index
      %get3A_1009 = arith.index_cast %min3A_1007 : i32 to index
      %get3A_1010 = tpu.vector_load %arg6[%get3A_1008, %get3A_1009] {strides = array<i32>} : memref<128x200xi32, #tpu.memory_space<vmem>>, vector<16xi32>,
      %reduce_max3A_1011 = arith.constant true
      %reduce_max3A_1012 = vector.broadcast %reduce_max3A_1011 : i1 to vector<16xi1>
      %reduce_max3A_1013 = arith.constant -2147483648 : i32
      %reduce_max3A_1014 = vector.broadcast %reduce_max3A_1013 : i32 to vector<16xi32>
      %reduce_max3A_1015 = arith.xori %get3A_1010, %reduce_max3A_1014 : vector<16xi32>
      %reduce_max3A_1016 = tpu.scan <max>, %reduce_max3A_1015 masked %reduce_max3A_1012 : vector<16xi32>, vector<16xi1> -> vector<16xi32>
      %reduce_max3A_1017 = arith.xori %reduce_max3A_1016, %reduce_max3A_1014 : vector<16xi32>
      %reduce_max3A_1018 = vector.extract %reduce_max3A_1017[15] : i32 from vector<16xi32>
      %max3A_1019 = arith.constant 0 : i32
      %max3A_1020 = arith.maxsi %max3A_1019, %reduce_max3A_1018 : i32
      %min3A_1021 = arith.constant 16 : i32
      %min3A_1022 = arith.constant 184 : i32
      %min3A_1023 = arith.minsi %min3A_1021, %min3A_1022 : i32
      %get3A_1024 = arith.index_cast %add3A_982 : i32 to index
      %get3A_1025 = arith.index_cast %min3A_1023 : i32 to index
      %get3A_1026 = tpu.vector_load %arg6[%get3A_1024, %get3A_1025] {strides = array<i32>} : memref<128x200xi32, #tpu.memory_space<vmem>>, vector<16xi32>,
      %reduce_max3A_1027 = arith.constant true
      %reduce_max3A_1028 = vector.broadcast %reduce_max3A_1027 : i1 to vector<16xi1>
      %reduce_max3A_1029 = arith.constant -2147483648 : i32
      %reduce_max3A_1030 = vector.broadcast %reduce_max3A_1029 : i32 to vector<16xi32>
      %reduce_max3A_1031 = arith.xori %get3A_1026, %reduce_max3A_1030 : vector<16xi32>
      %reduce_max3A_1032 = tpu.scan <max>, %reduce_max3A_1031 masked %reduce_max3A_1028 : vector<16xi32>, vector<16xi1> -> vector<16xi32>
      %reduce_max3A_1033 = arith.xori %reduce_max3A_1032, %reduce_max3A_1030 : vector<16xi32>
      %reduce_max3A_1034 = vector.extract %reduce_max3A_1033[15] : i32 from vector<16xi32>
      %max3A_1035 = arith.maxsi %max3A_1020, %reduce_max3A_1034 : i32
      %min3A_1036 = arith.constant 32 : i32
      %min3A_1037 = arith.constant 184 : i32
      %min3A_1038 = arith.minsi %min3A_1036, %min3A_1037 : i32
      %get3A_1039 = arith.index_cast %add3A_982 : i32 to index
      %get3A_1040 = arith.index_cast %min3A_1038 : i32 to index
      %get3A_1041 = tpu.vector_load %arg6[%get3A_1039, %get3A_1040] {strides = array<i32>} : memref<128x200xi32, #tpu.memory_space<vmem>>, vector<16xi32>,
      %reduce_max3A_1042 = arith.constant true
      %reduce_max3A_1043 = vector.broadcast %reduce_max3A_1042 : i1 to vector<16xi1>
      %reduce_max3A_1044 = arith.constant -2147483648 : i32
      %reduce_max3A_1045 = vector.broadcast %reduce_max3A_1044 : i32 to vector<16xi32>
      %reduce_max3A_1046 = arith.xori %get3A_1041, %reduce_max3A_1045 : vector<16xi32>
      %reduce_max3A_1047 = tpu.scan <max>, %reduce_max3A_1046 masked %reduce_max3A_1043 : vector<16xi32>, vector<16xi1> -> vector<16xi32>
      %reduce_max3A_1048 = arith.xori %reduce_max3A_1047, %reduce_max3A_1045 : vector<16xi32>
      %reduce_max3A_1049 = vector.extract %reduce_max3A_1048[15] : i32 from vector<16xi32>
      %max3A_1050 = arith.maxsi %max3A_1035, %reduce_max3A_1049 : i32
      %min3A_1051 = arith.constant 48 : i32
      %min3A_1052 = arith.constant 184 : i32
      %min3A_1053 = arith.minsi %min3A_1051, %min3A_1052 : i32
      %get3A_1054 = arith.index_cast %add3A_982 : i32 to index
      %get3A_1055 = arith.index_cast %min3A_1053 : i32 to index
      %get3A_1056 = tpu.vector_load %arg6[%get3A_1054, %get3A_1055] {strides = array<i32>} : memref<128x200xi32, #tpu.memory_space<vmem>>, vector<16xi32>,
      %reduce_max3A_1057 = arith.constant true
      %reduce_max3A_1058 = vector.broadcast %reduce_max3A_1057 : i1 to vector<16xi1>
      %reduce_max3A_1059 = arith.constant -2147483648 : i32
      %reduce_max3A_1060 = vector.broadcast %reduce_max3A_1059 : i32 to vector<16xi32>
      %reduce_max3A_1061 = arith.xori %get3A_1056, %reduce_max3A_1060 : vector<16xi32>
      %reduce_max3A_1062 = tpu.scan <max>, %reduce_max3A_1061 masked %reduce_max3A_1058 : vector<16xi32>, vector<16xi1> -> vector<16xi32>
      %reduce_max3A_1063 = arith.xori %reduce_max3A_1062, %reduce_max3A_1060 : vector<16xi32>
      %reduce_max3A_1064 = vector.extract %reduce_max3A_1063[15] : i32 from vector<16xi32>
      %max3A_1065 = arith.maxsi %max3A_1050, %reduce_max3A_1064 : i32
      %min3A_1066 = arith.constant 64 : i32
      %min3A_1067 = arith.constant 184 : i32
      %min3A_1068 = arith.minsi %min3A_1066, %min3A_1067 : i32
      %get3A_1069 = arith.index_cast %add3A_982 : i32 to index
      %get3A_1070 = arith.index_cast %min3A_1068 : i32 to index
      %get3A_1071 = tpu.vector_load %arg6[%get3A_1069, %get3A_1070] {strides = array<i32>} : memref<128x200xi32, #tpu.memory_space<vmem>>, vector<16xi32>,
      %reduce_max3A_1072 = arith.constant true
      %reduce_max3A_1073 = vector.broadcast %reduce_max3A_1072 : i1 to vector<16xi1>
      %reduce_max3A_1074 = arith.constant -2147483648 : i32
      %reduce_max3A_1075 = vector.broadcast %reduce_max3A_1074 : i32 to vector<16xi32>
      %reduce_max3A_1076 = arith.xori %get3A_1071, %reduce_max3A_1075 : vector<16xi32>
      %reduce_max3A_1077 = tpu.scan <max>, %reduce_max3A_1076 masked %reduce_max3A_1073 : vector<16xi32>, vector<16xi1> -> vector<16xi32>
      %reduce_max3A_1078 = arith.xori %reduce_max3A_1077, %reduce_max3A_1075 : vector<16xi32>
      %reduce_max3A_1079 = vector.extract %reduce_max3A_1078[15] : i32 from vector<16xi32>
      %max3A_1080 = arith.maxsi %max3A_1065, %reduce_max3A_1079 : i32
      %min3A_1081 = arith.constant 80 : i32
      %min3A_1082 = arith.constant 184 : i32
      %min3A_1083 = arith.minsi %min3A_1081, %min3A_1082 : i32
      %get3A_1084 = arith.index_cast %add3A_982 : i32 to index
      %get3A_1085 = arith.index_cast %min3A_1083 : i32 to index
      %get3A_1086 = tpu.vector_load %arg6[%get3A_1084, %get3A_1085] {strides = array<i32>} : memref<128x200xi32, #tpu.memory_space<vmem>>, vector<16xi32>,
      %reduce_max3A_1087 = arith.constant true
      %reduce_max3A_1088 = vector.broadcast %reduce_max3A_1087 : i1 to vector<16xi1>
      %reduce_max3A_1089 = arith.constant -2147483648 : i32
      %reduce_max3A_1090 = vector.broadcast %reduce_max3A_1089 : i32 to vector<16xi32>
      %reduce_max3A_1091 = arith.xori %get3A_1086, %reduce_max3A_1090 : vector<16xi32>
      %reduce_max3A_1092 = tpu.scan <max>, %reduce_max3A_1091 masked %reduce_max3A_1088 : vector<16xi32>, vector<16xi1> -> vector<16xi32>
      %reduce_max3A_1093 = arith.xori %reduce_max3A_1092, %reduce_max3A_1090 : vector<16xi32>
      %reduce_max3A_1094 = vector.extract %reduce_max3A_1093[15] : i32 from vector<16xi32>
      %max3A_1095 = arith.maxsi %max3A_1080, %reduce_max3A_1094 : i32
      %min3A_1096 = arith.constant 96 : i32
      %min3A_1097 = arith.constant 184 : i32
      %min3A_1098 = arith.minsi %min3A_1096, %min3A_1097 : i32
      %get3A_1099 = arith.index_cast %add3A_982 : i32 to index
      %get3A_1100 = arith.index_cast %min3A_1098 : i32 to index
      %get3A_1101 = tpu.vector_load %arg6[%get3A_1099, %get3A_1100] {strides = array<i32>} : memref<128x200xi32, #tpu.memory_space<vmem>>, vector<16xi32>,
      %reduce_max3A_1102 = arith.constant true
      %reduce_max3A_1103 = vector.broadcast %reduce_max3A_1102 : i1 to vector<16xi1>
      %reduce_max3A_1104 = arith.constant -2147483648 : i32
      %reduce_max3A_1105 = vector.broadcast %reduce_max3A_1104 : i32 to vector<16xi32>
      %reduce_max3A_1106 = arith.xori %get3A_1101, %reduce_max3A_1105 : vector<16xi32>
      %reduce_max3A_1107 = tpu.scan <max>, %reduce_max3A_1106 masked %reduce_max3A_1103 : vector<16xi32>, vector<16xi1> -> vector<16xi32>
      %reduce_max3A_1108 = arith.xori %reduce_max3A_1107, %reduce_max3A_1105 : vector<16xi32>
      %reduce_max3A_1109 = vector.extract %reduce_max3A_1108[15] : i32 from vector<16xi32>
      %max3A_1110 = arith.maxsi %max3A_1095, %reduce_max3A_1109 : i32
      %min3A_1111 = arith.constant 112 : i32
      %min3A_1112 = arith.constant 184 : i32
      %min3A_1113 = arith.minsi %min3A_1111, %min3A_1112 : i32
      %get3A_1114 = arith.index_cast %add3A_982 : i32 to index
      %get3A_1115 = arith.index_cast %min3A_1113 : i32 to index
      %get3A_1116 = tpu.vector_load %arg6[%get3A_1114, %get3A_1115] {strides = array<i32>} : memref<128x200xi32, #tpu.memory_space<vmem>>, vector<16xi32>,
      %reduce_max3A_1117 = arith.constant true
      %reduce_max3A_1118 = vector.broadcast %reduce_max3A_1117 : i1 to vector<16xi1>
      %reduce_max3A_1119 = arith.constant -2147483648 : i32
      %reduce_max3A_1120 = vector.broadcast %reduce_max3A_1119 : i32 to vector<16xi32>
      %reduce_max3A_1121 = arith.xori %get3A_1116, %reduce_max3A_1120 : vector<16xi32>
      %reduce_max3A_1122 = tpu.scan <max>, %reduce_max3A_1121 masked %reduce_max3A_1118 : vector<16xi32>, vector<16xi1> -> vector<16xi32>
      %reduce_max3A_1123 = arith.xori %reduce_max3A_1122, %reduce_max3A_1120 : vector<16xi32>
      %reduce_max3A_1124 = vector.extract %reduce_max3A_1123[15] : i32 from vector<16xi32>
      %max3A_1125 = arith.maxsi %max3A_1110, %reduce_max3A_1124 : i32
      %min3A_1126 = arith.constant 128 : i32
      %min3A_1127 = arith.constant 184 : i32
      %min3A_1128 = arith.minsi %min3A_1126, %min3A_1127 : i32
      %get3A_1129 = arith.index_cast %add3A_982 : i32 to index
      %get3A_1130 = arith.index_cast %min3A_1128 : i32 to index
      %get3A_1131 = tpu.vector_load %arg6[%get3A_1129, %get3A_1130] {strides = array<i32>} : memref<128x200xi32, #tpu.memory_space<vmem>>, vector<16xi32>,
      %reduce_max3A_1132 = arith.constant true
      %reduce_max3A_1133 = vector.broadcast %reduce_max3A_1132 : i1 to vector<16xi1>
      %reduce_max3A_1134 = arith.constant -2147483648 : i32
      %reduce_max3A_1135 = vector.broadcast %reduce_max3A_1134 : i32 to vector<16xi32>
      %reduce_max3A_1136 = arith.xori %get3A_1131, %reduce_max3A_1135 : vector<16xi32>
      %reduce_max3A_1137 = tpu.scan <max>, %reduce_max3A_1136 masked %reduce_max3A_1133 : vector<16xi32>, vector<16xi1> -> vector<16xi32>
      %reduce_max3A_1138 = arith.xori %reduce_max3A_1137, %reduce_max3A_1135 : vector<16xi32>
      %reduce_max3A_1139 = vector.extract %reduce_max3A_1138[15] : i32 from vector<16xi32>
      %max3A_1140 = arith.maxsi %max3A_1125, %reduce_max3A_1139 : i32
      %min3A_1141 = arith.constant 144 : i32
      %min3A_1142 = arith.constant 184 : i32
      %min3A_1143 = arith.minsi %min3A_1141, %min3A_1142 : i32
      %get3A_1144 = arith.index_cast %add3A_982 : i32 to index
      %get3A_1145 = arith.index_cast %min3A_1143 : i32 to index
      %get3A_1146 = tpu.vector_load %arg6[%get3A_1144, %get3A_1145] {strides = array<i32>} : memref<128x200xi32, #tpu.memory_space<vmem>>, vector<16xi32>,
      %reduce_max3A_1147 = arith.constant true
      %reduce_max3A_1148 = vector.broadcast %reduce_max3A_1147 : i1 to vector<16xi1>
      %reduce_max3A_1149 = arith.constant -2147483648 : i32
      %reduce_max3A_1150 = vector.broadcast %reduce_max3A_1149 : i32 to vector<16xi32>
      %reduce_max3A_1151 = arith.xori %get3A_1146, %reduce_max3A_1150 : vector<16xi32>
      %reduce_max3A_1152 = tpu.scan <max>, %reduce_max3A_1151 masked %reduce_max3A_1148 : vector<16xi32>, vector<16xi1> -> vector<16xi32>
      %reduce_max3A_1153 = arith.xori %reduce_max3A_1152, %reduce_max3A_1150 : vector<16xi32>
      %reduce_max3A_1154 = vector.extract %reduce_max3A_1153[15] : i32 from vector<16xi32>
      %max3A_1155 = arith.maxsi %max3A_1140, %reduce_max3A_1154 : i32
      %min3A_1156 = arith.constant 160 : i32
      %min3A_1157 = arith.constant 184 : i32
      %min3A_1158 = arith.minsi %min3A_1156, %min3A_1157 : i32
      %get3A_1159 = arith.index_cast %add3A_982 : i32 to index
      %get3A_1160 = arith.index_cast %min3A_1158 : i32 to index
      %get3A_1161 = tpu.vector_load %arg6[%get3A_1159, %get3A_1160] {strides = array<i32>} : memref<128x200xi32, #tpu.memory_space<vmem>>, vector<16xi32>,
      %reduce_max3A_1162 = arith.constant true
      %reduce_max3A_1163 = vector.broadcast %reduce_max3A_1162 : i1 to vector<16xi1>
      %reduce_max3A_1164 = arith.constant -2147483648 : i32
      %reduce_max3A_1165 = vector.broadcast %reduce_max3A_1164 : i32 to vector<16xi32>
      %reduce_max3A_1166 = arith.xori %get3A_1161, %reduce_max3A_1165 : vector<16xi32>
      %reduce_max3A_1167 = tpu.scan <max>, %reduce_max3A_1166 masked %reduce_max3A_1163 : vector<16xi32>, vector<16xi1> -> vector<16xi32>
      %reduce_max3A_1168 = arith.xori %reduce_max3A_1167, %reduce_max3A_1165 : vector<16xi32>
      %reduce_max3A_1169 = vector.extract %reduce_max3A_1168[15] : i32 from vector<16xi32>
      %max3A_1170 = arith.maxsi %max3A_1155, %reduce_max3A_1169 : i32
      %min3A_1171 = arith.constant 176 : i32
      %min3A_1172 = arith.constant 184 : i32
      %min3A_1173 = arith.minsi %min3A_1171, %min3A_1172 : i32
      %get3A_1174 = arith.index_cast %add3A_982 : i32 to index
      %get3A_1175 = arith.index_cast %min3A_1173 : i32 to index
      %get3A_1176 = tpu.vector_load %arg6[%get3A_1174, %get3A_1175] {strides = array<i32>} : memref<128x200xi32, #tpu.memory_space<vmem>>, vector<16xi32>,
      %reduce_max3A_1177 = arith.constant true
      %reduce_max3A_1178 = vector.broadcast %reduce_max3A_1177 : i1 to vector<16xi1>
      %reduce_max3A_1179 = arith.constant -2147483648 : i32
      %reduce_max3A_1180 = vector.broadcast %reduce_max3A_1179 : i32 to vector<16xi32>
      %reduce_max3A_1181 = arith.xori %get3A_1176, %reduce_max3A_1180 : vector<16xi32>
      %reduce_max3A_1182 = tpu.scan <max>, %reduce_max3A_1181 masked %reduce_max3A_1178 : vector<16xi32>, vector<16xi1> -> vector<16xi32>
      %reduce_max3A_1183 = arith.xori %reduce_max3A_1182, %reduce_max3A_1180 : vector<16xi32>
      %reduce_max3A_1184 = vector.extract %reduce_max3A_1183[15] : i32 from vector<16xi32>
      %max3A_1185 = arith.maxsi %max3A_1170, %reduce_max3A_1184 : i32
      %min3A_1186 = arith.constant 192 : i32
      %min3A_1187 = arith.constant 184 : i32
      %min3A_1188 = arith.minsi %min3A_1186, %min3A_1187 : i32
      %get3A_1189 = arith.index_cast %add3A_982 : i32 to index
      %get3A_1190 = arith.index_cast %min3A_1188 : i32 to index
      %get3A_1191 = tpu.vector_load %arg6[%get3A_1189, %get3A_1190] {strides = array<i32>} : memref<128x200xi32, #tpu.memory_space<vmem>>, vector<16xi32>,
      %reduce_max3A_1192 = arith.constant true
      %reduce_max3A_1193 = vector.broadcast %reduce_max3A_1192 : i1 to vector<16xi1>
      %reduce_max3A_1194 = arith.constant -2147483648 : i32
      %reduce_max3A_1195 = vector.broadcast %reduce_max3A_1194 : i32 to vector<16xi32>
      %reduce_max3A_1196 = arith.xori %get3A_1191, %reduce_max3A_1195 : vector<16xi32>
      %reduce_max3A_1197 = tpu.scan <max>, %reduce_max3A_1196 masked %reduce_max3A_1193 : vector<16xi32>, vector<16xi1> -> vector<16xi32>
      %reduce_max3A_1198 = arith.xori %reduce_max3A_1197, %reduce_max3A_1195 : vector<16xi32>
      %reduce_max3A_1199 = vector.extract %reduce_max3A_1198[15] : i32 from vector<16xi32>
      %max3A_1200 = arith.maxsi %max3A_1185, %reduce_max3A_1199 : i32
      %ge3A_1201 = arith.constant 1000000 : i32
      %ge3A_1202 = arith.cmpi sge, %max3A_1200, %ge3A_1201 : i32
      %convert_element_type3A_1203 = arith.extui %ge3A_1202 : i1 to i32
      %cond3A_1204 = arith.constant 0 : i32
      %cond3A_1205 = arith.cmpi ne, %convert_element_type3A_1203, %cond3A_1204 : i32
      scf.if %cond3A_1205 {
        %scan3A_1723 = arith.constant 0 : i32
        %scan3A_1724 = arith.constant 13 : i32
        %scan3A_1725 = arith.addi %scan3A_1723, %scan3A_1724 : i32
        %scan3A_1726 = arith.constant 1 : i32
        scf.for %scan3A_1728 = %scan3A_1723 to %scan3A_1725 step %scan3A_1726  : i32 {
          %mul3A_1729 = arith.constant 1 : i32
          %mul3A_1730 = arith.muli %scan3A_1728, %mul3A_1729 : i32
          %add3A_1731 = arith.constant 0 : i32
          %add3A_1732 = arith.addi %add3A_1731, %mul3A_1730 : i32
          %mul3A_1733 = arith.constant 16 : i32
          %mul3A_1734 = arith.muli %add3A_1732, %mul3A_1733 : i32
          %min3A_1735 = arith.constant 184 : i32
          %min3A_1736 = arith.minsi %mul3A_1734, %min3A_1735 : i32
          %get3A_1737 = arith.index_cast %add3A_982 : i32 to index
          %get3A_1738 = arith.index_cast %min3A_1736 : i32 to index
          %get3A_1739 = tpu.vector_load %arg6[%get3A_1737, %get3A_1738] {strides = array<i32>} : memref<128x200xi32, #tpu.memory_space<vmem>>, vector<16xi32>,
          %ge3A_1740 = arith.constant 1000000 : i32
          %ge3A_1741 = vector.broadcast %ge3A_1740 : i32 to vector<16xi32>
          %ge3A_1742 = arith.cmpi sge, %get3A_1739, %ge3A_1741 : vector<16xi32>
          %reduce_max3A_1743 = arith.constant true
          %reduce_max3A_1744 = vector.broadcast %reduce_max3A_1743 : i1 to vector<16xi1>
          %reduce_max3A_1745 = arith.constant -2147483648 : i32
          %reduce_max3A_1746 = vector.broadcast %reduce_max3A_1745 : i32 to vector<16xi32>
          %reduce_max3A_1747 = arith.xori %get3A_1739, %reduce_max3A_1746 : vector<16xi32>
          %reduce_max3A_1748 = tpu.scan <max>, %reduce_max3A_1747 masked %reduce_max3A_1744 : vector<16xi32>, vector<16xi1> -> vector<16xi32>
          %reduce_max3A_1749 = arith.xori %reduce_max3A_1748, %reduce_max3A_1746 : vector<16xi32>
          %reduce_max3A_1750 = vector.extract %reduce_max3A_1749[15] : i32 from vector<16xi32>
          %ge3A_1751 = arith.constant 1000000 : i32
          %ge3A_1752 = arith.cmpi sge, %reduce_max3A_1750, %ge3A_1751 : i32
          %convert_element_type3A_1753 = arith.extui %ge3A_1752 : i1 to i32
          %cond3A_1754 = arith.constant 0 : i32
          %cond3A_1755 = arith.cmpi ne, %convert_element_type3A_1753, %cond3A_1754 : i32
          scf.if %cond3A_1755 {
            %sub3A = arith.constant 1000000 : i32
            %sub3A_1756 = vector.broadcast %sub3A : i32 to vector<16xi32>
            %sub3A_1757 = arith.subi %get3A_1739, %sub3A_1756 : vector<16xi32>
            %jit3A = arith.constant 0 : i32
            %broadcast_in_dim3A_1758 = vector.broadcast %jit3A : i32 to vector<16xi32>
            %select_n3A_1759 = arith.select %ge3A_1742, %sub3A_1757, %broadcast_in_dim3A_1758 : vector<16xi1>, vector<16xi32>
            %dma_start3A_1760 = arith.constant 0 : i32
            %dma_start3A_1761 = arith.constant 0 : i32
            %dma_start3A_1762 = tpu.memref_slice %arg4[%dma_start3A_1760, %dma_start3A_1761] : memref<1000x64xf32, #tpu.memory_space<hbm>> -> memref<1000x64xf32, #tpu.memory_space<hbm>>
            tpu.enqueue_indirect_dma source(%dma_start3A_1762 : memref<1000x64xf32, #tpu.memory_space<hbm>>) target(%arg9 : memref<16x64xf32, #tpu.memory_space<vmem>>) offsets(%select_n3A_1759 : vector<16xi32>) semaphore(%arg12 : memref<!tpu.dma_semaphore, #tpu.memory_space<semaphore_mem>>)
            %dma_wait3A_1763 = arith.constant 0 : i32
            %dma_wait3A_1764 = arith.constant 0 : i32
            %dma_wait3A_1765 = tpu.memref_slice %arg4[%dma_wait3A_1763, %dma_wait3A_1764] : memref<1000x64xf32, #tpu.memory_space<hbm>> -> memref<1000x64xf32, #tpu.memory_space<hbm>>
            tpu.wait_indirect_dma semaphore(%arg12 : memref<!tpu.dma_semaphore, #tpu.memory_space<semaphore_mem>>) src(%dma_wait3A_1765 : memref<1000x64xf32, #tpu.memory_space<hbm>>) dst(%arg9 : memref<16x64xf32, #tpu.memory_space<vmem>>)
            %add3A_1766 = vector.broadcast %min3A_1736 : i32 to vector<16xi32>
            %add3A_1767 = arith.addi %add3A_1766, %iota3A : vector<16xi32>
            %scan3A_1768 = arith.constant 0 : i32
            %scan3A_1769 = arith.constant 64 : i32
            %scan3A_1770 = arith.addi %scan3A_1768, %scan3A_1769 : i32
            %scan3A_1771 = arith.constant 1 : i32
            scf.for %scan3A_1773 = %scan3A_1768 to %scan3A_1770 step %scan3A_1771  : i32 {
              %mul3A_1774 = arith.constant 1 : i32
              %mul3A_1775 = arith.muli %scan3A_1773, %mul3A_1774 : i32
              %add3A_1776 = arith.constant 0 : i32
              %add3A_1777 = arith.addi %add3A_1776, %mul3A_1775 : i32
              %broadcast_in_dim3A_1778 = vector.broadcast %add3A_1777 : i32 to vector<16xi32>
              %gather3A = tpu.vector_load_idx %arg9[%iota3A, %broadcast_in_dim3A_1778] masked %ge3A_1742 : memref<16x64xf32, #tpu.memory_space<vmem>>[vector<16xi32>, vector<16xi32>], vector<16xf32>, vector<16xi1>
              %scatter3A = arith.constant 1 : i32
              %scatter3A_1779 = arith.constant 0 : i32
              %scatter3A_1780 = arith.constant 0 : i32
              %scatter3A_1781 = tpu.memref_slice %arg8[%scatter3A, %scatter3A_1779, %scatter3A_1780] : memref<4x200x64xf32, #tpu.memory_space<vmem>> -> memref<1x200x64xf32, #tpu.memory_space<vmem>>
              %scatter3A_1782 = tpu.memref_squeeze %scatter3A_1781 : memref<1x200x64xf32, #tpu.memory_space<vmem>> -> memref<200x64xf32, #tpu.memory_space<vmem>>
              tpu.vector_store_idx %scatter3A_1782[%add3A_1767, %broadcast_in_dim3A_1778], %gather3A masked %ge3A_1742 : memref<200x64xf32, #tpu.memory_space<vmem>>[vector<16xi32>, vector<16xi32>], vector<16xf32>, vector<16xi1>
            }
            %scan3A_1772 = arith.constant 64 : i32
          } else {
          }
        }
        %scan3A_1727 = arith.constant 13 : i32
      } else {
      }
      %add3A_1206 = arith.addi %mul3A_2, %add3A_982 : i32
      %dma_start3A_1207 = arith.constant 1 : i32
      %dma_start3A_1208 = arith.constant 1 : i32
      %dma_start3A_1209 = arith.constant 0 : i32
      %dma_start3A_1210 = arith.constant 0 : i32
      %dma_start3A_1211 = tpu.memref_slice %arg8[%dma_start3A_1207, %dma_start3A_1209, %dma_start3A_1210] : memref<4x200x64xf32, #tpu.memory_space<vmem>> -> memref<1x200x64xf32, #tpu.memory_space<vmem>>
      %dma_start3A_1212 = tpu.memref_squeeze %dma_start3A_1211 : memref<1x200x64xf32, #tpu.memory_space<vmem>> -> memref<200x64xf32, #tpu.memory_space<vmem>>
      %dma_start3A_1213 = arith.constant 0 : i32
      %dma_start3A_1214 = arith.constant 0 : i32
      %dma_start3A_1215 = tpu.memref_slice %arg5[%add3A_1206, %dma_start3A_1213, %dma_start3A_1214] : memref<4096x200x64xf32, #tpu.memory_space<hbm>> -> memref<1x200x64xf32, #tpu.memory_space<hbm>>
      %dma_start3A_1216 = tpu.memref_squeeze %dma_start3A_1215 : memref<1x200x64xf32, #tpu.memory_space<hbm>> -> memref<200x64xf32, #tpu.memory_space<hbm>>
      %dma_start3A_1217 = tpu.memref_slice %arg11[%dma_start3A_1208] : memref<4x!tpu.dma_semaphore, #tpu.memory_space<semaphore_mem>> -> memref<1x!tpu.dma_semaphore, #tpu.memory_space<semaphore_mem>>
      %dma_start3A_1218 = tpu.memref_squeeze %dma_start3A_1217 : memref<1x!tpu.dma_semaphore, #tpu.memory_space<semaphore_mem>> -> memref<!tpu.dma_semaphore, #tpu.memory_space<semaphore_mem>>
      %dma_start3A_1219 = arith.constant 0 : i32
      %dma_start3A_1220 = arith.constant 0 : i32
      %dma_start3A_1221 = tpu.memref_slice %arg5[%add3A_1206, %dma_start3A_1219, %dma_start3A_1220] : memref<4096x200x64xf32, #tpu.memory_space<hbm>> -> memref<1x200x64xf32, #tpu.memory_space<hbm>>
      %dma_start3A_1222 = tpu.memref_squeeze %dma_start3A_1221 : memref<1x200x64xf32, #tpu.memory_space<hbm>> -> memref<200x64xf32, #tpu.memory_space<hbm>>
      %dma_start3A_1223 = arith.constant 0 : i32
      %dma_start3A_1224 = arith.constant 0 : i32
      %dma_start3A_1225 = tpu.memref_slice %arg8[%dma_start3A_1207, %dma_start3A_1223, %dma_start3A_1224] : memref<4x200x64xf32, #tpu.memory_space<vmem>> -> memref<1x200x64xf32, #tpu.memory_space<vmem>>
      %dma_start3A_1226 = tpu.memref_squeeze %dma_start3A_1225 : memref<1x200x64xf32, #tpu.memory_space<vmem>> -> memref<200x64xf32, #tpu.memory_space<vmem>>
      tpu.enqueue_dma source(%dma_start3A_1226 : memref<200x64xf32, #tpu.memory_space<vmem>>) target(%dma_start3A_1222 : memref<200x64xf32, #tpu.memory_space<hbm>>) target_semaphore(%dma_start3A_1218 : memref<!tpu.dma_semaphore, #tpu.memory_space<semaphore_mem>>)
      %mul3A_1227 = arith.constant 4 : i32
      %mul3A_1228 = arith.muli %add3A_733, %mul3A_1227 : i32
      %add3A_1229 = arith.constant 2 : i32
      %add3A_1230 = arith.addi %mul3A_1228, %add3A_1229 : i32
      %add3A_1231 = arith.constant 2 : i32
      %add3A_1232 = arith.addi %add3A_1230, %add3A_1231 : i32
      %lt3A_1233 = arith.constant 128 : i32
      %lt3A_1234 = arith.cmpi slt, %add3A_1232, %lt3A_1233 : i32
      %convert_element_type3A_1235 = arith.extui %lt3A_1234 : i1 to i32
      %cond3A_1236 = arith.constant 0 : i32
      %cond3A_1237 = arith.cmpi ne, %convert_element_type3A_1235, %cond3A_1236 : i32
      scf.if %cond3A_1237 {
        %ge3A_1723 = arith.constant 4 : i32
        %ge3A_1724 = arith.cmpi sge, %add3A_1232, %ge3A_1723 : i32
        %convert_element_type3A_1725 = arith.extui %ge3A_1724 : i1 to i32
        %cond3A_1726 = arith.constant 0 : i32
        %cond3A_1727 = arith.cmpi ne, %convert_element_type3A_1725, %cond3A_1726 : i32
        scf.if %cond3A_1727 {
          %dma_wait3A_2026 = arith.constant 0 : i32
          %dma_wait3A_2027 = arith.constant 0 : i32
          %dma_wait3A_2028 = arith.constant 0 : i32
          %dma_wait3A_2029 = arith.constant 0 : i32
          %dma_wait3A_2030 = arith.constant 0 : i32
          %dma_wait3A_2031 = tpu.memref_slice %arg8[%dma_wait3A_2026, %dma_wait3A_2029, %dma_wait3A_2030] : memref<4x200x64xf32, #tpu.memory_space<vmem>> -> memref<1x200x64xf32, #tpu.memory_space<vmem>>
          %dma_wait3A_2032 = tpu.memref_squeeze %dma_wait3A_2031 : memref<1x200x64xf32, #tpu.memory_space<vmem>> -> memref<200x64xf32, #tpu.memory_space<vmem>>
          %dma_wait3A_2033 = arith.constant 0 : i32
          %dma_wait3A_2034 = arith.constant 0 : i32
          %dma_wait3A_2035 = tpu.memref_slice %arg5[%dma_wait3A_2027, %dma_wait3A_2033, %dma_wait3A_2034] : memref<4096x200x64xf32, #tpu.memory_space<hbm>> -> memref<1x200x64xf32, #tpu.memory_space<hbm>>
          %dma_wait3A_2036 = tpu.memref_squeeze %dma_wait3A_2035 : memref<1x200x64xf32, #tpu.memory_space<hbm>> -> memref<200x64xf32, #tpu.memory_space<hbm>>
          %dma_wait3A_2037 = tpu.memref_slice %arg11[%dma_wait3A_2028] : memref<4x!tpu.dma_semaphore, #tpu.memory_space<semaphore_mem>> -> memref<1x!tpu.dma_semaphore, #tpu.memory_space<semaphore_mem>>
          %dma_wait3A_2038 = tpu.memref_squeeze %dma_wait3A_2037 : memref<1x!tpu.dma_semaphore, #tpu.memory_space<semaphore_mem>> -> memref<!tpu.dma_semaphore, #tpu.memory_space<semaphore_mem>>
          %dma_wait3A_2039 = arith.constant 0 : i32
          %dma_wait3A_2040 = arith.constant 0 : i32
          %dma_wait3A_2041 = tpu.memref_slice %arg5[%dma_wait3A_2027, %dma_wait3A_2039, %dma_wait3A_2040] : memref<4096x200x64xf32, #tpu.memory_space<hbm>> -> memref<1x200x64xf32, #tpu.memory_space<hbm>>
          %dma_wait3A_2042 = tpu.memref_squeeze %dma_wait3A_2041 : memref<1x200x64xf32, #tpu.memory_space<hbm>> -> memref<200x64xf32, #tpu.memory_space<hbm>>
          %dma_wait3A_2043 = arith.constant 0 : i32
          %dma_wait3A_2044 = arith.constant 0 : i32
          %dma_wait3A_2045 = tpu.memref_slice %arg8[%dma_wait3A_2026, %dma_wait3A_2043, %dma_wait3A_2044] : memref<4x200x64xf32, #tpu.memory_space<vmem>> -> memref<1x200x64xf32, #tpu.memory_space<vmem>>
          %dma_wait3A_2046 = tpu.memref_squeeze %dma_wait3A_2045 : memref<1x200x64xf32, #tpu.memory_space<vmem>> -> memref<200x64xf32, #tpu.memory_space<vmem>>
          tpu.wait_dma2 semaphore(%dma_wait3A_2038 : memref<!tpu.dma_semaphore, #tpu.memory_space<semaphore_mem>>) src(%dma_wait3A_2046 : memref<200x64xf32, #tpu.memory_space<vmem>>) dst(%dma_wait3A_2042 : memref<200x64xf32, #tpu.memory_space<hbm>>)
        } else {
        }
        %broadcast_in_dim3A_1728 = arith.constant 0 : i32
        %broadcast_in_dim3A_1729 = vector.broadcast %broadcast_in_dim3A_1728 : i32 to vector<16xi32>
        %min3A_1730 = arith.constant 0 : i32
        %min3A_1731 = arith.constant 184 : i32
        %min3A_1732 = arith.minsi %min3A_1730, %min3A_1731 : i32
        %get3A_1733 = arith.index_cast %add3A_1232 : i32 to index
        %get3A_1734 = arith.index_cast %min3A_1732 : i32 to index
        %get3A_1735 = tpu.vector_load %arg6[%get3A_1733, %get3A_1734] {strides = array<i32>} : memref<128x200xi32, #tpu.memory_space<vmem>>, vector<16xi32>,
        %max3A_1736 = arith.maxsi %broadcast_in_dim3A_1729, %get3A_1735 : vector<16xi32>
        %add3A_1737 = arith.addi %mul3A_2, %add3A_1232 : i32
        %mul3A_1738 = arith.constant 200 : i32
        %mul3A_1739 = arith.muli %add3A_1737, %mul3A_1738 : i32
        %add3A_1740 = arith.addi %mul3A_1739, %min3A_1732 : i32
        %add3A_1741 = vector.broadcast %add3A_1740 : i32 to vector<16xi32>
        %add3A_1742 = arith.addi %add3A_1741, %iota3A : vector<16xi32>
        %ge3A_1743 = arith.constant 1000000 : i32
        %ge3A_1744 = vector.broadcast %ge3A_1743 : i32 to vector<16xi32>
        %ge3A_1745 = arith.cmpi sge, %get3A_1735, %ge3A_1744 : vector<16xi32>
        %select_n3A_1746 = arith.select %ge3A_1745, %add3A_1742, %get3A_1735 : vector<16xi1>, vector<16xi32>
        %swap3A_1747 = arith.constant 0 : i32
        %swap3A_1748 = arith.index_cast %swap3A_1747 : i32 to index
        %swap3A_1749 = arith.index_cast %min3A_1732 : i32 to index
        %swap3A_1750 = tpu.vector_load %arg7[%swap3A_1748, %swap3A_1749] {strides = array<i32>} : memref<4x200xi32, #tpu.memory_space<vmem>>, vector<16xi32>,
        tpu.vector_store %arg7[%swap3A_1748, %swap3A_1749], %select_n3A_1746 {strides = array<i32>} : memref<4x200xi32, #tpu.memory_space<vmem>>, vector<16xi32>,
        %min3A_1751 = arith.constant 16 : i32
        %min3A_1752 = arith.constant 184 : i32
        %min3A_1753 = arith.minsi %min3A_1751, %min3A_1752 : i32
        %get3A_1754 = arith.index_cast %add3A_1232 : i32 to index
        %get3A_1755 = arith.index_cast %min3A_1753 : i32 to index
        %get3A_1756 = tpu.vector_load %arg6[%get3A_1754, %get3A_1755] {strides = array<i32>} : memref<128x200xi32, #tpu.memory_space<vmem>>, vector<16xi32>,
        %max3A_1757 = arith.maxsi %max3A_1736, %get3A_1756 : vector<16xi32>
        %add3A_1758 = arith.addi %mul3A_2, %add3A_1232 : i32
        %mul3A_1759 = arith.constant 200 : i32
        %mul3A_1760 = arith.muli %add3A_1758, %mul3A_1759 : i32
        %add3A_1761 = arith.addi %mul3A_1760, %min3A_1753 : i32
        %add3A_1762 = vector.broadcast %add3A_1761 : i32 to vector<16xi32>
        %add3A_1763 = arith.addi %add3A_1762, %iota3A : vector<16xi32>
        %ge3A_1764 = arith.constant 1000000 : i32
        %ge3A_1765 = vector.broadcast %ge3A_1764 : i32 to vector<16xi32>
        %ge3A_1766 = arith.cmpi sge, %get3A_1756, %ge3A_1765 : vector<16xi32>
        %select_n3A_1767 = arith.select %ge3A_1766, %add3A_1763, %get3A_1756 : vector<16xi1>, vector<16xi32>
        %swap3A_1768 = arith.constant 0 : i32
        %swap3A_1769 = arith.index_cast %swap3A_1768 : i32 to index
        %swap3A_1770 = arith.index_cast %min3A_1753 : i32 to index
        %swap3A_1771 = tpu.vector_load %arg7[%swap3A_1769, %swap3A_1770] {strides = array<i32>} : memref<4x200xi32, #tpu.memory_space<vmem>>, vector<16xi32>,
        tpu.vector_store %arg7[%swap3A_1769, %swap3A_1770], %select_n3A_1767 {strides = array<i32>} : memref<4x200xi32, #tpu.memory_space<vmem>>, vector<16xi32>,
        %min3A_1772 = arith.constant 32 : i32
        %min3A_1773 = arith.constant 184 : i32
        %min3A_1774 = arith.minsi %min3A_1772, %min3A_1773 : i32
        %get3A_1775 = arith.index_cast %add3A_1232 : i32 to index
        %get3A_1776 = arith.index_cast %min3A_1774 : i32 to index
        %get3A_1777 = tpu.vector_load %arg6[%get3A_1775, %get3A_1776] {strides = array<i32>} : memref<128x200xi32, #tpu.memory_space<vmem>>, vector<16xi32>,
        %max3A_1778 = arith.maxsi %max3A_1757, %get3A_1777 : vector<16xi32>
        %add3A_1779 = arith.addi %mul3A_2, %add3A_1232 : i32
        %mul3A_1780 = arith.constant 200 : i32
        %mul3A_1781 = arith.muli %add3A_1779, %mul3A_1780 : i32
        %add3A_1782 = arith.addi %mul3A_1781, %min3A_1774 : i32
        %add3A_1783 = vector.broadcast %add3A_1782 : i32 to vector<16xi32>
        %add3A_1784 = arith.addi %add3A_1783, %iota3A : vector<16xi32>
        %ge3A_1785 = arith.constant 1000000 : i32
        %ge3A_1786 = vector.broadcast %ge3A_1785 : i32 to vector<16xi32>
        %ge3A_1787 = arith.cmpi sge, %get3A_1777, %ge3A_1786 : vector<16xi32>
        %select_n3A_1788 = arith.select %ge3A_1787, %add3A_1784, %get3A_1777 : vector<16xi1>, vector<16xi32>
        %swap3A_1789 = arith.constant 0 : i32
        %swap3A_1790 = arith.index_cast %swap3A_1789 : i32 to index
        %swap3A_1791 = arith.index_cast %min3A_1774 : i32 to index
        %swap3A_1792 = tpu.vector_load %arg7[%swap3A_1790, %swap3A_1791] {strides = array<i32>} : memref<4x200xi32, #tpu.memory_space<vmem>>, vector<16xi32>,
        tpu.vector_store %arg7[%swap3A_1790, %swap3A_1791], %select_n3A_1788 {strides = array<i32>} : memref<4x200xi32, #tpu.memory_space<vmem>>, vector<16xi32>,
        %min3A_1793 = arith.constant 48 : i32
        %min3A_1794 = arith.constant 184 : i32
        %min3A_1795 = arith.minsi %min3A_1793, %min3A_1794 : i32
        %get3A_1796 = arith.index_cast %add3A_1232 : i32 to index
        %get3A_1797 = arith.index_cast %min3A_1795 : i32 to index
        %get3A_1798 = tpu.vector_load %arg6[%get3A_1796, %get3A_1797] {strides = array<i32>} : memref<128x200xi32, #tpu.memory_space<vmem>>, vector<16xi32>,
        %max3A_1799 = arith.maxsi %max3A_1778, %get3A_1798 : vector<16xi32>
        %add3A_1800 = arith.addi %mul3A_2, %add3A_1232 : i32
        %mul3A_1801 = arith.constant 200 : i32
        %mul3A_1802 = arith.muli %add3A_1800, %mul3A_1801 : i32
        %add3A_1803 = arith.addi %mul3A_1802, %min3A_1795 : i32
        %add3A_1804 = vector.broadcast %add3A_1803 : i32 to vector<16xi32>
        %add3A_1805 = arith.addi %add3A_1804, %iota3A : vector<16xi32>
        %ge3A_1806 = arith.constant 1000000 : i32
        %ge3A_1807 = vector.broadcast %ge3A_1806 : i32 to vector<16xi32>
        %ge3A_1808 = arith.cmpi sge, %get3A_1798, %ge3A_1807 : vector<16xi32>
        %select_n3A_1809 = arith.select %ge3A_1808, %add3A_1805, %get3A_1798 : vector<16xi1>, vector<16xi32>
        %swap3A_1810 = arith.constant 0 : i32
        %swap3A_1811 = arith.index_cast %swap3A_1810 : i32 to index
        %swap3A_1812 = arith.index_cast %min3A_1795 : i32 to index
        %swap3A_1813 = tpu.vector_load %arg7[%swap3A_1811, %swap3A_1812] {strides = array<i32>} : memref<4x200xi32, #tpu.memory_space<vmem>>, vector<16xi32>,
        tpu.vector_store %arg7[%swap3A_1811, %swap3A_1812], %select_n3A_1809 {strides = array<i32>} : memref<4x200xi32, #tpu.memory_space<vmem>>, vector<16xi32>,
        %min3A_1814 = arith.constant 64 : i32
        %min3A_1815 = arith.constant 184 : i32
        %min3A_1816 = arith.minsi %min3A_1814, %min3A_1815 : i32
        %get3A_1817 = arith.index_cast %add3A_1232 : i32 to index
        %get3A_1818 = arith.index_cast %min3A_1816 : i32 to index
        %get3A_1819 = tpu.vector_load %arg6[%get3A_1817, %get3A_1818] {strides = array<i32>} : memref<128x200xi32, #tpu.memory_space<vmem>>, vector<16xi32>,
        %max3A_1820 = arith.maxsi %max3A_1799, %get3A_1819 : vector<16xi32>
        %add3A_1821 = arith.addi %mul3A_2, %add3A_1232 : i32
        %mul3A_1822 = arith.constant 200 : i32
        %mul3A_1823 = arith.muli %add3A_1821, %mul3A_1822 : i32
        %add3A_1824 = arith.addi %mul3A_1823, %min3A_1816 : i32
        %add3A_1825 = vector.broadcast %add3A_1824 : i32 to vector<16xi32>
        %add3A_1826 = arith.addi %add3A_1825, %iota3A : vector<16xi32>
        %ge3A_1827 = arith.constant 1000000 : i32
        %ge3A_1828 = vector.broadcast %ge3A_1827 : i32 to vector<16xi32>
        %ge3A_1829 = arith.cmpi sge, %get3A_1819, %ge3A_1828 : vector<16xi32>
        %select_n3A_1830 = arith.select %ge3A_1829, %add3A_1826, %get3A_1819 : vector<16xi1>, vector<16xi32>
        %swap3A_1831 = arith.constant 0 : i32
        %swap3A_1832 = arith.index_cast %swap3A_1831 : i32 to index
        %swap3A_1833 = arith.index_cast %min3A_1816 : i32 to index
        %swap3A_1834 = tpu.vector_load %arg7[%swap3A_1832, %swap3A_1833] {strides = array<i32>} : memref<4x200xi32, #tpu.memory_space<vmem>>, vector<16xi32>,
        tpu.vector_store %arg7[%swap3A_1832, %swap3A_1833], %select_n3A_1830 {strides = array<i32>} : memref<4x200xi32, #tpu.memory_space<vmem>>, vector<16xi32>,
        %min3A_1835 = arith.constant 80 : i32
        %min3A_1836 = arith.constant 184 : i32
        %min3A_1837 = arith.minsi %min3A_1835, %min3A_1836 : i32
        %get3A_1838 = arith.index_cast %add3A_1232 : i32 to index
        %get3A_1839 = arith.index_cast %min3A_1837 : i32 to index
        %get3A_1840 = tpu.vector_load %arg6[%get3A_1838, %get3A_1839] {strides = array<i32>} : memref<128x200xi32, #tpu.memory_space<vmem>>, vector<16xi32>,
        %max3A_1841 = arith.maxsi %max3A_1820, %get3A_1840 : vector<16xi32>
        %add3A_1842 = arith.addi %mul3A_2, %add3A_1232 : i32
        %mul3A_1843 = arith.constant 200 : i32
        %mul3A_1844 = arith.muli %add3A_1842, %mul3A_1843 : i32
        %add3A_1845 = arith.addi %mul3A_1844, %min3A_1837 : i32
        %add3A_1846 = vector.broadcast %add3A_1845 : i32 to vector<16xi32>
        %add3A_1847 = arith.addi %add3A_1846, %iota3A : vector<16xi32>
        %ge3A_1848 = arith.constant 1000000 : i32
        %ge3A_1849 = vector.broadcast %ge3A_1848 : i32 to vector<16xi32>
        %ge3A_1850 = arith.cmpi sge, %get3A_1840, %ge3A_1849 : vector<16xi32>
        %select_n3A_1851 = arith.select %ge3A_1850, %add3A_1847, %get3A_1840 : vector<16xi1>, vector<16xi32>
        %swap3A_1852 = arith.constant 0 : i32
        %swap3A_1853 = arith.index_cast %swap3A_1852 : i32 to index
        %swap3A_1854 = arith.index_cast %min3A_1837 : i32 to index
        %swap3A_1855 = tpu.vector_load %arg7[%swap3A_1853, %swap3A_1854] {strides = array<i32>} : memref<4x200xi32, #tpu.memory_space<vmem>>, vector<16xi32>,
        tpu.vector_store %arg7[%swap3A_1853, %swap3A_1854], %select_n3A_1851 {strides = array<i32>} : memref<4x200xi32, #tpu.memory_space<vmem>>, vector<16xi32>,
        %min3A_1856 = arith.constant 96 : i32
        %min3A_1857 = arith.constant 184 : i32
        %min3A_1858 = arith.minsi %min3A_1856, %min3A_1857 : i32
        %get3A_1859 = arith.index_cast %add3A_1232 : i32 to index
        %get3A_1860 = arith.index_cast %min3A_1858 : i32 to index
        %get3A_1861 = tpu.vector_load %arg6[%get3A_1859, %get3A_1860] {strides = array<i32>} : memref<128x200xi32, #tpu.memory_space<vmem>>, vector<16xi32>,
        %max3A_1862 = arith.maxsi %max3A_1841, %get3A_1861 : vector<16xi32>
        %add3A_1863 = arith.addi %mul3A_2, %add3A_1232 : i32
        %mul3A_1864 = arith.constant 200 : i32
        %mul3A_1865 = arith.muli %add3A_1863, %mul3A_1864 : i32
        %add3A_1866 = arith.addi %mul3A_1865, %min3A_1858 : i32
        %add3A_1867 = vector.broadcast %add3A_1866 : i32 to vector<16xi32>
        %add3A_1868 = arith.addi %add3A_1867, %iota3A : vector<16xi32>
        %ge3A_1869 = arith.constant 1000000 : i32
        %ge3A_1870 = vector.broadcast %ge3A_1869 : i32 to vector<16xi32>
        %ge3A_1871 = arith.cmpi sge, %get3A_1861, %ge3A_1870 : vector<16xi32>
        %select_n3A_1872 = arith.select %ge3A_1871, %add3A_1868, %get3A_1861 : vector<16xi1>, vector<16xi32>
        %swap3A_1873 = arith.constant 0 : i32
        %swap3A_1874 = arith.index_cast %swap3A_1873 : i32 to index
        %swap3A_1875 = arith.index_cast %min3A_1858 : i32 to index
        %swap3A_1876 = tpu.vector_load %arg7[%swap3A_1874, %swap3A_1875] {strides = array<i32>} : memref<4x200xi32, #tpu.memory_space<vmem>>, vector<16xi32>,
        tpu.vector_store %arg7[%swap3A_1874, %swap3A_1875], %select_n3A_1872 {strides = array<i32>} : memref<4x200xi32, #tpu.memory_space<vmem>>, vector<16xi32>,
        %min3A_1877 = arith.constant 112 : i32
        %min3A_1878 = arith.constant 184 : i32
        %min3A_1879 = arith.minsi %min3A_1877, %min3A_1878 : i32
        %get3A_1880 = arith.index_cast %add3A_1232 : i32 to index
        %get3A_1881 = arith.index_cast %min3A_1879 : i32 to index
        %get3A_1882 = tpu.vector_load %arg6[%get3A_1880, %get3A_1881] {strides = array<i32>} : memref<128x200xi32, #tpu.memory_space<vmem>>, vector<16xi32>,
        %max3A_1883 = arith.maxsi %max3A_1862, %get3A_1882 : vector<16xi32>
        %add3A_1884 = arith.addi %mul3A_2, %add3A_1232 : i32
        %mul3A_1885 = arith.constant 200 : i32
        %mul3A_1886 = arith.muli %add3A_1884, %mul3A_1885 : i32
        %add3A_1887 = arith.addi %mul3A_1886, %min3A_1879 : i32
        %add3A_1888 = vector.broadcast %add3A_1887 : i32 to vector<16xi32>
        %add3A_1889 = arith.addi %add3A_1888, %iota3A : vector<16xi32>
        %ge3A_1890 = arith.constant 1000000 : i32
        %ge3A_1891 = vector.broadcast %ge3A_1890 : i32 to vector<16xi32>
        %ge3A_1892 = arith.cmpi sge, %get3A_1882, %ge3A_1891 : vector<16xi32>
        %select_n3A_1893 = arith.select %ge3A_1892, %add3A_1889, %get3A_1882 : vector<16xi1>, vector<16xi32>
        %swap3A_1894 = arith.constant 0 : i32
        %swap3A_1895 = arith.index_cast %swap3A_1894 : i32 to index
        %swap3A_1896 = arith.index_cast %min3A_1879 : i32 to index
        %swap3A_1897 = tpu.vector_load %arg7[%swap3A_1895, %swap3A_1896] {strides = array<i32>} : memref<4x200xi32, #tpu.memory_space<vmem>>, vector<16xi32>,
        tpu.vector_store %arg7[%swap3A_1895, %swap3A_1896], %select_n3A_1893 {strides = array<i32>} : memref<4x200xi32, #tpu.memory_space<vmem>>, vector<16xi32>,
        %min3A_1898 = arith.constant 128 : i32
        %min3A_1899 = arith.constant 184 : i32
        %min3A_1900 = arith.minsi %min3A_1898, %min3A_1899 : i32
        %get3A_1901 = arith.index_cast %add3A_1232 : i32 to index
        %get3A_1902 = arith.index_cast %min3A_1900 : i32 to index
        %get3A_1903 = tpu.vector_load %arg6[%get3A_1901, %get3A_1902] {strides = array<i32>} : memref<128x200xi32, #tpu.memory_space<vmem>>, vector<16xi32>,
        %max3A_1904 = arith.maxsi %max3A_1883, %get3A_1903 : vector<16xi32>
        %add3A_1905 = arith.addi %mul3A_2, %add3A_1232 : i32
        %mul3A_1906 = arith.constant 200 : i32
        %mul3A_1907 = arith.muli %add3A_1905, %mul3A_1906 : i32
        %add3A_1908 = arith.addi %mul3A_1907, %min3A_1900 : i32
        %add3A_1909 = vector.broadcast %add3A_1908 : i32 to vector<16xi32>
        %add3A_1910 = arith.addi %add3A_1909, %iota3A : vector<16xi32>
        %ge3A_1911 = arith.constant 1000000 : i32
        %ge3A_1912 = vector.broadcast %ge3A_1911 : i32 to vector<16xi32>
        %ge3A_1913 = arith.cmpi sge, %get3A_1903, %ge3A_1912 : vector<16xi32>
        %select_n3A_1914 = arith.select %ge3A_1913, %add3A_1910, %get3A_1903 : vector<16xi1>, vector<16xi32>
        %swap3A_1915 = arith.constant 0 : i32
        %swap3A_1916 = arith.index_cast %swap3A_1915 : i32 to index
        %swap3A_1917 = arith.index_cast %min3A_1900 : i32 to index
        %swap3A_1918 = tpu.vector_load %arg7[%swap3A_1916, %swap3A_1917] {strides = array<i32>} : memref<4x200xi32, #tpu.memory_space<vmem>>, vector<16xi32>,
        tpu.vector_store %arg7[%swap3A_1916, %swap3A_1917], %select_n3A_1914 {strides = array<i32>} : memref<4x200xi32, #tpu.memory_space<vmem>>, vector<16xi32>,
        %min3A_1919 = arith.constant 144 : i32
        %min3A_1920 = arith.constant 184 : i32
        %min3A_1921 = arith.minsi %min3A_1919, %min3A_1920 : i32
        %get3A_1922 = arith.index_cast %add3A_1232 : i32 to index
        %get3A_1923 = arith.index_cast %min3A_1921 : i32 to index
        %get3A_1924 = tpu.vector_load %arg6[%get3A_1922, %get3A_1923] {strides = array<i32>} : memref<128x200xi32, #tpu.memory_space<vmem>>, vector<16xi32>,
        %max3A_1925 = arith.maxsi %max3A_1904, %get3A_1924 : vector<16xi32>
        %add3A_1926 = arith.addi %mul3A_2, %add3A_1232 : i32
        %mul3A_1927 = arith.constant 200 : i32
        %mul3A_1928 = arith.muli %add3A_1926, %mul3A_1927 : i32
        %add3A_1929 = arith.addi %mul3A_1928, %min3A_1921 : i32
        %add3A_1930 = vector.broadcast %add3A_1929 : i32 to vector<16xi32>
        %add3A_1931 = arith.addi %add3A_1930, %iota3A : vector<16xi32>
        %ge3A_1932 = arith.constant 1000000 : i32
        %ge3A_1933 = vector.broadcast %ge3A_1932 : i32 to vector<16xi32>
        %ge3A_1934 = arith.cmpi sge, %get3A_1924, %ge3A_1933 : vector<16xi32>
        %select_n3A_1935 = arith.select %ge3A_1934, %add3A_1931, %get3A_1924 : vector<16xi1>, vector<16xi32>
        %swap3A_1936 = arith.constant 0 : i32
        %swap3A_1937 = arith.index_cast %swap3A_1936 : i32 to index
        %swap3A_1938 = arith.index_cast %min3A_1921 : i32 to index
        %swap3A_1939 = tpu.vector_load %arg7[%swap3A_1937, %swap3A_1938] {strides = array<i32>} : memref<4x200xi32, #tpu.memory_space<vmem>>, vector<16xi32>,
        tpu.vector_store %arg7[%swap3A_1937, %swap3A_1938], %select_n3A_1935 {strides = array<i32>} : memref<4x200xi32, #tpu.memory_space<vmem>>, vector<16xi32>,
        %min3A_1940 = arith.constant 160 : i32
        %min3A_1941 = arith.constant 184 : i32
        %min3A_1942 = arith.minsi %min3A_1940, %min3A_1941 : i32
        %get3A_1943 = arith.index_cast %add3A_1232 : i32 to index
        %get3A_1944 = arith.index_cast %min3A_1942 : i32 to index
        %get3A_1945 = tpu.vector_load %arg6[%get3A_1943, %get3A_1944] {strides = array<i32>} : memref<128x200xi32, #tpu.memory_space<vmem>>, vector<16xi32>,
        %max3A_1946 = arith.maxsi %max3A_1925, %get3A_1945 : vector<16xi32>
        %add3A_1947 = arith.addi %mul3A_2, %add3A_1232 : i32
        %mul3A_1948 = arith.constant 200 : i32
        %mul3A_1949 = arith.muli %add3A_1947, %mul3A_1948 : i32
        %add3A_1950 = arith.addi %mul3A_1949, %min3A_1942 : i32
        %add3A_1951 = vector.broadcast %add3A_1950 : i32 to vector<16xi32>
        %add3A_1952 = arith.addi %add3A_1951, %iota3A : vector<16xi32>
        %ge3A_1953 = arith.constant 1000000 : i32
        %ge3A_1954 = vector.broadcast %ge3A_1953 : i32 to vector<16xi32>
        %ge3A_1955 = arith.cmpi sge, %get3A_1945, %ge3A_1954 : vector<16xi32>
        %select_n3A_1956 = arith.select %ge3A_1955, %add3A_1952, %get3A_1945 : vector<16xi1>, vector<16xi32>
        %swap3A_1957 = arith.constant 0 : i32
        %swap3A_1958 = arith.index_cast %swap3A_1957 : i32 to index
        %swap3A_1959 = arith.index_cast %min3A_1942 : i32 to index
        %swap3A_1960 = tpu.vector_load %arg7[%swap3A_1958, %swap3A_1959] {strides = array<i32>} : memref<4x200xi32, #tpu.memory_space<vmem>>, vector<16xi32>,
        tpu.vector_store %arg7[%swap3A_1958, %swap3A_1959], %select_n3A_1956 {strides = array<i32>} : memref<4x200xi32, #tpu.memory_space<vmem>>, vector<16xi32>,
        %min3A_1961 = arith.constant 176 : i32
        %min3A_1962 = arith.constant 184 : i32
        %min3A_1963 = arith.minsi %min3A_1961, %min3A_1962 : i32
        %get3A_1964 = arith.index_cast %add3A_1232 : i32 to index
        %get3A_1965 = arith.index_cast %min3A_1963 : i32 to index
        %get3A_1966 = tpu.vector_load %arg6[%get3A_1964, %get3A_1965] {strides = array<i32>} : memref<128x200xi32, #tpu.memory_space<vmem>>, vector<16xi32>,
        %max3A_1967 = arith.maxsi %max3A_1946, %get3A_1966 : vector<16xi32>
        %add3A_1968 = arith.addi %mul3A_2, %add3A_1232 : i32
        %mul3A_1969 = arith.constant 200 : i32
        %mul3A_1970 = arith.muli %add3A_1968, %mul3A_1969 : i32
        %add3A_1971 = arith.addi %mul3A_1970, %min3A_1963 : i32
        %add3A_1972 = vector.broadcast %add3A_1971 : i32 to vector<16xi32>
        %add3A_1973 = arith.addi %add3A_1972, %iota3A : vector<16xi32>
        %ge3A_1974 = arith.constant 1000000 : i32
        %ge3A_1975 = vector.broadcast %ge3A_1974 : i32 to vector<16xi32>
        %ge3A_1976 = arith.cmpi sge, %get3A_1966, %ge3A_1975 : vector<16xi32>
        %select_n3A_1977 = arith.select %ge3A_1976, %add3A_1973, %get3A_1966 : vector<16xi1>, vector<16xi32>
        %swap3A_1978 = arith.constant 0 : i32
        %swap3A_1979 = arith.index_cast %swap3A_1978 : i32 to index
        %swap3A_1980 = arith.index_cast %min3A_1963 : i32 to index
        %swap3A_1981 = tpu.vector_load %arg7[%swap3A_1979, %swap3A_1980] {strides = array<i32>} : memref<4x200xi32, #tpu.memory_space<vmem>>, vector<16xi32>,
        tpu.vector_store %arg7[%swap3A_1979, %swap3A_1980], %select_n3A_1977 {strides = array<i32>} : memref<4x200xi32, #tpu.memory_space<vmem>>, vector<16xi32>,
        %min3A_1982 = arith.constant 192 : i32
        %min3A_1983 = arith.constant 184 : i32
        %min3A_1984 = arith.minsi %min3A_1982, %min3A_1983 : i32
        %get3A_1985 = arith.index_cast %add3A_1232 : i32 to index
        %get3A_1986 = arith.index_cast %min3A_1984 : i32 to index
        %get3A_1987 = tpu.vector_load %arg6[%get3A_1985, %get3A_1986] {strides = array<i32>} : memref<128x200xi32, #tpu.memory_space<vmem>>, vector<16xi32>,
        %max3A_1988 = arith.maxsi %max3A_1967, %get3A_1987 : vector<16xi32>
        %add3A_1989 = arith.addi %mul3A_2, %add3A_1232 : i32
        %mul3A_1990 = arith.constant 200 : i32
        %mul3A_1991 = arith.muli %add3A_1989, %mul3A_1990 : i32
        %add3A_1992 = arith.addi %mul3A_1991, %min3A_1984 : i32
        %add3A_1993 = vector.broadcast %add3A_1992 : i32 to vector<16xi32>
        %add3A_1994 = arith.addi %add3A_1993, %iota3A : vector<16xi32>
        %ge3A_1995 = arith.constant 1000000 : i32
        %ge3A_1996 = vector.broadcast %ge3A_1995 : i32 to vector<16xi32>
        %ge3A_1997 = arith.cmpi sge, %get3A_1987, %ge3A_1996 : vector<16xi32>
        %select_n3A_1998 = arith.select %ge3A_1997, %add3A_1994, %get3A_1987 : vector<16xi1>, vector<16xi32>
        %swap3A_1999 = arith.constant 0 : i32
        %swap3A_2000 = arith.index_cast %swap3A_1999 : i32 to index
        %swap3A_2001 = arith.index_cast %min3A_1984 : i32 to index
        %swap3A_2002 = tpu.vector_load %arg7[%swap3A_2000, %swap3A_2001] {strides = array<i32>} : memref<4x200xi32, #tpu.memory_space<vmem>>, vector<16xi32>,
        tpu.vector_store %arg7[%swap3A_2000, %swap3A_2001], %select_n3A_1998 {strides = array<i32>} : memref<4x200xi32, #tpu.memory_space<vmem>>, vector<16xi32>,
        %reduce_max3A_2003 = arith.constant true
        %reduce_max3A_2004 = vector.broadcast %reduce_max3A_2003 : i1 to vector<16xi1>
        %reduce_max3A_2005 = arith.constant -2147483648 : i32
        %reduce_max3A_2006 = vector.broadcast %reduce_max3A_2005 : i32 to vector<16xi32>
        %reduce_max3A_2007 = arith.xori %max3A_1988, %reduce_max3A_2006 : vector<16xi32>
        %reduce_max3A_2008 = tpu.scan <max>, %reduce_max3A_2007 masked %reduce_max3A_2004 : vector<16xi32>, vector<16xi1> -> vector<16xi32>
        %reduce_max3A_2009 = arith.xori %reduce_max3A_2008, %reduce_max3A_2006 : vector<16xi32>
        %reduce_max3A_2010 = vector.extract %reduce_max3A_2009[15] : i32 from vector<16xi32>
        %dma_start3A_2011 = arith.constant 0 : i32
        %dma_start3A_2012 = arith.constant 0 : i32
        %dma_start3A_2013 = arith.constant 0 : i32
        %dma_start3A_2014 = arith.constant 0 : i32
        %dma_start3A_2015 = arith.constant 0 : i32
        %dma_start3A_2016 = tpu.memref_slice %arg8[%dma_start3A_2012, %dma_start3A_2014, %dma_start3A_2015] : memref<4x200x64xf32, #tpu.memory_space<vmem>> -> memref<1x200x64xf32, #tpu.memory_space<vmem>>
        %dma_start3A_2017 = tpu.memref_squeeze %dma_start3A_2016 : memref<1x200x64xf32, #tpu.memory_space<vmem>> -> memref<200x64xf32, #tpu.memory_space<vmem>>
        %dma_start3A_2018 = arith.constant 0 : i32
        %dma_start3A_2019 = tpu.memref_slice %arg7[%dma_start3A_2011, %dma_start3A_2018] : memref<4x200xi32, #tpu.memory_space<vmem>> -> memref<1x200xi32, #tpu.memory_space<vmem>>
        %dma_start3A_2020 = tpu.memref_squeeze %dma_start3A_2019 : memref<1x200xi32, #tpu.memory_space<vmem>> -> memref<200xi32, #tpu.memory_space<vmem>>
        %dma_start3A_2021 = arith.constant 0 : i32
        %dma_start3A_2022 = arith.constant 0 : i32
        %dma_start3A_2023 = tpu.memref_slice %arg3[%dma_start3A_2021, %dma_start3A_2022] : memref<1000000x64xf32, #tpu.memory_space<hbm>> -> memref<1000000x64xf32, #tpu.memory_space<hbm>>
        %dma_start3A_2024 = tpu.memref_slice %arg10[%dma_start3A_2013] : memref<4x!tpu.dma_semaphore, #tpu.memory_space<semaphore_mem>> -> memref<1x!tpu.dma_semaphore, #tpu.memory_space<semaphore_mem>>
        %dma_start3A_2025 = tpu.memref_squeeze %dma_start3A_2024 : memref<1x!tpu.dma_semaphore, #tpu.memory_space<semaphore_mem>> -> memref<!tpu.dma_semaphore, #tpu.memory_space<semaphore_mem>>
        tpu.enqueue_indirect_dma source(%dma_start3A_2023 : memref<1000000x64xf32, #tpu.memory_space<hbm>>) target(%dma_start3A_2017 : memref<200x64xf32, #tpu.memory_space<vmem>>) offsets(%dma_start3A_2020 : memref<200xi32, #tpu.memory_space<vmem>>) semaphore(%dma_start3A_2025 : memref<!tpu.dma_semaphore, #tpu.memory_space<semaphore_mem>>)
      } else {
      }
      %dma_wait3A_1238 = arith.constant 2 : i32
      %dma_wait3A_1239 = arith.constant 2 : i32
      %dma_wait3A_1240 = arith.constant 2 : i32
      %dma_wait3A_1241 = arith.constant 0 : i32
      %dma_wait3A_1242 = arith.constant 0 : i32
      %dma_wait3A_1243 = tpu.memref_slice %arg8[%dma_wait3A_1239, %dma_wait3A_1241, %dma_wait3A_1242] : memref<4x200x64xf32, #tpu.memory_space<vmem>> -> memref<1x200x64xf32, #tpu.memory_space<vmem>>
      %dma_wait3A_1244 = tpu.memref_squeeze %dma_wait3A_1243 : memref<1x200x64xf32, #tpu.memory_space<vmem>> -> memref<200x64xf32, #tpu.memory_space<vmem>>
      %dma_wait3A_1245 = arith.constant 0 : i32
      %dma_wait3A_1246 = tpu.memref_slice %arg7[%dma_wait3A_1238, %dma_wait3A_1245] : memref<4x200xi32, #tpu.memory_space<vmem>> -> memref<1x200xi32, #tpu.memory_space<vmem>>
      %dma_wait3A_1247 = tpu.memref_squeeze %dma_wait3A_1246 : memref<1x200xi32, #tpu.memory_space<vmem>> -> memref<200xi32, #tpu.memory_space<vmem>>
      %dma_wait3A_1248 = arith.constant 0 : i32
      %dma_wait3A_1249 = arith.constant 0 : i32
      %dma_wait3A_1250 = tpu.memref_slice %arg3[%dma_wait3A_1248, %dma_wait3A_1249] : memref<1000000x64xf32, #tpu.memory_space<hbm>> -> memref<1000000x64xf32, #tpu.memory_space<hbm>>
      %dma_wait3A_1251 = tpu.memref_slice %arg10[%dma_wait3A_1240] : memref<4x!tpu.dma_semaphore, #tpu.memory_space<semaphore_mem>> -> memref<1x!tpu.dma_semaphore, #tpu.memory_space<semaphore_mem>>
      %dma_wait3A_1252 = tpu.memref_squeeze %dma_wait3A_1251 : memref<1x!tpu.dma_semaphore, #tpu.memory_space<semaphore_mem>> -> memref<!tpu.dma_semaphore, #tpu.memory_space<semaphore_mem>>
      tpu.wait_indirect_dma semaphore(%dma_wait3A_1252 : memref<!tpu.dma_semaphore, #tpu.memory_space<semaphore_mem>>) src(%dma_wait3A_1250 : memref<1000000x64xf32, #tpu.memory_space<hbm>>) dst(%dma_wait3A_1244 : memref<200x64xf32, #tpu.memory_space<vmem>>)
      %min3A_1253 = arith.constant 0 : i32
      %min3A_1254 = arith.constant 184 : i32
      %min3A_1255 = arith.minsi %min3A_1253, %min3A_1254 : i32
      %get3A_1256 = arith.index_cast %add3A_1230 : i32 to index
      %get3A_1257 = arith.index_cast %min3A_1255 : i32 to index
      %get3A_1258 = tpu.vector_load %arg6[%get3A_1256, %get3A_1257] {strides = array<i32>} : memref<128x200xi32, #tpu.memory_space<vmem>>, vector<16xi32>,
      %reduce_max3A_1259 = arith.constant true
      %reduce_max3A_1260 = vector.broadcast %reduce_max3A_1259 : i1 to vector<16xi1>
      %reduce_max3A_1261 = arith.constant -2147483648 : i32
      %reduce_max3A_1262 = vector.broadcast %reduce_max3A_1261 : i32 to vector<16xi32>
      %reduce_max3A_1263 = arith.xori %get3A_1258, %reduce_max3A_1262 : vector<16xi32>
      %reduce_max3A_1264 = tpu.scan <max>, %reduce_max3A_1263 masked %reduce_max3A_1260 : vector<16xi32>, vector<16xi1> -> vector<16xi32>
      %reduce_max3A_1265 = arith.xori %reduce_max3A_1264, %reduce_max3A_1262 : vector<16xi32>
      %reduce_max3A_1266 = vector.extract %reduce_max3A_1265[15] : i32 from vector<16xi32>
      %max3A_1267 = arith.constant 0 : i32
      %max3A_1268 = arith.maxsi %max3A_1267, %reduce_max3A_1266 : i32
      %min3A_1269 = arith.constant 16 : i32
      %min3A_1270 = arith.constant 184 : i32
      %min3A_1271 = arith.minsi %min3A_1269, %min3A_1270 : i32
      %get3A_1272 = arith.index_cast %add3A_1230 : i32 to index
      %get3A_1273 = arith.index_cast %min3A_1271 : i32 to index
      %get3A_1274 = tpu.vector_load %arg6[%get3A_1272, %get3A_1273] {strides = array<i32>} : memref<128x200xi32, #tpu.memory_space<vmem>>, vector<16xi32>,
      %reduce_max3A_1275 = arith.constant true
      %reduce_max3A_1276 = vector.broadcast %reduce_max3A_1275 : i1 to vector<16xi1>
      %reduce_max3A_1277 = arith.constant -2147483648 : i32
      %reduce_max3A_1278 = vector.broadcast %reduce_max3A_1277 : i32 to vector<16xi32>
      %reduce_max3A_1279 = arith.xori %get3A_1274, %reduce_max3A_1278 : vector<16xi32>
      %reduce_max3A_1280 = tpu.scan <max>, %reduce_max3A_1279 masked %reduce_max3A_1276 : vector<16xi32>, vector<16xi1> -> vector<16xi32>
      %reduce_max3A_1281 = arith.xori %reduce_max3A_1280, %reduce_max3A_1278 : vector<16xi32>
      %reduce_max3A_1282 = vector.extract %reduce_max3A_1281[15] : i32 from vector<16xi32>
      %max3A_1283 = arith.maxsi %max3A_1268, %reduce_max3A_1282 : i32
      %min3A_1284 = arith.constant 32 : i32
      %min3A_1285 = arith.constant 184 : i32
      %min3A_1286 = arith.minsi %min3A_1284, %min3A_1285 : i32
      %get3A_1287 = arith.index_cast %add3A_1230 : i32 to index
      %get3A_1288 = arith.index_cast %min3A_1286 : i32 to index
      %get3A_1289 = tpu.vector_load %arg6[%get3A_1287, %get3A_1288] {strides = array<i32>} : memref<128x200xi32, #tpu.memory_space<vmem>>, vector<16xi32>,
      %reduce_max3A_1290 = arith.constant true
      %reduce_max3A_1291 = vector.broadcast %reduce_max3A_1290 : i1 to vector<16xi1>
      %reduce_max3A_1292 = arith.constant -2147483648 : i32
      %reduce_max3A_1293 = vector.broadcast %reduce_max3A_1292 : i32 to vector<16xi32>
      %reduce_max3A_1294 = arith.xori %get3A_1289, %reduce_max3A_1293 : vector<16xi32>
      %reduce_max3A_1295 = tpu.scan <max>, %reduce_max3A_1294 masked %reduce_max3A_1291 : vector<16xi32>, vector<16xi1> -> vector<16xi32>
      %reduce_max3A_1296 = arith.xori %reduce_max3A_1295, %reduce_max3A_1293 : vector<16xi32>
      %reduce_max3A_1297 = vector.extract %reduce_max3A_1296[15] : i32 from vector<16xi32>
      %max3A_1298 = arith.maxsi %max3A_1283, %reduce_max3A_1297 : i32
      %min3A_1299 = arith.constant 48 : i32
      %min3A_1300 = arith.constant 184 : i32
      %min3A_1301 = arith.minsi %min3A_1299, %min3A_1300 : i32
      %get3A_1302 = arith.index_cast %add3A_1230 : i32 to index
      %get3A_1303 = arith.index_cast %min3A_1301 : i32 to index
      %get3A_1304 = tpu.vector_load %arg6[%get3A_1302, %get3A_1303] {strides = array<i32>} : memref<128x200xi32, #tpu.memory_space<vmem>>, vector<16xi32>,
      %reduce_max3A_1305 = arith.constant true
      %reduce_max3A_1306 = vector.broadcast %reduce_max3A_1305 : i1 to vector<16xi1>
      %reduce_max3A_1307 = arith.constant -2147483648 : i32
      %reduce_max3A_1308 = vector.broadcast %reduce_max3A_1307 : i32 to vector<16xi32>
      %reduce_max3A_1309 = arith.xori %get3A_1304, %reduce_max3A_1308 : vector<16xi32>
      %reduce_max3A_1310 = tpu.scan <max>, %reduce_max3A_1309 masked %reduce_max3A_1306 : vector<16xi32>, vector<16xi1> -> vector<16xi32>
      %reduce_max3A_1311 = arith.xori %reduce_max3A_1310, %reduce_max3A_1308 : vector<16xi32>
      %reduce_max3A_1312 = vector.extract %reduce_max3A_1311[15] : i32 from vector<16xi32>
      %max3A_1313 = arith.maxsi %max3A_1298, %reduce_max3A_1312 : i32
      %min3A_1314 = arith.constant 64 : i32
      %min3A_1315 = arith.constant 184 : i32
      %min3A_1316 = arith.minsi %min3A_1314, %min3A_1315 : i32
      %get3A_1317 = arith.index_cast %add3A_1230 : i32 to index
      %get3A_1318 = arith.index_cast %min3A_1316 : i32 to index
      %get3A_1319 = tpu.vector_load %arg6[%get3A_1317, %get3A_1318] {strides = array<i32>} : memref<128x200xi32, #tpu.memory_space<vmem>>, vector<16xi32>,
      %reduce_max3A_1320 = arith.constant true
      %reduce_max3A_1321 = vector.broadcast %reduce_max3A_1320 : i1 to vector<16xi1>
      %reduce_max3A_1322 = arith.constant -2147483648 : i32
      %reduce_max3A_1323 = vector.broadcast %reduce_max3A_1322 : i32 to vector<16xi32>
      %reduce_max3A_1324 = arith.xori %get3A_1319, %reduce_max3A_1323 : vector<16xi32>
      %reduce_max3A_1325 = tpu.scan <max>, %reduce_max3A_1324 masked %reduce_max3A_1321 : vector<16xi32>, vector<16xi1> -> vector<16xi32>
      %reduce_max3A_1326 = arith.xori %reduce_max3A_1325, %reduce_max3A_1323 : vector<16xi32>
      %reduce_max3A_1327 = vector.extract %reduce_max3A_1326[15] : i32 from vector<16xi32>
      %max3A_1328 = arith.maxsi %max3A_1313, %reduce_max3A_1327 : i32
      %min3A_1329 = arith.constant 80 : i32
      %min3A_1330 = arith.constant 184 : i32
      %min3A_1331 = arith.minsi %min3A_1329, %min3A_1330 : i32
      %get3A_1332 = arith.index_cast %add3A_1230 : i32 to index
      %get3A_1333 = arith.index_cast %min3A_1331 : i32 to index
      %get3A_1334 = tpu.vector_load %arg6[%get3A_1332, %get3A_1333] {strides = array<i32>} : memref<128x200xi32, #tpu.memory_space<vmem>>, vector<16xi32>,
      %reduce_max3A_1335 = arith.constant true
      %reduce_max3A_1336 = vector.broadcast %reduce_max3A_1335 : i1 to vector<16xi1>
      %reduce_max3A_1337 = arith.constant -2147483648 : i32
      %reduce_max3A_1338 = vector.broadcast %reduce_max3A_1337 : i32 to vector<16xi32>
      %reduce_max3A_1339 = arith.xori %get3A_1334, %reduce_max3A_1338 : vector<16xi32>
      %reduce_max3A_1340 = tpu.scan <max>, %reduce_max3A_1339 masked %reduce_max3A_1336 : vector<16xi32>, vector<16xi1> -> vector<16xi32>
      %reduce_max3A_1341 = arith.xori %reduce_max3A_1340, %reduce_max3A_1338 : vector<16xi32>
      %reduce_max3A_1342 = vector.extract %reduce_max3A_1341[15] : i32 from vector<16xi32>
      %max3A_1343 = arith.maxsi %max3A_1328, %reduce_max3A_1342 : i32
      %min3A_1344 = arith.constant 96 : i32
      %min3A_1345 = arith.constant 184 : i32
      %min3A_1346 = arith.minsi %min3A_1344, %min3A_1345 : i32
      %get3A_1347 = arith.index_cast %add3A_1230 : i32 to index
      %get3A_1348 = arith.index_cast %min3A_1346 : i32 to index
      %get3A_1349 = tpu.vector_load %arg6[%get3A_1347, %get3A_1348] {strides = array<i32>} : memref<128x200xi32, #tpu.memory_space<vmem>>, vector<16xi32>,
      %reduce_max3A_1350 = arith.constant true
      %reduce_max3A_1351 = vector.broadcast %reduce_max3A_1350 : i1 to vector<16xi1>
      %reduce_max3A_1352 = arith.constant -2147483648 : i32
      %reduce_max3A_1353 = vector.broadcast %reduce_max3A_1352 : i32 to vector<16xi32>
      %reduce_max3A_1354 = arith.xori %get3A_1349, %reduce_max3A_1353 : vector<16xi32>
      %reduce_max3A_1355 = tpu.scan <max>, %reduce_max3A_1354 masked %reduce_max3A_1351 : vector<16xi32>, vector<16xi1> -> vector<16xi32>
      %reduce_max3A_1356 = arith.xori %reduce_max3A_1355, %reduce_max3A_1353 : vector<16xi32>
      %reduce_max3A_1357 = vector.extract %reduce_max3A_1356[15] : i32 from vector<16xi32>
      %max3A_1358 = arith.maxsi %max3A_1343, %reduce_max3A_1357 : i32
      %min3A_1359 = arith.constant 112 : i32
      %min3A_1360 = arith.constant 184 : i32
      %min3A_1361 = arith.minsi %min3A_1359, %min3A_1360 : i32
      %get3A_1362 = arith.index_cast %add3A_1230 : i32 to index
      %get3A_1363 = arith.index_cast %min3A_1361 : i32 to index
      %get3A_1364 = tpu.vector_load %arg6[%get3A_1362, %get3A_1363] {strides = array<i32>} : memref<128x200xi32, #tpu.memory_space<vmem>>, vector<16xi32>,
      %reduce_max3A_1365 = arith.constant true
      %reduce_max3A_1366 = vector.broadcast %reduce_max3A_1365 : i1 to vector<16xi1>
      %reduce_max3A_1367 = arith.constant -2147483648 : i32
      %reduce_max3A_1368 = vector.broadcast %reduce_max3A_1367 : i32 to vector<16xi32>
      %reduce_max3A_1369 = arith.xori %get3A_1364, %reduce_max3A_1368 : vector<16xi32>
      %reduce_max3A_1370 = tpu.scan <max>, %reduce_max3A_1369 masked %reduce_max3A_1366 : vector<16xi32>, vector<16xi1> -> vector<16xi32>
      %reduce_max3A_1371 = arith.xori %reduce_max3A_1370, %reduce_max3A_1368 : vector<16xi32>
      %reduce_max3A_1372 = vector.extract %reduce_max3A_1371[15] : i32 from vector<16xi32>
      %max3A_1373 = arith.maxsi %max3A_1358, %reduce_max3A_1372 : i32
      %min3A_1374 = arith.constant 128 : i32
      %min3A_1375 = arith.constant 184 : i32
      %min3A_1376 = arith.minsi %min3A_1374, %min3A_1375 : i32
      %get3A_1377 = arith.index_cast %add3A_1230 : i32 to index
      %get3A_1378 = arith.index_cast %min3A_1376 : i32 to index
      %get3A_1379 = tpu.vector_load %arg6[%get3A_1377, %get3A_1378] {strides = array<i32>} : memref<128x200xi32, #tpu.memory_space<vmem>>, vector<16xi32>,
      %reduce_max3A_1380 = arith.constant true
      %reduce_max3A_1381 = vector.broadcast %reduce_max3A_1380 : i1 to vector<16xi1>
      %reduce_max3A_1382 = arith.constant -2147483648 : i32
      %reduce_max3A_1383 = vector.broadcast %reduce_max3A_1382 : i32 to vector<16xi32>
      %reduce_max3A_1384 = arith.xori %get3A_1379, %reduce_max3A_1383 : vector<16xi32>
      %reduce_max3A_1385 = tpu.scan <max>, %reduce_max3A_1384 masked %reduce_max3A_1381 : vector<16xi32>, vector<16xi1> -> vector<16xi32>
      %reduce_max3A_1386 = arith.xori %reduce_max3A_1385, %reduce_max3A_1383 : vector<16xi32>
      %reduce_max3A_1387 = vector.extract %reduce_max3A_1386[15] : i32 from vector<16xi32>
      %max3A_1388 = arith.maxsi %max3A_1373, %reduce_max3A_1387 : i32
      %min3A_1389 = arith.constant 144 : i32
      %min3A_1390 = arith.constant 184 : i32
      %min3A_1391 = arith.minsi %min3A_1389, %min3A_1390 : i32
      %get3A_1392 = arith.index_cast %add3A_1230 : i32 to index
      %get3A_1393 = arith.index_cast %min3A_1391 : i32 to index
      %get3A_1394 = tpu.vector_load %arg6[%get3A_1392, %get3A_1393] {strides = array<i32>} : memref<128x200xi32, #tpu.memory_space<vmem>>, vector<16xi32>,
      %reduce_max3A_1395 = arith.constant true
      %reduce_max3A_1396 = vector.broadcast %reduce_max3A_1395 : i1 to vector<16xi1>
      %reduce_max3A_1397 = arith.constant -2147483648 : i32
      %reduce_max3A_1398 = vector.broadcast %reduce_max3A_1397 : i32 to vector<16xi32>
      %reduce_max3A_1399 = arith.xori %get3A_1394, %reduce_max3A_1398 : vector<16xi32>
      %reduce_max3A_1400 = tpu.scan <max>, %reduce_max3A_1399 masked %reduce_max3A_1396 : vector<16xi32>, vector<16xi1> -> vector<16xi32>
      %reduce_max3A_1401 = arith.xori %reduce_max3A_1400, %reduce_max3A_1398 : vector<16xi32>
      %reduce_max3A_1402 = vector.extract %reduce_max3A_1401[15] : i32 from vector<16xi32>
      %max3A_1403 = arith.maxsi %max3A_1388, %reduce_max3A_1402 : i32
      %min3A_1404 = arith.constant 160 : i32
      %min3A_1405 = arith.constant 184 : i32
      %min3A_1406 = arith.minsi %min3A_1404, %min3A_1405 : i32
      %get3A_1407 = arith.index_cast %add3A_1230 : i32 to index
      %get3A_1408 = arith.index_cast %min3A_1406 : i32 to index
      %get3A_1409 = tpu.vector_load %arg6[%get3A_1407, %get3A_1408] {strides = array<i32>} : memref<128x200xi32, #tpu.memory_space<vmem>>, vector<16xi32>,
      %reduce_max3A_1410 = arith.constant true
      %reduce_max3A_1411 = vector.broadcast %reduce_max3A_1410 : i1 to vector<16xi1>
      %reduce_max3A_1412 = arith.constant -2147483648 : i32
      %reduce_max3A_1413 = vector.broadcast %reduce_max3A_1412 : i32 to vector<16xi32>
      %reduce_max3A_1414 = arith.xori %get3A_1409, %reduce_max3A_1413 : vector<16xi32>
      %reduce_max3A_1415 = tpu.scan <max>, %reduce_max3A_1414 masked %reduce_max3A_1411 : vector<16xi32>, vector<16xi1> -> vector<16xi32>
      %reduce_max3A_1416 = arith.xori %reduce_max3A_1415, %reduce_max3A_1413 : vector<16xi32>
      %reduce_max3A_1417 = vector.extract %reduce_max3A_1416[15] : i32 from vector<16xi32>
      %max3A_1418 = arith.maxsi %max3A_1403, %reduce_max3A_1417 : i32
      %min3A_1419 = arith.constant 176 : i32
      %min3A_1420 = arith.constant 184 : i32
      %min3A_1421 = arith.minsi %min3A_1419, %min3A_1420 : i32
      %get3A_1422 = arith.index_cast %add3A_1230 : i32 to index
      %get3A_1423 = arith.index_cast %min3A_1421 : i32 to index
      %get3A_1424 = tpu.vector_load %arg6[%get3A_1422, %get3A_1423] {strides = array<i32>} : memref<128x200xi32, #tpu.memory_space<vmem>>, vector<16xi32>,
      %reduce_max3A_1425 = arith.constant true
      %reduce_max3A_1426 = vector.broadcast %reduce_max3A_1425 : i1 to vector<16xi1>
      %reduce_max3A_1427 = arith.constant -2147483648 : i32
      %reduce_max3A_1428 = vector.broadcast %reduce_max3A_1427 : i32 to vector<16xi32>
      %reduce_max3A_1429 = arith.xori %get3A_1424, %reduce_max3A_1428 : vector<16xi32>
      %reduce_max3A_1430 = tpu.scan <max>, %reduce_max3A_1429 masked %reduce_max3A_1426 : vector<16xi32>, vector<16xi1> -> vector<16xi32>
      %reduce_max3A_1431 = arith.xori %reduce_max3A_1430, %reduce_max3A_1428 : vector<16xi32>
      %reduce_max3A_1432 = vector.extract %reduce_max3A_1431[15] : i32 from vector<16xi32>
      %max3A_1433 = arith.maxsi %max3A_1418, %reduce_max3A_1432 : i32
      %min3A_1434 = arith.constant 192 : i32
      %min3A_1435 = arith.constant 184 : i32
      %min3A_1436 = arith.minsi %min3A_1434, %min3A_1435 : i32
      %get3A_1437 = arith.index_cast %add3A_1230 : i32 to index
      %get3A_1438 = arith.index_cast %min3A_1436 : i32 to index
      %get3A_1439 = tpu.vector_load %arg6[%get3A_1437, %get3A_1438] {strides = array<i32>} : memref<128x200xi32, #tpu.memory_space<vmem>>, vector<16xi32>,
      %reduce_max3A_1440 = arith.constant true
      %reduce_max3A_1441 = vector.broadcast %reduce_max3A_1440 : i1 to vector<16xi1>
      %reduce_max3A_1442 = arith.constant -2147483648 : i32
      %reduce_max3A_1443 = vector.broadcast %reduce_max3A_1442 : i32 to vector<16xi32>
      %reduce_max3A_1444 = arith.xori %get3A_1439, %reduce_max3A_1443 : vector<16xi32>
      %reduce_max3A_1445 = tpu.scan <max>, %reduce_max3A_1444 masked %reduce_max3A_1441 : vector<16xi32>, vector<16xi1> -> vector<16xi32>
      %reduce_max3A_1446 = arith.xori %reduce_max3A_1445, %reduce_max3A_1443 : vector<16xi32>
      %reduce_max3A_1447 = vector.extract %reduce_max3A_1446[15] : i32 from vector<16xi32>
      %max3A_1448 = arith.maxsi %max3A_1433, %reduce_max3A_1447 : i32
      %ge3A_1449 = arith.constant 1000000 : i32
      %ge3A_1450 = arith.cmpi sge, %max3A_1448, %ge3A_1449 : i32
      %convert_element_type3A_1451 = arith.extui %ge3A_1450 : i1 to i32
      %cond3A_1452 = arith.constant 0 : i32
      %cond3A_1453 = arith.cmpi ne, %convert_element_type3A_1451, %cond3A_1452 : i32
      scf.if %cond3A_1453 {
        %scan3A_1723 = arith.constant 0 : i32
        %scan3A_1724 = arith.constant 13 : i32
        %scan3A_1725 = arith.addi %scan3A_1723, %scan3A_1724 : i32
        %scan3A_1726 = arith.constant 1 : i32
        scf.for %scan3A_1728 = %scan3A_1723 to %scan3A_1725 step %scan3A_1726  : i32 {
          %mul3A_1729 = arith.constant 1 : i32
          %mul3A_1730 = arith.muli %scan3A_1728, %mul3A_1729 : i32
          %add3A_1731 = arith.constant 0 : i32
          %add3A_1732 = arith.addi %add3A_1731, %mul3A_1730 : i32
          %mul3A_1733 = arith.constant 16 : i32
          %mul3A_1734 = arith.muli %add3A_1732, %mul3A_1733 : i32
          %min3A_1735 = arith.constant 184 : i32
          %min3A_1736 = arith.minsi %mul3A_1734, %min3A_1735 : i32
          %get3A_1737 = arith.index_cast %add3A_1230 : i32 to index
          %get3A_1738 = arith.index_cast %min3A_1736 : i32 to index
          %get3A_1739 = tpu.vector_load %arg6[%get3A_1737, %get3A_1738] {strides = array<i32>} : memref<128x200xi32, #tpu.memory_space<vmem>>, vector<16xi32>,
          %ge3A_1740 = arith.constant 1000000 : i32
          %ge3A_1741 = vector.broadcast %ge3A_1740 : i32 to vector<16xi32>
          %ge3A_1742 = arith.cmpi sge, %get3A_1739, %ge3A_1741 : vector<16xi32>
          %reduce_max3A_1743 = arith.constant true
          %reduce_max3A_1744 = vector.broadcast %reduce_max3A_1743 : i1 to vector<16xi1>
          %reduce_max3A_1745 = arith.constant -2147483648 : i32
          %reduce_max3A_1746 = vector.broadcast %reduce_max3A_1745 : i32 to vector<16xi32>
          %reduce_max3A_1747 = arith.xori %get3A_1739, %reduce_max3A_1746 : vector<16xi32>
          %reduce_max3A_1748 = tpu.scan <max>, %reduce_max3A_1747 masked %reduce_max3A_1744 : vector<16xi32>, vector<16xi1> -> vector<16xi32>
          %reduce_max3A_1749 = arith.xori %reduce_max3A_1748, %reduce_max3A_1746 : vector<16xi32>
          %reduce_max3A_1750 = vector.extract %reduce_max3A_1749[15] : i32 from vector<16xi32>
          %ge3A_1751 = arith.constant 1000000 : i32
          %ge3A_1752 = arith.cmpi sge, %reduce_max3A_1750, %ge3A_1751 : i32
          %convert_element_type3A_1753 = arith.extui %ge3A_1752 : i1 to i32
          %cond3A_1754 = arith.constant 0 : i32
          %cond3A_1755 = arith.cmpi ne, %convert_element_type3A_1753, %cond3A_1754 : i32
          scf.if %cond3A_1755 {
            %sub3A = arith.constant 1000000 : i32
            %sub3A_1756 = vector.broadcast %sub3A : i32 to vector<16xi32>
            %sub3A_1757 = arith.subi %get3A_1739, %sub3A_1756 : vector<16xi32>
            %jit3A = arith.constant 0 : i32
            %broadcast_in_dim3A_1758 = vector.broadcast %jit3A : i32 to vector<16xi32>
            %select_n3A_1759 = arith.select %ge3A_1742, %sub3A_1757, %broadcast_in_dim3A_1758 : vector<16xi1>, vector<16xi32>
            %dma_start3A_1760 = arith.constant 0 : i32
            %dma_start3A_1761 = arith.constant 0 : i32
            %dma_start3A_1762 = tpu.memref_slice %arg4[%dma_start3A_1760, %dma_start3A_1761] : memref<1000x64xf32, #tpu.memory_space<hbm>> -> memref<1000x64xf32, #tpu.memory_space<hbm>>
            tpu.enqueue_indirect_dma source(%dma_start3A_1762 : memref<1000x64xf32, #tpu.memory_space<hbm>>) target(%arg9 : memref<16x64xf32, #tpu.memory_space<vmem>>) offsets(%select_n3A_1759 : vector<16xi32>) semaphore(%arg12 : memref<!tpu.dma_semaphore, #tpu.memory_space<semaphore_mem>>)
            %dma_wait3A_1763 = arith.constant 0 : i32
            %dma_wait3A_1764 = arith.constant 0 : i32
            %dma_wait3A_1765 = tpu.memref_slice %arg4[%dma_wait3A_1763, %dma_wait3A_1764] : memref<1000x64xf32, #tpu.memory_space<hbm>> -> memref<1000x64xf32, #tpu.memory_space<hbm>>
            tpu.wait_indirect_dma semaphore(%arg12 : memref<!tpu.dma_semaphore, #tpu.memory_space<semaphore_mem>>) src(%dma_wait3A_1765 : memref<1000x64xf32, #tpu.memory_space<hbm>>) dst(%arg9 : memref<16x64xf32, #tpu.memory_space<vmem>>)
            %add3A_1766 = vector.broadcast %min3A_1736 : i32 to vector<16xi32>
            %add3A_1767 = arith.addi %add3A_1766, %iota3A : vector<16xi32>
            %scan3A_1768 = arith.constant 0 : i32
            %scan3A_1769 = arith.constant 64 : i32
            %scan3A_1770 = arith.addi %scan3A_1768, %scan3A_1769 : i32
            %scan3A_1771 = arith.constant 1 : i32
            scf.for %scan3A_1773 = %scan3A_1768 to %scan3A_1770 step %scan3A_1771  : i32 {
              %mul3A_1774 = arith.constant 1 : i32
              %mul3A_1775 = arith.muli %scan3A_1773, %mul3A_1774 : i32
              %add3A_1776 = arith.constant 0 : i32
              %add3A_1777 = arith.addi %add3A_1776, %mul3A_1775 : i32
              %broadcast_in_dim3A_1778 = vector.broadcast %add3A_1777 : i32 to vector<16xi32>
              %gather3A = tpu.vector_load_idx %arg9[%iota3A, %broadcast_in_dim3A_1778] masked %ge3A_1742 : memref<16x64xf32, #tpu.memory_space<vmem>>[vector<16xi32>, vector<16xi32>], vector<16xf32>, vector<16xi1>
              %scatter3A = arith.constant 2 : i32
              %scatter3A_1779 = arith.constant 0 : i32
              %scatter3A_1780 = arith.constant 0 : i32
              %scatter3A_1781 = tpu.memref_slice %arg8[%scatter3A, %scatter3A_1779, %scatter3A_1780] : memref<4x200x64xf32, #tpu.memory_space<vmem>> -> memref<1x200x64xf32, #tpu.memory_space<vmem>>
              %scatter3A_1782 = tpu.memref_squeeze %scatter3A_1781 : memref<1x200x64xf32, #tpu.memory_space<vmem>> -> memref<200x64xf32, #tpu.memory_space<vmem>>
              tpu.vector_store_idx %scatter3A_1782[%add3A_1767, %broadcast_in_dim3A_1778], %gather3A masked %ge3A_1742 : memref<200x64xf32, #tpu.memory_space<vmem>>[vector<16xi32>, vector<16xi32>], vector<16xf32>, vector<16xi1>
            }
            %scan3A_1772 = arith.constant 64 : i32
          } else {
          }
        }
        %scan3A_1727 = arith.constant 13 : i32
      } else {
      }
      %add3A_1454 = arith.addi %mul3A_2, %add3A_1230 : i32
      %dma_start3A_1455 = arith.constant 2 : i32
      %dma_start3A_1456 = arith.constant 2 : i32
      %dma_start3A_1457 = arith.constant 0 : i32
      %dma_start3A_1458 = arith.constant 0 : i32
      %dma_start3A_1459 = tpu.memref_slice %arg8[%dma_start3A_1455, %dma_start3A_1457, %dma_start3A_1458] : memref<4x200x64xf32, #tpu.memory_space<vmem>> -> memref<1x200x64xf32, #tpu.memory_space<vmem>>
      %dma_start3A_1460 = tpu.memref_squeeze %dma_start3A_1459 : memref<1x200x64xf32, #tpu.memory_space<vmem>> -> memref<200x64xf32, #tpu.memory_space<vmem>>
      %dma_start3A_1461 = arith.constant 0 : i32
      %dma_start3A_1462 = arith.constant 0 : i32
      %dma_start3A_1463 = tpu.memref_slice %arg5[%add3A_1454, %dma_start3A_1461, %dma_start3A_1462] : memref<4096x200x64xf32, #tpu.memory_space<hbm>> -> memref<1x200x64xf32, #tpu.memory_space<hbm>>
      %dma_start3A_1464 = tpu.memref_squeeze %dma_start3A_1463 : memref<1x200x64xf32, #tpu.memory_space<hbm>> -> memref<200x64xf32, #tpu.memory_space<hbm>>
      %dma_start3A_1465 = tpu.memref_slice %arg11[%dma_start3A_1456] : memref<4x!tpu.dma_semaphore, #tpu.memory_space<semaphore_mem>> -> memref<1x!tpu.dma_semaphore, #tpu.memory_space<semaphore_mem>>
      %dma_start3A_1466 = tpu.memref_squeeze %dma_start3A_1465 : memref<1x!tpu.dma_semaphore, #tpu.memory_space<semaphore_mem>> -> memref<!tpu.dma_semaphore, #tpu.memory_space<semaphore_mem>>
      %dma_start3A_1467 = arith.constant 0 : i32
      %dma_start3A_1468 = arith.constant 0 : i32
      %dma_start3A_1469 = tpu.memref_slice %arg5[%add3A_1454, %dma_start3A_1467, %dma_start3A_1468] : memref<4096x200x64xf32, #tpu.memory_space<hbm>> -> memref<1x200x64xf32, #tpu.memory_space<hbm>>
      %dma_start3A_1470 = tpu.memref_squeeze %dma_start3A_1469 : memref<1x200x64xf32, #tpu.memory_space<hbm>> -> memref<200x64xf32, #tpu.memory_space<hbm>>
      %dma_start3A_1471 = arith.constant 0 : i32
      %dma_start3A_1472 = arith.constant 0 : i32
      %dma_start3A_1473 = tpu.memref_slice %arg8[%dma_start3A_1455, %dma_start3A_1471, %dma_start3A_1472] : memref<4x200x64xf32, #tpu.memory_space<vmem>> -> memref<1x200x64xf32, #tpu.memory_space<vmem>>
      %dma_start3A_1474 = tpu.memref_squeeze %dma_start3A_1473 : memref<1x200x64xf32, #tpu.memory_space<vmem>> -> memref<200x64xf32, #tpu.memory_space<vmem>>
      tpu.enqueue_dma source(%dma_start3A_1474 : memref<200x64xf32, #tpu.memory_space<vmem>>) target(%dma_start3A_1470 : memref<200x64xf32, #tpu.memory_space<hbm>>) target_semaphore(%dma_start3A_1466 : memref<!tpu.dma_semaphore, #tpu.memory_space<semaphore_mem>>)
      %mul3A_1475 = arith.constant 4 : i32
      %mul3A_1476 = arith.muli %add3A_733, %mul3A_1475 : i32
      %add3A_1477 = arith.constant 3 : i32
      %add3A_1478 = arith.addi %mul3A_1476, %add3A_1477 : i32
      %add3A_1479 = arith.constant 2 : i32
      %add3A_1480 = arith.addi %add3A_1478, %add3A_1479 : i32
      %lt3A_1481 = arith.constant 128 : i32
      %lt3A_1482 = arith.cmpi slt, %add3A_1480, %lt3A_1481 : i32
      %convert_element_type3A_1483 = arith.extui %lt3A_1482 : i1 to i32
      %cond3A_1484 = arith.constant 0 : i32
      %cond3A_1485 = arith.cmpi ne, %convert_element_type3A_1483, %cond3A_1484 : i32
      scf.if %cond3A_1485 {
        %ge3A_1723 = arith.constant 4 : i32
        %ge3A_1724 = arith.cmpi sge, %add3A_1480, %ge3A_1723 : i32
        %convert_element_type3A_1725 = arith.extui %ge3A_1724 : i1 to i32
        %cond3A_1726 = arith.constant 0 : i32
        %cond3A_1727 = arith.cmpi ne, %convert_element_type3A_1725, %cond3A_1726 : i32
        scf.if %cond3A_1727 {
          %dma_wait3A_2026 = arith.constant 1 : i32
          %dma_wait3A_2027 = arith.constant 0 : i32
          %dma_wait3A_2028 = arith.constant 1 : i32
          %dma_wait3A_2029 = arith.constant 0 : i32
          %dma_wait3A_2030 = arith.constant 0 : i32
          %dma_wait3A_2031 = tpu.memref_slice %arg8[%dma_wait3A_2026, %dma_wait3A_2029, %dma_wait3A_2030] : memref<4x200x64xf32, #tpu.memory_space<vmem>> -> memref<1x200x64xf32, #tpu.memory_space<vmem>>
          %dma_wait3A_2032 = tpu.memref_squeeze %dma_wait3A_2031 : memref<1x200x64xf32, #tpu.memory_space<vmem>> -> memref<200x64xf32, #tpu.memory_space<vmem>>
          %dma_wait3A_2033 = arith.constant 0 : i32
          %dma_wait3A_2034 = arith.constant 0 : i32
          %dma_wait3A_2035 = tpu.memref_slice %arg5[%dma_wait3A_2027, %dma_wait3A_2033, %dma_wait3A_2034] : memref<4096x200x64xf32, #tpu.memory_space<hbm>> -> memref<1x200x64xf32, #tpu.memory_space<hbm>>
          %dma_wait3A_2036 = tpu.memref_squeeze %dma_wait3A_2035 : memref<1x200x64xf32, #tpu.memory_space<hbm>> -> memref<200x64xf32, #tpu.memory_space<hbm>>
          %dma_wait3A_2037 = tpu.memref_slice %arg11[%dma_wait3A_2028] : memref<4x!tpu.dma_semaphore, #tpu.memory_space<semaphore_mem>> -> memref<1x!tpu.dma_semaphore, #tpu.memory_space<semaphore_mem>>
          %dma_wait3A_2038 = tpu.memref_squeeze %dma_wait3A_2037 : memref<1x!tpu.dma_semaphore, #tpu.memory_space<semaphore_mem>> -> memref<!tpu.dma_semaphore, #tpu.memory_space<semaphore_mem>>
          %dma_wait3A_2039 = arith.constant 0 : i32
          %dma_wait3A_2040 = arith.constant 0 : i32
          %dma_wait3A_2041 = tpu.memref_slice %arg5[%dma_wait3A_2027, %dma_wait3A_2039, %dma_wait3A_2040] : memref<4096x200x64xf32, #tpu.memory_space<hbm>> -> memref<1x200x64xf32, #tpu.memory_space<hbm>>
          %dma_wait3A_2042 = tpu.memref_squeeze %dma_wait3A_2041 : memref<1x200x64xf32, #tpu.memory_space<hbm>> -> memref<200x64xf32, #tpu.memory_space<hbm>>
          %dma_wait3A_2043 = arith.constant 0 : i32
          %dma_wait3A_2044 = arith.constant 0 : i32
          %dma_wait3A_2045 = tpu.memref_slice %arg8[%dma_wait3A_2026, %dma_wait3A_2043, %dma_wait3A_2044] : memref<4x200x64xf32, #tpu.memory_space<vmem>> -> memref<1x200x64xf32, #tpu.memory_space<vmem>>
          %dma_wait3A_2046 = tpu.memref_squeeze %dma_wait3A_2045 : memref<1x200x64xf32, #tpu.memory_space<vmem>> -> memref<200x64xf32, #tpu.memory_space<vmem>>
          tpu.wait_dma2 semaphore(%dma_wait3A_2038 : memref<!tpu.dma_semaphore, #tpu.memory_space<semaphore_mem>>) src(%dma_wait3A_2046 : memref<200x64xf32, #tpu.memory_space<vmem>>) dst(%dma_wait3A_2042 : memref<200x64xf32, #tpu.memory_space<hbm>>)
        } else {
        }
        %broadcast_in_dim3A_1728 = arith.constant 0 : i32
        %broadcast_in_dim3A_1729 = vector.broadcast %broadcast_in_dim3A_1728 : i32 to vector<16xi32>
        %min3A_1730 = arith.constant 0 : i32
        %min3A_1731 = arith.constant 184 : i32
        %min3A_1732 = arith.minsi %min3A_1730, %min3A_1731 : i32
        %get3A_1733 = arith.index_cast %add3A_1480 : i32 to index
        %get3A_1734 = arith.index_cast %min3A_1732 : i32 to index
        %get3A_1735 = tpu.vector_load %arg6[%get3A_1733, %get3A_1734] {strides = array<i32>} : memref<128x200xi32, #tpu.memory_space<vmem>>, vector<16xi32>,
        %max3A_1736 = arith.maxsi %broadcast_in_dim3A_1729, %get3A_1735 : vector<16xi32>
        %add3A_1737 = arith.addi %mul3A_2, %add3A_1480 : i32
        %mul3A_1738 = arith.constant 200 : i32
        %mul3A_1739 = arith.muli %add3A_1737, %mul3A_1738 : i32
        %add3A_1740 = arith.addi %mul3A_1739, %min3A_1732 : i32
        %add3A_1741 = vector.broadcast %add3A_1740 : i32 to vector<16xi32>
        %add3A_1742 = arith.addi %add3A_1741, %iota3A : vector<16xi32>
        %ge3A_1743 = arith.constant 1000000 : i32
        %ge3A_1744 = vector.broadcast %ge3A_1743 : i32 to vector<16xi32>
        %ge3A_1745 = arith.cmpi sge, %get3A_1735, %ge3A_1744 : vector<16xi32>
        %select_n3A_1746 = arith.select %ge3A_1745, %add3A_1742, %get3A_1735 : vector<16xi1>, vector<16xi32>
        %swap3A_1747 = arith.constant 1 : i32
        %swap3A_1748 = arith.index_cast %swap3A_1747 : i32 to index
        %swap3A_1749 = arith.index_cast %min3A_1732 : i32 to index
        %swap3A_1750 = tpu.vector_load %arg7[%swap3A_1748, %swap3A_1749] {strides = array<i32>} : memref<4x200xi32, #tpu.memory_space<vmem>>, vector<16xi32>,
        tpu.vector_store %arg7[%swap3A_1748, %swap3A_1749], %select_n3A_1746 {strides = array<i32>} : memref<4x200xi32, #tpu.memory_space<vmem>>, vector<16xi32>,
        %min3A_1751 = arith.constant 16 : i32
        %min3A_1752 = arith.constant 184 : i32
        %min3A_1753 = arith.minsi %min3A_1751, %min3A_1752 : i32
        %get3A_1754 = arith.index_cast %add3A_1480 : i32 to index
        %get3A_1755 = arith.index_cast %min3A_1753 : i32 to index
        %get3A_1756 = tpu.vector_load %arg6[%get3A_1754, %get3A_1755] {strides = array<i32>} : memref<128x200xi32, #tpu.memory_space<vmem>>, vector<16xi32>,
        %max3A_1757 = arith.maxsi %max3A_1736, %get3A_1756 : vector<16xi32>
        %add3A_1758 = arith.addi %mul3A_2, %add3A_1480 : i32
        %mul3A_1759 = arith.constant 200 : i32
        %mul3A_1760 = arith.muli %add3A_1758, %mul3A_1759 : i32
        %add3A_1761 = arith.addi %mul3A_1760, %min3A_1753 : i32
        %add3A_1762 = vector.broadcast %add3A_1761 : i32 to vector<16xi32>
        %add3A_1763 = arith.addi %add3A_1762, %iota3A : vector<16xi32>
        %ge3A_1764 = arith.constant 1000000 : i32
        %ge3A_1765 = vector.broadcast %ge3A_1764 : i32 to vector<16xi32>
        %ge3A_1766 = arith.cmpi sge, %get3A_1756, %ge3A_1765 : vector<16xi32>
        %select_n3A_1767 = arith.select %ge3A_1766, %add3A_1763, %get3A_1756 : vector<16xi1>, vector<16xi32>
        %swap3A_1768 = arith.constant 1 : i32
        %swap3A_1769 = arith.index_cast %swap3A_1768 : i32 to index
        %swap3A_1770 = arith.index_cast %min3A_1753 : i32 to index
        %swap3A_1771 = tpu.vector_load %arg7[%swap3A_1769, %swap3A_1770] {strides = array<i32>} : memref<4x200xi32, #tpu.memory_space<vmem>>, vector<16xi32>,
        tpu.vector_store %arg7[%swap3A_1769, %swap3A_1770], %select_n3A_1767 {strides = array<i32>} : memref<4x200xi32, #tpu.memory_space<vmem>>, vector<16xi32>,
        %min3A_1772 = arith.constant 32 : i32
        %min3A_1773 = arith.constant 184 : i32
        %min3A_1774 = arith.minsi %min3A_1772, %min3A_1773 : i32
        %get3A_1775 = arith.index_cast %add3A_1480 : i32 to index
        %get3A_1776 = arith.index_cast %min3A_1774 : i32 to index
        %get3A_1777 = tpu.vector_load %arg6[%get3A_1775, %get3A_1776] {strides = array<i32>} : memref<128x200xi32, #tpu.memory_space<vmem>>, vector<16xi32>,
        %max3A_1778 = arith.maxsi %max3A_1757, %get3A_1777 : vector<16xi32>
        %add3A_1779 = arith.addi %mul3A_2, %add3A_1480 : i32
        %mul3A_1780 = arith.constant 200 : i32
        %mul3A_1781 = arith.muli %add3A_1779, %mul3A_1780 : i32
        %add3A_1782 = arith.addi %mul3A_1781, %min3A_1774 : i32
        %add3A_1783 = vector.broadcast %add3A_1782 : i32 to vector<16xi32>
        %add3A_1784 = arith.addi %add3A_1783, %iota3A : vector<16xi32>
        %ge3A_1785 = arith.constant 1000000 : i32
        %ge3A_1786 = vector.broadcast %ge3A_1785 : i32 to vector<16xi32>
        %ge3A_1787 = arith.cmpi sge, %get3A_1777, %ge3A_1786 : vector<16xi32>
        %select_n3A_1788 = arith.select %ge3A_1787, %add3A_1784, %get3A_1777 : vector<16xi1>, vector<16xi32>
        %swap3A_1789 = arith.constant 1 : i32
        %swap3A_1790 = arith.index_cast %swap3A_1789 : i32 to index
        %swap3A_1791 = arith.index_cast %min3A_1774 : i32 to index
        %swap3A_1792 = tpu.vector_load %arg7[%swap3A_1790, %swap3A_1791] {strides = array<i32>} : memref<4x200xi32, #tpu.memory_space<vmem>>, vector<16xi32>,
        tpu.vector_store %arg7[%swap3A_1790, %swap3A_1791], %select_n3A_1788 {strides = array<i32>} : memref<4x200xi32, #tpu.memory_space<vmem>>, vector<16xi32>,
        %min3A_1793 = arith.constant 48 : i32
        %min3A_1794 = arith.constant 184 : i32
        %min3A_1795 = arith.minsi %min3A_1793, %min3A_1794 : i32
        %get3A_1796 = arith.index_cast %add3A_1480 : i32 to index
        %get3A_1797 = arith.index_cast %min3A_1795 : i32 to index
        %get3A_1798 = tpu.vector_load %arg6[%get3A_1796, %get3A_1797] {strides = array<i32>} : memref<128x200xi32, #tpu.memory_space<vmem>>, vector<16xi32>,
        %max3A_1799 = arith.maxsi %max3A_1778, %get3A_1798 : vector<16xi32>
        %add3A_1800 = arith.addi %mul3A_2, %add3A_1480 : i32
        %mul3A_1801 = arith.constant 200 : i32
        %mul3A_1802 = arith.muli %add3A_1800, %mul3A_1801 : i32
        %add3A_1803 = arith.addi %mul3A_1802, %min3A_1795 : i32
        %add3A_1804 = vector.broadcast %add3A_1803 : i32 to vector<16xi32>
        %add3A_1805 = arith.addi %add3A_1804, %iota3A : vector<16xi32>
        %ge3A_1806 = arith.constant 1000000 : i32
        %ge3A_1807 = vector.broadcast %ge3A_1806 : i32 to vector<16xi32>
        %ge3A_1808 = arith.cmpi sge, %get3A_1798, %ge3A_1807 : vector<16xi32>
        %select_n3A_1809 = arith.select %ge3A_1808, %add3A_1805, %get3A_1798 : vector<16xi1>, vector<16xi32>
        %swap3A_1810 = arith.constant 1 : i32
        %swap3A_1811 = arith.index_cast %swap3A_1810 : i32 to index
        %swap3A_1812 = arith.index_cast %min3A_1795 : i32 to index
        %swap3A_1813 = tpu.vector_load %arg7[%swap3A_1811, %swap3A_1812] {strides = array<i32>} : memref<4x200xi32, #tpu.memory_space<vmem>>, vector<16xi32>,
        tpu.vector_store %arg7[%swap3A_1811, %swap3A_1812], %select_n3A_1809 {strides = array<i32>} : memref<4x200xi32, #tpu.memory_space<vmem>>, vector<16xi32>,
        %min3A_1814 = arith.constant 64 : i32
        %min3A_1815 = arith.constant 184 : i32
        %min3A_1816 = arith.minsi %min3A_1814, %min3A_1815 : i32
        %get3A_1817 = arith.index_cast %add3A_1480 : i32 to index
        %get3A_1818 = arith.index_cast %min3A_1816 : i32 to index
        %get3A_1819 = tpu.vector_load %arg6[%get3A_1817, %get3A_1818] {strides = array<i32>} : memref<128x200xi32, #tpu.memory_space<vmem>>, vector<16xi32>,
        %max3A_1820 = arith.maxsi %max3A_1799, %get3A_1819 : vector<16xi32>
        %add3A_1821 = arith.addi %mul3A_2, %add3A_1480 : i32
        %mul3A_1822 = arith.constant 200 : i32
        %mul3A_1823 = arith.muli %add3A_1821, %mul3A_1822 : i32
        %add3A_1824 = arith.addi %mul3A_1823, %min3A_1816 : i32
        %add3A_1825 = vector.broadcast %add3A_1824 : i32 to vector<16xi32>
        %add3A_1826 = arith.addi %add3A_1825, %iota3A : vector<16xi32>
        %ge3A_1827 = arith.constant 1000000 : i32
        %ge3A_1828 = vector.broadcast %ge3A_1827 : i32 to vector<16xi32>
        %ge3A_1829 = arith.cmpi sge, %get3A_1819, %ge3A_1828 : vector<16xi32>
        %select_n3A_1830 = arith.select %ge3A_1829, %add3A_1826, %get3A_1819 : vector<16xi1>, vector<16xi32>
        %swap3A_1831 = arith.constant 1 : i32
        %swap3A_1832 = arith.index_cast %swap3A_1831 : i32 to index
        %swap3A_1833 = arith.index_cast %min3A_1816 : i32 to index
        %swap3A_1834 = tpu.vector_load %arg7[%swap3A_1832, %swap3A_1833] {strides = array<i32>} : memref<4x200xi32, #tpu.memory_space<vmem>>, vector<16xi32>,
        tpu.vector_store %arg7[%swap3A_1832, %swap3A_1833], %select_n3A_1830 {strides = array<i32>} : memref<4x200xi32, #tpu.memory_space<vmem>>, vector<16xi32>,
        %min3A_1835 = arith.constant 80 : i32
        %min3A_1836 = arith.constant 184 : i32
        %min3A_1837 = arith.minsi %min3A_1835, %min3A_1836 : i32
        %get3A_1838 = arith.index_cast %add3A_1480 : i32 to index
        %get3A_1839 = arith.index_cast %min3A_1837 : i32 to index
        %get3A_1840 = tpu.vector_load %arg6[%get3A_1838, %get3A_1839] {strides = array<i32>} : memref<128x200xi32, #tpu.memory_space<vmem>>, vector<16xi32>,
        %max3A_1841 = arith.maxsi %max3A_1820, %get3A_1840 : vector<16xi32>
        %add3A_1842 = arith.addi %mul3A_2, %add3A_1480 : i32
        %mul3A_1843 = arith.constant 200 : i32
        %mul3A_1844 = arith.muli %add3A_1842, %mul3A_1843 : i32
        %add3A_1845 = arith.addi %mul3A_1844, %min3A_1837 : i32
        %add3A_1846 = vector.broadcast %add3A_1845 : i32 to vector<16xi32>
        %add3A_1847 = arith.addi %add3A_1846, %iota3A : vector<16xi32>
        %ge3A_1848 = arith.constant 1000000 : i32
        %ge3A_1849 = vector.broadcast %ge3A_1848 : i32 to vector<16xi32>
        %ge3A_1850 = arith.cmpi sge, %get3A_1840, %ge3A_1849 : vector<16xi32>
        %select_n3A_1851 = arith.select %ge3A_1850, %add3A_1847, %get3A_1840 : vector<16xi1>, vector<16xi32>
        %swap3A_1852 = arith.constant 1 : i32
        %swap3A_1853 = arith.index_cast %swap3A_1852 : i32 to index
        %swap3A_1854 = arith.index_cast %min3A_1837 : i32 to index
        %swap3A_1855 = tpu.vector_load %arg7[%swap3A_1853, %swap3A_1854] {strides = array<i32>} : memref<4x200xi32, #tpu.memory_space<vmem>>, vector<16xi32>,
        tpu.vector_store %arg7[%swap3A_1853, %swap3A_1854], %select_n3A_1851 {strides = array<i32>} : memref<4x200xi32, #tpu.memory_space<vmem>>, vector<16xi32>,
        %min3A_1856 = arith.constant 96 : i32
        %min3A_1857 = arith.constant 184 : i32
        %min3A_1858 = arith.minsi %min3A_1856, %min3A_1857 : i32
        %get3A_1859 = arith.index_cast %add3A_1480 : i32 to index
        %get3A_1860 = arith.index_cast %min3A_1858 : i32 to index
        %get3A_1861 = tpu.vector_load %arg6[%get3A_1859, %get3A_1860] {strides = array<i32>} : memref<128x200xi32, #tpu.memory_space<vmem>>, vector<16xi32>,
        %max3A_1862 = arith.maxsi %max3A_1841, %get3A_1861 : vector<16xi32>
        %add3A_1863 = arith.addi %mul3A_2, %add3A_1480 : i32
        %mul3A_1864 = arith.constant 200 : i32
        %mul3A_1865 = arith.muli %add3A_1863, %mul3A_1864 : i32
        %add3A_1866 = arith.addi %mul3A_1865, %min3A_1858 : i32
        %add3A_1867 = vector.broadcast %add3A_1866 : i32 to vector<16xi32>
        %add3A_1868 = arith.addi %add3A_1867, %iota3A : vector<16xi32>
        %ge3A_1869 = arith.constant 1000000 : i32
        %ge3A_1870 = vector.broadcast %ge3A_1869 : i32 to vector<16xi32>
        %ge3A_1871 = arith.cmpi sge, %get3A_1861, %ge3A_1870 : vector<16xi32>
        %select_n3A_1872 = arith.select %ge3A_1871, %add3A_1868, %get3A_1861 : vector<16xi1>, vector<16xi32>
        %swap3A_1873 = arith.constant 1 : i32
        %swap3A_1874 = arith.index_cast %swap3A_1873 : i32 to index
        %swap3A_1875 = arith.index_cast %min3A_1858 : i32 to index
        %swap3A_1876 = tpu.vector_load %arg7[%swap3A_1874, %swap3A_1875] {strides = array<i32>} : memref<4x200xi32, #tpu.memory_space<vmem>>, vector<16xi32>,
        tpu.vector_store %arg7[%swap3A_1874, %swap3A_1875], %select_n3A_1872 {strides = array<i32>} : memref<4x200xi32, #tpu.memory_space<vmem>>, vector<16xi32>,
        %min3A_1877 = arith.constant 112 : i32
        %min3A_1878 = arith.constant 184 : i32
        %min3A_1879 = arith.minsi %min3A_1877, %min3A_1878 : i32
        %get3A_1880 = arith.index_cast %add3A_1480 : i32 to index
        %get3A_1881 = arith.index_cast %min3A_1879 : i32 to index
        %get3A_1882 = tpu.vector_load %arg6[%get3A_1880, %get3A_1881] {strides = array<i32>} : memref<128x200xi32, #tpu.memory_space<vmem>>, vector<16xi32>,
        %max3A_1883 = arith.maxsi %max3A_1862, %get3A_1882 : vector<16xi32>
        %add3A_1884 = arith.addi %mul3A_2, %add3A_1480 : i32
        %mul3A_1885 = arith.constant 200 : i32
        %mul3A_1886 = arith.muli %add3A_1884, %mul3A_1885 : i32
        %add3A_1887 = arith.addi %mul3A_1886, %min3A_1879 : i32
        %add3A_1888 = vector.broadcast %add3A_1887 : i32 to vector<16xi32>
        %add3A_1889 = arith.addi %add3A_1888, %iota3A : vector<16xi32>
        %ge3A_1890 = arith.constant 1000000 : i32
        %ge3A_1891 = vector.broadcast %ge3A_1890 : i32 to vector<16xi32>
        %ge3A_1892 = arith.cmpi sge, %get3A_1882, %ge3A_1891 : vector<16xi32>
        %select_n3A_1893 = arith.select %ge3A_1892, %add3A_1889, %get3A_1882 : vector<16xi1>, vector<16xi32>
        %swap3A_1894 = arith.constant 1 : i32
        %swap3A_1895 = arith.index_cast %swap3A_1894 : i32 to index
        %swap3A_1896 = arith.index_cast %min3A_1879 : i32 to index
        %swap3A_1897 = tpu.vector_load %arg7[%swap3A_1895, %swap3A_1896] {strides = array<i32>} : memref<4x200xi32, #tpu.memory_space<vmem>>, vector<16xi32>,
        tpu.vector_store %arg7[%swap3A_1895, %swap3A_1896], %select_n3A_1893 {strides = array<i32>} : memref<4x200xi32, #tpu.memory_space<vmem>>, vector<16xi32>,
        %min3A_1898 = arith.constant 128 : i32
        %min3A_1899 = arith.constant 184 : i32
        %min3A_1900 = arith.minsi %min3A_1898, %min3A_1899 : i32
        %get3A_1901 = arith.index_cast %add3A_1480 : i32 to index
        %get3A_1902 = arith.index_cast %min3A_1900 : i32 to index
        %get3A_1903 = tpu.vector_load %arg6[%get3A_1901, %get3A_1902] {strides = array<i32>} : memref<128x200xi32, #tpu.memory_space<vmem>>, vector<16xi32>,
        %max3A_1904 = arith.maxsi %max3A_1883, %get3A_1903 : vector<16xi32>
        %add3A_1905 = arith.addi %mul3A_2, %add3A_1480 : i32
        %mul3A_1906 = arith.constant 200 : i32
        %mul3A_1907 = arith.muli %add3A_1905, %mul3A_1906 : i32
        %add3A_1908 = arith.addi %mul3A_1907, %min3A_1900 : i32
        %add3A_1909 = vector.broadcast %add3A_1908 : i32 to vector<16xi32>
        %add3A_1910 = arith.addi %add3A_1909, %iota3A : vector<16xi32>
        %ge3A_1911 = arith.constant 1000000 : i32
        %ge3A_1912 = vector.broadcast %ge3A_1911 : i32 to vector<16xi32>
        %ge3A_1913 = arith.cmpi sge, %get3A_1903, %ge3A_1912 : vector<16xi32>
        %select_n3A_1914 = arith.select %ge3A_1913, %add3A_1910, %get3A_1903 : vector<16xi1>, vector<16xi32>
        %swap3A_1915 = arith.constant 1 : i32
        %swap3A_1916 = arith.index_cast %swap3A_1915 : i32 to index
        %swap3A_1917 = arith.index_cast %min3A_1900 : i32 to index
        %swap3A_1918 = tpu.vector_load %arg7[%swap3A_1916, %swap3A_1917] {strides = array<i32>} : memref<4x200xi32, #tpu.memory_space<vmem>>, vector<16xi32>,
        tpu.vector_store %arg7[%swap3A_1916, %swap3A_1917], %select_n3A_1914 {strides = array<i32>} : memref<4x200xi32, #tpu.memory_space<vmem>>, vector<16xi32>,
        %min3A_1919 = arith.constant 144 : i32
        %min3A_1920 = arith.constant 184 : i32
        %min3A_1921 = arith.minsi %min3A_1919, %min3A_1920 : i32
        %get3A_1922 = arith.index_cast %add3A_1480 : i32 to index
        %get3A_1923 = arith.index_cast %min3A_1921 : i32 to index
        %get3A_1924 = tpu.vector_load %arg6[%get3A_1922, %get3A_1923] {strides = array<i32>} : memref<128x200xi32, #tpu.memory_space<vmem>>, vector<16xi32>,
        %max3A_1925 = arith.maxsi %max3A_1904, %get3A_1924 : vector<16xi32>
        %add3A_1926 = arith.addi %mul3A_2, %add3A_1480 : i32
        %mul3A_1927 = arith.constant 200 : i32
        %mul3A_1928 = arith.muli %add3A_1926, %mul3A_1927 : i32
        %add3A_1929 = arith.addi %mul3A_1928, %min3A_1921 : i32
        %add3A_1930 = vector.broadcast %add3A_1929 : i32 to vector<16xi32>
        %add3A_1931 = arith.addi %add3A_1930, %iota3A : vector<16xi32>
        %ge3A_1932 = arith.constant 1000000 : i32
        %ge3A_1933 = vector.broadcast %ge3A_1932 : i32 to vector<16xi32>
        %ge3A_1934 = arith.cmpi sge, %get3A_1924, %ge3A_1933 : vector<16xi32>
        %select_n3A_1935 = arith.select %ge3A_1934, %add3A_1931, %get3A_1924 : vector<16xi1>, vector<16xi32>
        %swap3A_1936 = arith.constant 1 : i32
        %swap3A_1937 = arith.index_cast %swap3A_1936 : i32 to index
        %swap3A_1938 = arith.index_cast %min3A_1921 : i32 to index
        %swap3A_1939 = tpu.vector_load %arg7[%swap3A_1937, %swap3A_1938] {strides = array<i32>} : memref<4x200xi32, #tpu.memory_space<vmem>>, vector<16xi32>,
        tpu.vector_store %arg7[%swap3A_1937, %swap3A_1938], %select_n3A_1935 {strides = array<i32>} : memref<4x200xi32, #tpu.memory_space<vmem>>, vector<16xi32>,
        %min3A_1940 = arith.constant 160 : i32
        %min3A_1941 = arith.constant 184 : i32
        %min3A_1942 = arith.minsi %min3A_1940, %min3A_1941 : i32
        %get3A_1943 = arith.index_cast %add3A_1480 : i32 to index
        %get3A_1944 = arith.index_cast %min3A_1942 : i32 to index
        %get3A_1945 = tpu.vector_load %arg6[%get3A_1943, %get3A_1944] {strides = array<i32>} : memref<128x200xi32, #tpu.memory_space<vmem>>, vector<16xi32>,
        %max3A_1946 = arith.maxsi %max3A_1925, %get3A_1945 : vector<16xi32>
        %add3A_1947 = arith.addi %mul3A_2, %add3A_1480 : i32
        %mul3A_1948 = arith.constant 200 : i32
        %mul3A_1949 = arith.muli %add3A_1947, %mul3A_1948 : i32
        %add3A_1950 = arith.addi %mul3A_1949, %min3A_1942 : i32
        %add3A_1951 = vector.broadcast %add3A_1950 : i32 to vector<16xi32>
        %add3A_1952 = arith.addi %add3A_1951, %iota3A : vector<16xi32>
        %ge3A_1953 = arith.constant 1000000 : i32
        %ge3A_1954 = vector.broadcast %ge3A_1953 : i32 to vector<16xi32>
        %ge3A_1955 = arith.cmpi sge, %get3A_1945, %ge3A_1954 : vector<16xi32>
        %select_n3A_1956 = arith.select %ge3A_1955, %add3A_1952, %get3A_1945 : vector<16xi1>, vector<16xi32>
        %swap3A_1957 = arith.constant 1 : i32
        %swap3A_1958 = arith.index_cast %swap3A_1957 : i32 to index
        %swap3A_1959 = arith.index_cast %min3A_1942 : i32 to index
        %swap3A_1960 = tpu.vector_load %arg7[%swap3A_1958, %swap3A_1959] {strides = array<i32>} : memref<4x200xi32, #tpu.memory_space<vmem>>, vector<16xi32>,
        tpu.vector_store %arg7[%swap3A_1958, %swap3A_1959], %select_n3A_1956 {strides = array<i32>} : memref<4x200xi32, #tpu.memory_space<vmem>>, vector<16xi32>,
        %min3A_1961 = arith.constant 176 : i32
        %min3A_1962 = arith.constant 184 : i32
        %min3A_1963 = arith.minsi %min3A_1961, %min3A_1962 : i32
        %get3A_1964 = arith.index_cast %add3A_1480 : i32 to index
        %get3A_1965 = arith.index_cast %min3A_1963 : i32 to index
        %get3A_1966 = tpu.vector_load %arg6[%get3A_1964, %get3A_1965] {strides = array<i32>} : memref<128x200xi32, #tpu.memory_space<vmem>>, vector<16xi32>,
        %max3A_1967 = arith.maxsi %max3A_1946, %get3A_1966 : vector<16xi32>
        %add3A_1968 = arith.addi %mul3A_2, %add3A_1480 : i32
        %mul3A_1969 = arith.constant 200 : i32
        %mul3A_1970 = arith.muli %add3A_1968, %mul3A_1969 : i32
        %add3A_1971 = arith.addi %mul3A_1970, %min3A_1963 : i32
        %add3A_1972 = vector.broadcast %add3A_1971 : i32 to vector<16xi32>
        %add3A_1973 = arith.addi %add3A_1972, %iota3A : vector<16xi32>
        %ge3A_1974 = arith.constant 1000000 : i32
        %ge3A_1975 = vector.broadcast %ge3A_1974 : i32 to vector<16xi32>
        %ge3A_1976 = arith.cmpi sge, %get3A_1966, %ge3A_1975 : vector<16xi32>
        %select_n3A_1977 = arith.select %ge3A_1976, %add3A_1973, %get3A_1966 : vector<16xi1>, vector<16xi32>
        %swap3A_1978 = arith.constant 1 : i32
        %swap3A_1979 = arith.index_cast %swap3A_1978 : i32 to index
        %swap3A_1980 = arith.index_cast %min3A_1963 : i32 to index
        %swap3A_1981 = tpu.vector_load %arg7[%swap3A_1979, %swap3A_1980] {strides = array<i32>} : memref<4x200xi32, #tpu.memory_space<vmem>>, vector<16xi32>,
        tpu.vector_store %arg7[%swap3A_1979, %swap3A_1980], %select_n3A_1977 {strides = array<i32>} : memref<4x200xi32, #tpu.memory_space<vmem>>, vector<16xi32>,
        %min3A_1982 = arith.constant 192 : i32
        %min3A_1983 = arith.constant 184 : i32
        %min3A_1984 = arith.minsi %min3A_1982, %min3A_1983 : i32
        %get3A_1985 = arith.index_cast %add3A_1480 : i32 to index
        %get3A_1986 = arith.index_cast %min3A_1984 : i32 to index
        %get3A_1987 = tpu.vector_load %arg6[%get3A_1985, %get3A_1986] {strides = array<i32>} : memref<128x200xi32, #tpu.memory_space<vmem>>, vector<16xi32>,
        %max3A_1988 = arith.maxsi %max3A_1967, %get3A_1987 : vector<16xi32>
        %add3A_1989 = arith.addi %mul3A_2, %add3A_1480 : i32
        %mul3A_1990 = arith.constant 200 : i32
        %mul3A_1991 = arith.muli %add3A_1989, %mul3A_1990 : i32
        %add3A_1992 = arith.addi %mul3A_1991, %min3A_1984 : i32
        %add3A_1993 = vector.broadcast %add3A_1992 : i32 to vector<16xi32>
        %add3A_1994 = arith.addi %add3A_1993, %iota3A : vector<16xi32>
        %ge3A_1995 = arith.constant 1000000 : i32
        %ge3A_1996 = vector.broadcast %ge3A_1995 : i32 to vector<16xi32>
        %ge3A_1997 = arith.cmpi sge, %get3A_1987, %ge3A_1996 : vector<16xi32>
        %select_n3A_1998 = arith.select %ge3A_1997, %add3A_1994, %get3A_1987 : vector<16xi1>, vector<16xi32>
        %swap3A_1999 = arith.constant 1 : i32
        %swap3A_2000 = arith.index_cast %swap3A_1999 : i32 to index
        %swap3A_2001 = arith.index_cast %min3A_1984 : i32 to index
        %swap3A_2002 = tpu.vector_load %arg7[%swap3A_2000, %swap3A_2001] {strides = array<i32>} : memref<4x200xi32, #tpu.memory_space<vmem>>, vector<16xi32>,
        tpu.vector_store %arg7[%swap3A_2000, %swap3A_2001], %select_n3A_1998 {strides = array<i32>} : memref<4x200xi32, #tpu.memory_space<vmem>>, vector<16xi32>,
        %reduce_max3A_2003 = arith.constant true
        %reduce_max3A_2004 = vector.broadcast %reduce_max3A_2003 : i1 to vector<16xi1>
        %reduce_max3A_2005 = arith.constant -2147483648 : i32
        %reduce_max3A_2006 = vector.broadcast %reduce_max3A_2005 : i32 to vector<16xi32>
        %reduce_max3A_2007 = arith.xori %max3A_1988, %reduce_max3A_2006 : vector<16xi32>
        %reduce_max3A_2008 = tpu.scan <max>, %reduce_max3A_2007 masked %reduce_max3A_2004 : vector<16xi32>, vector<16xi1> -> vector<16xi32>
        %reduce_max3A_2009 = arith.xori %reduce_max3A_2008, %reduce_max3A_2006 : vector<16xi32>
        %reduce_max3A_2010 = vector.extract %reduce_max3A_2009[15] : i32 from vector<16xi32>
        %dma_start3A_2011 = arith.constant 1 : i32
        %dma_start3A_2012 = arith.constant 1 : i32
        %dma_start3A_2013 = arith.constant 1 : i32
        %dma_start3A_2014 = arith.constant 0 : i32
        %dma_start3A_2015 = arith.constant 0 : i32
        %dma_start3A_2016 = tpu.memref_slice %arg8[%dma_start3A_2012, %dma_start3A_2014, %dma_start3A_2015] : memref<4x200x64xf32, #tpu.memory_space<vmem>> -> memref<1x200x64xf32, #tpu.memory_space<vmem>>
        %dma_start3A_2017 = tpu.memref_squeeze %dma_start3A_2016 : memref<1x200x64xf32, #tpu.memory_space<vmem>> -> memref<200x64xf32, #tpu.memory_space<vmem>>
        %dma_start3A_2018 = arith.constant 0 : i32
        %dma_start3A_2019 = tpu.memref_slice %arg7[%dma_start3A_2011, %dma_start3A_2018] : memref<4x200xi32, #tpu.memory_space<vmem>> -> memref<1x200xi32, #tpu.memory_space<vmem>>
        %dma_start3A_2020 = tpu.memref_squeeze %dma_start3A_2019 : memref<1x200xi32, #tpu.memory_space<vmem>> -> memref<200xi32, #tpu.memory_space<vmem>>
        %dma_start3A_2021 = arith.constant 0 : i32
        %dma_start3A_2022 = arith.constant 0 : i32
        %dma_start3A_2023 = tpu.memref_slice %arg3[%dma_start3A_2021, %dma_start3A_2022] : memref<1000000x64xf32, #tpu.memory_space<hbm>> -> memref<1000000x64xf32, #tpu.memory_space<hbm>>
        %dma_start3A_2024 = tpu.memref_slice %arg10[%dma_start3A_2013] : memref<4x!tpu.dma_semaphore, #tpu.memory_space<semaphore_mem>> -> memref<1x!tpu.dma_semaphore, #tpu.memory_space<semaphore_mem>>
        %dma_start3A_2025 = tpu.memref_squeeze %dma_start3A_2024 : memref<1x!tpu.dma_semaphore, #tpu.memory_space<semaphore_mem>> -> memref<!tpu.dma_semaphore, #tpu.memory_space<semaphore_mem>>
        tpu.enqueue_indirect_dma source(%dma_start3A_2023 : memref<1000000x64xf32, #tpu.memory_space<hbm>>) target(%dma_start3A_2017 : memref<200x64xf32, #tpu.memory_space<vmem>>) offsets(%dma_start3A_2020 : memref<200xi32, #tpu.memory_space<vmem>>) semaphore(%dma_start3A_2025 : memref<!tpu.dma_semaphore, #tpu.memory_space<semaphore_mem>>)
      } else {
      }
      %dma_wait3A_1486 = arith.constant 3 : i32
      %dma_wait3A_1487 = arith.constant 3 : i32
      %dma_wait3A_1488 = arith.constant 3 : i32
      %dma_wait3A_1489 = arith.constant 0 : i32
      %dma_wait3A_1490 = arith.constant 0 : i32
      %dma_wait3A_1491 = tpu.memref_slice %arg8[%dma_wait3A_1487, %dma_wait3A_1489, %dma_wait3A_1490] : memref<4x200x64xf32, #tpu.memory_space<vmem>> -> memref<1x200x64xf32, #tpu.memory_space<vmem>>
      %dma_wait3A_1492 = tpu.memref_squeeze %dma_wait3A_1491 : memref<1x200x64xf32, #tpu.memory_space<vmem>> -> memref<200x64xf32, #tpu.memory_space<vmem>>
      %dma_wait3A_1493 = arith.constant 0 : i32
      %dma_wait3A_1494 = tpu.memref_slice %arg7[%dma_wait3A_1486, %dma_wait3A_1493] : memref<4x200xi32, #tpu.memory_space<vmem>> -> memref<1x200xi32, #tpu.memory_space<vmem>>
      %dma_wait3A_1495 = tpu.memref_squeeze %dma_wait3A_1494 : memref<1x200xi32, #tpu.memory_space<vmem>> -> memref<200xi32, #tpu.memory_space<vmem>>
      %dma_wait3A_1496 = arith.constant 0 : i32
      %dma_wait3A_1497 = arith.constant 0 : i32
      %dma_wait3A_1498 = tpu.memref_slice %arg3[%dma_wait3A_1496, %dma_wait3A_1497] : memref<1000000x64xf32, #tpu.memory_space<hbm>> -> memref<1000000x64xf32, #tpu.memory_space<hbm>>
      %dma_wait3A_1499 = tpu.memref_slice %arg10[%dma_wait3A_1488] : memref<4x!tpu.dma_semaphore, #tpu.memory_space<semaphore_mem>> -> memref<1x!tpu.dma_semaphore, #tpu.memory_space<semaphore_mem>>
      %dma_wait3A_1500 = tpu.memref_squeeze %dma_wait3A_1499 : memref<1x!tpu.dma_semaphore, #tpu.memory_space<semaphore_mem>> -> memref<!tpu.dma_semaphore, #tpu.memory_space<semaphore_mem>>
      tpu.wait_indirect_dma semaphore(%dma_wait3A_1500 : memref<!tpu.dma_semaphore, #tpu.memory_space<semaphore_mem>>) src(%dma_wait3A_1498 : memref<1000000x64xf32, #tpu.memory_space<hbm>>) dst(%dma_wait3A_1492 : memref<200x64xf32, #tpu.memory_space<vmem>>)
      %min3A_1501 = arith.constant 0 : i32
      %min3A_1502 = arith.constant 184 : i32
      %min3A_1503 = arith.minsi %min3A_1501, %min3A_1502 : i32
      %get3A_1504 = arith.index_cast %add3A_1478 : i32 to index
      %get3A_1505 = arith.index_cast %min3A_1503 : i32 to index
      %get3A_1506 = tpu.vector_load %arg6[%get3A_1504, %get3A_1505] {strides = array<i32>} : memref<128x200xi32, #tpu.memory_space<vmem>>, vector<16xi32>,
      %reduce_max3A_1507 = arith.constant true
      %reduce_max3A_1508 = vector.broadcast %reduce_max3A_1507 : i1 to vector<16xi1>
      %reduce_max3A_1509 = arith.constant -2147483648 : i32
      %reduce_max3A_1510 = vector.broadcast %reduce_max3A_1509 : i32 to vector<16xi32>
      %reduce_max3A_1511 = arith.xori %get3A_1506, %reduce_max3A_1510 : vector<16xi32>
      %reduce_max3A_1512 = tpu.scan <max>, %reduce_max3A_1511 masked %reduce_max3A_1508 : vector<16xi32>, vector<16xi1> -> vector<16xi32>
      %reduce_max3A_1513 = arith.xori %reduce_max3A_1512, %reduce_max3A_1510 : vector<16xi32>
      %reduce_max3A_1514 = vector.extract %reduce_max3A_1513[15] : i32 from vector<16xi32>
      %max3A_1515 = arith.constant 0 : i32
      %max3A_1516 = arith.maxsi %max3A_1515, %reduce_max3A_1514 : i32
      %min3A_1517 = arith.constant 16 : i32
      %min3A_1518 = arith.constant 184 : i32
      %min3A_1519 = arith.minsi %min3A_1517, %min3A_1518 : i32
      %get3A_1520 = arith.index_cast %add3A_1478 : i32 to index
      %get3A_1521 = arith.index_cast %min3A_1519 : i32 to index
      %get3A_1522 = tpu.vector_load %arg6[%get3A_1520, %get3A_1521] {strides = array<i32>} : memref<128x200xi32, #tpu.memory_space<vmem>>, vector<16xi32>,
      %reduce_max3A_1523 = arith.constant true
      %reduce_max3A_1524 = vector.broadcast %reduce_max3A_1523 : i1 to vector<16xi1>
      %reduce_max3A_1525 = arith.constant -2147483648 : i32
      %reduce_max3A_1526 = vector.broadcast %reduce_max3A_1525 : i32 to vector<16xi32>
      %reduce_max3A_1527 = arith.xori %get3A_1522, %reduce_max3A_1526 : vector<16xi32>
      %reduce_max3A_1528 = tpu.scan <max>, %reduce_max3A_1527 masked %reduce_max3A_1524 : vector<16xi32>, vector<16xi1> -> vector<16xi32>
      %reduce_max3A_1529 = arith.xori %reduce_max3A_1528, %reduce_max3A_1526 : vector<16xi32>
      %reduce_max3A_1530 = vector.extract %reduce_max3A_1529[15] : i32 from vector<16xi32>
      %max3A_1531 = arith.maxsi %max3A_1516, %reduce_max3A_1530 : i32
      %min3A_1532 = arith.constant 32 : i32
      %min3A_1533 = arith.constant 184 : i32
      %min3A_1534 = arith.minsi %min3A_1532, %min3A_1533 : i32
      %get3A_1535 = arith.index_cast %add3A_1478 : i32 to index
      %get3A_1536 = arith.index_cast %min3A_1534 : i32 to index
      %get3A_1537 = tpu.vector_load %arg6[%get3A_1535, %get3A_1536] {strides = array<i32>} : memref<128x200xi32, #tpu.memory_space<vmem>>, vector<16xi32>,
      %reduce_max3A_1538 = arith.constant true
      %reduce_max3A_1539 = vector.broadcast %reduce_max3A_1538 : i1 to vector<16xi1>
      %reduce_max3A_1540 = arith.constant -2147483648 : i32
      %reduce_max3A_1541 = vector.broadcast %reduce_max3A_1540 : i32 to vector<16xi32>
      %reduce_max3A_1542 = arith.xori %get3A_1537, %reduce_max3A_1541 : vector<16xi32>
      %reduce_max3A_1543 = tpu.scan <max>, %reduce_max3A_1542 masked %reduce_max3A_1539 : vector<16xi32>, vector<16xi1> -> vector<16xi32>
      %reduce_max3A_1544 = arith.xori %reduce_max3A_1543, %reduce_max3A_1541 : vector<16xi32>
      %reduce_max3A_1545 = vector.extract %reduce_max3A_1544[15] : i32 from vector<16xi32>
      %max3A_1546 = arith.maxsi %max3A_1531, %reduce_max3A_1545 : i32
      %min3A_1547 = arith.constant 48 : i32
      %min3A_1548 = arith.constant 184 : i32
      %min3A_1549 = arith.minsi %min3A_1547, %min3A_1548 : i32
      %get3A_1550 = arith.index_cast %add3A_1478 : i32 to index
      %get3A_1551 = arith.index_cast %min3A_1549 : i32 to index
      %get3A_1552 = tpu.vector_load %arg6[%get3A_1550, %get3A_1551] {strides = array<i32>} : memref<128x200xi32, #tpu.memory_space<vmem>>, vector<16xi32>,
      %reduce_max3A_1553 = arith.constant true
      %reduce_max3A_1554 = vector.broadcast %reduce_max3A_1553 : i1 to vector<16xi1>
      %reduce_max3A_1555 = arith.constant -2147483648 : i32
      %reduce_max3A_1556 = vector.broadcast %reduce_max3A_1555 : i32 to vector<16xi32>
      %reduce_max3A_1557 = arith.xori %get3A_1552, %reduce_max3A_1556 : vector<16xi32>
      %reduce_max3A_1558 = tpu.scan <max>, %reduce_max3A_1557 masked %reduce_max3A_1554 : vector<16xi32>, vector<16xi1> -> vector<16xi32>
      %reduce_max3A_1559 = arith.xori %reduce_max3A_1558, %reduce_max3A_1556 : vector<16xi32>
      %reduce_max3A_1560 = vector.extract %reduce_max3A_1559[15] : i32 from vector<16xi32>
      %max3A_1561 = arith.maxsi %max3A_1546, %reduce_max3A_1560 : i32
      %min3A_1562 = arith.constant 64 : i32
      %min3A_1563 = arith.constant 184 : i32
      %min3A_1564 = arith.minsi %min3A_1562, %min3A_1563 : i32
      %get3A_1565 = arith.index_cast %add3A_1478 : i32 to index
      %get3A_1566 = arith.index_cast %min3A_1564 : i32 to index
      %get3A_1567 = tpu.vector_load %arg6[%get3A_1565, %get3A_1566] {strides = array<i32>} : memref<128x200xi32, #tpu.memory_space<vmem>>, vector<16xi32>,
      %reduce_max3A_1568 = arith.constant true
      %reduce_max3A_1569 = vector.broadcast %reduce_max3A_1568 : i1 to vector<16xi1>
      %reduce_max3A_1570 = arith.constant -2147483648 : i32
      %reduce_max3A_1571 = vector.broadcast %reduce_max3A_1570 : i32 to vector<16xi32>
      %reduce_max3A_1572 = arith.xori %get3A_1567, %reduce_max3A_1571 : vector<16xi32>
      %reduce_max3A_1573 = tpu.scan <max>, %reduce_max3A_1572 masked %reduce_max3A_1569 : vector<16xi32>, vector<16xi1> -> vector<16xi32>
      %reduce_max3A_1574 = arith.xori %reduce_max3A_1573, %reduce_max3A_1571 : vector<16xi32>
      %reduce_max3A_1575 = vector.extract %reduce_max3A_1574[15] : i32 from vector<16xi32>
      %max3A_1576 = arith.maxsi %max3A_1561, %reduce_max3A_1575 : i32
      %min3A_1577 = arith.constant 80 : i32
      %min3A_1578 = arith.constant 184 : i32
      %min3A_1579 = arith.minsi %min3A_1577, %min3A_1578 : i32
      %get3A_1580 = arith.index_cast %add3A_1478 : i32 to index
      %get3A_1581 = arith.index_cast %min3A_1579 : i32 to index
      %get3A_1582 = tpu.vector_load %arg6[%get3A_1580, %get3A_1581] {strides = array<i32>} : memref<128x200xi32, #tpu.memory_space<vmem>>, vector<16xi32>,
      %reduce_max3A_1583 = arith.constant true
      %reduce_max3A_1584 = vector.broadcast %reduce_max3A_1583 : i1 to vector<16xi1>
      %reduce_max3A_1585 = arith.constant -2147483648 : i32
      %reduce_max3A_1586 = vector.broadcast %reduce_max3A_1585 : i32 to vector<16xi32>
      %reduce_max3A_1587 = arith.xori %get3A_1582, %reduce_max3A_1586 : vector<16xi32>
      %reduce_max3A_1588 = tpu.scan <max>, %reduce_max3A_1587 masked %reduce_max3A_1584 : vector<16xi32>, vector<16xi1> -> vector<16xi32>
      %reduce_max3A_1589 = arith.xori %reduce_max3A_1588, %reduce_max3A_1586 : vector<16xi32>
      %reduce_max3A_1590 = vector.extract %reduce_max3A_1589[15] : i32 from vector<16xi32>
      %max3A_1591 = arith.maxsi %max3A_1576, %reduce_max3A_1590 : i32
      %min3A_1592 = arith.constant 96 : i32
      %min3A_1593 = arith.constant 184 : i32
      %min3A_1594 = arith.minsi %min3A_1592, %min3A_1593 : i32
      %get3A_1595 = arith.index_cast %add3A_1478 : i32 to index
      %get3A_1596 = arith.index_cast %min3A_1594 : i32 to index
      %get3A_1597 = tpu.vector_load %arg6[%get3A_1595, %get3A_1596] {strides = array<i32>} : memref<128x200xi32, #tpu.memory_space<vmem>>, vector<16xi32>,
      %reduce_max3A_1598 = arith.constant true
      %reduce_max3A_1599 = vector.broadcast %reduce_max3A_1598 : i1 to vector<16xi1>
      %reduce_max3A_1600 = arith.constant -2147483648 : i32
      %reduce_max3A_1601 = vector.broadcast %reduce_max3A_1600 : i32 to vector<16xi32>
      %reduce_max3A_1602 = arith.xori %get3A_1597, %reduce_max3A_1601 : vector<16xi32>
      %reduce_max3A_1603 = tpu.scan <max>, %reduce_max3A_1602 masked %reduce_max3A_1599 : vector<16xi32>, vector<16xi1> -> vector<16xi32>
      %reduce_max3A_1604 = arith.xori %reduce_max3A_1603, %reduce_max3A_1601 : vector<16xi32>
      %reduce_max3A_1605 = vector.extract %reduce_max3A_1604[15] : i32 from vector<16xi32>
      %max3A_1606 = arith.maxsi %max3A_1591, %reduce_max3A_1605 : i32
      %min3A_1607 = arith.constant 112 : i32
      %min3A_1608 = arith.constant 184 : i32
      %min3A_1609 = arith.minsi %min3A_1607, %min3A_1608 : i32
      %get3A_1610 = arith.index_cast %add3A_1478 : i32 to index
      %get3A_1611 = arith.index_cast %min3A_1609 : i32 to index
      %get3A_1612 = tpu.vector_load %arg6[%get3A_1610, %get3A_1611] {strides = array<i32>} : memref<128x200xi32, #tpu.memory_space<vmem>>, vector<16xi32>,
      %reduce_max3A_1613 = arith.constant true
      %reduce_max3A_1614 = vector.broadcast %reduce_max3A_1613 : i1 to vector<16xi1>
      %reduce_max3A_1615 = arith.constant -2147483648 : i32
      %reduce_max3A_1616 = vector.broadcast %reduce_max3A_1615 : i32 to vector<16xi32>
      %reduce_max3A_1617 = arith.xori %get3A_1612, %reduce_max3A_1616 : vector<16xi32>
      %reduce_max3A_1618 = tpu.scan <max>, %reduce_max3A_1617 masked %reduce_max3A_1614 : vector<16xi32>, vector<16xi1> -> vector<16xi32>
      %reduce_max3A_1619 = arith.xori %reduce_max3A_1618, %reduce_max3A_1616 : vector<16xi32>
      %reduce_max3A_1620 = vector.extract %reduce_max3A_1619[15] : i32 from vector<16xi32>
      %max3A_1621 = arith.maxsi %max3A_1606, %reduce_max3A_1620 : i32
      %min3A_1622 = arith.constant 128 : i32
      %min3A_1623 = arith.constant 184 : i32
      %min3A_1624 = arith.minsi %min3A_1622, %min3A_1623 : i32
      %get3A_1625 = arith.index_cast %add3A_1478 : i32 to index
      %get3A_1626 = arith.index_cast %min3A_1624 : i32 to index
      %get3A_1627 = tpu.vector_load %arg6[%get3A_1625, %get3A_1626] {strides = array<i32>} : memref<128x200xi32, #tpu.memory_space<vmem>>, vector<16xi32>,
      %reduce_max3A_1628 = arith.constant true
      %reduce_max3A_1629 = vector.broadcast %reduce_max3A_1628 : i1 to vector<16xi1>
      %reduce_max3A_1630 = arith.constant -2147483648 : i32
      %reduce_max3A_1631 = vector.broadcast %reduce_max3A_1630 : i32 to vector<16xi32>
      %reduce_max3A_1632 = arith.xori %get3A_1627, %reduce_max3A_1631 : vector<16xi32>
      %reduce_max3A_1633 = tpu.scan <max>, %reduce_max3A_1632 masked %reduce_max3A_1629 : vector<16xi32>, vector<16xi1> -> vector<16xi32>
      %reduce_max3A_1634 = arith.xori %reduce_max3A_1633, %reduce_max3A_1631 : vector<16xi32>
      %reduce_max3A_1635 = vector.extract %reduce_max3A_1634[15] : i32 from vector<16xi32>
      %max3A_1636 = arith.maxsi %max3A_1621, %reduce_max3A_1635 : i32
      %min3A_1637 = arith.constant 144 : i32
      %min3A_1638 = arith.constant 184 : i32
      %min3A_1639 = arith.minsi %min3A_1637, %min3A_1638 : i32
      %get3A_1640 = arith.index_cast %add3A_1478 : i32 to index
      %get3A_1641 = arith.index_cast %min3A_1639 : i32 to index
      %get3A_1642 = tpu.vector_load %arg6[%get3A_1640, %get3A_1641] {strides = array<i32>} : memref<128x200xi32, #tpu.memory_space<vmem>>, vector<16xi32>,
      %reduce_max3A_1643 = arith.constant true
      %reduce_max3A_1644 = vector.broadcast %reduce_max3A_1643 : i1 to vector<16xi1>
      %reduce_max3A_1645 = arith.constant -2147483648 : i32
      %reduce_max3A_1646 = vector.broadcast %reduce_max3A_1645 : i32 to vector<16xi32>
      %reduce_max3A_1647 = arith.xori %get3A_1642, %reduce_max3A_1646 : vector<16xi32>
      %reduce_max3A_1648 = tpu.scan <max>, %reduce_max3A_1647 masked %reduce_max3A_1644 : vector<16xi32>, vector<16xi1> -> vector<16xi32>
      %reduce_max3A_1649 = arith.xori %reduce_max3A_1648, %reduce_max3A_1646 : vector<16xi32>
      %reduce_max3A_1650 = vector.extract %reduce_max3A_1649[15] : i32 from vector<16xi32>
      %max3A_1651 = arith.maxsi %max3A_1636, %reduce_max3A_1650 : i32
      %min3A_1652 = arith.constant 160 : i32
      %min3A_1653 = arith.constant 184 : i32
      %min3A_1654 = arith.minsi %min3A_1652, %min3A_1653 : i32
      %get3A_1655 = arith.index_cast %add3A_1478 : i32 to index
      %get3A_1656 = arith.index_cast %min3A_1654 : i32 to index
      %get3A_1657 = tpu.vector_load %arg6[%get3A_1655, %get3A_1656] {strides = array<i32>} : memref<128x200xi32, #tpu.memory_space<vmem>>, vector<16xi32>,
      %reduce_max3A_1658 = arith.constant true
      %reduce_max3A_1659 = vector.broadcast %reduce_max3A_1658 : i1 to vector<16xi1>
      %reduce_max3A_1660 = arith.constant -2147483648 : i32
      %reduce_max3A_1661 = vector.broadcast %reduce_max3A_1660 : i32 to vector<16xi32>
      %reduce_max3A_1662 = arith.xori %get3A_1657, %reduce_max3A_1661 : vector<16xi32>
      %reduce_max3A_1663 = tpu.scan <max>, %reduce_max3A_1662 masked %reduce_max3A_1659 : vector<16xi32>, vector<16xi1> -> vector<16xi32>
      %reduce_max3A_1664 = arith.xori %reduce_max3A_1663, %reduce_max3A_1661 : vector<16xi32>
      %reduce_max3A_1665 = vector.extract %reduce_max3A_1664[15] : i32 from vector<16xi32>
      %max3A_1666 = arith.maxsi %max3A_1651, %reduce_max3A_1665 : i32
      %min3A_1667 = arith.constant 176 : i32
      %min3A_1668 = arith.constant 184 : i32
      %min3A_1669 = arith.minsi %min3A_1667, %min3A_1668 : i32
      %get3A_1670 = arith.index_cast %add3A_1478 : i32 to index
      %get3A_1671 = arith.index_cast %min3A_1669 : i32 to index
      %get3A_1672 = tpu.vector_load %arg6[%get3A_1670, %get3A_1671] {strides = array<i32>} : memref<128x200xi32, #tpu.memory_space<vmem>>, vector<16xi32>,
      %reduce_max3A_1673 = arith.constant true
      %reduce_max3A_1674 = vector.broadcast %reduce_max3A_1673 : i1 to vector<16xi1>
      %reduce_max3A_1675 = arith.constant -2147483648 : i32
      %reduce_max3A_1676 = vector.broadcast %reduce_max3A_1675 : i32 to vector<16xi32>
      %reduce_max3A_1677 = arith.xori %get3A_1672, %reduce_max3A_1676 : vector<16xi32>
      %reduce_max3A_1678 = tpu.scan <max>, %reduce_max3A_1677 masked %reduce_max3A_1674 : vector<16xi32>, vector<16xi1> -> vector<16xi32>
      %reduce_max3A_1679 = arith.xori %reduce_max3A_1678, %reduce_max3A_1676 : vector<16xi32>
      %reduce_max3A_1680 = vector.extract %reduce_max3A_1679[15] : i32 from vector<16xi32>
      %max3A_1681 = arith.maxsi %max3A_1666, %reduce_max3A_1680 : i32
      %min3A_1682 = arith.constant 192 : i32
      %min3A_1683 = arith.constant 184 : i32
      %min3A_1684 = arith.minsi %min3A_1682, %min3A_1683 : i32
      %get3A_1685 = arith.index_cast %add3A_1478 : i32 to index
      %get3A_1686 = arith.index_cast %min3A_1684 : i32 to index
      %get3A_1687 = tpu.vector_load %arg6[%get3A_1685, %get3A_1686] {strides = array<i32>} : memref<128x200xi32, #tpu.memory_space<vmem>>, vector<16xi32>,
      %reduce_max3A_1688 = arith.constant true
      %reduce_max3A_1689 = vector.broadcast %reduce_max3A_1688 : i1 to vector<16xi1>
      %reduce_max3A_1690 = arith.constant -2147483648 : i32
      %reduce_max3A_1691 = vector.broadcast %reduce_max3A_1690 : i32 to vector<16xi32>
      %reduce_max3A_1692 = arith.xori %get3A_1687, %reduce_max3A_1691 : vector<16xi32>
      %reduce_max3A_1693 = tpu.scan <max>, %reduce_max3A_1692 masked %reduce_max3A_1689 : vector<16xi32>, vector<16xi1> -> vector<16xi32>
      %reduce_max3A_1694 = arith.xori %reduce_max3A_1693, %reduce_max3A_1691 : vector<16xi32>
      %reduce_max3A_1695 = vector.extract %reduce_max3A_1694[15] : i32 from vector<16xi32>
      %max3A_1696 = arith.maxsi %max3A_1681, %reduce_max3A_1695 : i32
      %ge3A_1697 = arith.constant 1000000 : i32
      %ge3A_1698 = arith.cmpi sge, %max3A_1696, %ge3A_1697 : i32
      %convert_element_type3A_1699 = arith.extui %ge3A_1698 : i1 to i32
      %cond3A_1700 = arith.constant 0 : i32
      %cond3A_1701 = arith.cmpi ne, %convert_element_type3A_1699, %cond3A_1700 : i32
      scf.if %cond3A_1701 {
        %scan3A_1723 = arith.constant 0 : i32
        %scan3A_1724 = arith.constant 13 : i32
        %scan3A_1725 = arith.addi %scan3A_1723, %scan3A_1724 : i32
        %scan3A_1726 = arith.constant 1 : i32
        scf.for %scan3A_1728 = %scan3A_1723 to %scan3A_1725 step %scan3A_1726  : i32 {
          %mul3A_1729 = arith.constant 1 : i32
          %mul3A_1730 = arith.muli %scan3A_1728, %mul3A_1729 : i32
          %add3A_1731 = arith.constant 0 : i32
          %add3A_1732 = arith.addi %add3A_1731, %mul3A_1730 : i32
          %mul3A_1733 = arith.constant 16 : i32
          %mul3A_1734 = arith.muli %add3A_1732, %mul3A_1733 : i32
          %min3A_1735 = arith.constant 184 : i32
          %min3A_1736 = arith.minsi %mul3A_1734, %min3A_1735 : i32
          %get3A_1737 = arith.index_cast %add3A_1478 : i32 to index
          %get3A_1738 = arith.index_cast %min3A_1736 : i32 to index
          %get3A_1739 = tpu.vector_load %arg6[%get3A_1737, %get3A_1738] {strides = array<i32>} : memref<128x200xi32, #tpu.memory_space<vmem>>, vector<16xi32>,
          %ge3A_1740 = arith.constant 1000000 : i32
          %ge3A_1741 = vector.broadcast %ge3A_1740 : i32 to vector<16xi32>
          %ge3A_1742 = arith.cmpi sge, %get3A_1739, %ge3A_1741 : vector<16xi32>
          %reduce_max3A_1743 = arith.constant true
          %reduce_max3A_1744 = vector.broadcast %reduce_max3A_1743 : i1 to vector<16xi1>
          %reduce_max3A_1745 = arith.constant -2147483648 : i32
          %reduce_max3A_1746 = vector.broadcast %reduce_max3A_1745 : i32 to vector<16xi32>
          %reduce_max3A_1747 = arith.xori %get3A_1739, %reduce_max3A_1746 : vector<16xi32>
          %reduce_max3A_1748 = tpu.scan <max>, %reduce_max3A_1747 masked %reduce_max3A_1744 : vector<16xi32>, vector<16xi1> -> vector<16xi32>
          %reduce_max3A_1749 = arith.xori %reduce_max3A_1748, %reduce_max3A_1746 : vector<16xi32>
          %reduce_max3A_1750 = vector.extract %reduce_max3A_1749[15] : i32 from vector<16xi32>
          %ge3A_1751 = arith.constant 1000000 : i32
          %ge3A_1752 = arith.cmpi sge, %reduce_max3A_1750, %ge3A_1751 : i32
          %convert_element_type3A_1753 = arith.extui %ge3A_1752 : i1 to i32
          %cond3A_1754 = arith.constant 0 : i32
          %cond3A_1755 = arith.cmpi ne, %convert_element_type3A_1753, %cond3A_1754 : i32
          scf.if %cond3A_1755 {
            %sub3A = arith.constant 1000000 : i32
            %sub3A_1756 = vector.broadcast %sub3A : i32 to vector<16xi32>
            %sub3A_1757 = arith.subi %get3A_1739, %sub3A_1756 : vector<16xi32>
            %jit3A = arith.constant 0 : i32
            %broadcast_in_dim3A_1758 = vector.broadcast %jit3A : i32 to vector<16xi32>
            %select_n3A_1759 = arith.select %ge3A_1742, %sub3A_1757, %broadcast_in_dim3A_1758 : vector<16xi1>, vector<16xi32>
            %dma_start3A_1760 = arith.constant 0 : i32
            %dma_start3A_1761 = arith.constant 0 : i32
            %dma_start3A_1762 = tpu.memref_slice %arg4[%dma_start3A_1760, %dma_start3A_1761] : memref<1000x64xf32, #tpu.memory_space<hbm>> -> memref<1000x64xf32, #tpu.memory_space<hbm>>
            tpu.enqueue_indirect_dma source(%dma_start3A_1762 : memref<1000x64xf32, #tpu.memory_space<hbm>>) target(%arg9 : memref<16x64xf32, #tpu.memory_space<vmem>>) offsets(%select_n3A_1759 : vector<16xi32>) semaphore(%arg12 : memref<!tpu.dma_semaphore, #tpu.memory_space<semaphore_mem>>)
            %dma_wait3A_1763 = arith.constant 0 : i32
            %dma_wait3A_1764 = arith.constant 0 : i32
            %dma_wait3A_1765 = tpu.memref_slice %arg4[%dma_wait3A_1763, %dma_wait3A_1764] : memref<1000x64xf32, #tpu.memory_space<hbm>> -> memref<1000x64xf32, #tpu.memory_space<hbm>>
            tpu.wait_indirect_dma semaphore(%arg12 : memref<!tpu.dma_semaphore, #tpu.memory_space<semaphore_mem>>) src(%dma_wait3A_1765 : memref<1000x64xf32, #tpu.memory_space<hbm>>) dst(%arg9 : memref<16x64xf32, #tpu.memory_space<vmem>>)
            %add3A_1766 = vector.broadcast %min3A_1736 : i32 to vector<16xi32>
            %add3A_1767 = arith.addi %add3A_1766, %iota3A : vector<16xi32>
            %scan3A_1768 = arith.constant 0 : i32
            %scan3A_1769 = arith.constant 64 : i32
            %scan3A_1770 = arith.addi %scan3A_1768, %scan3A_1769 : i32
            %scan3A_1771 = arith.constant 1 : i32
            scf.for %scan3A_1773 = %scan3A_1768 to %scan3A_1770 step %scan3A_1771  : i32 {
              %mul3A_1774 = arith.constant 1 : i32
              %mul3A_1775 = arith.muli %scan3A_1773, %mul3A_1774 : i32
              %add3A_1776 = arith.constant 0 : i32
              %add3A_1777 = arith.addi %add3A_1776, %mul3A_1775 : i32
              %broadcast_in_dim3A_1778 = vector.broadcast %add3A_1777 : i32 to vector<16xi32>
              %gather3A = tpu.vector_load_idx %arg9[%iota3A, %broadcast_in_dim3A_1778] masked %ge3A_1742 : memref<16x64xf32, #tpu.memory_space<vmem>>[vector<16xi32>, vector<16xi32>], vector<16xf32>, vector<16xi1>
              %scatter3A = arith.constant 3 : i32
              %scatter3A_1779 = arith.constant 0 : i32
              %scatter3A_1780 = arith.constant 0 : i32
              %scatter3A_1781 = tpu.memref_slice %arg8[%scatter3A, %scatter3A_1779, %scatter3A_1780] : memref<4x200x64xf32, #tpu.memory_space<vmem>> -> memref<1x200x64xf32, #tpu.memory_space<vmem>>
              %scatter3A_1782 = tpu.memref_squeeze %scatter3A_1781 : memref<1x200x64xf32, #tpu.memory_space<vmem>> -> memref<200x64xf32, #tpu.memory_space<vmem>>
              tpu.vector_store_idx %scatter3A_1782[%add3A_1767, %broadcast_in_dim3A_1778], %gather3A masked %ge3A_1742 : memref<200x64xf32, #tpu.memory_space<vmem>>[vector<16xi32>, vector<16xi32>], vector<16xf32>, vector<16xi1>
            }
            %scan3A_1772 = arith.constant 64 : i32
          } else {
          }
        }
        %scan3A_1727 = arith.constant 13 : i32
      } else {
      }
      %add3A_1702 = arith.addi %mul3A_2, %add3A_1478 : i32
      %dma_start3A_1703 = arith.constant 3 : i32
      %dma_start3A_1704 = arith.constant 3 : i32
      %dma_start3A_1705 = arith.constant 0 : i32
      %dma_start3A_1706 = arith.constant 0 : i32
      %dma_start3A_1707 = tpu.memref_slice %arg8[%dma_start3A_1703, %dma_start3A_1705, %dma_start3A_1706] : memref<4x200x64xf32, #tpu.memory_space<vmem>> -> memref<1x200x64xf32, #tpu.memory_space<vmem>>
      %dma_start3A_1708 = tpu.memref_squeeze %dma_start3A_1707 : memref<1x200x64xf32, #tpu.memory_space<vmem>> -> memref<200x64xf32, #tpu.memory_space<vmem>>
      %dma_start3A_1709 = arith.constant 0 : i32
      %dma_start3A_1710 = arith.constant 0 : i32
      %dma_start3A_1711 = tpu.memref_slice %arg5[%add3A_1702, %dma_start3A_1709, %dma_start3A_1710] : memref<4096x200x64xf32, #tpu.memory_space<hbm>> -> memref<1x200x64xf32, #tpu.memory_space<hbm>>
      %dma_start3A_1712 = tpu.memref_squeeze %dma_start3A_1711 : memref<1x200x64xf32, #tpu.memory_space<hbm>> -> memref<200x64xf32, #tpu.memory_space<hbm>>
      %dma_start3A_1713 = tpu.memref_slice %arg11[%dma_start3A_1704] : memref<4x!tpu.dma_semaphore, #tpu.memory_space<semaphore_mem>> -> memref<1x!tpu.dma_semaphore, #tpu.memory_space<semaphore_mem>>
      %dma_start3A_1714 = tpu.memref_squeeze %dma_start3A_1713 : memref<1x!tpu.dma_semaphore, #tpu.memory_space<semaphore_mem>> -> memref<!tpu.dma_semaphore, #tpu.memory_space<semaphore_mem>>
      %dma_start3A_1715 = arith.constant 0 : i32
      %dma_start3A_1716 = arith.constant 0 : i32
      %dma_start3A_1717 = tpu.memref_slice %arg5[%add3A_1702, %dma_start3A_1715, %dma_start3A_1716] : memref<4096x200x64xf32, #tpu.memory_space<hbm>> -> memref<1x200x64xf32, #tpu.memory_space<hbm>>
      %dma_start3A_1718 = tpu.memref_squeeze %dma_start3A_1717 : memref<1x200x64xf32, #tpu.memory_space<hbm>> -> memref<200x64xf32, #tpu.memory_space<hbm>>
      %dma_start3A_1719 = arith.constant 0 : i32
      %dma_start3A_1720 = arith.constant 0 : i32
      %dma_start3A_1721 = tpu.memref_slice %arg8[%dma_start3A_1703, %dma_start3A_1719, %dma_start3A_1720] : memref<4x200x64xf32, #tpu.memory_space<vmem>> -> memref<1x200x64xf32, #tpu.memory_space<vmem>>
      %dma_start3A_1722 = tpu.memref_squeeze %dma_start3A_1721 : memref<1x200x64xf32, #tpu.memory_space<vmem>> -> memref<200x64xf32, #tpu.memory_space<vmem>>
      tpu.enqueue_dma source(%dma_start3A_1722 : memref<200x64xf32, #tpu.memory_space<vmem>>) target(%dma_start3A_1718 : memref<200x64xf32, #tpu.memory_space<hbm>>) target_semaphore(%dma_start3A_1714 : memref<!tpu.dma_semaphore, #tpu.memory_space<semaphore_mem>>)
    }
    %scan3A_645 = arith.constant 32 : i32
    %dma_wait3A = arith.constant 0 : i32
    %dma_wait3A_646 = arith.constant 0 : i32
    %dma_wait3A_647 = arith.constant 0 : i32
    %dma_wait3A_648 = arith.constant 0 : i32
    %dma_wait3A_649 = arith.constant 0 : i32
    %dma_wait3A_650 = tpu.memref_slice %arg8[%dma_wait3A, %dma_wait3A_648, %dma_wait3A_649] : memref<4x200x64xf32, #tpu.memory_space<vmem>> -> memref<1x200x64xf32, #tpu.memory_space<vmem>>
    %dma_wait3A_651 = tpu.memref_squeeze %dma_wait3A_650 : memref<1x200x64xf32, #tpu.memory_space<vmem>> -> memref<200x64xf32, #tpu.memory_space<vmem>>
    %dma_wait3A_652 = arith.constant 0 : i32
    %dma_wait3A_653 = arith.constant 0 : i32
    %dma_wait3A_654 = tpu.memref_slice %arg5[%dma_wait3A_646, %dma_wait3A_652, %dma_wait3A_653] : memref<4096x200x64xf32, #tpu.memory_space<hbm>> -> memref<1x200x64xf32, #tpu.memory_space<hbm>>
    %dma_wait3A_655 = tpu.memref_squeeze %dma_wait3A_654 : memref<1x200x64xf32, #tpu.memory_space<hbm>> -> memref<200x64xf32, #tpu.memory_space<hbm>>
    %dma_wait3A_656 = tpu.memref_slice %arg11[%dma_wait3A_647] : memref<4x!tpu.dma_semaphore, #tpu.memory_space<semaphore_mem>> -> memref<1x!tpu.dma_semaphore, #tpu.memory_space<semaphore_mem>>
    %dma_wait3A_657 = tpu.memref_squeeze %dma_wait3A_656 : memref<1x!tpu.dma_semaphore, #tpu.memory_space<semaphore_mem>> -> memref<!tpu.dma_semaphore, #tpu.memory_space<semaphore_mem>>
    %dma_wait3A_658 = arith.constant 0 : i32
    %dma_wait3A_659 = arith.constant 0 : i32
    %dma_wait3A_660 = tpu.memref_slice %arg5[%dma_wait3A_646, %dma_wait3A_658, %dma_wait3A_659] : memref<4096x200x64xf32, #tpu.memory_space<hbm>> -> memref<1x200x64xf32, #tpu.memory_space<hbm>>
    %dma_wait3A_661 = tpu.memref_squeeze %dma_wait3A_660 : memref<1x200x64xf32, #tpu.memory_space<hbm>> -> memref<200x64xf32, #tpu.memory_space<hbm>>
    %dma_wait3A_662 = arith.constant 0 : i32
    %dma_wait3A_663 = arith.constant 0 : i32
    %dma_wait3A_664 = tpu.memref_slice %arg8[%dma_wait3A, %dma_wait3A_662, %dma_wait3A_663] : memref<4x200x64xf32, #tpu.memory_space<vmem>> -> memref<1x200x64xf32, #tpu.memory_space<vmem>>
    %dma_wait3A_665 = tpu.memref_squeeze %dma_wait3A_664 : memref<1x200x64xf32, #tpu.memory_space<vmem>> -> memref<200x64xf32, #tpu.memory_space<vmem>>
    tpu.wait_dma2 semaphore(%dma_wait3A_657 : memref<!tpu.dma_semaphore, #tpu.memory_space<semaphore_mem>>) src(%dma_wait3A_665 : memref<200x64xf32, #tpu.memory_space<vmem>>) dst(%dma_wait3A_661 : memref<200x64xf32, #tpu.memory_space<hbm>>)
    %dma_wait3A_666 = arith.constant 1 : i32
    %dma_wait3A_667 = arith.constant 0 : i32
    %dma_wait3A_668 = arith.constant 1 : i32
    %dma_wait3A_669 = arith.constant 0 : i32
    %dma_wait3A_670 = arith.constant 0 : i32
    %dma_wait3A_671 = tpu.memref_slice %arg8[%dma_wait3A_666, %dma_wait3A_669, %dma_wait3A_670] : memref<4x200x64xf32, #tpu.memory_space<vmem>> -> memref<1x200x64xf32, #tpu.memory_space<vmem>>
    %dma_wait3A_672 = tpu.memref_squeeze %dma_wait3A_671 : memref<1x200x64xf32, #tpu.memory_space<vmem>> -> memref<200x64xf32, #tpu.memory_space<vmem>>
    %dma_wait3A_673 = arith.constant 0 : i32
    %dma_wait3A_674 = arith.constant 0 : i32
    %dma_wait3A_675 = tpu.memref_slice %arg5[%dma_wait3A_667, %dma_wait3A_673, %dma_wait3A_674] : memref<4096x200x64xf32, #tpu.memory_space<hbm>> -> memref<1x200x64xf32, #tpu.memory_space<hbm>>
    %dma_wait3A_676 = tpu.memref_squeeze %dma_wait3A_675 : memref<1x200x64xf32, #tpu.memory_space<hbm>> -> memref<200x64xf32, #tpu.memory_space<hbm>>
    %dma_wait3A_677 = tpu.memref_slice %arg11[%dma_wait3A_668] : memref<4x!tpu.dma_semaphore, #tpu.memory_space<semaphore_mem>> -> memref<1x!tpu.dma_semaphore, #tpu.memory_space<semaphore_mem>>
    %dma_wait3A_678 = tpu.memref_squeeze %dma_wait3A_677 : memref<1x!tpu.dma_semaphore, #tpu.memory_space<semaphore_mem>> -> memref<!tpu.dma_semaphore, #tpu.memory_space<semaphore_mem>>
    %dma_wait3A_679 = arith.constant 0 : i32
    %dma_wait3A_680 = arith.constant 0 : i32
    %dma_wait3A_681 = tpu.memref_slice %arg5[%dma_wait3A_667, %dma_wait3A_679, %dma_wait3A_680] : memref<4096x200x64xf32, #tpu.memory_space<hbm>> -> memref<1x200x64xf32, #tpu.memory_space<hbm>>
    %dma_wait3A_682 = tpu.memref_squeeze %dma_wait3A_681 : memref<1x200x64xf32, #tpu.memory_space<hbm>> -> memref<200x64xf32, #tpu.memory_space<hbm>>
    %dma_wait3A_683 = arith.constant 0 : i32
    %dma_wait3A_684 = arith.constant 0 : i32
    %dma_wait3A_685 = tpu.memref_slice %arg8[%dma_wait3A_666, %dma_wait3A_683, %dma_wait3A_684] : memref<4x200x64xf32, #tpu.memory_space<vmem>> -> memref<1x200x64xf32, #tpu.memory_space<vmem>>
    %dma_wait3A_686 = tpu.memref_squeeze %dma_wait3A_685 : memref<1x200x64xf32, #tpu.memory_space<vmem>> -> memref<200x64xf32, #tpu.memory_space<vmem>>
    tpu.wait_dma2 semaphore(%dma_wait3A_678 : memref<!tpu.dma_semaphore, #tpu.memory_space<semaphore_mem>>) src(%dma_wait3A_686 : memref<200x64xf32, #tpu.memory_space<vmem>>) dst(%dma_wait3A_682 : memref<200x64xf32, #tpu.memory_space<hbm>>)
    %dma_wait3A_687 = arith.constant 2 : i32
    %dma_wait3A_688 = arith.constant 0 : i32
    %dma_wait3A_689 = arith.constant 2 : i32
    %dma_wait3A_690 = arith.constant 0 : i32
    %dma_wait3A_691 = arith.constant 0 : i32
    %dma_wait3A_692 = tpu.memref_slice %arg8[%dma_wait3A_687, %dma_wait3A_690, %dma_wait3A_691] : memref<4x200x64xf32, #tpu.memory_space<vmem>> -> memref<1x200x64xf32, #tpu.memory_space<vmem>>
    %dma_wait3A_693 = tpu.memref_squeeze %dma_wait3A_692 : memref<1x200x64xf32, #tpu.memory_space<vmem>> -> memref<200x64xf32, #tpu.memory_space<vmem>>
    %dma_wait3A_694 = arith.constant 0 : i32
    %dma_wait3A_695 = arith.constant 0 : i32
    %dma_wait3A_696 = tpu.memref_slice %arg5[%dma_wait3A_688, %dma_wait3A_694, %dma_wait3A_695] : memref<4096x200x64xf32, #tpu.memory_space<hbm>> -> memref<1x200x64xf32, #tpu.memory_space<hbm>>
    %dma_wait3A_697 = tpu.memref_squeeze %dma_wait3A_696 : memref<1x200x64xf32, #tpu.memory_space<hbm>> -> memref<200x64xf32, #tpu.memory_space<hbm>>
    %dma_wait3A_698 = tpu.memref_slice %arg11[%dma_wait3A_689] : memref<4x!tpu.dma_semaphore, #tpu.memory_space<semaphore_mem>> -> memref<1x!tpu.dma_semaphore, #tpu.memory_space<semaphore_mem>>
    %dma_wait3A_699 = tpu.memref_squeeze %dma_wait3A_698 : memref<1x!tpu.dma_semaphore, #tpu.memory_space<semaphore_mem>> -> memref<!tpu.dma_semaphore, #tpu.memory_space<semaphore_mem>>
    %dma_wait3A_700 = arith.constant 0 : i32
    %dma_wait3A_701 = arith.constant 0 : i32
    %dma_wait3A_702 = tpu.memref_slice %arg5[%dma_wait3A_688, %dma_wait3A_700, %dma_wait3A_701] : memref<4096x200x64xf32, #tpu.memory_space<hbm>> -> memref<1x200x64xf32, #tpu.memory_space<hbm>>
    %dma_wait3A_703 = tpu.memref_squeeze %dma_wait3A_702 : memref<1x200x64xf32, #tpu.memory_space<hbm>> -> memref<200x64xf32, #tpu.memory_space<hbm>>
    %dma_wait3A_704 = arith.constant 0 : i32
    %dma_wait3A_705 = arith.constant 0 : i32
    %dma_wait3A_706 = tpu.memref_slice %arg8[%dma_wait3A_687, %dma_wait3A_704, %dma_wait3A_705] : memref<4x200x64xf32, #tpu.memory_space<vmem>> -> memref<1x200x64xf32, #tpu.memory_space<vmem>>
    %dma_wait3A_707 = tpu.memref_squeeze %dma_wait3A_706 : memref<1x200x64xf32, #tpu.memory_space<vmem>> -> memref<200x64xf32, #tpu.memory_space<vmem>>
    tpu.wait_dma2 semaphore(%dma_wait3A_699 : memref<!tpu.dma_semaphore, #tpu.memory_space<semaphore_mem>>) src(%dma_wait3A_707 : memref<200x64xf32, #tpu.memory_space<vmem>>) dst(%dma_wait3A_703 : memref<200x64xf32, #tpu.memory_space<hbm>>)
    %dma_wait3A_708 = arith.constant 3 : i32
    %dma_wait3A_709 = arith.constant 0 : i32
    %dma_wait3A_710 = arith.constant 3 : i32
    %dma_wait3A_711 = arith.constant 0 : i32
    %dma_wait3A_712 = arith.constant 0 : i32
    %dma_wait3A_713 = tpu.memref_slice %arg8[%dma_wait3A_708, %dma_wait3A_711, %dma_wait3A_712] : memref<4x200x64xf32, #tpu.memory_space<vmem>> -> memref<1x200x64xf32, #tpu.memory_space<vmem>>
    %dma_wait3A_714 = tpu.memref_squeeze %dma_wait3A_713 : memref<1x200x64xf32, #tpu.memory_space<vmem>> -> memref<200x64xf32, #tpu.memory_space<vmem>>
    %dma_wait3A_715 = arith.constant 0 : i32
    %dma_wait3A_716 = arith.constant 0 : i32
    %dma_wait3A_717 = tpu.memref_slice %arg5[%dma_wait3A_709, %dma_wait3A_715, %dma_wait3A_716] : memref<4096x200x64xf32, #tpu.memory_space<hbm>> -> memref<1x200x64xf32, #tpu.memory_space<hbm>>
    %dma_wait3A_718 = tpu.memref_squeeze %dma_wait3A_717 : memref<1x200x64xf32, #tpu.memory_space<hbm>> -> memref<200x64xf32, #tpu.memory_space<hbm>>
    %dma_wait3A_719 = tpu.memref_slice %arg11[%dma_wait3A_710] : memref<4x!tpu.dma_semaphore, #tpu.memory_space<semaphore_mem>> -> memref<1x!tpu.dma_semaphore, #tpu.memory_space<semaphore_mem>>
    %dma_wait3A_720 = tpu.memref_squeeze %dma_wait3A_719 : memref<1x!tpu.dma_semaphore, #tpu.memory_space<semaphore_mem>> -> memref<!tpu.dma_semaphore, #tpu.memory_space<semaphore_mem>>
    %dma_wait3A_721 = arith.constant 0 : i32
    %dma_wait3A_722 = arith.constant 0 : i32
    %dma_wait3A_723 = tpu.memref_slice %arg5[%dma_wait3A_709, %dma_wait3A_721, %dma_wait3A_722] : memref<4096x200x64xf32, #tpu.memory_space<hbm>> -> memref<1x200x64xf32, #tpu.memory_space<hbm>>
    %dma_wait3A_724 = tpu.memref_squeeze %dma_wait3A_723 : memref<1x200x64xf32, #tpu.memory_space<hbm>> -> memref<200x64xf32, #tpu.memory_space<hbm>>
    %dma_wait3A_725 = arith.constant 0 : i32
    %dma_wait3A_726 = arith.constant 0 : i32
    %dma_wait3A_727 = tpu.memref_slice %arg8[%dma_wait3A_708, %dma_wait3A_725, %dma_wait3A_726] : memref<4x200x64xf32, #tpu.memory_space<vmem>> -> memref<1x200x64xf32, #tpu.memory_space<vmem>>
    %dma_wait3A_728 = tpu.memref_squeeze %dma_wait3A_727 : memref<1x200x64xf32, #tpu.memory_space<vmem>> -> memref<200x64xf32, #tpu.memory_space<vmem>>
    tpu.wait_dma2 semaphore(%dma_wait3A_720 : memref<!tpu.dma_semaphore, #tpu.memory_space<semaphore_mem>>) src(%dma_wait3A_728 : memref<200x64xf32, #tpu.memory_space<vmem>>) dst(%dma_wait3A_724 : memref<200x64xf32, #tpu.memory_space<hbm>>)
    return
  }
}

</mosaic_0001>

<sc_bundles>
// kernel: _run.3.cloned.1.call-start
scs
__scs_entry_jumppad:
0x0: {  	(pc) =	sbr.rel $0x88, $3  }
0x1: {  	(tag) =	ssettag $0x0;
	lr =	simm.s32 $0x1  }
0x2: {  	[smem:$0x3F9E] =	sst lr;
	_ =	strace $0xD0000000  }
0x3: {  	_ = 	snop  }
0x4: {  	_ = 	snop  }
0x5: {  	_ = 	snop  }
0x6: {  	_ = 	snop  }
0x7: {  	_ = 	snop  }
__scs_overlays_trampoline_lowered:
0x8: {  	[smem:$0x3FAD] =	sst s0  }
0x9: {  	[smem:$0x3FAE] =	sst s1  }
0xa: {  	[smem:$0x3FAF] =	sst s2  }
0xb: {  	[smem:$0x3FB0] =	sst s3  }
0xc: {  	[smem:$0x3FB1] =	sst s4  }
0xd: {  	[smem:$0x3FB2] =	sst s5  }
0xe: {  	[smem:$0x3FB3] =	sst s6  }
0xf: {  	[smem:$0x3FB4] =	sst s7  }
0x10: {  	[smem:$0x3FB5] =	sst s8  }
0x11: {  	[smem:$0x3FB6] =	sst s9;
	s0 =	simm.s32 @!p0 $0x0  }
0x12: {  	s1 =	sld [smem:$0x3F9C];
	s0 =	simm.s32 @p0 $0x1  }
0x13: {  	[smem:$0x3FB7] =	sst s0;
	s0 =	simm.s32 @!p1 $0x0  }
0x14: {  	s2 =	sld [smem:$0x3F9B];
	s0 =	simm.s32 @p1 $0x1  }
0x15: {  	[smem:$0x3FB8] =	sst s0;
	s0 =	simm.s32 @!p2 $0x0  }
0x16: {  	s3 =	sld [smem:$0x3FDB];
	s0 =	simm.s32 @p2 $0x1  }
0x17: {  	s4 =	simm.s32 $0x1BF5;
	[smem:$0x3FBA] =	sst s0  }
0x18: {  	s0 =	sld [smem:$0x3F9D];
	_ =	swait.ge [sflag:s4], $0x0  }
0x19: {  	s7 =	sld [smem:$0x3F9E]  }
0x1a: {  	s8 =	sadd.s32 $0xFFFFE003, lr  }
0x1b: {  	s9 =	sadd.s32 $0xFFFFFEF7, lr;
	s5 =	simm.s32 $0xFFFFFFFF;
	p2 =	slt.u32 s8, $0xFFFFF086  }
0x1c: {  	p1 =	slt.u32 s9, $0xF7A;
	s5 =	simm.s32 @!p2 $0x0  }
0x1d: {  	s5 =	simm.s32 @p1 $0x1;
	p0 =	seq.s32 s7, s2  }
0x1e: {  	s7 =	smul.u32 @!p0 $0xF7A, s2;
	p2 =	seq.s32 @!p0 s5, $0x0  }
0x1f: {  	s9 =	smul.u32 $0xF7A, s1;
	s8 =	simm.s32 @!p0 $0x1BF5;
	p2 =	por !p2, p0  }
0x20: {  	[sflag:s8] =	ssyncset.s32 @!p0 $0xFFFFF086;
	s6 =	sadd.s32 @!p0 s3, s7;
	s7 =	simm.s32 @!p0 $0x108  }
0x21: {  	s3 =	sadd.s32 s3, s9;
	s6 =	sadd.s32 @!p0 $0x88, s6;
	s7 =	simm.s32 @p2 $0x1082  }
0x22: {  	[simem:s7], [sflag:s8] =	dma.local @!p0 [hbm:s6], $0xF7A  }
0x23: {  	s9 =	sor.u32 $0xD0000000, s2;
	s6 =	simm.s32 $0x108;
	_ =	swait.ge @!p0 [sflag:s8], $0x0  }
0x24: {  	s3 =	sadd.s32 $0x88, s3;
	s6 =	simm.s32 @!p1 $0x1082;
	[sflag:s4] =	ssyncset.s32 $0xFFFFF086  }
0x25: {  	[simem:s6], [sflag:s4] =	dma.local [hbm:s3], $0xF7A  }
0x26: {  	[smem:$0x3F9E] =	sst s1;
	(tag) =	ssettag s2;
	_ =	strace s9  }
0x27: {  	s1 =	sld [smem:$0x3FAE]  }
0x28: {  	s2 =	sld [smem:$0x3FAF]  }
0x29: {  	s4 =	sld [smem:$0x3FB1]  }
0x2a: {  	p0 =	seq.s32 s5, $0x0;
	s5 =	sld [smem:$0x3FB2]  }
0x2b: {  	s6 =	sld [smem:$0x3FB3]  }
0x2c: {  	s7 =	sld [smem:$0x3FB4]  }
0x2d: {  	s3 =	simm.s32 $0x108;
	s8 =	sld [smem:$0x3FB5]  }
0x2e: {  	s3 =	simm.s32 @!p0 $0x1082;
	s9 =	sld [smem:$0x3FB6]  }
0x2f: {  	lr =	sadd.s32 s0, s3;
	s0 =	sld [smem:$0x3FAD]  }
0x30: {  	s3 =	sld [smem:$0x3FB0]  }
0x31: {  	[smem:$0x3FB9] =	sst s10  }
0x32: {  	s10 =	sld [smem:$0x3FB7];
	_ =	sdelay $0x3  }
0x33: {  	p0 =	seq.s32 s10, $0x1;
	s10 =	sld [smem:$0x3FB9];
	_ =	sdelay $0x3  }
0x34: {  	[smem:$0x3FB9] =	sst s10  }
0x35: {  	s10 =	sld [smem:$0x3FB8];
	_ =	sdelay $0x3  }
0x36: {  	p1 =	seq.s32 s10, $0x1;
	s10 =	sld [smem:$0x3FB9];
	_ =	sdelay $0x3  }
0x37: {  	[smem:$0x3FB9] =	sst s10  }
0x38: {  	s10 =	sld [smem:$0x3FBA]  }
0x39: {  	_ = 	snop;
	(pc) =	sbr.ind lr, $3  }
0x3a: {  	_ = 	snop  }
0x3b: {  	_ = 	snop  }
0x3c: {  	p2 =	seq.s32 s10, $0x1;
	s10 =	sld [smem:$0x3FB9]  }
0x3d: {  	_ =	shalt  }
0x3e: {  	_ =	shalt  }
0x3f: {  	_ =	shalt  }
0x40: {  	_ =	shalt  }
0x41: {  	_ =	shalt  }
0x42: {  	_ =	shalt  }
0x43: {  	_ =	shalt  }
0x44: {  	_ =	shalt  }
0x45: {  	_ =	shalt  }
0x46: {  	_ =	shalt  }
0x47: {  	_ =	shalt  }
0x48: {  	_ =	shalt  }
0x49: {  	_ =	shalt  }
0x4a: {  	_ =	shalt  }
0x4b: {  	_ =	shalt  }
0x4c: {  	_ =	shalt  }
0x4d: {  	_ =	shalt  }
0x4e: {  	_ =	shalt  }
0x4f: {  	_ =	shalt  }
0x50: {  	_ =	shalt  }
0x51: {  	_ =	shalt  }
0x52: {  	_ =	shalt  }
0x53: {  	_ =	shalt  }
0x54: {  	_ =	shalt  }
0x55: {  	_ =	shalt  }
0x56: {  	_ =	shalt  }
0x57: {  	_ =	shalt  }
0x58: {  	_ =	shalt  }
0x59: {  	_ =	shalt  }
0x5a: {  	_ =	shalt  }
0x5b: {  	_ =	shalt  }
0x5c: {  	_ =	shalt  }
0x5d: {  	_ =	shalt  }
0x5e: {  	_ =	shalt  }
0x5f: {  	_ =	shalt  }
0x60: {  	_ =	shalt  }
0x61: {  	_ =	shalt  }
0x62: {  	_ =	shalt  }
0x63: {  	_ =	shalt  }
0x64: {  	_ =	shalt  }
0x65: {  	_ =	shalt  }
0x66: {  	_ =	shalt  }
0x67: {  	_ =	shalt  }
0x68: {  	_ =	shalt  }
0x69: {  	_ =	shalt  }
0x6a: {  	_ =	shalt  }
0x6b: {  	_ =	shalt  }
0x6c: {  	_ =	shalt  }
0x6d: {  	_ =	shalt  }
0x6e: {  	_ =	shalt  }
0x6f: {  	_ =	shalt  }
0x70: {  	_ =	shalt  }
0x71: {  	_ =	shalt  }
0x72: {  	_ =	shalt  }
0x73: {  	_ =	shalt  }
0x74: {  	_ =	shalt  }
0x75: {  	_ =	shalt  }
0x76: {  	_ =	shalt  }
0x77: {  	_ =	shalt  }
0x78: {  	_ =	shalt  }
0x79: {  	_ =	shalt  }
0x7a: {  	_ =	shalt  }
0x7b: {  	_ =	shalt  }
0x7c: {  	_ =	shalt  }
0x7d: {  	_ =	shalt  }
0x7e: {  	_ =	shalt  }
0x7f: {  	_ =	shalt  }
0x80: {  	_ =	shalt  }
0x81: {  	_ =	shalt  }
0x82: {  	_ =	shalt  }
0x83: {  	_ =	shalt  }
0x84: {  	_ =	shalt  }
0x85: {  	_ =	shalt  }
0x86: {  	_ =	shalt  }
0x87: {  	_ =	shalt  }
.Lfunc_end0:
.L_simem_size_0:
called_computation.1_lowered:
.L_overlay_start_0:
0x88: {  	s2 =	sld [smem:$0x3FD9]  }
0x89: {  	s3 =	sld [smem:$0x3FFE];
	_ =	sdelay $0x1  }
0x8a: {  	s1 =	srdreg.scid  }
0x8b: {  	s0 =	sand.u32 $0x1, s1  }
0x8c: {  	s17 =	sshll.u32 s0, $0xA;
	s2 =	sadd.s32 s3, s2  }
0x8d: {  	s2 =	sadd.s32 s2, s17  }
0x8e: {  	[smem:$0x3FC5] =	sst s2  }
0x8f: {  	_ = 	snop  }
0x90: {  	s2 =	sld [smem:$0x3FD0];
	(tm) =	ssettm $0x1  }
0x91: {  	s18 =	sld [smem:$0x3FFB];
	_ =	sdelay $0x3  }
0x92: {  	_ =	strace s18  }
0x93: {  	s3 =	sld [smem:$0x3FFC];
	_ =	sdelay $0x3  }
0x94: {  	_ =	strace s3  }
0x95: {  	s3 =	sld [smem:$0x3FFD];
	_ =	sdelay $0x3  }
0x96: {  	_ =	strace s3  }
0x97: {  	_ =	strace $0x8FFFFFFF  }
0x98: {  	s19 =	sld [smem:$0x3FDB];
	_ =	sdelay $0x1  }
0x99: {  	s4 =	simm.s32 $_scs_section_size  }
0x9a: {  	s5 =	simm.s32 $_size__tile_overlayer_lowered;
	s6 =	simm.s32 $_tile_overlayer_lowered  }
0x9b: {  	s22 =	simm.s32 $0x1BFF;
	s21 =	sshll.u32 s6, $0x1;
	s3 =	sadd.s32 s4, s19  }
0x9c: {  	s7 =	simm.s32 $0x0;
	s20 =	sshll.u32 s5, $0x1;
	s5 =	sadd.s32 s21, s3  }
0x9d: {  	[timem:s7], [sflag:s22] =	dma.local [hbm:s5], s20  }
0x9e: {  	_ =	swait.ge [sflag:s22], s20  }
0x9f: {  	s4 =	ssub.s32 $0x0, s20;
	[sflag:s22] =	ssyncset.done $0x0  }
0xa0: {  	[sflag:s22] =	ssyncadd.s32 s4;
	_ =	sdelay $0x1  }
0xa1: {  	s23 =	simm.s32 $0x1B8B  }
0xa2: {  	_ =	swait.ge [sflag:s23], $0x1  }
0xa3: {  	[sflag:s23] =	ssyncset.done $0x0  }
0xa4: {  	s25 =	simm.s32 $0x1B8E;
	s24 =	sld [smem:$0x3FFE];
	[sflag:s23] =	ssyncadd.s32 $0xFFFFFFFF  }
0xa5: {  	s26 =	simm.s32 $execute0_lowered;
	[smem:$0x3FD2] =	sst s25  }
0xa6: {  	s5 =	sshll.u32 s26, $0x1;
	_ =	strace $0x80000046;
	[dreg:$0x1] =	wrdreg $0xFFFFFFFF  }
0xa7: {  	s28 =	simm.s32 $_size_execute0_lowered;
	s3 =	sadd.s32 s3, s5;
	[dreg:$0x0] =	wrdreg $0x0  }
0xa8: {  	s5 =	sshll.u32 s28, $0x1;
	[dreg:$0x2] =	wrdreg s3  }
0xa9: {  	[dreg:$0x3] =	wrdreg s5  }
0xaa: {  	[dreg:$0x4] =	wrdreg $0xC0  }
0xab: {  	_ =	task [dreg:s7], $0x5FFFF  }
0xac: {  	[dreg:$0x1] =	wrdreg $0xFFFFFFFF  }
0xad: {  	[dreg:$0x0] =	wrdreg $0x60  }
0xae: {  	[dreg:$0x2] =	wrdreg s24  }
0xaf: {  	[dreg:$0x3] =	wrdreg s2  }
0xb0: {  	[dreg:$0x4] =	wrdreg $0x9  }
0xb1: {  	_ =	task.clear_ibuf [dreg:s7], $0x5FFFF;
	_ =	strace $0x90000046  }
0xb2: {  	s29 =	simm.s32 $0x9;
	_ =	strace $0x80000048  }
0xb3: {  	_ =	swait.ge [sflag:s29], $0x1  }
0xb4: {  	[sflag:s29] =	ssyncadd.s32 $0xFFFFFFFF  }
0xb5: {  	_ =	strace $0x90000048  }
0xb6: {  	_ =	sfence  }
0xb7: {  	s30 =	sld [smem:$0x0];
	_ =	sdelay $0x2  }
0xb8: {  	s31 =	sshll.u32 s1, $0xD;
	s1 =	sshrl.u32 s1, $0x2  }
0xb9: {  	s3 =	sand.u32 $0x4000, s31;
	s1 =	sadd.s32 s1, s30  }
0xba: {  	s0 =	sor.u32 s3, s0;
	s1 =	sshll.u32 s1, $0x11  }
0xbb: {  	s0 =	sor.u32 s1, s0  }
0xbc: {  	s0 =	sadd.s32 $0x8F2B, s0  }
0xbd: {  	[sflag:s0] =	ssyncadd.remote.s32 $0x1  }
0xbe: {  	_ =	sfence.sel $0xFFFF  }
0xbf: {  	[dreg:$0x0] =	wrdreg $0xFFFFFFFF;
	(pc) =	sbr.abs _section_cstart, $3  }
0xc0: {  	[dreg:$0x1] =	wrdreg $0xFFFFFFFF  }
0xc1: {  	_ =	task.clear_ibuf [dreg:s7], $0x2FFFF;
	_ =	strace $0x9FFFFFFF  }
0xc2: {  	(tm) =	ssettm $0x7FFFFFFF  }
0xc3: {  	_ =	shalt  }
tec
execute0_lowered:
.L_overlay_start_1:
0x0: {  	(tag) =	ssettag $0x1  }
0x1: {  	s0 =	srdreg.scid  }
0x2: {  	s2 =	stileid.u32;
	s1 =	rddreg [dreg:$0x0];
	s0 =	sand.u32 $0x1, s0  }
0x3: {  	s3 =	sshll.u32 s2, $0x1;
	s2 =	rddreg [dreg:$0x1];
	s5 =	sadd.s32 $0x19C00, s1  }
0x4: {  	s6 =	sor.u32 s0, s3;
	s3 =	simm.s32 $0x0;
	s0 =	ssub.s32 $0x2, s0  }
0x5: {  	s4 =	smul.u32 $0xC80, s6;
	[smem:$0x7FF] =	sst s3;
	s8 =	sshrl.u32 s0, $0x1  }
0x6: {  	s9 =	smul.u32 $0x6400, s6;
	s6 =	sshll.u32 s6, $0x7;
	_ =	strace $0x80000047  }
0x7: {  	s0 =	ssub.s32 s0, s8;
	s7 =	sadd.s32 s4, s1;
	s4 =	sadd.s32 $0xF43000, s1  }
0x8: {  	s8 =	sor.u32 $0x20, s9;
	s26 =	sor.u32 $0x30, s9;
	s10 =	sor.u32 $0x40, s9  }
0x9: {  	s11 =	sor.u32 $0x50, s9;
	s12 =	sor.u32 $0x60, s9;
	s13 =	sor.u32 $0x70, s9  }
0xa: {  	s14 =	sor.u32 $0x80, s9;
	s15 =	sor.u32 $0x90, s9;
	s16 =	sor.u32 $0xA0, s9  }
0xb: {  	s17 =	sor.u32 $0xB0, s9;
	s18 =	sor.u32 $0xB8, s9;
	s19 =	sor.u32 $0xC8, s9  }
0xc: {  	s20 =	sor.u32 $0xD8, s9;
	s21 =	sor.u32 $0xE8, s9;
	s22 =	sor.u32 $0xF8, s9  }
0xd: {  	v0 =	vlaneseq.u32;
	vm0 =	vmmov $0xffff;
	s23 =	sor.u32 $0x108, s9;
	s28 =	sor.u32 $0x118, s9;
	s24 =	sor.u32 $0x128, s9  }
0xe: {  	v27 =	vmul.u32 $0x40, v0;
	s25 =	sor.u32 $0x138, s9;
	s29 =	sor.u32 $0x148, s9;
	s30 =	sor.u32 $0x158, s9;
	v7 =	vor.u32 s9, v0;
	v2 =	vor.u32 s8, v0  }
0xf: {  	s0 =	smax.u32 s0, $0x1;
	s31 =	sadd.s32 $0xC00, s7;
	s7 =	sor.u32 $0x10, s9;
	v3 =	vor.u32 s26, v0;
	v4 =	vor.u32 s10, v0;
	v5 =	vor.u32 s11, v0  }
0x10: {  	s26 =	sor.u32 $0x168, s9;
	v6 =	vor.u32 s12, v0;
	[dreg:$0x4] =	wrdreg s0;
	v8 =	vor.u32 s13, v0;
	v9 =	vor.u32 s14, v0;
	s10 =	simm.s32 $0xC8  }
0x11: {  	v10 =	vor.u32 s15, v0;
	v11 =	vor.u32 s16, v0;
	v12 =	vor.u32 s17, v0;
	s12 =	simm.s32 $0x6720;
	s14 =	simm.s32 $0x9920;
	s16 =	simm.s32 $0xCB20  }
.Ltmp0:
0x12: {  	v13 =	vadd.s32 s18, v0;
	v14 =	vadd.s32 s19, v0;
	v15 =	vadd.s32 s20, v0;
	s17 =	simm.s32 $0x1;
	s18 =	simm.s32 $0x12F20;
	(pc) =	sbr.rel .LBB2_1-.Ltmp0, $4  }
0x13: {  	v16 =	vadd.s32 s21, v0;
	v17 =	vadd.s32 s22, v0;
	v18 =	vadd.s32 s23, v0;
	s19 =	simm.s32 $0x9;
	s20 =	simm.s32 $0x6658;
	s21 =	simm.s32 $0xFD20  }
0x14: {  	v19 =	vadd.s32 s28, v0;
	v20 =	vadd.s32 s24, v0;
	v21 =	vadd.s32 s25, v0;
	s22 =	simm.s32 $0x2;
	s23 =	simm.s32 $0x3;
	s24 =	simm.s32 $0x4  }
0x15: {  	v22 =	vadd.s32 s29, v0;
	v23 =	vadd.s32 s30, v0;
	[dreg:$0x3] =	wrdreg s31;
	v1 =	vor.u32 s7, v0;
	s31 =	sor.u32 $0x178, s9;
	s9 =	sor.u32 $0x180, s9  }
0x16: {  	s25 =	simm.s32 $0x5;
	v24 =	vadd.s32 s26, v0;
	s26 =	simm.s32 $0x6;
	s7 =	simm.s32 $0x0;
	v25 =	vadd.s32 s31, v0;
	v26 =	vor.u32 s9, v0  }
.LBB2_31:
0x17: {  	_ =	swait.ge [sflag:s25], $0x3200  }
0x18: {  	[sflag:s25] =	ssyncset.done $0x0  }
0x19: {  	[sflag:s25] =	ssyncadd.s32 $0xFFFFCE00  }
0x1a: {  	_ =	swait.ge [sflag:s26], $0x3200  }
0x1b: {  	[sflag:s26] =	ssyncset.done $0x0  }
0x1c: {  	s0 =	simm.s32 $0x7;
	[sflag:s26] =	ssyncadd.s32 $0xFFFFCE00  }
0x1d: {  	_ =	swait.ge [sflag:s0], $0x3200  }
0x1e: {  	[sflag:s0] =	ssyncset.done $0x0  }
0x1f: {  	s1 =	simm.s32 $0x8;
	[sflag:s0] =	ssyncadd.s32 $0xFFFFCE00  }
0x20: {  	_ =	swait.ge [sflag:s1], $0x3200  }
0x21: {  	s7 =	rddreg [dreg:$0x5]  }
0x22: {  	s31 =	rddreg [dreg:$0x4];
	s7 =	sadd.s32 $0x1, s7  }
0x23: {  	p0 =	sne.s32 s7, s31  }
.Ltmp1:
0x24: {  	_ = 	snop;
	(pc) =	sbr.rel @!p0 .LBB2_32-.Ltmp1, $3  }
0x25: {  	_ =	sdelay $0x1  }
0x26: {  	[sflag:s1] =	ssyncset.done $0x0  }
0x27: {  	[sflag:s1] =	ssyncadd.s32 $0xFFFFCE00  }
.LBB2_1:
0x28: {  	[dreg:$0x5] =	wrdreg s7  }
0x29: {  	s0 =	rddreg [dreg:$0x3];
	s28 =	simm.s32 $0xA  }
0x2a: {  	[tilespmem:s3], [sflag:$0xA] =	stream.linear.gather [hbm4b:s0+s3], $0x6400, $0x38;
	[tilespmem:$0x13320] =	vst v63  }
0x2b: {  	_ =	swait.ge [sflag:s28], $0x6400  }
0x2c: {  	[sflag:s28] =	ssyncset.done $0x0  }
0x2d: {  	[sflag:s28] =	ssyncadd.s32 $0xFFFF9C00  }
0x2e: {  	v28 =	vld [tilespmem:$0x0]  }
0x2f: {  	v29 =	vld [tilespmem:$0x10]  }
0x30: {  	v30 =	vld [tilespmem:$0x20]  }
0x31: {  	v31 =	vld [tilespmem:$0x30]  }
0x32: {  	v32 =	vld [tilespmem:$0x40]  }
0x33: {  	v33 =	vld [tilespmem:$0x50];
	vm1 =	vgt.s32 v28, $0xF423F  }
0x34: {  	v34 =	vld [tilespmem:$0x60];
	v28 =	vsel vm1, v7, v28;
	vm1 =	vgt.s32 v29, $0xF423F  }
0x35: {  	[tilespmem:$0x6400] =	vst v28;
	v28 =	vsel vm1, v1, v29;
	vm1 =	vgt.s32 v30, $0xF423F;
	v29 =	vld [tilespmem:$0x70]  }
0x36: {  	v49 =	vld [tilespmem:$0x80];
	[tilespmem:$0x6410] =	vst v28;
	v28 =	vsel vm1, v2, v30;
	vm1 =	vgt.s32 v31, $0xF423F  }
0x37: {  	v50 =	vld [tilespmem:$0x90];
	[tilespmem:$0x6420] =	vst v28;
	v28 =	vsel vm1, v3, v31;
	vm1 =	vgt.s32 v32, $0xF423F  }
0x38: {  	v51 =	vld [tilespmem:$0xA0];
	[tilespmem:$0x6430] =	vst v28;
	v28 =	vsel vm1, v4, v32;
	vm1 =	vgt.s32 v33, $0xF423F  }
0x39: {  	v52 =	vld [tilespmem:$0xB0];
	[tilespmem:$0x6440] =	vst v28;
	v28 =	vsel vm1, v5, v33;
	vm1 =	vgt.s32 v34, $0xF423F  }
0x3a: {  	v53 =	vld [tilespmem:$0xB8];
	[tilespmem:$0x6450] =	vst v28;
	v28 =	vsel vm1, v6, v34;
	vm1 =	vgt.s32 v29, $0xF423F  }
0x3b: {  	[tilespmem:$0x6460] =	vst v28;
	v28 =	vsel vm1, v8, v29;
	vm1 =	vgt.s32 v49, $0xF423F  }
0x3c: {  	[tilespmem:$0x6470] =	vst v28;
	v28 =	vsel vm1, v9, v49;
	vm1 =	vgt.s32 v50, $0xF423F  }
0x3d: {  	[tilespmem:$0x6480] =	vst v28;
	v28 =	vsel vm1, v10, v50;
	vm1 =	vgt.s32 v51, $0xF423F  }
0x3e: {  	[tilespmem:$0x6490] =	vst v28;
	v28 =	vsel vm1, v11, v51;
	vm1 =	vgt.s32 v52, $0xF423F  }
0x3f: {  	[tilespmem:$0x64A0] =	vst v28;
	v28 =	vsel vm1, v12, v52;
	vm1 =	vgt.s32 v53, $0xF423F  }
0x40: {  	[tilespmem:$0x64B0] =	vst v28;
	v28 =	vsel vm1, v13, v53  }
0x41: {  	s29 =	simm.s32 $0x6400;
	[tilespmem:$0x64B8] =	vst v28  }
0x42: {  	[tilespmem:s12], [sflag:$0x1] =	stream.indirect.gather [hbm4b:s4+s10], $0x40, s29, s10, $0xb8;
	[tilespmem:$0x13320] =	vst v63  }
0x43: {  	v28 =	vld [tilespmem:$0xC8]  }
0x44: {  	v29 =	vld [tilespmem:$0xD8]  }
0x45: {  	v54 =	vld [tilespmem:$0xE8]  }
0x46: {  	v55 =	vld [tilespmem:$0xF8]  }
0x47: {  	v56 =	vld [tilespmem:$0x108]  }
0x48: {  	v57 =	vld [tilespmem:$0x118];
	vm1 =	vgt.s32 v28, $0xF423F  }
0x49: {  	v58 =	vld [tilespmem:$0x128];
	v28 =	vsel vm1, v14, v28;
	vm1 =	vgt.s32 v29, $0xF423F  }
0x4a: {  	[tilespmem:$0x64C8] =	vst v28;
	v28 =	vsel vm1, v15, v29;
	vm1 =	vgt.s32 v54, $0xF423F;
	v29 =	vld [tilespmem:$0x138]  }
0x4b: {  	v59 =	vld [tilespmem:$0x148];
	[tilespmem:$0x64D8] =	vst v28;
	v28 =	vsel vm1, v16, v54;
	vm1 =	vgt.s32 v55, $0xF423F  }
0x4c: {  	v60 =	vld [tilespmem:$0x158];
	[tilespmem:$0x64E8] =	vst v28;
	v28 =	vsel vm1, v17, v55;
	vm1 =	vgt.s32 v56, $0xF423F  }
0x4d: {  	v61 =	vld [tilespmem:$0x168];
	[tilespmem:$0x64F8] =	vst v28;
	v28 =	vsel vm1, v18, v56;
	vm1 =	vgt.s32 v57, $0xF423F  }
0x4e: {  	v62 =	vld [tilespmem:$0x178];
	[tilespmem:$0x6508] =	vst v28;
	v28 =	vsel vm1, v19, v57;
	vm1 =	vgt.s32 v58, $0xF423F  }
0x4f: {  	v63 =	vld [tilespmem:$0x180];
	[tilespmem:$0x6518] =	vst v28;
	v28 =	vsel vm1, v20, v58;
	vm1 =	vgt.s32 v29, $0xF423F  }
0x50: {  	[tilespmem:$0x6528] =	vst v28;
	v28 =	vsel vm1, v21, v29;
	vm1 =	vgt.s32 v59, $0xF423F  }
0x51: {  	[tilespmem:$0x6538] =	vst v28;
	v28 =	vsel vm1, v22, v59;
	vm1 =	vgt.s32 v60, $0xF423F  }
0x52: {  	[tilespmem:$0x6548] =	vst v28;
	v28 =	vsel vm1, v23, v60;
	vm1 =	vgt.s32 v61, $0xF423F  }
.Ltmp2:
0x53: {  	[tilespmem:$0x6558] =	vst v28;
	v28 =	vsel vm1, v24, v61;
	vm1 =	vgt.s32 v62, $0xF423F;
	(pc) =	sbr.rel .LBB2_2-.Ltmp2, $4  }
0x54: {  	[tilespmem:$0x6568] =	vst v28;
	v28 =	vsel vm1, v25, v62;
	vm1 =	vgt.s32 v63, $0xF423F  }
0x55: {  	[tilespmem:$0x6578] =	vst v28;
	v28 =	vsel vm1, v26, v63  }
0x56: {  	s30 =	simm.s32 $0x64C8;
	s31 =	simm.s32 $0x0;
	[tilespmem:$0x6580] =	vst v28  }
0x57: {  	[tilespmem:s14], [sflag:$0x2] =	stream.indirect.gather [hbm4b:s4+s10], $0x40, s30, s10, $0xb8;
	[tilespmem:$0x13320] =	vst v63  }
.LBB2_30:
0x58: {  	s31 =	sadd.s32 $0x1, s31  }
0x59: {  	p0 =	sne.s32 s31, $0x20  }
.Ltmp3:
0x5a: {  	_ = 	snop;
	(pc) =	sbr.rel @!p0 .LBB2_31-.Ltmp3, $3  }
0x5b: {  	s0 =	smul.u32 $0x640, s7;
	_ =	sdelay $0x1  }
0x5c: {  	s0 =	sadd.s32 s2, s0  }
0x5d: {  	[hbm4b:s0+s3] =	stream.linear.scatter [tilespmem:s21], [sflag:$0x8], $0x3200, $0x38;
	[tilespmem:$0x13320] =	vst v63  }
.LBB2_2:
0x5e: {  	s1 =	sshll.u32 s31, $0x2;
	p0 =	seq.s32 s31, $0x0  }
0x5f: {  	s0 =	sor.u32 $0x2, s1;
	s7 =	simm.s32 @!p0 $0x7  }
0x60: {  	_ =	swait.ge @!p0 [sflag:s7], $0x3200;
	s8 =	smul.u32 $0x320, s0  }
0x61: {  	[sflag:s7] =	ssyncset.done @!p0 $0x0  }
0x62: {  	[sflag:s7] =	ssyncadd.s32 @!p0 $0xFFFFCE00;
	s8 =	sshra.s32 s8, $0x2  }
0x63: {  	v28 =	vld [tilespmem:s8+$0x0];
	_ =	sdelay $0x1  }
0x64: {  	s9 =	sor.u32 s6, s0  }
0x65: {  	s0 =	smul.u32 $0xC8, s9;
	_ =	sdelay $0x1  }
0x66: {  	v29 =	vor.u32 s0, v0;
	vm1 =	vgt.s32 v28, $0xF423F  }
0x67: {  	v28 =	vsel vm1, v29, v28  }
0x68: {  	[tilespmem:$0x6590] =	vst v28  }
0x69: {  	v28 =	vld [tilespmem:s8+$0x10];
	_ =	sdelay $0x3  }
0x6a: {  	s15 =	sadd.s32 $0x10, s0  }
0x6b: {  	v29 =	vor.u32 s15, v0;
	vm1 =	vgt.s32 v28, $0xF423F  }
0x6c: {  	v28 =	vsel vm1, v29, v28  }
0x6d: {  	[tilespmem:$0x65A0] =	vst v28  }
0x6e: {  	v28 =	vld [tilespmem:s8+$0x20];
	_ =	sdelay $0x3  }
0x6f: {  	s28 =	sadd.s32 $0x20, s0  }
0x70: {  	v29 =	vor.u32 s28, v0;
	vm1 =	vgt.s32 v28, $0xF423F  }
0x71: {  	v28 =	vsel vm1, v29, v28  }
0x72: {  	[tilespmem:$0x65B0] =	vst v28  }
0x73: {  	v28 =	vld [tilespmem:s8+$0x30];
	_ =	sdelay $0x3  }
0x74: {  	s29 =	sadd.s32 $0x30, s0  }
0x75: {  	v29 =	vor.u32 s29, v0;
	vm1 =	vgt.s32 v28, $0xF423F  }
0x76: {  	v28 =	vsel vm1, v29, v28  }
0x77: {  	[tilespmem:$0x65C0] =	vst v28  }
0x78: {  	v28 =	vld [tilespmem:s8+$0x40];
	_ =	sdelay $0x3  }
0x79: {  	s30 =	sadd.s32 $0x40, s0  }
0x7a: {  	v29 =	vor.u32 s30, v0;
	vm1 =	vgt.s32 v28, $0xF423F  }
0x7b: {  	v28 =	vsel vm1, v29, v28  }
0x7c: {  	[tilespmem:$0x65D0] =	vst v28  }
0x7d: {  	v28 =	vld [tilespmem:s8+$0x50];
	_ =	sdelay $0x3  }
0x7e: {  	s11 =	sadd.s32 $0x50, s0  }
0x7f: {  	v29 =	vor.u32 s11, v0;
	vm1 =	vgt.s32 v28, $0xF423F  }
0x80: {  	v28 =	vsel vm1, v29, v28  }
0x81: {  	[tilespmem:$0x65E0] =	vst v28  }
0x82: {  	v28 =	vld [tilespmem:s8+$0x60];
	_ =	sdelay $0x3  }
0x83: {  	s13 =	sadd.s32 $0x60, s0  }
0x84: {  	v29 =	vor.u32 s13, v0;
	vm1 =	vgt.s32 v28, $0xF423F  }
0x85: {  	v28 =	vsel vm1, v29, v28  }
0x86: {  	[tilespmem:$0x65F0] =	vst v28  }
0x87: {  	v28 =	vld [tilespmem:s8+$0x70];
	_ =	sdelay $0x3  }
0x88: {  	s15 =	sadd.s32 $0x70, s0  }
0x89: {  	v29 =	vor.u32 s15, v0;
	vm1 =	vgt.s32 v28, $0xF423F  }
0x8a: {  	v28 =	vsel vm1, v29, v28  }
0x8b: {  	[tilespmem:$0x6600] =	vst v28  }
0x8c: {  	v28 =	vld [tilespmem:s8+$0x80];
	_ =	sdelay $0x3  }
0x8d: {  	s28 =	sadd.s32 $0x80, s0  }
0x8e: {  	v29 =	vor.u32 s28, v0;
	vm1 =	vgt.s32 v28, $0xF423F  }
0x8f: {  	v28 =	vsel vm1, v29, v28  }
0x90: {  	[tilespmem:$0x6610] =	vst v28  }
0x91: {  	v28 =	vld [tilespmem:s8+$0x90];
	_ =	sdelay $0x3  }
0x92: {  	s29 =	sadd.s32 $0x90, s0  }
0x93: {  	v29 =	vor.u32 s29, v0;
	vm1 =	vgt.s32 v28, $0xF423F  }
0x94: {  	v28 =	vsel vm1, v29, v28  }
0x95: {  	[tilespmem:$0x6620] =	vst v28  }
0x96: {  	v28 =	vld [tilespmem:s8+$0xA0];
	_ =	sdelay $0x3  }
0x97: {  	s30 =	sadd.s32 $0xA0, s0  }
0x98: {  	v29 =	vor.u32 s30, v0;
	vm1 =	vgt.s32 v28, $0xF423F  }
0x99: {  	v28 =	vsel vm1, v29, v28  }
0x9a: {  	[tilespmem:$0x6630] =	vst v28  }
0x9b: {  	v28 =	vld [tilespmem:s8+$0xB0];
	_ =	sdelay $0x3  }
0x9c: {  	s11 =	sadd.s32 $0xB0, s0  }
0x9d: {  	v29 =	vor.u32 s11, v0;
	vm1 =	vgt.s32 v28, $0xF423F  }
0x9e: {  	v28 =	vsel vm1, v29, v28  }
0x9f: {  	[tilespmem:$0x6640] =	vst v28  }
0xa0: {  	v28 =	vld [tilespmem:s8+$0xB8];
	_ =	sdelay $0x3  }
0xa1: {  	s0 =	sadd.s32 $0xB8, s0  }
0xa2: {  	v29 =	vadd.s32 s0, v0;
	vm1 =	vgt.s32 v28, $0xF423F  }
0xa3: {  	v28 =	vsel vm1, v29, v28  }
0xa4: {  	s13 =	simm.s32 $0x6590;
	[tilespmem:$0x6648] =	vst v28  }
0xa5: {  	[tilespmem:s16], [sflag:$0x3] =	stream.indirect.gather [hbm4b:s4+s10], $0x40, s13, s10, $0xb8;
	[tilespmem:$0x13320] =	vst v63  }
0xa6: {  	s15 =	smul.u32 $0xC80, s31;
	_ =	swait.ge [sflag:s17], $0x3200  }
0xa7: {  	[sflag:s17] =	ssyncset.done $0x0  }
0xa8: {  	s0 =	sshra.s32 s15, $0x2;
	[sflag:s17] =	ssyncadd.s32 $0xFFFFCE00  }
0xa9: {  	v28 =	vld [tilespmem:s0+$0x0]  }
0xaa: {  	v29 =	vld [tilespmem:s0+$0x10];
	_ =	sdelay $0x1  }
0xab: {  	v30 =	vld [tilespmem:s0+$0x20];
	_ =	sdelay $0x1  }
0xac: {  	v31 =	vld [tilespmem:s0+$0x30];
	v28 =	vxor.u32 $0x80000000, v28  }
0xad: {  	(xrf0) =	vmax.scan.msk.u32 $0xffff, v28;
	v28 =	vxor.u32 $0x80000000, v29  }
0xae: {  	(xrf0) =	vmax.scan.msk.u32 $0xffff, v28;
	v28 =	vld [tilespmem:s0+$0x40]  }
0xaf: {  	v29 =	vxor.u32 $0x80000000, v30  }
0xb0: {  	(xrf0) =	vmax.scan.msk.u32 $0xffff, v29;
	v29 =	vld [tilespmem:s0+$0x50]  }
0xb1: {  	v52 =	vxor.u32 $0x80000000, v31  }
0xb2: {  	v53 =	vld [tilespmem:s0+$0x60];
	(xrf0) =	vmax.scan.msk.u32 $0xffff, v52  }
0xb3: {  	v54, _, _ =	vpop (xrf0);
	v28 =	vxor.u32 $0x80000000, v28  }
0xb4: {  	(v2sf) =	vpush v54, $0xF;
	v55, _, _ =	vpop (xrf0);
	(xrf0) =	vmax.scan.msk.u32 $0xffff, v28;
	v28 =	vld [tilespmem:s0+$0x70]  }
0xb5: {  	v29 =	vxor.u32 $0x80000000, v29;
	(v2sf) =	vpush v55, $0xF  }
0xb6: {  	v56, _, _ =	vpop (xrf0);
	(xrf0) =	vmax.scan.msk.u32 $0xffff, v29;
	v29 =	vld [tilespmem:s0+$0x80]  }
0xb7: {  	v30 =	vxor.u32 $0x80000000, v53;
	(v2sf) =	vpush v56, $0xF  }
0xb8: {  	v58 =	vld [tilespmem:s0+$0x90];
	v57, _, _ =	vpop (xrf0);
	(xrf0) =	vmax.scan.msk.u32 $0xffff, v30  }
0xb9: {  	(v2sf) =	vpush v57, $0xF;
	v28 =	vxor.u32 $0x80000000, v28  }
0xba: {  	v59, _, _ =	vpop (xrf0);
	(xrf0) =	vmax.scan.msk.u32 $0xffff, v28;
	v28 =	vld [tilespmem:s0+$0xA0]  }
0xbb: {  	v29 =	vxor.u32 $0x80000000, v29;
	(v2sf) =	vpush v59, $0xF  }
0xbc: {  	v60, _, _ =	vpop (xrf0);
	(xrf0) =	vmax.scan.msk.u32 $0xffff, v29;
	v29 =	vld [tilespmem:s0+$0xB0]  }
0xbd: {  	v30 =	vxor.u32 $0x80000000, v58;
	(v2sf) =	vpush v60, $0xF  }
0xbe: {  	v62 =	vld [tilespmem:s0+$0xB8];
	v61, _, _ =	vpop (xrf0);
	(xrf0) =	vmax.scan.msk.u32 $0xffff, v30  }
0xbf: {  	(v2sf) =	vpush v61, $0xF;
	v28 =	vxor.u32 $0x80000000, v28  }
0xc0: {  	v63, _, _ =	vpop (xrf0);
	(xrf0) =	vmax.scan.msk.u32 $0xffff, v28  }
0xc1: {  	v28 =	vxor.u32 $0x80000000, v29;
	(v2sf) =	vpush v63, $0xF  }
0xc2: {  	v29, _, _ =	vpop (xrf0);
	(xrf0) =	vmax.scan.msk.u32 $0xffff, v28  }
0xc3: {  	v28 =	vxor.u32 $0x80000000, v62;
	s28 =	spop (v2sf);
	(v2sf) =	vpush v29, $0xF  }
0xc4: {  	v29, _, _ =	vpop (xrf0);
	(xrf0) =	vmax.scan.msk.u32 $0xffff, v28;
	s11 =	spop (v2sf)  }
0xc5: {  	s7 =	sxor.u32 $0x80000000, s28;
	(v2sf) =	vpush v29, $0xF;
	s11 =	sxor.u32 $0x80000000, s11  }
0xc6: {  	s28 =	spop (v2sf);
	v28, _, _ =	vpop (xrf0);
	p1 =	sgt.s32 s7, s11  }
0xc7: {  	s11 =	smov.u32 @p1 s7;
	s7 =	sxor.u32 $0x80000000, s28;
	(v2sf) =	vpush v28, $0xF  }
0xc8: {  	s29 =	spop (v2sf);
	v28, _, _ =	vpop (xrf0);
	p1 =	sgt.s32 s11, s7  }
0xc9: {  	(v2sf) =	vpush v28, $0xF;
	s7 =	smov.u32 @p1 s11;
	s11 =	sxor.u32 $0x80000000, s29  }
0xca: {  	v28, _, _ =	vpop (xrf0);
	p1 =	sgt.s32 s7, s11;
	s30 =	spop (v2sf)  }
0xcb: {  	(v2sf) =	vpush v28, $0xF;
	s11 =	smov.u32 @p1 s7;
	s7 =	sxor.u32 $0x80000000, s30  }
0xcc: {  	s13 =	spop (v2sf);
	p1 =	sgt.s32 s11, s7  }
0xcd: {  	s7 =	smov.u32 @p1 s11;
	s11 =	sxor.u32 $0x80000000, s13  }
0xce: {  	s15 =	spop (v2sf);
	p1 =	sgt.s32 s7, s11  }
0xcf: {  	s11 =	smov.u32 @p1 s7;
	s7 =	sxor.u32 $0x80000000, s15  }
0xd0: {  	s29 =	spop (v2sf);
	p1 =	sgt.s32 s11, s7  }
0xd1: {  	s7 =	smov.u32 @p1 s11;
	s11 =	sxor.u32 $0x80000000, s29  }
0xd2: {  	s30 =	spop (v2sf);
	p1 =	sgt.s32 s7, s11  }
0xd3: {  	s11 =	smov.u32 @p1 s7;
	s7 =	sxor.u32 $0x80000000, s30  }
0xd4: {  	s13 =	spop (v2sf);
	p1 =	sgt.s32 s11, s7  }
0xd5: {  	s7 =	smov.u32 @p1 s11;
	s11 =	sxor.u32 $0x80000000, s13  }
0xd6: {  	s15 =	spop (v2sf);
	p1 =	sgt.s32 s7, s11  }
0xd7: {  	s11 =	smov.u32 @p1 s7;
	s7 =	sxor.u32 $0x80000000, s15  }
0xd8: {  	s29 =	spop (v2sf);
	p1 =	sgt.s32 s11, s7  }
0xd9: {  	s7 =	smov.u32 @p1 s11;
	s11 =	sxor.u32 $0x80000000, s29  }
0xda: {  	s30 =	spop (v2sf);
	p1 =	sgt.s32 s7, s11  }
0xdb: {  	s11 =	smov.u32 @p1 s7;
	s7 =	sxor.u32 $0x80000000, s30  }
0xdc: {  	p1 =	sgt.s32 s11, s7  }
0xdd: {  	s7 =	smov.u32 @p1 s11  }
0xde: {  	p1 =	slt.s32 s7, $0xF4240  }
.Ltmp4:
0xdf: {  	_ = 	snop;
	(pc) =	sbr.rel @!p1 .LBB2_3-.Ltmp4, $2  }
0xe0: {  	_ =	sdelay $0x2  }
0xe1: {  	s7 =	simm.s32 $0x0  }
.LBB2_8:
0xe2: {  	s0 =	sadd.s32 s6, s1  }
0xe3: {  	s0 =	smul.u32 $0x640, s0;
	_ =	sdelay $0x1  }
0xe4: {  	s0 =	sadd.s32 s2, s0  }
0xe5: {  	[hbm4b:s0+s3] =	stream.linear.scatter [tilespmem:s12], [sflag:$0x5], $0x3200, $0x38;
	[tilespmem:$0x13320] =	vst v63  }
0xe6: {  	s7 =	sor.u32 $0x3, s1;
	s0 =	simm.s32 @!p0 $0x8  }
0xe7: {  	s11 =	smul.u32 $0x320, s7;
	_ =	swait.ge @!p0 [sflag:s0], $0x3200  }
0xe8: {  	[sflag:s0] =	ssyncset.done @!p0 $0x0  }
0xe9: {  	[sflag:s0] =	ssyncadd.s32 @!p0 $0xFFFFCE00;
	s0 =	sshra.s32 s11, $0x2  }
0xea: {  	v28 =	vld [tilespmem:s0+$0x0];
	_ =	sdelay $0x1  }
0xeb: {  	s7 =	sor.u32 s6, s7  }
0xec: {  	s28 =	smul.u32 $0xC8, s7;
	_ =	sdelay $0x1  }
0xed: {  	v29 =	vadd.s32 s28, v0;
	vm1 =	vgt.s32 v28, $0xF423F  }
0xee: {  	v28 =	vsel vm1, v29, v28  }
0xef: {  	[tilespmem:$0x6658] =	vst v28  }
0xf0: {  	v28 =	vld [tilespmem:s0+$0x10];
	_ =	sdelay $0x3  }
0xf1: {  	s15 =	sadd.s32 $0x10, s28  }
0xf2: {  	v29 =	vadd.s32 s15, v0;
	vm1 =	vgt.s32 v28, $0xF423F  }
0xf3: {  	v28 =	vsel vm1, v29, v28  }
0xf4: {  	[tilespmem:$0x6668] =	vst v28  }
0xf5: {  	v28 =	vld [tilespmem:s0+$0x20];
	_ =	sdelay $0x3  }
0xf6: {  	s13 =	sadd.s32 $0x20, s28  }
0xf7: {  	v29 =	vadd.s32 s13, v0;
	vm1 =	vgt.s32 v28, $0xF423F  }
0xf8: {  	v28 =	vsel vm1, v29, v28  }
0xf9: {  	[tilespmem:$0x6678] =	vst v28  }
0xfa: {  	v28 =	vld [tilespmem:s0+$0x30];
	_ =	sdelay $0x3  }
0xfb: {  	s15 =	sadd.s32 $0x30, s28  }
0xfc: {  	v29 =	vadd.s32 s15, v0;
	vm1 =	vgt.s32 v28, $0xF423F  }
0xfd: {  	v28 =	vsel vm1, v29, v28  }
0xfe: {  	[tilespmem:$0x6688] =	vst v28  }
0xff: {  	v28 =	vld [tilespmem:s0+$0x40];
	_ =	sdelay $0x3  }
0x100: {  	s13 =	sadd.s32 $0x40, s28  }
0x101: {  	v29 =	vadd.s32 s13, v0;
	vm1 =	vgt.s32 v28, $0xF423F  }
0x102: {  	v28 =	vsel vm1, v29, v28  }
0x103: {  	[tilespmem:$0x6698] =	vst v28  }
0x104: {  	v28 =	vld [tilespmem:s0+$0x50];
	_ =	sdelay $0x3  }
0x105: {  	s15 =	sadd.s32 $0x50, s28  }
0x106: {  	v29 =	vadd.s32 s15, v0;
	vm1 =	vgt.s32 v28, $0xF423F  }
0x107: {  	v28 =	vsel vm1, v29, v28  }
0x108: {  	[tilespmem:$0x66A8] =	vst v28  }
0x109: {  	v28 =	vld [tilespmem:s0+$0x60];
	_ =	sdelay $0x3  }
0x10a: {  	s13 =	sadd.s32 $0x60, s28  }
0x10b: {  	v29 =	vadd.s32 s13, v0;
	vm1 =	vgt.s32 v28, $0xF423F  }
0x10c: {  	v28 =	vsel vm1, v29, v28  }
0x10d: {  	[tilespmem:$0x66B8] =	vst v28  }
0x10e: {  	v28 =	vld [tilespmem:s0+$0x70];
	_ =	sdelay $0x3  }
0x10f: {  	s15 =	sadd.s32 $0x70, s28  }
0x110: {  	v29 =	vadd.s32 s15, v0;
	vm1 =	vgt.s32 v28, $0xF423F  }
0x111: {  	v28 =	vsel vm1, v29, v28  }
0x112: {  	[tilespmem:$0x66C8] =	vst v28  }
0x113: {  	v28 =	vld [tilespmem:s0+$0x80];
	_ =	sdelay $0x3  }
0x114: {  	s13 =	sadd.s32 $0x80, s28  }
0x115: {  	v29 =	vadd.s32 s13, v0;
	vm1 =	vgt.s32 v28, $0xF423F  }
0x116: {  	v28 =	vsel vm1, v29, v28  }
0x117: {  	[tilespmem:$0x66D8] =	vst v28  }
0x118: {  	v28 =	vld [tilespmem:s0+$0x90];
	_ =	sdelay $0x3  }
0x119: {  	s15 =	sadd.s32 $0x90, s28  }
0x11a: {  	v29 =	vadd.s32 s15, v0;
	vm1 =	vgt.s32 v28, $0xF423F  }
0x11b: {  	v28 =	vsel vm1, v29, v28  }
0x11c: {  	[tilespmem:$0x66E8] =	vst v28  }
0x11d: {  	v28 =	vld [tilespmem:s0+$0xA0];
	_ =	sdelay $0x3  }
0x11e: {  	s13 =	sadd.s32 $0xA0, s28  }
0x11f: {  	v29 =	vadd.s32 s13, v0;
	vm1 =	vgt.s32 v28, $0xF423F  }
0x120: {  	v28 =	vsel vm1, v29, v28  }
0x121: {  	[tilespmem:$0x66F8] =	vst v28  }
0x122: {  	v28 =	vld [tilespmem:s0+$0xB0];
	_ =	sdelay $0x3  }
0x123: {  	s15 =	sadd.s32 $0xB0, s28  }
0x124: {  	v29 =	vadd.s32 s15, v0;
	vm1 =	vgt.s32 v28, $0xF423F  }
0x125: {  	v28 =	vsel vm1, v29, v28  }
0x126: {  	[tilespmem:$0x6708] =	vst v28  }
0x127: {  	v28 =	vld [tilespmem:s0+$0xB8];
	_ =	sdelay $0x3  }
0x128: {  	s13 =	sadd.s32 $0xB8, s28  }
0x129: {  	v29 =	vor.u32 s13, v0;
	vm1 =	vgt.s32 v28, $0xF423F  }
0x12a: {  	v28 =	vsel vm1, v29, v28  }
0x12b: {  	s28 =	sor.u32 $0x1, s1;
	[tilespmem:$0x6710] =	vst v28  }
0x12c: {  	[tilespmem:s21], [sflag:$0x4] =	stream.indirect.gather [hbm4b:s4+s10], $0x40, s20, s10, $0xb8;
	[tilespmem:$0x13320] =	vst v63  }
0x12d: {  	s15 =	smul.u32 $0x320, s28;
	_ =	swait.ge [sflag:s22], $0x3200  }
0x12e: {  	[sflag:s22] =	ssyncset.done $0x0  }
0x12f: {  	s29 =	sshra.s32 s15, $0x2;
	[sflag:s22] =	ssyncadd.s32 $0xFFFFCE00  }
0x130: {  	v28 =	vld [tilespmem:s29+$0x0]  }
0x131: {  	v29 =	vld [tilespmem:s29+$0x10];
	_ =	sdelay $0x1  }
0x132: {  	v30 =	vld [tilespmem:s29+$0x20];
	_ =	sdelay $0x1  }
0x133: {  	v31 =	vld [tilespmem:s29+$0x30];
	v28 =	vxor.u32 $0x80000000, v28  }
0x134: {  	(xrf0) =	vmax.scan.msk.u32 $0xffff, v28;
	v28 =	vxor.u32 $0x80000000, v29  }
0x135: {  	(xrf0) =	vmax.scan.msk.u32 $0xffff, v28;
	v28 =	vld [tilespmem:s29+$0x40]  }
0x136: {  	v29 =	vxor.u32 $0x80000000, v30  }
0x137: {  	(xrf0) =	vmax.scan.msk.u32 $0xffff, v29;
	v29 =	vld [tilespmem:s29+$0x50]  }
0x138: {  	v52 =	vxor.u32 $0x80000000, v31  }
0x139: {  	v53 =	vld [tilespmem:s29+$0x60];
	(xrf0) =	vmax.scan.msk.u32 $0xffff, v52  }
0x13a: {  	v54, _, _ =	vpop (xrf0);
	v28 =	vxor.u32 $0x80000000, v28  }
0x13b: {  	(v2sf) =	vpush v54, $0xF;
	v55, _, _ =	vpop (xrf0);
	(xrf0) =	vmax.scan.msk.u32 $0xffff, v28;
	v28 =	vld [tilespmem:s29+$0x70]  }
0x13c: {  	v29 =	vxor.u32 $0x80000000, v29;
	(v2sf) =	vpush v55, $0xF  }
0x13d: {  	v56, _, _ =	vpop (xrf0);
	(xrf0) =	vmax.scan.msk.u32 $0xffff, v29;
	v29 =	vld [tilespmem:s29+$0x80]  }
0x13e: {  	v30 =	vxor.u32 $0x80000000, v53;
	(v2sf) =	vpush v56, $0xF  }
0x13f: {  	v58 =	vld [tilespmem:s29+$0x90];
	v57, _, _ =	vpop (xrf0);
	(xrf0) =	vmax.scan.msk.u32 $0xffff, v30  }
0x140: {  	(v2sf) =	vpush v57, $0xF;
	v28 =	vxor.u32 $0x80000000, v28  }
0x141: {  	v59, _, _ =	vpop (xrf0);
	(xrf0) =	vmax.scan.msk.u32 $0xffff, v28;
	v28 =	vld [tilespmem:s29+$0xA0]  }
0x142: {  	v29 =	vxor.u32 $0x80000000, v29;
	(v2sf) =	vpush v59, $0xF  }
0x143: {  	v60, _, _ =	vpop (xrf0);
	(xrf0) =	vmax.scan.msk.u32 $0xffff, v29;
	v29 =	vld [tilespmem:s29+$0xB0]  }
0x144: {  	v30 =	vxor.u32 $0x80000000, v58;
	(v2sf) =	vpush v60, $0xF  }
0x145: {  	v62 =	vld [tilespmem:s29+$0xB8];
	v61, _, _ =	vpop (xrf0);
	(xrf0) =	vmax.scan.msk.u32 $0xffff, v30  }
0x146: {  	(v2sf) =	vpush v61, $0xF;
	v28 =	vxor.u32 $0x80000000, v28  }
0x147: {  	v63, _, _ =	vpop (xrf0);
	(xrf0) =	vmax.scan.msk.u32 $0xffff, v28  }
0x148: {  	v28 =	vxor.u32 $0x80000000, v29;
	(v2sf) =	vpush v63, $0xF  }
0x149: {  	v29, _, _ =	vpop (xrf0);
	(xrf0) =	vmax.scan.msk.u32 $0xffff, v28  }
0x14a: {  	v28 =	vxor.u32 $0x80000000, v62;
	s13 =	spop (v2sf);
	(v2sf) =	vpush v29, $0xF  }
0x14b: {  	v29, _, _ =	vpop (xrf0);
	(xrf0) =	vmax.scan.msk.u32 $0xffff, v28;
	s30 =	spop (v2sf)  }
0x14c: {  	s11 =	sxor.u32 $0x80000000, s13;
	(v2sf) =	vpush v29, $0xF;
	s30 =	sxor.u32 $0x80000000, s30  }
0x14d: {  	s13 =	spop (v2sf);
	v28, _, _ =	vpop (xrf0);
	p0 =	sgt.s32 s11, s30  }
0x14e: {  	s30 =	smov.u32 @p0 s11;
	s11 =	sxor.u32 $0x80000000, s13;
	(v2sf) =	vpush v28, $0xF  }
0x14f: {  	s15 =	spop (v2sf);
	v28, _, _ =	vpop (xrf0);
	p0 =	sgt.s32 s30, s11  }
0x150: {  	s13 =	sxor.u32 $0x80000000, s15;
	(v2sf) =	vpush v28, $0xF;
	s11 =	smov.u32 @p0 s30  }
0x151: {  	v28, _, _ =	vpop (xrf0);
	p0 =	sgt.s32 s11, s13;
	s30 =	spop (v2sf)  }
0x152: {  	(v2sf) =	vpush v28, $0xF;
	s13 =	smov.u32 @p0 s11;
	s11 =	sxor.u32 $0x80000000, s30  }
0x153: {  	s30 =	spop (v2sf);
	p0 =	sgt.s32 s13, s11  }
0x154: {  	s11 =	smov.u32 @p0 s13;
	s13 =	sxor.u32 $0x80000000, s30  }
0x155: {  	s30 =	spop (v2sf);
	p0 =	sgt.s32 s11, s13  }
0x156: {  	s13 =	smov.u32 @p0 s11;
	s11 =	sxor.u32 $0x80000000, s30  }
0x157: {  	s30 =	spop (v2sf);
	p0 =	sgt.s32 s13, s11  }
0x158: {  	s11 =	smov.u32 @p0 s13;
	s13 =	sxor.u32 $0x80000000, s30  }
0x159: {  	s30 =	spop (v2sf);
	p0 =	sgt.s32 s11, s13  }
0x15a: {  	s13 =	smov.u32 @p0 s11;
	s11 =	sxor.u32 $0x80000000, s30  }
0x15b: {  	s30 =	spop (v2sf);
	p0 =	sgt.s32 s13, s11  }
0x15c: {  	s11 =	smov.u32 @p0 s13;
	s13 =	sxor.u32 $0x80000000, s30  }
0x15d: {  	s30 =	spop (v2sf);
	p0 =	sgt.s32 s11, s13  }
0x15e: {  	s13 =	smov.u32 @p0 s11;
	s11 =	sxor.u32 $0x80000000, s30  }
0x15f: {  	s30 =	spop (v2sf);
	p0 =	sgt.s32 s13, s11  }
0x160: {  	s11 =	smov.u32 @p0 s13;
	s13 =	sxor.u32 $0x80000000, s30  }
0x161: {  	s30 =	spop (v2sf);
	p0 =	sgt.s32 s11, s13  }
0x162: {  	s13 =	smov.u32 @p0 s11;
	s11 =	sxor.u32 $0x80000000, s30  }
0x163: {  	p0 =	sgt.s32 s13, s11  }
0x164: {  	s11 =	smov.u32 @p0 s13  }
0x165: {  	p0 =	slt.s32 s11, $0xF4240  }
.Ltmp5:
0x166: {  	_ = 	snop;
	(pc) =	sbr.rel @!p0 .LBB2_9-.Ltmp5, $2  }
0x167: {  	_ =	sdelay $0x2  }
0x168: {  	s30 =	simm.s32 $0x0  }
.LBB2_14:
0x169: {  	p0 =	seq.s32 s31, $0x1F  }
.Ltmp6:
0x16a: {  	s11 =	sadd.s32 s6, s28;
	(pc) =	sbr.rel @p0 .LBB2_16-.Ltmp6, $3  }
0x16b: {  	s11 =	smul.u32 $0x640, s11;
	_ =	sdelay $0x1  }
0x16c: {  	s11 =	sadd.s32 s2, s11  }
0x16d: {  	[hbm4b:s11+s3] =	stream.linear.scatter [tilespmem:s14], [sflag:$0x6], $0x3200, $0x38;
	[tilespmem:$0x13320] =	vst v63  }
0x16e: {  	s11 =	sadd.s32 $0x4, s1  }
0x16f: {  	_ =	swait.ge [sflag:s25], $0x3200;
	s13 =	smul.u32 $0x320, s11  }
0x170: {  	[sflag:s25] =	ssyncset.done $0x0  }
0x171: {  	[sflag:s25] =	ssyncadd.s32 $0xFFFFCE00;
	s28 =	sshra.s32 s13, $0x2  }
0x172: {  	v28 =	vld [tilespmem:s28+$0x0];
	_ =	sdelay $0x1  }
0x173: {  	s11 =	sadd.s32 s6, s11  }
0x174: {  	s29 =	smul.u32 $0xC8, s11;
	_ =	sdelay $0x1  }
0x175: {  	v29 =	vor.u32 s29, v0;
	vm1 =	vgt.s32 v28, $0xF423F  }
0x176: {  	v28 =	vsel vm1, v29, v28  }
0x177: {  	[tilespmem:$0x6400] =	vst v28  }
0x178: {  	v28 =	vld [tilespmem:s28+$0x10];
	_ =	sdelay $0x3  }
0x179: {  	s11 =	sor.u32 $0x10, s29  }
0x17a: {  	v29 =	vor.u32 s11, v0;
	vm1 =	vgt.s32 v28, $0xF423F  }
0x17b: {  	v28 =	vsel vm1, v29, v28  }
0x17c: {  	[tilespmem:$0x6410] =	vst v28  }
0x17d: {  	v28 =	vld [tilespmem:s28+$0x20];
	_ =	sdelay $0x3  }
0x17e: {  	s15 =	sadd.s32 $0x20, s29  }
0x17f: {  	v29 =	vor.u32 s15, v0;
	vm1 =	vgt.s32 v28, $0xF423F  }
0x180: {  	v28 =	vsel vm1, v29, v28  }
0x181: {  	[tilespmem:$0x6420] =	vst v28  }
0x182: {  	v28 =	vld [tilespmem:s28+$0x30];
	_ =	sdelay $0x3  }
0x183: {  	s30 =	sadd.s32 $0x30, s29  }
0x184: {  	v29 =	vor.u32 s30, v0;
	vm1 =	vgt.s32 v28, $0xF423F  }
0x185: {  	v28 =	vsel vm1, v29, v28  }
0x186: {  	[tilespmem:$0x6430] =	vst v28  }
0x187: {  	v28 =	vld [tilespmem:s28+$0x40];
	_ =	sdelay $0x3  }
0x188: {  	s13 =	sadd.s32 $0x40, s29  }
0x189: {  	v29 =	vor.u32 s13, v0;
	vm1 =	vgt.s32 v28, $0xF423F  }
0x18a: {  	v28 =	vsel vm1, v29, v28  }
0x18b: {  	[tilespmem:$0x6440] =	vst v28  }
0x18c: {  	v28 =	vld [tilespmem:s28+$0x50];
	_ =	sdelay $0x3  }
0x18d: {  	s15 =	sadd.s32 $0x50, s29  }
0x18e: {  	v29 =	vor.u32 s15, v0;
	vm1 =	vgt.s32 v28, $0xF423F  }
0x18f: {  	v28 =	vsel vm1, v29, v28  }
0x190: {  	[tilespmem:$0x6450] =	vst v28  }
0x191: {  	v28 =	vld [tilespmem:s28+$0x60];
	_ =	sdelay $0x3  }
0x192: {  	s30 =	sadd.s32 $0x60, s29  }
0x193: {  	v29 =	vor.u32 s30, v0;
	vm1 =	vgt.s32 v28, $0xF423F  }
0x194: {  	v28 =	vsel vm1, v29, v28  }
0x195: {  	[tilespmem:$0x6460] =	vst v28  }
0x196: {  	v28 =	vld [tilespmem:s28+$0x70];
	_ =	sdelay $0x3  }
0x197: {  	s13 =	sadd.s32 $0x70, s29  }
0x198: {  	v29 =	vor.u32 s13, v0;
	vm1 =	vgt.s32 v28, $0xF423F  }
0x199: {  	v28 =	vsel vm1, v29, v28  }
0x19a: {  	[tilespmem:$0x6470] =	vst v28  }
0x19b: {  	v28 =	vld [tilespmem:s28+$0x80];
	_ =	sdelay $0x3  }
0x19c: {  	s15 =	sadd.s32 $0x80, s29  }
0x19d: {  	v29 =	vor.u32 s15, v0;
	vm1 =	vgt.s32 v28, $0xF423F  }
0x19e: {  	v28 =	vsel vm1, v29, v28  }
0x19f: {  	[tilespmem:$0x6480] =	vst v28  }
0x1a0: {  	v28 =	vld [tilespmem:s28+$0x90];
	_ =	sdelay $0x3  }
0x1a1: {  	s30 =	sadd.s32 $0x90, s29  }
0x1a2: {  	v29 =	vor.u32 s30, v0;
	vm1 =	vgt.s32 v28, $0xF423F  }
0x1a3: {  	v28 =	vsel vm1, v29, v28  }
0x1a4: {  	[tilespmem:$0x6490] =	vst v28  }
0x1a5: {  	v28 =	vld [tilespmem:s28+$0xA0];
	_ =	sdelay $0x3  }
0x1a6: {  	s13 =	sadd.s32 $0xA0, s29  }
0x1a7: {  	v29 =	vor.u32 s13, v0;
	vm1 =	vgt.s32 v28, $0xF423F  }
0x1a8: {  	v28 =	vsel vm1, v29, v28  }
0x1a9: {  	[tilespmem:$0x64A0] =	vst v28  }
0x1aa: {  	v28 =	vld [tilespmem:s28+$0xB0];
	_ =	sdelay $0x3  }
0x1ab: {  	s15 =	sadd.s32 $0xB0, s29  }
0x1ac: {  	v29 =	vor.u32 s15, v0;
	vm1 =	vgt.s32 v28, $0xF423F  }
0x1ad: {  	v28 =	vsel vm1, v29, v28  }
0x1ae: {  	[tilespmem:$0x64B0] =	vst v28  }
0x1af: {  	v28 =	vld [tilespmem:s28+$0xB8];
	_ =	sdelay $0x3  }
0x1b0: {  	s29 =	sadd.s32 $0xB8, s29  }
0x1b1: {  	v29 =	vadd.s32 s29, v0;
	vm1 =	vgt.s32 v28, $0xF423F  }
0x1b2: {  	v28 =	vsel vm1, v29, v28  }
0x1b3: {  	s30 =	simm.s32 $0x6400;
	[tilespmem:$0x64B8] =	vst v28  }
0x1b4: {  	[tilespmem:s12], [sflag:$0x1] =	stream.indirect.gather [hbm4b:s4+s10], $0x40, s30, s10, $0xb8;
	[tilespmem:$0x13320] =	vst v63  }
.LBB2_16:
0x1b5: {  	_ =	swait.ge [sflag:s23], $0x3200  }
0x1b6: {  	[sflag:s23] =	ssyncset.done $0x0  }
0x1b7: {  	[sflag:s23] =	ssyncadd.s32 $0xFFFFCE00  }
0x1b8: {  	v28 =	vld [tilespmem:s8+$0x0]  }
0x1b9: {  	v29 =	vld [tilespmem:s8+$0x10];
	_ =	sdelay $0x1  }
0x1ba: {  	v30 =	vld [tilespmem:s8+$0x20];
	_ =	sdelay $0x1  }
0x1bb: {  	v31 =	vld [tilespmem:s8+$0x30];
	v28 =	vxor.u32 $0x80000000, v28  }
0x1bc: {  	(xrf0) =	vmax.scan.msk.u32 $0xffff, v28;
	v28 =	vxor.u32 $0x80000000, v29  }
0x1bd: {  	(xrf0) =	vmax.scan.msk.u32 $0xffff, v28;
	v28 =	vld [tilespmem:s8+$0x40]  }
0x1be: {  	v29 =	vxor.u32 $0x80000000, v30  }
0x1bf: {  	(xrf0) =	vmax.scan.msk.u32 $0xffff, v29;
	v29 =	vld [tilespmem:s8+$0x50]  }
0x1c0: {  	v52 =	vxor.u32 $0x80000000, v31  }
0x1c1: {  	v53 =	vld [tilespmem:s8+$0x60];
	(xrf0) =	vmax.scan.msk.u32 $0xffff, v52  }
0x1c2: {  	v54, _, _ =	vpop (xrf0);
	v28 =	vxor.u32 $0x80000000, v28  }
0x1c3: {  	(v2sf) =	vpush v54, $0xF;
	v55, _, _ =	vpop (xrf0);
	(xrf0) =	vmax.scan.msk.u32 $0xffff, v28;
	v28 =	vld [tilespmem:s8+$0x70]  }
0x1c4: {  	v29 =	vxor.u32 $0x80000000, v29;
	(v2sf) =	vpush v55, $0xF  }
0x1c5: {  	v56, _, _ =	vpop (xrf0);
	(xrf0) =	vmax.scan.msk.u32 $0xffff, v29;
	v29 =	vld [tilespmem:s8+$0x80]  }
0x1c6: {  	v30 =	vxor.u32 $0x80000000, v53;
	(v2sf) =	vpush v56, $0xF  }
0x1c7: {  	v58 =	vld [tilespmem:s8+$0x90];
	v57, _, _ =	vpop (xrf0);
	(xrf0) =	vmax.scan.msk.u32 $0xffff, v30  }
0x1c8: {  	(v2sf) =	vpush v57, $0xF;
	v28 =	vxor.u32 $0x80000000, v28  }
0x1c9: {  	v59, _, _ =	vpop (xrf0);
	(xrf0) =	vmax.scan.msk.u32 $0xffff, v28;
	v28 =	vld [tilespmem:s8+$0xA0]  }
0x1ca: {  	v29 =	vxor.u32 $0x80000000, v29;
	(v2sf) =	vpush v59, $0xF  }
0x1cb: {  	v60, _, _ =	vpop (xrf0);
	(xrf0) =	vmax.scan.msk.u32 $0xffff, v29;
	v29 =	vld [tilespmem:s8+$0xB0]  }
0x1cc: {  	v30 =	vxor.u32 $0x80000000, v58;
	(v2sf) =	vpush v60, $0xF  }
0x1cd: {  	v62 =	vld [tilespmem:s8+$0xB8];
	v61, _, _ =	vpop (xrf0);
	(xrf0) =	vmax.scan.msk.u32 $0xffff, v30  }
0x1ce: {  	(v2sf) =	vpush v61, $0xF;
	v28 =	vxor.u32 $0x80000000, v28  }
0x1cf: {  	v63, _, _ =	vpop (xrf0);
	(xrf0) =	vmax.scan.msk.u32 $0xffff, v28  }
0x1d0: {  	v28 =	vxor.u32 $0x80000000, v29;
	(v2sf) =	vpush v63, $0xF  }
0x1d1: {  	v29, _, _ =	vpop (xrf0);
	(xrf0) =	vmax.scan.msk.u32 $0xffff, v28  }
0x1d2: {  	v28 =	vxor.u32 $0x80000000, v62;
	s11 =	spop (v2sf);
	(v2sf) =	vpush v29, $0xF  }
0x1d3: {  	v29, _, _ =	vpop (xrf0);
	(xrf0) =	vmax.scan.msk.u32 $0xffff, v28;
	s13 =	spop (v2sf)  }
0x1d4: {  	s11 =	sxor.u32 $0x80000000, s11;
	(v2sf) =	vpush v29, $0xF;
	s13 =	sxor.u32 $0x80000000, s13  }
0x1d5: {  	s15 =	spop (v2sf);
	v28, _, _ =	vpop (xrf0);
	p1 =	sgt.s32 s11, s13  }
0x1d6: {  	s13 =	smov.u32 @p1 s11;
	s11 =	sxor.u32 $0x80000000, s15;
	(v2sf) =	vpush v28, $0xF  }
0x1d7: {  	s29 =	spop (v2sf);
	v28, _, _ =	vpop (xrf0);
	p1 =	sgt.s32 s13, s11  }
0x1d8: {  	(v2sf) =	vpush v28, $0xF;
	s11 =	smov.u32 @p1 s13;
	s13 =	sxor.u32 $0x80000000, s29  }
0x1d9: {  	v28, _, _ =	vpop (xrf0);
	p1 =	sgt.s32 s11, s13;
	s30 =	spop (v2sf)  }
0x1da: {  	(v2sf) =	vpush v28, $0xF;
	s13 =	smov.u32 @p1 s11;
	s11 =	sxor.u32 $0x80000000, s30  }
0x1db: {  	s29 =	spop (v2sf);
	p1 =	sgt.s32 s13, s11  }
0x1dc: {  	s11 =	smov.u32 @p1 s13;
	s13 =	sxor.u32 $0x80000000, s29  }
0x1dd: {  	s30 =	spop (v2sf);
	p1 =	sgt.s32 s11, s13  }
0x1de: {  	s13 =	smov.u32 @p1 s11;
	s11 =	sxor.u32 $0x80000000, s30  }
0x1df: {  	s29 =	spop (v2sf);
	p1 =	sgt.s32 s13, s11  }
0x1e0: {  	s11 =	smov.u32 @p1 s13;
	s13 =	sxor.u32 $0x80000000, s29  }
0x1e1: {  	s30 =	spop (v2sf);
	p1 =	sgt.s32 s11, s13  }
0x1e2: {  	s13 =	smov.u32 @p1 s11;
	s11 =	sxor.u32 $0x80000000, s30  }
0x1e3: {  	s29 =	spop (v2sf);
	p1 =	sgt.s32 s13, s11  }
0x1e4: {  	s11 =	smov.u32 @p1 s13;
	s13 =	sxor.u32 $0x80000000, s29  }
0x1e5: {  	s30 =	spop (v2sf);
	p1 =	sgt.s32 s11, s13  }
0x1e6: {  	s13 =	smov.u32 @p1 s11;
	s11 =	sxor.u32 $0x80000000, s30  }
0x1e7: {  	s29 =	spop (v2sf);
	p1 =	sgt.s32 s13, s11  }
0x1e8: {  	s11 =	smov.u32 @p1 s13;
	s13 =	sxor.u32 $0x80000000, s29  }
0x1e9: {  	s30 =	spop (v2sf);
	p1 =	sgt.s32 s11, s13  }
0x1ea: {  	s13 =	smov.u32 @p1 s11;
	s11 =	sxor.u32 $0x80000000, s30  }
0x1eb: {  	p1 =	sgt.s32 s13, s11  }
0x1ec: {  	s11 =	smov.u32 @p1 s13  }
0x1ed: {  	p1 =	slt.s32 s11, $0xF4240  }
.Ltmp7:
0x1ee: {  	_ = 	snop;
	(pc) =	sbr.rel @!p1 .LBB2_17-.Ltmp7, $2  }
0x1ef: {  	_ =	sdelay $0x2  }
0x1f0: {  	s28 =	simm.s32 $0x0  }
.LBB2_22:
.Ltmp8:
0x1f1: {  	(pc) =	sbr.rel @p0 .LBB2_24-.Ltmp8, $3  }
0x1f2: {  	s8 =	smul.u32 $0x640, s9;
	_ =	sdelay $0x1  }
0x1f3: {  	s8 =	sadd.s32 s2, s8  }
0x1f4: {  	[hbm4b:s8+s3] =	stream.linear.scatter [tilespmem:s16], [sflag:$0x7], $0x3200, $0x38;
	[tilespmem:$0x13320] =	vst v63  }
0x1f5: {  	s8 =	sadd.s32 $0x5, s1  }
0x1f6: {  	_ =	swait.ge [sflag:s26], $0x3200;
	s1 =	smul.u32 $0x320, s8  }
0x1f7: {  	[sflag:s26] =	ssyncset.done $0x0  }
0x1f8: {  	[sflag:s26] =	ssyncadd.s32 $0xFFFFCE00;
	s1 =	sshra.s32 s1, $0x2  }
0x1f9: {  	v28 =	vld [tilespmem:s1+$0x0];
	_ =	sdelay $0x1  }
0x1fa: {  	s8 =	sadd.s32 s6, s8  }
0x1fb: {  	s8 =	smul.u32 $0xC8, s8;
	_ =	sdelay $0x1  }
0x1fc: {  	v29 =	vadd.s32 s8, v0;
	vm1 =	vgt.s32 v28, $0xF423F  }
0x1fd: {  	v28 =	vsel vm1, v29, v28  }
0x1fe: {  	[tilespmem:$0x64C8] =	vst v28  }
0x1ff: {  	v28 =	vld [tilespmem:s1+$0x10];
	_ =	sdelay $0x3  }
0x200: {  	s9 =	sor.u32 $0x10, s8  }
0x201: {  	v29 =	vadd.s32 s9, v0;
	vm1 =	vgt.s32 v28, $0xF423F  }
0x202: {  	v28 =	vsel vm1, v29, v28  }
0x203: {  	[tilespmem:$0x64D8] =	vst v28  }
0x204: {  	v28 =	vld [tilespmem:s1+$0x20];
	_ =	sdelay $0x3  }
0x205: {  	s11 =	sadd.s32 $0x20, s8  }
0x206: {  	v29 =	vadd.s32 s11, v0;
	vm1 =	vgt.s32 v28, $0xF423F  }
0x207: {  	v28 =	vsel vm1, v29, v28  }
0x208: {  	[tilespmem:$0x64E8] =	vst v28  }
0x209: {  	v28 =	vld [tilespmem:s1+$0x30];
	_ =	sdelay $0x3  }
0x20a: {  	s13 =	sadd.s32 $0x30, s8  }
0x20b: {  	v29 =	vadd.s32 s13, v0;
	vm1 =	vgt.s32 v28, $0xF423F  }
0x20c: {  	v28 =	vsel vm1, v29, v28  }
0x20d: {  	[tilespmem:$0x64F8] =	vst v28  }
0x20e: {  	v28 =	vld [tilespmem:s1+$0x40];
	_ =	sdelay $0x3  }
0x20f: {  	s15 =	sadd.s32 $0x40, s8  }
0x210: {  	v29 =	vadd.s32 s15, v0;
	vm1 =	vgt.s32 v28, $0xF423F  }
0x211: {  	v28 =	vsel vm1, v29, v28  }
0x212: {  	[tilespmem:$0x6508] =	vst v28  }
0x213: {  	v28 =	vld [tilespmem:s1+$0x50];
	_ =	sdelay $0x3  }
0x214: {  	s28 =	sadd.s32 $0x50, s8  }
0x215: {  	v29 =	vadd.s32 s28, v0;
	vm1 =	vgt.s32 v28, $0xF423F  }
0x216: {  	v28 =	vsel vm1, v29, v28  }
0x217: {  	[tilespmem:$0x6518] =	vst v28  }
0x218: {  	v28 =	vld [tilespmem:s1+$0x60];
	_ =	sdelay $0x3  }
0x219: {  	s29 =	sadd.s32 $0x60, s8  }
0x21a: {  	v29 =	vadd.s32 s29, v0;
	vm1 =	vgt.s32 v28, $0xF423F  }
0x21b: {  	v28 =	vsel vm1, v29, v28  }
0x21c: {  	[tilespmem:$0x6528] =	vst v28  }
0x21d: {  	v28 =	vld [tilespmem:s1+$0x70];
	_ =	sdelay $0x3  }
0x21e: {  	s30 =	sadd.s32 $0x70, s8  }
0x21f: {  	v29 =	vadd.s32 s30, v0;
	vm1 =	vgt.s32 v28, $0xF423F  }
0x220: {  	v28 =	vsel vm1, v29, v28  }
0x221: {  	[tilespmem:$0x6538] =	vst v28  }
0x222: {  	v28 =	vld [tilespmem:s1+$0x80];
	_ =	sdelay $0x3  }
0x223: {  	s11 =	sadd.s32 $0x80, s8  }
0x224: {  	v29 =	vadd.s32 s11, v0;
	vm1 =	vgt.s32 v28, $0xF423F  }
0x225: {  	v28 =	vsel vm1, v29, v28  }
0x226: {  	[tilespmem:$0x6548] =	vst v28  }
0x227: {  	v28 =	vld [tilespmem:s1+$0x90];
	_ =	sdelay $0x3  }
0x228: {  	s13 =	sadd.s32 $0x90, s8  }
0x229: {  	v29 =	vadd.s32 s13, v0;
	vm1 =	vgt.s32 v28, $0xF423F  }
0x22a: {  	v28 =	vsel vm1, v29, v28  }
0x22b: {  	[tilespmem:$0x6558] =	vst v28  }
0x22c: {  	v28 =	vld [tilespmem:s1+$0xA0];
	_ =	sdelay $0x3  }
0x22d: {  	s15 =	sadd.s32 $0xA0, s8  }
0x22e: {  	v29 =	vadd.s32 s15, v0;
	vm1 =	vgt.s32 v28, $0xF423F  }
0x22f: {  	v28 =	vsel vm1, v29, v28  }
0x230: {  	[tilespmem:$0x6568] =	vst v28  }
0x231: {  	v28 =	vld [tilespmem:s1+$0xB0];
	_ =	sdelay $0x3  }
0x232: {  	s28 =	sadd.s32 $0xB0, s8  }
0x233: {  	v29 =	vadd.s32 s28, v0;
	vm1 =	vgt.s32 v28, $0xF423F  }
0x234: {  	v28 =	vsel vm1, v29, v28  }
0x235: {  	[tilespmem:$0x6578] =	vst v28  }
0x236: {  	v28 =	vld [tilespmem:s1+$0xB8];
	_ =	sdelay $0x3  }
0x237: {  	s29 =	sadd.s32 $0xB8, s8  }
0x238: {  	v29 =	vor.u32 s29, v0;
	vm1 =	vgt.s32 v28, $0xF423F  }
0x239: {  	v28 =	vsel vm1, v29, v28  }
0x23a: {  	s30 =	simm.s32 $0x64C8;
	[tilespmem:$0x6580] =	vst v28  }
0x23b: {  	[tilespmem:s14], [sflag:$0x2] =	stream.indirect.gather [hbm4b:s4+s10], $0x40, s30, s10, $0xb8;
	[tilespmem:$0x13320] =	vst v63  }
.LBB2_24:
0x23c: {  	_ =	swait.ge [sflag:s24], $0x3200  }
0x23d: {  	[sflag:s24] =	ssyncset.done $0x0  }
0x23e: {  	[sflag:s24] =	ssyncadd.s32 $0xFFFFCE00  }
0x23f: {  	v28 =	vld [tilespmem:s0+$0x0]  }
0x240: {  	v29 =	vld [tilespmem:s0+$0x10];
	_ =	sdelay $0x1  }
0x241: {  	v30 =	vld [tilespmem:s0+$0x20];
	_ =	sdelay $0x1  }
0x242: {  	v31 =	vld [tilespmem:s0+$0x30];
	v28 =	vxor.u32 $0x80000000, v28  }
0x243: {  	(xrf0) =	vmax.scan.msk.u32 $0xffff, v28;
	v28 =	vxor.u32 $0x80000000, v29  }
0x244: {  	(xrf0) =	vmax.scan.msk.u32 $0xffff, v28;
	v28 =	vld [tilespmem:s0+$0x40]  }
0x245: {  	v29 =	vxor.u32 $0x80000000, v30  }
0x246: {  	(xrf0) =	vmax.scan.msk.u32 $0xffff, v29;
	v29 =	vld [tilespmem:s0+$0x50]  }
0x247: {  	v52 =	vxor.u32 $0x80000000, v31  }
0x248: {  	v53 =	vld [tilespmem:s0+$0x60];
	(xrf0) =	vmax.scan.msk.u32 $0xffff, v52  }
0x249: {  	v54, _, _ =	vpop (xrf0);
	v28 =	vxor.u32 $0x80000000, v28  }
0x24a: {  	(v2sf) =	vpush v54, $0xF;
	v55, _, _ =	vpop (xrf0);
	(xrf0) =	vmax.scan.msk.u32 $0xffff, v28;
	v28 =	vld [tilespmem:s0+$0x70]  }
0x24b: {  	v29 =	vxor.u32 $0x80000000, v29;
	(v2sf) =	vpush v55, $0xF  }
0x24c: {  	v56, _, _ =	vpop (xrf0);
	(xrf0) =	vmax.scan.msk.u32 $0xffff, v29;
	v29 =	vld [tilespmem:s0+$0x80]  }
0x24d: {  	v30 =	vxor.u32 $0x80000000, v53;
	(v2sf) =	vpush v56, $0xF  }
0x24e: {  	v58 =	vld [tilespmem:s0+$0x90];
	v57, _, _ =	vpop (xrf0);
	(xrf0) =	vmax.scan.msk.u32 $0xffff, v30  }
0x24f: {  	(v2sf) =	vpush v57, $0xF;
	v28 =	vxor.u32 $0x80000000, v28  }
0x250: {  	v59, _, _ =	vpop (xrf0);
	(xrf0) =	vmax.scan.msk.u32 $0xffff, v28;
	v28 =	vld [tilespmem:s0+$0xA0]  }
0x251: {  	v29 =	vxor.u32 $0x80000000, v29;
	(v2sf) =	vpush v59, $0xF  }
0x252: {  	v60, _, _ =	vpop (xrf0);
	(xrf0) =	vmax.scan.msk.u32 $0xffff, v29;
	v29 =	vld [tilespmem:s0+$0xB0]  }
0x253: {  	v30 =	vxor.u32 $0x80000000, v58;
	(v2sf) =	vpush v60, $0xF  }
0x254: {  	v62 =	vld [tilespmem:s0+$0xB8];
	v61, _, _ =	vpop (xrf0);
	(xrf0) =	vmax.scan.msk.u32 $0xffff, v30  }
0x255: {  	(v2sf) =	vpush v61, $0xF;
	v28 =	vxor.u32 $0x80000000, v28  }
0x256: {  	v63, _, _ =	vpop (xrf0);
	(xrf0) =	vmax.scan.msk.u32 $0xffff, v28  }
0x257: {  	v28 =	vxor.u32 $0x80000000, v29;
	(v2sf) =	vpush v63, $0xF  }
0x258: {  	v29, _, _ =	vpop (xrf0);
	(xrf0) =	vmax.scan.msk.u32 $0xffff, v28  }
0x259: {  	v28 =	vxor.u32 $0x80000000, v62;
	s1 =	spop (v2sf);
	(v2sf) =	vpush v29, $0xF  }
0x25a: {  	v29, _, _ =	vpop (xrf0);
	(xrf0) =	vmax.scan.msk.u32 $0xffff, v28;
	s8 =	spop (v2sf)  }
0x25b: {  	s1 =	sxor.u32 $0x80000000, s1;
	(v2sf) =	vpush v29, $0xF;
	s8 =	sxor.u32 $0x80000000, s8  }
0x25c: {  	s9 =	spop (v2sf);
	v28, _, _ =	vpop (xrf0);
	p0 =	sgt.s32 s1, s8  }
0x25d: {  	s8 =	smov.u32 @p0 s1;
	s1 =	sxor.u32 $0x80000000, s9;
	(v2sf) =	vpush v28, $0xF  }
0x25e: {  	s15 =	spop (v2sf);
	v28, _, _ =	vpop (xrf0);
	p0 =	sgt.s32 s8, s1  }
0x25f: {  	(v2sf) =	vpush v28, $0xF;
	s1 =	smov.u32 @p0 s8;
	s8 =	sxor.u32 $0x80000000, s15  }
0x260: {  	v28, _, _ =	vpop (xrf0);
	p0 =	sgt.s32 s1, s8;
	s28 =	spop (v2sf)  }
0x261: {  	(v2sf) =	vpush v28, $0xF;
	s8 =	smov.u32 @p0 s1;
	s1 =	sxor.u32 $0x80000000, s28  }
0x262: {  	s29 =	spop (v2sf);
	p0 =	sgt.s32 s8, s1  }
0x263: {  	s1 =	smov.u32 @p0 s8;
	s8 =	sxor.u32 $0x80000000, s29  }
0x264: {  	s30 =	spop (v2sf);
	p0 =	sgt.s32 s1, s8  }
0x265: {  	s8 =	smov.u32 @p0 s1;
	s1 =	sxor.u32 $0x80000000, s30  }
0x266: {  	s11 =	spop (v2sf);
	p0 =	sgt.s32 s8, s1  }
0x267: {  	s1 =	smov.u32 @p0 s8;
	s8 =	sxor.u32 $0x80000000, s11  }
0x268: {  	s13 =	spop (v2sf);
	p0 =	sgt.s32 s1, s8  }
0x269: {  	s8 =	smov.u32 @p0 s1;
	s1 =	sxor.u32 $0x80000000, s13  }
0x26a: {  	s15 =	spop (v2sf);
	p0 =	sgt.s32 s8, s1  }
0x26b: {  	s1 =	smov.u32 @p0 s8;
	s8 =	sxor.u32 $0x80000000, s15  }
0x26c: {  	s28 =	spop (v2sf);
	p0 =	sgt.s32 s1, s8  }
0x26d: {  	s8 =	smov.u32 @p0 s1;
	s1 =	sxor.u32 $0x80000000, s28  }
0x26e: {  	s29 =	spop (v2sf);
	p0 =	sgt.s32 s8, s1  }
0x26f: {  	s1 =	smov.u32 @p0 s8;
	s8 =	sxor.u32 $0x80000000, s29  }
0x270: {  	s30 =	spop (v2sf);
	p0 =	sgt.s32 s1, s8  }
0x271: {  	s8 =	smov.u32 @p0 s1;
	s1 =	sxor.u32 $0x80000000, s30  }
0x272: {  	p0 =	sgt.s32 s8, s1  }
0x273: {  	s1 =	smov.u32 @p0 s8  }
0x274: {  	p0 =	slt.s32 s1, $0xF4240  }
.Ltmp9:
0x275: {  	_ = 	snop;
	(pc) =	sbr.rel @p0 .LBB2_30-.Ltmp9, $4  }
.Ltmp10:
0x276: {  	_ = 	snop;
	(pc) =	sbr.rel @!p0 .LBB2_25-.Ltmp10, $4  }
0x277: {  	_ = 	snop  }
0x278: {  	_ = 	snop  }
0x279: {  	s1 =	simm.s32 $0x0  }
0x27a: {  	_ = 	snop  }
.LBB2_6:
0x27b: {  	_ =	sdelay $0x3  }
0x27c: {  	v33 =	vand.u32 $0x3F, v33  }
0x27d: {  	[tilespmem:v32+s12+$0x0] =	vst.idx.msk vm1, v30;
	v62 =	vbroadcast v33, $0x0  }
0x27e: {  	v29 =	vor.u32 v28, v29;
	v31 =	vld.idx.msk [tilespmem:v31+s18+$0x0], vm1  }
0x27f: {  	v63 =	vor.u32 v27, v62;
	_ =	sdelay $0x3  }
0x280: {  	[tilespmem:v29+s12+$0x0] =	vst.idx.msk vm1, v31  }
0x281: {  	v28 =	vor.u32 v28, v62;
	v29 =	vld.idx.msk [tilespmem:v63+s18+$0x0], vm1;
	_ =	sdelay $0x4  }
0x282: {  	[tilespmem:v28+s12+$0x0] =	vst.idx.msk vm1, v29  }
.LBB2_7:
0x283: {  	s7 =	sadd.s32 $0x1, s7  }
0x284: {  	p1 =	sne.s32 s7, $0xD  }
.Ltmp11:
0x285: {  	_ = 	snop;
	(pc) =	sbr.rel @!p1 .LBB2_8-.Ltmp11, $1  }
0x286: {  	_ =	sdelay $0x3  }
.LBB2_3:
0x287: {  	s11 =	sshll.u32 s7, $0x4  }
0x288: {  	s28 =	smin.u32 s11, $0xB8  }
0x289: {  	s11 =	sadd.s32 s28, s0  }
0x28a: {  	v28 =	vld [tilespmem:s11+$0x0];
	_ =	sdelay $0x4  }
0x28b: {  	v29 =	vxor.u32 $0x80000000, v28  }
0x28c: {  	(xrf0) =	vmax.scan.msk.u32 $0xffff, v29;
	_ =	sdelay $0x5  }
0x28d: {  	v29, _, _ =	vpop (xrf0)  }
0x28e: {  	(v2sf) =	vpush v29, $0xF;
	_ =	sdelay $0xe  }
0x28f: {  	s30 =	spop (v2sf)  }
0x290: {  	p1 =	slt.u32 s30, $0x800F4240  }
.Ltmp12:
0x291: {  	_ = 	snop;
	(pc) =	sbr.rel @p1 .LBB2_7-.Ltmp12, $1  }
0x292: {  	_ =	sdelay $0x3  }
0x293: {  	vm1 =	vgt.s32 v28, $0xF4240  }
0x294: {  	s11 =	simm.s32 $0x0;
	v29 =	vnsel vm1, $0xF4240, v28  }
0x295: {  	v30 =	vmov s11;
	v29 =	vadd.s32 $0xFFF0BDC0, v29  }
0x296: {  	v30 =	vand.u32 $0x3F, v30  }
0x297: {  	v31 =	vbroadcast v30, $0x0  }
0x298: {  	vm1 =	vgt.s32 v28, $0xF423F  }
0x299: {  	s29 =	simm.s32 $0x1;
	v30 =	vor.u32 v27, v31  }
0x29a: {  	[tilespmem:s18], [sflag:$0x9] =	stream.indirect_vreg.gather [hbm4b:s5+s11], $0x40, v29, vm0, $0xb8;
	[tilespmem:$0x13320] =	vst v63  }
0x29b: {  	v28 =	vmov s29;
	v29 =	vmov s28;
	_ =	swait.ge [sflag:s19], $0x400  }
0x29c: {  	v28 =	vand.u32 $0x3F, v28;
	v32 =	vshll.u32 v29, $0x6;
	[sflag:s19] =	ssyncset.done $0x0  }
0x29d: {  	v29 =	vbroadcast v28, $0x0;
	v28 =	vadd.s32 v27, v32;
	[sflag:s19] =	ssyncadd.s32 $0xFFFFFC00  }
0x29e: {  	v32 =	vor.u32 v28, v31;
	v30 =	vld.idx.msk [tilespmem:v30+s18+$0x0], vm1  }
0x29f: {  	v31 =	vor.u32 v27, v29;
	_ =	sdelay $0x1  }
0x2a0: {  	s30 =	simm.s32 $0x2  }
0x2a1: {  	v33 =	vmov s30;
	s11 =	simm.s32 $0x3  }
.LBB2_5:
0x2a2: {  	p1 =	sne.s32 s11, $0x3F;
	v33 =	vand.u32 $0x3F, v33;
	[tilespmem:v32+s12+$0x0] =	vst.idx.msk vm1, v30  }
0x2a3: {  	v33 =	vbroadcast v33, $0x0;
	v30 =	vld.idx.msk [tilespmem:v31+s18+$0x0], vm1  }
.Ltmp13:
0x2a4: {  	v32 =	vor.u32 v28, v29;
	(pc) =	sbr.rel @p1 .LBB2_5-.Ltmp13, $2  }
0x2a5: {  	v31 =	vor.u32 v27, v33;
	v29 =	vmov v33;
	_ =	sdelay $0x2  }
0x2a6: {  	v33 =	vmov s11;
	s11 =	sadd.s32 $0x1, s11  }
.Ltmp14:
0x2a7: {  	_ = 	snop;
	(pc) =	sbr.rel .LBB2_6-.Ltmp14, $1  }
0x2a8: {  	_ =	sdelay $0x3  }
.LBB2_12:
0x2a9: {  	_ =	sdelay $0x3  }
0x2aa: {  	v33 =	vand.u32 $0x3F, v33  }
0x2ab: {  	[tilespmem:v32+s14+$0x0] =	vst.idx.msk vm2, v31;
	v62 =	vbroadcast v33, $0x0  }
0x2ac: {  	v29 =	vor.u32 v28, v29;
	v30 =	vld.idx.msk [tilespmem:v30+s18+$0x0], vm1  }
0x2ad: {  	v63 =	vor.u32 v27, v62;
	_ =	sdelay $0x3  }
0x2ae: {  	[tilespmem:v29+s14+$0x0] =	vst.idx.msk vm1, v30  }
0x2af: {  	v28 =	vor.u32 v28, v62;
	v29 =	vld.idx.msk [tilespmem:v63+s18+$0x0], vm1;
	_ =	sdelay $0x4  }
0x2b0: {  	vm2 =	vmmov vm1;
	[tilespmem:v28+s14+$0x0] =	vst.idx.msk vm1, v29  }
.LBB2_13:
0x2b1: {  	s30 =	sadd.s32 $0x1, s30  }
0x2b2: {  	p0 =	sne.s32 s30, $0xD  }
.Ltmp15:
0x2b3: {  	_ = 	snop;
	(pc) =	sbr.rel @!p0 .LBB2_14-.Ltmp15, $1  }
0x2b4: {  	_ =	sdelay $0x3  }
.LBB2_9:
0x2b5: {  	s11 =	sshll.u32 s30, $0x4  }
0x2b6: {  	s11 =	smin.u32 s11, $0xB8  }
0x2b7: {  	s13 =	sadd.s32 s11, s29  }
0x2b8: {  	v28 =	vld [tilespmem:s13+$0x0];
	_ =	sdelay $0x4  }
0x2b9: {  	v29 =	vxor.u32 $0x80000000, v28  }
0x2ba: {  	(xrf0) =	vmax.scan.msk.u32 $0xffff, v29;
	_ =	sdelay $0x5  }
0x2bb: {  	v29, _, _ =	vpop (xrf0)  }
0x2bc: {  	(v2sf) =	vpush v29, $0xF;
	_ =	sdelay $0xe  }
0x2bd: {  	s15 =	spop (v2sf)  }
0x2be: {  	p0 =	slt.u32 s15, $0x800F4240  }
.Ltmp16:
0x2bf: {  	_ = 	snop;
	(pc) =	sbr.rel @p0 .LBB2_13-.Ltmp16, $1  }
0x2c0: {  	_ =	sdelay $0x3  }
0x2c1: {  	vm1 =	vgt.s32 v28, $0xF4240  }
0x2c2: {  	s13 =	simm.s32 $0x0;
	v29 =	vnsel vm1, $0xF4240, v28  }
0x2c3: {  	v30 =	vmov s13;
	v29 =	vadd.s32 $0xFFF0BDC0, v29  }
0x2c4: {  	v30 =	vand.u32 $0x3F, v30  }
0x2c5: {  	v30 =	vbroadcast v30, $0x0  }
0x2c6: {  	vm1 =	vgt.s32 v28, $0xF423F  }
0x2c7: {  	s15 =	simm.s32 $0x1;
	v31 =	vor.u32 v27, v30  }
0x2c8: {  	[tilespmem:s18], [sflag:$0x9] =	stream.indirect_vreg.gather [hbm4b:s5+s13], $0x40, v29, vm0, $0xb8;
	[tilespmem:$0x13320] =	vst v63  }
0x2c9: {  	v28 =	vmov s15;
	v29 =	vmov s11;
	_ =	swait.ge [sflag:s19], $0x400  }
0x2ca: {  	v28 =	vand.u32 $0x3F, v28;
	v32 =	vshll.u32 v29, $0x6;
	[sflag:s19] =	ssyncset.done $0x0  }
0x2cb: {  	vm2 =	vmmov vm1;
	v29 =	vbroadcast v28, $0x0;
	v28 =	vadd.s32 v27, v32;
	[sflag:s19] =	ssyncadd.s32 $0xFFFFFC00  }
0x2cc: {  	v32 =	vor.u32 v28, v30;
	v31 =	vld.idx.msk [tilespmem:v31+s18+$0x0], vm1  }
0x2cd: {  	v30 =	vor.u32 v27, v29;
	_ =	sdelay $0x1  }
0x2ce: {  	s15 =	simm.s32 $0x2  }
0x2cf: {  	v33 =	vmov s15;
	s11 =	simm.s32 $0x3  }
.LBB2_11:
0x2d0: {  	p0 =	sne.s32 s11, $0x3F;
	v33 =	vand.u32 $0x3F, v33;
	[tilespmem:v32+s14+$0x0] =	vst.idx.msk vm2, v31;
	vm2 =	vmmov vm1  }
0x2d1: {  	v33 =	vbroadcast v33, $0x0;
	v31 =	vld.idx.msk [tilespmem:v30+s18+$0x0], vm1  }
.Ltmp17:
0x2d2: {  	v32 =	vor.u32 v28, v29;
	(pc) =	sbr.rel @p0 .LBB2_11-.Ltmp17, $2  }
0x2d3: {  	v30 =	vor.u32 v27, v33;
	v29 =	vmov v33;
	_ =	sdelay $0x2  }
0x2d4: {  	v33 =	vmov s11;
	s11 =	sadd.s32 $0x1, s11  }
.Ltmp18:
0x2d5: {  	_ = 	snop;
	(pc) =	sbr.rel .LBB2_12-.Ltmp18, $1  }
0x2d6: {  	_ =	sdelay $0x3  }
.LBB2_20:
0x2d7: {  	_ =	sdelay $0x3  }
0x2d8: {  	v33 =	vand.u32 $0x3F, v33  }
0x2d9: {  	[tilespmem:v32+s16+$0x0] =	vst.idx.msk vm2, v31;
	v62 =	vbroadcast v33, $0x0  }
0x2da: {  	v29 =	vor.u32 v28, v29;
	v30 =	vld.idx.msk [tilespmem:v30+s18+$0x0], vm1  }
0x2db: {  	v63 =	vor.u32 v27, v62;
	_ =	sdelay $0x3  }
0x2dc: {  	[tilespmem:v29+s16+$0x0] =	vst.idx.msk vm1, v30  }
0x2dd: {  	v28 =	vor.u32 v28, v62;
	v29 =	vld.idx.msk [tilespmem:v63+s18+$0x0], vm1;
	_ =	sdelay $0x4  }
0x2de: {  	vm2 =	vmmov vm1;
	[tilespmem:v28+s16+$0x0] =	vst.idx.msk vm1, v29  }
.LBB2_21:
0x2df: {  	s28 =	sadd.s32 $0x1, s28  }
0x2e0: {  	p1 =	sne.s32 s28, $0xD  }
.Ltmp19:
0x2e1: {  	_ = 	snop;
	(pc) =	sbr.rel @!p1 .LBB2_22-.Ltmp19, $1  }
0x2e2: {  	_ =	sdelay $0x3  }
.LBB2_17:
0x2e3: {  	s11 =	sshll.u32 s28, $0x4  }
0x2e4: {  	s11 =	smin.u32 s11, $0xB8  }
0x2e5: {  	s13 =	sadd.s32 s11, s8  }
0x2e6: {  	v28 =	vld [tilespmem:s13+$0x0];
	_ =	sdelay $0x4  }
0x2e7: {  	v29 =	vxor.u32 $0x80000000, v28  }
0x2e8: {  	(xrf0) =	vmax.scan.msk.u32 $0xffff, v29;
	_ =	sdelay $0x5  }
0x2e9: {  	v29, _, _ =	vpop (xrf0)  }
0x2ea: {  	(v2sf) =	vpush v29, $0xF;
	_ =	sdelay $0xe  }
0x2eb: {  	s30 =	spop (v2sf)  }
0x2ec: {  	p1 =	slt.u32 s30, $0x800F4240  }
.Ltmp20:
0x2ed: {  	_ = 	snop;
	(pc) =	sbr.rel @p1 .LBB2_21-.Ltmp20, $1  }
0x2ee: {  	_ =	sdelay $0x3  }
0x2ef: {  	vm1 =	vgt.s32 v28, $0xF4240  }
0x2f0: {  	s13 =	simm.s32 $0x0;
	v29 =	vnsel vm1, $0xF4240, v28  }
0x2f1: {  	v30 =	vmov s13;
	v29 =	vadd.s32 $0xFFF0BDC0, v29  }
0x2f2: {  	v30 =	vand.u32 $0x3F, v30  }
0x2f3: {  	v30 =	vbroadcast v30, $0x0  }
0x2f4: {  	vm1 =	vgt.s32 v28, $0xF423F  }
0x2f5: {  	s15 =	simm.s32 $0x1;
	v31 =	vor.u32 v27, v30  }
0x2f6: {  	[tilespmem:s18], [sflag:$0x9] =	stream.indirect_vreg.gather [hbm4b:s5+s13], $0x40, v29, vm0, $0xb8;
	[tilespmem:$0x13320] =	vst v63  }
0x2f7: {  	v28 =	vmov s15;
	v29 =	vmov s11;
	_ =	swait.ge [sflag:s19], $0x400  }
0x2f8: {  	v28 =	vand.u32 $0x3F, v28;
	v32 =	vshll.u32 v29, $0x6;
	[sflag:s19] =	ssyncset.done $0x0  }
0x2f9: {  	vm2 =	vmmov vm1;
	v29 =	vbroadcast v28, $0x0;
	v28 =	vadd.s32 v27, v32;
	[sflag:s19] =	ssyncadd.s32 $0xFFFFFC00  }
0x2fa: {  	v32 =	vor.u32 v28, v30;
	v31 =	vld.idx.msk [tilespmem:v31+s18+$0x0], vm1  }
0x2fb: {  	v30 =	vor.u32 v27, v29;
	_ =	sdelay $0x1  }
0x2fc: {  	s30 =	simm.s32 $0x2  }
0x2fd: {  	v33 =	vmov s30;
	s11 =	simm.s32 $0x3  }
.LBB2_19:
0x2fe: {  	p1 =	sne.s32 s11, $0x3F;
	v33 =	vand.u32 $0x3F, v33;
	[tilespmem:v32+s16+$0x0] =	vst.idx.msk vm2, v31;
	vm2 =	vmmov vm1  }
0x2ff: {  	v33 =	vbroadcast v33, $0x0;
	v31 =	vld.idx.msk [tilespmem:v30+s18+$0x0], vm1  }
.Ltmp21:
0x300: {  	v32 =	vor.u32 v28, v29;
	(pc) =	sbr.rel @p1 .LBB2_19-.Ltmp21, $2  }
0x301: {  	v30 =	vor.u32 v27, v33;
	v29 =	vmov v33;
	_ =	sdelay $0x2  }
0x302: {  	v33 =	vmov s11;
	s11 =	sadd.s32 $0x1, s11  }
.Ltmp22:
0x303: {  	_ = 	snop;
	(pc) =	sbr.rel .LBB2_20-.Ltmp22, $1  }
0x304: {  	_ =	sdelay $0x3  }
.LBB2_28:
0x305: {  	_ =	sdelay $0x3  }
0x306: {  	v33 =	vand.u32 $0x3F, v33  }
0x307: {  	[tilespmem:v32+s21+$0x0] =	vst.idx.msk vm2, v31;
	v62 =	vbroadcast v33, $0x0  }
0x308: {  	v29 =	vor.u32 v28, v29;
	v30 =	vld.idx.msk [tilespmem:v30+s18+$0x0], vm1  }
0x309: {  	v63 =	vor.u32 v27, v62;
	_ =	sdelay $0x3  }
0x30a: {  	[tilespmem:v29+s21+$0x0] =	vst.idx.msk vm1, v30  }
0x30b: {  	v28 =	vor.u32 v28, v62;
	v29 =	vld.idx.msk [tilespmem:v63+s18+$0x0], vm1;
	_ =	sdelay $0x4  }
0x30c: {  	vm2 =	vmmov vm1;
	[tilespmem:v28+s21+$0x0] =	vst.idx.msk vm1, v29  }
.LBB2_29:
0x30d: {  	s1 =	sadd.s32 $0x1, s1  }
0x30e: {  	p0 =	sne.s32 s1, $0xD  }
.Ltmp23:
0x30f: {  	_ = 	snop;
	(pc) =	sbr.rel @!p0 .LBB2_30-.Ltmp23, $1  }
0x310: {  	_ =	sdelay $0x3  }
.LBB2_25:
0x311: {  	s8 =	sshll.u32 s1, $0x4  }
0x312: {  	s8 =	smin.u32 s8, $0xB8  }
0x313: {  	s9 =	sadd.s32 s8, s0  }
0x314: {  	v28 =	vld [tilespmem:s9+$0x0];
	_ =	sdelay $0x4  }
0x315: {  	v29 =	vxor.u32 $0x80000000, v28  }
0x316: {  	(xrf0) =	vmax.scan.msk.u32 $0xffff, v29;
	_ =	sdelay $0x5  }
0x317: {  	v29, _, _ =	vpop (xrf0)  }
0x318: {  	(v2sf) =	vpush v29, $0xF;
	_ =	sdelay $0xe  }
0x319: {  	s30 =	spop (v2sf)  }
0x31a: {  	p0 =	slt.u32 s30, $0x800F4240  }
.Ltmp24:
0x31b: {  	_ = 	snop;
	(pc) =	sbr.rel @p0 .LBB2_29-.Ltmp24, $1  }
0x31c: {  	_ =	sdelay $0x3  }
0x31d: {  	vm1 =	vgt.s32 v28, $0xF4240  }
0x31e: {  	s9 =	simm.s32 $0x0;
	v29 =	vnsel vm1, $0xF4240, v28  }
0x31f: {  	v30 =	vmov s9;
	v29 =	vadd.s32 $0xFFF0BDC0, v29  }
0x320: {  	v30 =	vand.u32 $0x3F, v30  }
0x321: {  	v30 =	vbroadcast v30, $0x0  }
0x322: {  	vm1 =	vgt.s32 v28, $0xF423F  }
0x323: {  	s11 =	simm.s32 $0x1;
	v31 =	vor.u32 v27, v30  }
0x324: {  	[tilespmem:s18], [sflag:$0x9] =	stream.indirect_vreg.gather [hbm4b:s5+s9], $0x40, v29, vm0, $0xb8;
	[tilespmem:$0x13320] =	vst v63  }
0x325: {  	v28 =	vmov s11;
	v29 =	vmov s8;
	_ =	swait.ge [sflag:s19], $0x400  }
0x326: {  	v28 =	vand.u32 $0x3F, v28;
	v32 =	vshll.u32 v29, $0x6;
	[sflag:s19] =	ssyncset.done $0x0  }
0x327: {  	vm2 =	vmmov vm1;
	v29 =	vbroadcast v28, $0x0;
	v28 =	vadd.s32 v27, v32;
	[sflag:s19] =	ssyncadd.s32 $0xFFFFFC00  }
0x328: {  	v32 =	vor.u32 v28, v30;
	v31 =	vld.idx.msk [tilespmem:v31+s18+$0x0], vm1  }
0x329: {  	v30 =	vor.u32 v27, v29;
	_ =	sdelay $0x1  }
0x32a: {  	s30 =	simm.s32 $0x2  }
0x32b: {  	v33 =	vmov s30;
	s8 =	simm.s32 $0x3  }
.LBB2_27:
0x32c: {  	p0 =	sne.s32 s8, $0x3F;
	v33 =	vand.u32 $0x3F, v33;
	[tilespmem:v32+s21+$0x0] =	vst.idx.msk vm2, v31;
	vm2 =	vmmov vm1  }
0x32d: {  	v33 =	vbroadcast v33, $0x0;
	v31 =	vld.idx.msk [tilespmem:v30+s18+$0x0], vm1  }
.Ltmp25:
0x32e: {  	v32 =	vor.u32 v28, v29;
	(pc) =	sbr.rel @p0 .LBB2_27-.Ltmp25, $2  }
0x32f: {  	v30 =	vor.u32 v27, v33;
	v29 =	vmov v33;
	_ =	sdelay $0x2  }
0x330: {  	v33 =	vmov s8;
	s8 =	sadd.s32 $0x1, s8  }
.Ltmp26:
0x331: {  	_ = 	snop;
	(pc) =	sbr.rel .LBB2_28-.Ltmp26, $1  }
0x332: {  	_ =	sdelay $0x3  }
.LBB2_32:
0x333: {  	_ =	sfence.sel $0x180000  }
0x334: {  	[bflag:$0x0] =	sbarrier.arrive $0xFFFF  }
0x335: {  	_ =	strace $0x90000047  }
0x336: {  	s0 =	stileid.u32;
	[bflag:$0x2] =	sbarrier.arrive $0xFFFF  }
0x337: {  	p0 =	sne.s32 s0, $0x0;
	s0 =	rddreg [dreg:$0x2]  }
0x338: {  	s0 =	sadd.s32 @!p0 $0x100000, s0  }
0x339: {  	[sflag:s0] =	ssyncadd.tile.s32 @!p0 $0x1;
	_ =	shalt  }
.Lfunc_end2:
_tile_overlayer_lowered:
.L_overlay_start_2:
0x33a: {  	(tag) =	ssettag $0x2  }
0x33b: {  	s0 =	rddreg [dreg:$0x0];
	s2 =	stileid.u32  }
0x33c: {  	s1 =	rddreg [dreg:$0x1];
	p0 =	sne.s32 s2, $0x0  }
0x33d: {  	s3 =	rddreg [dreg:$0x2];
	[bflag:$0x3] =	sbarrier.arrive $0xFFFF;
	s2 =	simm.s32 @!p0 $0x1C0A  }
0x33e: {  	[timem:s3], [sflag:s2] =	dma.local @!p0 [hbm:s0], s1  }
0x33f: {  	s0 =	simm.s32 @!p0 $0xA  }
0x340: {  	_ =	swait.ge @!p0 [sflag:s0], s1  }
0x341: {  	s1 =	ssub.s32 @!p0 $0x0, s1;
	[sflag:s0] =	ssyncset.done @!p0 $0x0  }
0x342: {  	[sflag:s0] =	ssyncadd.s32 @!p0 s1  }
0x343: {  	[bflag:$0x3] =	sbarrier.arrive $0xFFFF  }
0x344: {  	_ =	shalt  }

// kernel: sparse-core-data-format-call.cloned.1.call-start
scs
called_computation_lowered:
.L_overlay_start_0:
0x0: {  	s2 =	sld [smem:$0x3FD9]  }
0x1: {  	s3 =	sld [smem:$0x3FFE];
	_ =	sdelay $0x1  }
0x2: {  	s1 =	srdreg.scid  }
0x3: {  	s0 =	sand.u32 $0x1, s1  }
0x4: {  	s18 =	sshll.u32 s0, $0xA;
	s2 =	sadd.s32 s3, s2  }
0x5: {  	s2 =	sadd.s32 s2, s18  }
0x6: {  	[smem:$0x3FC5] =	sst s2  }
0x7: {  	_ = 	snop  }
0x8: {  	s2 =	sld [smem:$0x3FD0];
	(tm) =	ssettm $0x1  }
0x9: {  	s19 =	sld [smem:$0x3FFB];
	_ =	sdelay $0x3  }
0xa: {  	_ =	strace s19  }
0xb: {  	s3 =	sld [smem:$0x3FFC];
	_ =	sdelay $0x3  }
0xc: {  	_ =	strace s3  }
0xd: {  	s3 =	sld [smem:$0x3FFD];
	_ =	sdelay $0x3  }
0xe: {  	_ =	strace s3  }
0xf: {  	_ =	strace $0x8FFFFFFF  }
0x10: {  	s20 =	sld [smem:$0x3FDB];
	_ =	sdelay $0x1  }
0x11: {  	s4 =	simm.s32 $_scs_section_size  }
0x12: {  	s5 =	simm.s32 $_size__tile_overlayer_lowered;
	s6 =	simm.s32 $_tile_overlayer_lowered  }
0x13: {  	s23 =	simm.s32 $0x1BFF;
	s22 =	sshll.u32 s6, $0x1;
	s3 =	sadd.s32 s4, s20  }
0x14: {  	s7 =	simm.s32 $0x0;
	s21 =	sshll.u32 s5, $0x1;
	s5 =	sadd.s32 s22, s3  }
0x15: {  	[timem:s7], [sflag:s23] =	dma.local [hbm:s5], s21  }
0x16: {  	_ =	swait.ge [sflag:s23], s21  }
0x17: {  	s4 =	ssub.s32 $0x0, s21;
	[sflag:s23] =	ssyncset.done $0x0  }
0x18: {  	[sflag:s23] =	ssyncadd.s32 s4;
	_ =	sdelay $0x1  }
0x19: {  	s24 =	simm.s32 $0x1B8B  }
0x1a: {  	_ =	swait.ge [sflag:s24], $0x1  }
0x1b: {  	[sflag:s24] =	ssyncset.done $0x0  }
0x1c: {  	s26 =	simm.s32 $0x1B8E;
	s25 =	sld [smem:$0x3FFE];
	[sflag:s24] =	ssyncadd.s32 $0xFFFFFFFF  }
0x1d: {  	s27 =	simm.s32 $execute0_lowered;
	[smem:$0x3FD2] =	sst s26  }
0x1e: {  	s5 =	sshll.u32 s27, $0x1;
	_ =	strace $0x80000049;
	[dreg:$0x1] =	wrdreg $0xFFFFFFFF  }
0x1f: {  	s28 =	simm.s32 $_size_execute0_lowered;
	s3 =	sadd.s32 s3, s5;
	[dreg:$0x0] =	wrdreg $0x0  }
0x20: {  	s5 =	sshll.u32 s28, $0x1;
	[dreg:$0x2] =	wrdreg s3  }
0x21: {  	[dreg:$0x3] =	wrdreg s5  }
0x22: {  	[dreg:$0x4] =	wrdreg $0xC0  }
0x23: {  	_ =	task [dreg:s7], $0x5FFFF  }
0x24: {  	[dreg:$0x1] =	wrdreg $0xFFFFFFFF  }
0x25: {  	[dreg:$0x0] =	wrdreg $0x60  }
0x26: {  	[dreg:$0x2] =	wrdreg s25  }
0x27: {  	[dreg:$0x3] =	wrdreg s2  }
0x28: {  	[dreg:$0x4] =	wrdreg $0x9  }
0x29: {  	_ =	task.clear_ibuf [dreg:s7], $0x5FFFF;
	_ =	strace $0x90000049  }
0x2a: {  	s29 =	simm.s32 $0x9;
	_ =	strace $0x8000004B  }
0x2b: {  	_ =	swait.ge [sflag:s29], $0x1  }
0x2c: {  	[sflag:s29] =	ssyncadd.s32 $0xFFFFFFFF  }
0x2d: {  	_ =	strace $0x9000004B  }
0x2e: {  	_ =	sfence  }
0x2f: {  	s30 =	sld [smem:$0x0];
	_ =	sdelay $0x2  }
0x30: {  	s31 =	sshll.u32 s1, $0xD;
	s1 =	sshrl.u32 s1, $0x2  }
0x31: {  	s3 =	sand.u32 $0x4000, s31;
	s1 =	sadd.s32 s1, s30  }
0x32: {  	s0 =	sor.u32 s3, s0;
	s1 =	sshll.u32 s1, $0x11  }
0x33: {  	s0 =	sor.u32 s1, s0  }
0x34: {  	s0 =	sadd.s32 $0x8F2B, s0  }
0x35: {  	[sflag:s0] =	ssyncadd.remote.s32 $0x1  }
0x36: {  	_ =	sfence.sel $0xFFFF  }
0x37: {  	[dreg:$0x0] =	wrdreg $0xFFFFFFFF;
	(pc) =	sbr.abs _section_cstart, $3  }
0x38: {  	[dreg:$0x1] =	wrdreg $0xFFFFFFFF  }
0x39: {  	_ =	task.clear_ibuf [dreg:s7], $0x2FFFF;
	_ =	strace $0x9FFFFFFF  }
0x3a: {  	(tm) =	ssettm $0x7FFFFFFF  }
0x3b: {  	_ =	shalt  }
tec
execute0_lowered:
.L_overlay_start_1:
0x0: {  	(tag) =	ssettag $0x1  }
0x1: {  	s0 =	srdreg.scid  }
0x2: {  	s1 =	sshll.u32 s0, $0x4  }
0x3: {  	s0 =	stileid.u32;
	s1 =	sand.u32 $0x10, s1  }
0x4: {  	s1 =	sor.u32 s0, s1  }
0x5: {  	s6 =	rddreg [dreg:$0x0];
	s4 =	simm.s32 $0x1;
	s2 =	sshll.u32 s1, $0x7  }
0x6: {  	s7 =	simm.s32 $0x2;
	s12 =	simm.s32 $0x0;
	s1 =	ssub.s32 $0x1000, s2  }
0x7: {  	s8 =	simm.s32 $0x8000;
	s13 =	simm.s32 $0x0;
	s3 =	sand.u32 $0xF80, s1  }
0x8: {  	s9 =	simm.s32 $0x0;
	s5 =	sshrl.u32 s1, $0xC;
	p0 =	sne.s32 s3, $0x0  }
.Ltmp0:
0x9: {  	s1 =	rddreg [dreg:$0x2];
	s4 =	simm.s32 @!p0 $0x0;
	(pc) =	sbr.rel .LBB1_1-.Ltmp0, $4  }
0xa: {  	s11 =	simm.s32 $0x0;
	s3 =	rddreg [dreg:$0x1];
	s5 =	sadd.s32 s4, s5  }
0xb: {  	_ =	strace $0x8000004A;
	s4 =	simm.s32 $0x1;
	s5 =	smul.u32 $0xC8, s5  }
0xc: {  	s6 =	sadd.s32 $0xC00, s6;
	s10 =	smov.u32 s2;
	[sflag:s4] =	ssyncpa.u1 $0x0  }
0xd: {  	p0 =	por $0x0, $0x0;
	[sflag:s7] =	ssyncpa.u1 $0x0;
	s7 =	sor.u32 $0x1, s5  }
.LBB1_4:
0xe: {  	s16 =	sshll.u32 s13, $0x3;
	s17 =	sand.u32 $0x78, s13  }
0xf: {  	s30 =	sand.u32 $0x7E00, s13;
	s12 =	sshll.u32 s12, $0xF;
	s16 =	sand.u32 $0xC00, s16  }
0x10: {  	[tilespmem:s15+$0x810 ss:$0x81] =	vst.msk $0xffff, v2;
	s31 =	sand.u32 $0x7, s13;
	s16 =	sor.u32 s17, s16;
	s17 =	sadd.s32 s3, s30  }
0x11: {  	[tilespmem:s15+$0x1020 ss:$0x81] =	vst.msk $0xffff, v0;
	s13 =	sshll.u32 s31, $0x12;
	s12 =	sadd.s32 s12, s17;
	s16 =	sshrl.u32 s16, $0x3  }
0x12: {  	[tilespmem:s15+$0x0 ss:$0x81] =	vst.msk $0xffff, v1;
	s13 =	sor.u32 $0x400, s13;
	s12 =	sadd.s32 s16, s12  }
0x13: {  	[hbm4b:s12+s13] =	stream.strided.scatter [tilespmem:s14], [sflag:$0x2], $0x2000, s8, s13, $0x20;
	[tilespmem:$0x8080] =	vst v63  }
.LBB1_5:
0x14: {  	s14 =	sadd.s32 $0x1, s9  }
0x15: {  	s12 =	sadd.s32 $0x1000, s10;
	s16 =	smov.u32 s10;
	p2 =	sgt.s32 s14, $0xC7  }
0x16: {  	s16 =	smov.u32 @p2 s12  }
0x17: {  	s14 =	simm.s32 @p2 $0x0;
	p2 =	sgt.s32 s16, $0xFFF  }
0x18: {  	s16 =	smov.u32 @p2 s2;
	p2 =	sne.s32 s11, s7  }
.Ltmp1:
0x19: {  	p1 =	slt.u32 s11, $0x2;
	(pc) =	sbr.rel @!p2 .LBB1_6-.Ltmp1, $4  }
0x1a: {  	s15 =	simm.s32 @!p1 $0x2  }
0x1b: {  	s13 =	smov.u32 s10;
	p0 =	por !p0, !p0;
	_ =	swait.ge @!p1 [sflag:s15], $0x2000  }
0x1c: {  	s12 =	smov.u32 s9;
	[sflag:s15] =	ssyncset.done @!p1 $0x0;
	s9 =	smov.u32 s14  }
0x1d: {  	s11 =	sadd.s32 $0x1, s11;
	[sflag:s15] =	ssyncadd.s32 @!p1 $0xFFFFE000;
	s10 =	smov.u32 s16  }
.LBB1_1:
0x1e: {  	p1 =	sge.u32 s11, s5  }
0x1f: {  	s14 =	sand.u32 @!p1 $0x1FFFFFF, s9  }
0x20: {  	s15 =	smulhi.u32 @!p1 $0x147AE15, s14;
	_ =	sdelay $0x1  }
0x21: {  	s15 =	smul.u32 @!p1 $0xC8, s15  }
0x22: {  	s16 =	sxor.u32 @!p1 $0xFFFFFFFF, s11;
	s17 =	smul.u32 @!p1 $0xC80, s10  }
0x23: {  	s31 =	sadd.s32 $0xFFFFFFFF, s11;
	s16 =	sshll.u32 @!p1 s16, $0xD;
	s14 =	ssub.s32 @!p1 s14, s15  }
0x24: {  	s15 =	sand.u32 @!p1 $0x2000, s16;
	s16 =	sadd.s32 @!p1 s6, s17;
	s14 =	sshll.u32 @!p1 s14, $0x4  }
0x25: {  	s17 =	simm.s32 @!p1 $0x6400;
	s14 =	sadd.s32 @!p1 s14, s16;
	s16 =	simm.s32 @!p1 $0x40  }
0x26: {  	[tilespmem:s15], [sflag:$0x1] =	stream.strided.gather @!p1 [hbm4b:s14+s16], $0x2000, s17, s16, $0x38;
	[tilespmem:$0x8080] =	vst v63  }
0x27: {  	p1 =	sge.u32 s31, s5  }
.Ltmp2:
0x28: {  	_ = 	snop;
	(pc) =	sbr.rel @p1 .LBB1_5-.Ltmp2, $1  }
0x29: {  	_ =	sdelay $0x3  }
0x2a: {  	s14 =	simm.s32 $0x1  }
0x2b: {  	_ =	swait.ge [sflag:s4], $0x2000;
	s14 =	simm.s32 @!p0 $0x0  }
0x2c: {  	[sflag:s4] =	ssyncset.done $0x0;
	s15 =	sshll.u32 s14, $0xD  }
0x2d: {  	[sflag:s4] =	ssyncadd.s32 $0xFFFFE000;
	s18 =	sor.u32 $0x20, s15  }
0x2e: {  	s14 =	smul.u32 $0x8100, s14;
	v3 =	vld [tilespmem:s18+$0x10]  }
0x2f: {  	s30 =	sand.u32 $0x1, s11;
	v2 =	vld [tilespmem:s18+$0xFFFFFFF0]  }
0x30: {  	s15 =	smul.u32 $0x8100, s30;
	s14 =	sshrl.u32 s14, $0x2;
	v0 =	vld [tilespmem:s18+$0x0]  }
0x31: {  	v1 =	vld [tilespmem:s18+$0xFFFFFFE0];
	s16 =	sor.u32 $0x4000, s14  }
0x32: {  	s31 =	sshrl.u32 s15, $0x2;
	s15 =	sadd.s32 $0x0, s16  }
0x33: {  	s17 =	simm.s32 $0x4;
	s18 =	sadd.s32 $0x40, s18;
	s14 =	sor.u32 $0x4000, s31;
	[tilespmem:s15+$0x1830 ss:$0x81] =	vst.msk $0xffff, v3  }
.LBB1_3:
0x34: {  	v3 =	vld [tilespmem:s18+$0x10];
	p1 =	sne.s32 s17, $0x1FC;
	[tilespmem:s15+$0x810 ss:$0x81] =	vst.msk $0xffff, v2;
	s19 =	smov.u32 s17;
	s17 =	sadd.s32 $0x4, s17  }
.Ltmp3:
0x35: {  	v2 =	vld [tilespmem:s18+$0xFFFFFFF0];
	[tilespmem:s15+$0x1020 ss:$0x81] =	vst.msk $0xffff, v0;
	(pc) =	sbr.rel @p1 .LBB1_3-.Ltmp3, $4  }
0x36: {  	v0 =	vld [tilespmem:s18+$0x0];
	[tilespmem:s15+$0x0 ss:$0x81] =	vst.msk $0xffff, v1  }
0x37: {  	s15 =	sshra.s32 s19, $0x2;
	v1 =	vld [tilespmem:s18+$0xFFFFFFE0]  }
0x38: {  	s15 =	sadd.s32 s15, s16  }
0x39: {  	s18 =	sadd.s32 $0x40, s18;
	[tilespmem:s15+$0x1830 ss:$0x81] =	vst.msk $0xffff, v3  }
.Ltmp4:
0x3a: {  	_ = 	snop;
	(pc) =	sbr.rel .LBB1_4-.Ltmp4, $1  }
0x3b: {  	_ =	sdelay $0x3  }
.LBB1_6:
0x3c: {  	_ =	sfence.sel $0x180000  }
0x3d: {  	s2 =	simm.s32 $0x1;
	[bflag:$0x0] =	sbarrier.arrive $0xFFFF  }
0x3e: {  	s31 =	simm.s32 $0x2;
	[sflag:s2] =	ssyncpa.u1 $0x1  }
0x3f: {  	[sflag:s31] =	ssyncpa.u1 $0x1  }
0x40: {  	p0 =	sne.s32 s0, $0x0;
	_ =	strace $0x9000004A  }
0x41: {  	s0 =	sadd.s32 @!p0 $0x100000, s1;
	[bflag:$0x2] =	sbarrier.arrive $0xFFFF  }
0x42: {  	[sflag:s0] =	ssyncadd.tile.s32 @!p0 $0x1;
	_ =	shalt  }
.Lfunc_end1:
_tile_overlayer_lowered:
.L_overlay_start_2:
0x43: {  	(tag) =	ssettag $0x2  }
0x44: {  	s0 =	rddreg [dreg:$0x0];
	s2 =	stileid.u32  }
0x45: {  	s1 =	rddreg [dreg:$0x1];
	p0 =	sne.s32 s2, $0x0  }
0x46: {  	s3 =	rddreg [dreg:$0x2];
	[bflag:$0x3] =	sbarrier.arrive $0xFFFF;
	s2 =	simm.s32 @!p0 $0x1C01  }
0x47: {  	[timem:s3], [sflag:s2] =	dma.local @!p0 [hbm:s0], s1  }
0x48: {  	s0 =	simm.s32 @!p0 $0x1  }
0x49: {  	_ =	swait.ge @!p0 [sflag:s0], s1  }
0x4a: {  	s1 =	ssub.s32 @!p0 $0x0, s1;
	[sflag:s0] =	ssyncset.done @!p0 $0x0  }
0x4b: {  	[sflag:s0] =	ssyncadd.s32 @!p0 s1  }
0x4c: {  	[bflag:$0x3] =	sbarrier.arrive $0xFFFF  }
0x4d: {  	_ =	shalt  }

</sc_bundles>
